<compile_context>
chip_gen: v7x
topology: tpu7x:2x2x1
jax: 0.10.2.dev20260603
libtpu: 0.0.44.dev20260713+nightly
codegen_flags: <defaults>
</compile_context>

<pallas_src>
import functools

import jax
import jax.numpy as jnp
from jax import lax
from jax.experimental import pallas as pl
from jax.experimental.pallas import tpu as pltpu
from jax.experimental.pallas import tpu_sc as plsc

N = 10000
D = 128
HID = 8
NCLS = 16
TBW = 16
N_PAD = 10240
N_PACK = N_PAD // 8
E = 320000
NC = 2
NS = 16
CHUNK = 128
CPT0 = 144
CPT1 = 16
NCHUNKS = NS * (CPT0 + CPT1)
E_PAD = NCHUNKS * CHUNK
ROWS_PT = N_PAD // NS

_mesh = plsc.VectorSubcoreMesh(core_axis_name="c", subcore_axis_name="s")


@functools.partial(
    pl.kernel,
    out_type=jax.ShapeDtypeStruct((NC, N_PAD, TBW), jnp.float32),
    mesh=_mesh,
    compiler_params=pltpu.CompilerParams(use_tc_tiling_on_sc=False),
    scratch_types=[
        pltpu.VMEM((CPT0, CHUNK), jnp.int32),
        pltpu.VMEM((CPT0, CHUNK), jnp.int32),
        [pltpu.VMEM((CHUNK, TBW), jnp.float32)] * 8,
        pltpu.VMEM_SHARED((N_PAD, TBW), jnp.float32),
        [pltpu.SemaphoreType.DMA] * 4,
    ],
)
def _edge_agg(table_hbm, edges_hbm, out_hbm,
              src_v, dst_v, rows, acc, sems):
    c = lax.axis_index("c")
    s = lax.axis_index("s")
    row0 = s * ROWS_PT
    @pl.loop(0, CHUNK)
    def _(i):
        rows[0][i] = jnp.zeros((TBW,), jnp.float32)

    for t in range(ROWS_PT // CHUNK):
        pltpu.sync_copy(rows[0], acc.at[pl.ds(row0 + t * CHUNK, CHUNK)])

    K = 4
    bufs = (rows[:K], rows[K:])
    gsem = (sems[0], sems[1])
    ssem = (sems[2], sems[3])

    def _fire_g(g, j):
        for k in range(K):
            pltpu.async_copy(table_hbm.at[src_v.at[j + k]], bufs[g][k],
                             gsem[g])

    def _drain_g(g):
        for k in range(K):
            pltpu.make_async_copy(table_hbm.at[src_v.at[0]], bufs[g][k],
                                  gsem[g]).wait()

    def _fire_s(g, j):
        for k in range(K):
            pltpu.async_copy(bufs[g][k], acc.at[dst_v.at[j + k]], ssem[g],
                             add=True)

    def _drain_s(g):
        for k in range(K):
            pltpu.make_async_copy(bufs[g][k], acc.at[dst_v.at[0]],
                                  ssem[g]).wait()

    def _run(base, cpt):
        pltpu.sync_copy(edges_hbm.at[0, pl.ds(base, cpt)],
                        src_v.at[pl.ds(0, cpt)])
        pltpu.sync_copy(edges_hbm.at[1, pl.ds(base, cpt)],
                        dst_v.at[pl.ds(0, cpt)])
        plsc.subcore_barrier()

        _fire_g(0, 0)

        @pl.loop(0, cpt - 2 * K, step=2 * K)
        def _(j):
            _fire_g(1, j + K)
            _drain_g(0)
            _fire_s(0, j)
            _drain_s(0)
            _fire_g(0, j + 2 * K)
            _drain_g(1)
            _fire_s(1, j + K)
            _drain_s(1)

        _fire_g(1, cpt - K)
        _drain_g(0)
        _fire_s(0, cpt - 2 * K)
        _drain_s(0)
        _drain_g(1)
        _fire_s(1, cpt - K)
        _drain_s(1)

    @pl.when(c == 0)
    def _():
        _run(s * CPT0, CPT0)

    @pl.when(c != 0)
    def _():
        _run(NS * CPT0 + s * CPT1, CPT1)

    plsc.subcore_barrier()
    pltpu.sync_copy(acc.at[pl.ds(row0, ROWS_PT)],
                    out_hbm.at[c, pl.ds(row0, ROWS_PT)])


BLK = 640
GRID = N_PACK // BLK


def _iota2(shape, dim):
    return lax.broadcasted_iota(jnp.int32, shape, dim)


def _pre_body(x_ref, wl_ref, wr_ref, b1_ref, t1_ref, r1_ref):
    xb = x_ref[...]
    wl = wl_ref[...]
    wr = wr_ref[...]
    t = jnp.concatenate(
        [jnp.dot(xb[:, i * D:(i + 1) * D], wl,
                 preferred_element_type=jnp.float32) for i in range(8)],
        axis=1)
    col = _iota2((BLK, 128), 1)
    t1_ref[...] = jnp.where(col % TBW == HID, t + 1.0, t)
    r = jnp.concatenate(
        [jnp.dot(xb[:, i * D:(i + 1) * D], wr,
                 preferred_element_type=jnp.float32) for i in range(8)],
        axis=1)
    r1_ref[...] = r + b1_ref[...]


_pre = pl.pallas_call(
    _pre_body,
    grid=(GRID,),
    in_specs=[pl.BlockSpec((BLK, 8 * D), lambda i: (i, 0)),
              pl.BlockSpec((D, TBW), lambda i: (0, 0)),
              pl.BlockSpec((D, HID), lambda i: (0, 0)),
              pl.BlockSpec((1, 64), lambda i: (0, 0))],
    out_specs=[pl.BlockSpec((BLK, 128), lambda i: (i, 0)),
               pl.BlockSpec((BLK, 64), lambda i: (i, 0))],
    out_shape=[jax.ShapeDtypeStruct((N_PACK, 128), jnp.float32),
               jax.ShapeDtypeStruct((N_PACK, 64), jnp.float32)],
)


def _mid_body(p_ref, r1_ref, wl_ref, wr_ref, b2_ref, t2_ref, r2_ref, den_ref):
    ssum = p_ref[0] + p_ref[1]
    row = _iota2((128, 64), 0)
    colc = _iota2((128, 64), 1)
    sel_sum = ((colc // HID) * TBW + colc % HID == row).astype(jnp.float32)
    sel_cnt = ((colc // HID) * TBW + HID == row).astype(jnp.float32)
    sums = jnp.dot(ssum, sel_sum, preferred_element_type=jnp.float32)
    dens = jnp.maximum(
        jnp.dot(ssum, sel_cnt, preferred_element_type=jnp.float32), 1.0)
    h = sums / dens + r1_ref[...]
    h = jnp.where(h > 0, h, jnp.exp(jnp.minimum(h, 0.0)) - 1.0)
    wl = wl_ref[...]
    wr = wr_ref[...]
    t2_ref[...] = jnp.concatenate(
        [jnp.dot(h[:, i * HID:(i + 1) * HID], wl,
                 preferred_element_type=jnp.float32) for i in range(8)],
        axis=1)
    r2 = jnp.concatenate(
        [jnp.dot(h[:, i * HID:(i + 1) * HID], wr,
                 preferred_element_type=jnp.float32) for i in range(8)],
        axis=1)
    r2_ref[...] = r2 + b2_ref[...]
    rowc = _iota2((128, 8), 0)
    col8 = _iota2((128, 8), 1)
    sel_den = (col8 * TBW + HID == rowc).astype(jnp.float32)
    den_ref[...] = jnp.maximum(
        jnp.dot(ssum, sel_den, preferred_element_type=jnp.float32), 1.0)


_mid = pl.pallas_call(
    _mid_body,
    grid=(GRID,),
    in_specs=[pl.BlockSpec((NC, BLK, 128), lambda i: (0, i, 0)),
              pl.BlockSpec((BLK, 64), lambda i: (i, 0)),
              pl.BlockSpec((HID, NCLS), lambda i: (0, 0)),
              pl.BlockSpec((HID, NCLS), lambda i: (0, 0)),
              pl.BlockSpec((1, 128), lambda i: (0, 0))],
    out_specs=[pl.BlockSpec((BLK, 128), lambda i: (i, 0)),
               pl.BlockSpec((BLK, 128), lambda i: (i, 0)),
               pl.BlockSpec((BLK, 8), lambda i: (i, 0))],
    out_shape=[jax.ShapeDtypeStruct((N_PACK, 128), jnp.float32),
               jax.ShapeDtypeStruct((N_PACK, 128), jnp.float32),
               jax.ShapeDtypeStruct((N_PACK, 8), jnp.float32)],
)


def _fin_body(p_ref, den_ref, r2_ref, o_ref):
    sump = p_ref[0] + p_ref[1]
    rowd = _iota2((8, 128), 0)
    cold = _iota2((8, 128), 1)
    bcast = (cold // TBW == rowd).astype(jnp.float32)
    denb = jnp.dot(den_ref[...], bcast, preferred_element_type=jnp.float32)
    z = sump / denb + r2_ref[...]
    m = jnp.max(z, axis=1, keepdims=True)
    e = jnp.exp(z - m)
    rg = _iota2((128, 128), 0)
    cg = _iota2((128, 128), 1)
    gmat = (rg // TBW == cg // TBW).astype(jnp.float32)
    gs = jnp.dot(e, gmat, preferred_element_type=jnp.float32)
    o_ref[...] = z - m - jnp.log(gs)


_fin = pl.pallas_call(
    _fin_body,
    grid=(GRID,),
    in_specs=[pl.BlockSpec((NC, BLK, 128), lambda i: (0, i, 0)),
              pl.BlockSpec((BLK, 8), lambda i: (i, 0)),
              pl.BlockSpec((BLK, 128), lambda i: (i, 0))],
    out_specs=pl.BlockSpec((BLK, 128), lambda i: (i, 0)),
    out_shape=jax.ShapeDtypeStruct((N_PACK, 128), jnp.float32),
)


def kernel(x, edge_index, W1l, W1r, b1, W2l, W2r, b2):
    ei = edge_index.astype(jnp.int32)
    ei3 = jnp.pad(ei, ((0, 0), (0, E_PAD - E)),
                  constant_values=N).reshape(2, NCHUNKS, CHUNK)
    x_pad = jnp.pad(x, ((0, N_PAD - N), (0, 0))).reshape(N_PACK, 8 * D)
    wl1 = jnp.pad(W1l, ((0, 0), (0, TBW - HID)))
    b1b = jnp.tile(b1, 8).reshape(1, 64)
    b2b = jnp.tile(b2, 8).reshape(1, 128)
    T1p, R1p = _pre(x_pad, wl1, W1r, b1b)
    P1 = _edge_agg(T1p.reshape(N_PAD, TBW), ei3)
    T2p, R2p, denp = _mid(P1.reshape(NC, N_PACK, 128), R1p, W2l, W2r, b2b)
    P2 = _edge_agg(T2p.reshape(N_PAD, TBW), ei3)
    out = _fin(P2.reshape(NC, N_PACK, 128), denp, R2p)
    return out.reshape(N_PAD, TBW)[:N]

# --- scband reference (transcript-rebuilt; emitter-appended) ---
"""Pipeline reference for scband-graph-sage-66511863546568 (READ-ONLY COPY).

The authoritative reference and input builder live on the scoring server;
editing this copy changes nothing except your own understanding.
"""

import jax, jax.numpy as jnp
import numpy as np

N_NODES = 10000
N_EDGES = 320000
D_FEAT = 128
HID = 8
N_CLASSES = 16


def setup_inputs(seed: int = 0) -> dict:
    key = jax.random.key(seed)
    ks = jax.random.split(key, 8)
    x = jax.random.normal(ks[0], (N_NODES, D_FEAT), dtype=jnp.float32)
    edge_index = jax.random.randint(ks[1], (2, N_EDGES), 0, N_NODES, dtype=jnp.int64)
    # SAGEConv layer 1: lin_l (aggregated neighbors) and lin_r (root), bias on lin_l
    W1l = jax.random.normal(ks[2], (D_FEAT, HID), dtype=jnp.float32) * (1.0 / np.sqrt(D_FEAT))
    W1r = jax.random.normal(ks[3], (D_FEAT, HID), dtype=jnp.float32) * (1.0 / np.sqrt(D_FEAT))
    b1 = jnp.zeros((HID,), dtype=jnp.float32)
    # SAGEConv layer 2
    W2l = jax.random.normal(ks[4], (HID, N_CLASSES), dtype=jnp.float32) * (1.0 / np.sqrt(HID))
    W2r = jax.random.normal(ks[5], (HID, N_CLASSES), dtype=jnp.float32) * (1.0 / np.sqrt(HID))
    b2 = jnp.zeros((N_CLASSES,), dtype=jnp.float32)
    return {"x": x, "edge_index": edge_index, "W1l": W1l, "W1r": W1r, "b1": b1,
            "W2l": W2l, "W2r": W2r, "b2": b2}


def _sage_conv(x, edge_index, Wl, Wr, b):
    # PyG SAGEConv with mean aggregation: out = lin_l(mean_j x_j) + lin_r(x_i)
    src = edge_index[0]
    dst = edge_index[1]
    n = x.shape[0]
    msgs = jnp.take(x, src, axis=0)                      # gather [E, d]
    summed = jax.ops.segment_sum(msgs, dst, num_segments=n)
    cnt = jax.ops.segment_sum(jnp.ones((edge_index.shape[1],), dtype=x.dtype), dst, num_segments=n)
    agg = summed / jnp.maximum(cnt, 1.0)[:, None]        # mean aggregation
    return agg @ Wl + x @ Wr + b


def reference(x, edge_index, W1l, W1r, b1, W2l, W2r, b2):
    # eval mode: dropout is identity
    h = _sage_conv(x, edge_index, W1l, W1r, b1)
    h = jax.nn.elu(h)
    out = _sage_conv(h, edge_index, W2l, W2r, b2)
    return jax.nn.log_softmax(out, axis=1)

if __name__ == "__main__":
    import jax
    _d = setup_inputs()
    print(jax.jit(kernel)(*tuple(_d.values())))

</pallas_src>

<mosaic_0001>
#map = affine_map<(d0, d1) -> (0, 0)>
#map1 = affine_map<(d0, d1) -> (0, 0, 0)>
module attributes {stable_mosaic.version = 14 : i64} {
  func.func @_edge_agg(%arg0: i32, %arg1: i32, %arg2: memref<10240x16xf32, #tpu.memory_space<hbm>>, %arg3: memref<2x2560x128xi32, #tpu.memory_space<hbm>>, %arg4: memref<2x10240x16xf32, #tpu.memory_space<hbm>>, %arg5: memref<144x128xi32, #tpu.memory_space<vmem>>, %arg6: memref<144x128xi32, #tpu.memory_space<vmem>>, %arg7: memref<128x16xf32, #tpu.memory_space<vmem>>, %arg8: memref<128x16xf32, #tpu.memory_space<vmem>>, %arg9: memref<128x16xf32, #tpu.memory_space<vmem>>, %arg10: memref<128x16xf32, #tpu.memory_space<vmem>>, %arg11: memref<128x16xf32, #tpu.memory_space<vmem>>, %arg12: memref<128x16xf32, #tpu.memory_space<vmem>>, %arg13: memref<128x16xf32, #tpu.memory_space<vmem>>, %arg14: memref<128x16xf32, #tpu.memory_space<vmem>>, %arg15: memref<10240x16xf32, #tpu.memory_space<vmem_shared>>, %arg16: memref<!tpu.dma_semaphore, #tpu.memory_space<semaphore_mem>>, %arg17: memref<!tpu.dma_semaphore, #tpu.memory_space<semaphore_mem>>, %arg18: memref<!tpu.dma_semaphore, #tpu.memory_space<semaphore_mem>>, %arg19: memref<!tpu.dma_semaphore, #tpu.memory_space<semaphore_mem>>) attributes {dimension_semantics = [#tpu.dimension_semantics<core_parallel>, #tpu.dimension_semantics<subcore_parallel>], iteration_bounds = array<i64: 2, 16>, scalar_prefetch = 0 : i64, scratch_operands = 15 : i64, tpu.core_type = #tpu.core_type<sc_vector_subcore>, window_params = [{transform_indices = #map}, {transform_indices = #map1}, {transform_indices = #map1}]} {
    %mul3A = arith.constant 640 : i32
    %mul3A_0 = arith.muli %arg1, %mul3A : i32
    %scan3A = arith.constant 0 : i32
    %scan3A_1 = arith.constant 128 : i32
    %scan3A_2 = arith.addi %scan3A, %scan3A_1 : i32
    %scan3A_3 = arith.constant 1 : i32
    scf.for %scan3A_20 = %scan3A to %scan3A_2 step %scan3A_3  : i32 {
      %mul3A_21 = arith.constant 1 : i32
      %mul3A_22 = arith.muli %scan3A_20, %mul3A_21 : i32
      %add3A_23 = arith.constant 0 : i32
      %add3A_24 = arith.addi %add3A_23, %mul3A_22 : i32
      %broadcast_in_dim3A = arith.constant 0.000000e+00 : f32
      %broadcast_in_dim3A_25 = vector.broadcast %broadcast_in_dim3A : f32 to vector<16xf32>
      %swap3A = arith.index_cast %add3A_24 : i32 to index
      %swap3A_26 = arith.constant 0 : index
      %swap3A_27 = tpu.vector_load %arg7[%swap3A, %swap3A_26] {strides = array<i32>} : memref<128x16xf32, #tpu.memory_space<vmem>>, vector<1x16xf32>,
      %swap3A_28 = vector.shape_cast %swap3A_27 : vector<1x16xf32> to vector<16xf32>
      %swap3A_29 = vector.shape_cast %broadcast_in_dim3A_25 : vector<16xf32> to vector<1x16xf32>
      tpu.vector_store %arg7[%swap3A, %swap3A_26], %swap3A_29 {strides = array<i32>} : memref<128x16xf32, #tpu.memory_space<vmem>>, vector<1x16xf32>,
    }
    %scan3A_4 = arith.constant 128 : i32
    %add3A = arith.constant 0 : i32
    %add3A_5 = arith.addi %mul3A_0, %add3A : i32
    "tpu.region"() ({
      %run_scoped3A = tpu.sem_alloc : memref<!tpu.dma_semaphore, #tpu.memory_space<semaphore_mem>>
      %dma_start3A = arith.constant 0 : i32
      %dma_start3A_20 = tpu.memref_slice %arg15[%add3A_5, %dma_start3A] : memref<10240x16xf32, #tpu.memory_space<vmem_shared>> -> memref<128x16xf32, #tpu.memory_space<vmem_shared>>
      %dma_start3A_21 = arith.constant 0 : i32
      %dma_start3A_22 = tpu.memref_slice %arg15[%add3A_5, %dma_start3A_21] : memref<10240x16xf32, #tpu.memory_space<vmem_shared>> -> memref<128x16xf32, #tpu.memory_space<vmem_shared>>
      tpu.enqueue_dma source(%arg7 : memref<128x16xf32, #tpu.memory_space<vmem>>) target(%dma_start3A_22 : memref<128x16xf32, #tpu.memory_space<vmem_shared>>) target_semaphore(%run_scoped3A : memref<!tpu.dma_semaphore, #tpu.memory_space<semaphore_mem>>)
      %dma_wait3A = arith.constant 0 : i32
      %dma_wait3A_23 = tpu.memref_slice %arg15[%add3A_5, %dma_wait3A] : memref<10240x16xf32, #tpu.memory_space<vmem_shared>> -> memref<128x16xf32, #tpu.memory_space<vmem_shared>>
      %dma_wait3A_24 = arith.constant 0 : i32
      %dma_wait3A_25 = tpu.memref_slice %arg15[%add3A_5, %dma_wait3A_24] : memref<10240x16xf32, #tpu.memory_space<vmem_shared>> -> memref<128x16xf32, #tpu.memory_space<vmem_shared>>
      tpu.wait_dma2 semaphore(%run_scoped3A : memref<!tpu.dma_semaphore, #tpu.memory_space<semaphore_mem>>) src(%arg7 : memref<128x16xf32, #tpu.memory_space<vmem>>) dst(%dma_wait3A_25 : memref<128x16xf32, #tpu.memory_space<vmem_shared>>)
      tpu.yield
    }) : () -> ()
    %add3A_6 = arith.constant 128 : i32
    %add3A_7 = arith.addi %mul3A_0, %add3A_6 : i32
    "tpu.region"() ({
      %run_scoped3A = tpu.sem_alloc : memref<!tpu.dma_semaphore, #tpu.memory_space<semaphore_mem>>
      %dma_start3A = arith.constant 0 : i32
      %dma_start3A_20 = tpu.memref_slice %arg15[%add3A_7, %dma_start3A] : memref<10240x16xf32, #tpu.memory_space<vmem_shared>> -> memref<128x16xf32, #tpu.memory_space<vmem_shared>>
      %dma_start3A_21 = arith.constant 0 : i32
      %dma_start3A_22 = tpu.memref_slice %arg15[%add3A_7, %dma_start3A_21] : memref<10240x16xf32, #tpu.memory_space<vmem_shared>> -> memref<128x16xf32, #tpu.memory_space<vmem_shared>>
      tpu.enqueue_dma source(%arg7 : memref<128x16xf32, #tpu.memory_space<vmem>>) target(%dma_start3A_22 : memref<128x16xf32, #tpu.memory_space<vmem_shared>>) target_semaphore(%run_scoped3A : memref<!tpu.dma_semaphore, #tpu.memory_space<semaphore_mem>>)
      %dma_wait3A = arith.constant 0 : i32
      %dma_wait3A_23 = tpu.memref_slice %arg15[%add3A_7, %dma_wait3A] : memref<10240x16xf32, #tpu.memory_space<vmem_shared>> -> memref<128x16xf32, #tpu.memory_space<vmem_shared>>
      %dma_wait3A_24 = arith.constant 0 : i32
      %dma_wait3A_25 = tpu.memref_slice %arg15[%add3A_7, %dma_wait3A_24] : memref<10240x16xf32, #tpu.memory_space<vmem_shared>> -> memref<128x16xf32, #tpu.memory_space<vmem_shared>>
      tpu.wait_dma2 semaphore(%run_scoped3A : memref<!tpu.dma_semaphore, #tpu.memory_space<semaphore_mem>>) src(%arg7 : memref<128x16xf32, #tpu.memory_space<vmem>>) dst(%dma_wait3A_25 : memref<128x16xf32, #tpu.memory_space<vmem_shared>>)
      tpu.yield
    }) : () -> ()
    %add3A_8 = arith.constant 256 : i32
    %add3A_9 = arith.addi %mul3A_0, %add3A_8 : i32
    "tpu.region"() ({
      %run_scoped3A = tpu.sem_alloc : memref<!tpu.dma_semaphore, #tpu.memory_space<semaphore_mem>>
      %dma_start3A = arith.constant 0 : i32
      %dma_start3A_20 = tpu.memref_slice %arg15[%add3A_9, %dma_start3A] : memref<10240x16xf32, #tpu.memory_space<vmem_shared>> -> memref<128x16xf32, #tpu.memory_space<vmem_shared>>
      %dma_start3A_21 = arith.constant 0 : i32
      %dma_start3A_22 = tpu.memref_slice %arg15[%add3A_9, %dma_start3A_21] : memref<10240x16xf32, #tpu.memory_space<vmem_shared>> -> memref<128x16xf32, #tpu.memory_space<vmem_shared>>
      tpu.enqueue_dma source(%arg7 : memref<128x16xf32, #tpu.memory_space<vmem>>) target(%dma_start3A_22 : memref<128x16xf32, #tpu.memory_space<vmem_shared>>) target_semaphore(%run_scoped3A : memref<!tpu.dma_semaphore, #tpu.memory_space<semaphore_mem>>)
      %dma_wait3A = arith.constant 0 : i32
      %dma_wait3A_23 = tpu.memref_slice %arg15[%add3A_9, %dma_wait3A] : memref<10240x16xf32, #tpu.memory_space<vmem_shared>> -> memref<128x16xf32, #tpu.memory_space<vmem_shared>>
      %dma_wait3A_24 = arith.constant 0 : i32
      %dma_wait3A_25 = tpu.memref_slice %arg15[%add3A_9, %dma_wait3A_24] : memref<10240x16xf32, #tpu.memory_space<vmem_shared>> -> memref<128x16xf32, #tpu.memory_space<vmem_shared>>
      tpu.wait_dma2 semaphore(%run_scoped3A : memref<!tpu.dma_semaphore, #tpu.memory_space<semaphore_mem>>) src(%arg7 : memref<128x16xf32, #tpu.memory_space<vmem>>) dst(%dma_wait3A_25 : memref<128x16xf32, #tpu.memory_space<vmem_shared>>)
      tpu.yield
    }) : () -> ()
    %add3A_10 = arith.constant 384 : i32
    %add3A_11 = arith.addi %mul3A_0, %add3A_10 : i32
    "tpu.region"() ({
      %run_scoped3A = tpu.sem_alloc : memref<!tpu.dma_semaphore, #tpu.memory_space<semaphore_mem>>
      %dma_start3A = arith.constant 0 : i32
      %dma_start3A_20 = tpu.memref_slice %arg15[%add3A_11, %dma_start3A] : memref<10240x16xf32, #tpu.memory_space<vmem_shared>> -> memref<128x16xf32, #tpu.memory_space<vmem_shared>>
      %dma_start3A_21 = arith.constant 0 : i32
      %dma_start3A_22 = tpu.memref_slice %arg15[%add3A_11, %dma_start3A_21] : memref<10240x16xf32, #tpu.memory_space<vmem_shared>> -> memref<128x16xf32, #tpu.memory_space<vmem_shared>>
      tpu.enqueue_dma source(%arg7 : memref<128x16xf32, #tpu.memory_space<vmem>>) target(%dma_start3A_22 : memref<128x16xf32, #tpu.memory_space<vmem_shared>>) target_semaphore(%run_scoped3A : memref<!tpu.dma_semaphore, #tpu.memory_space<semaphore_mem>>)
      %dma_wait3A = arith.constant 0 : i32
      %dma_wait3A_23 = tpu.memref_slice %arg15[%add3A_11, %dma_wait3A] : memref<10240x16xf32, #tpu.memory_space<vmem_shared>> -> memref<128x16xf32, #tpu.memory_space<vmem_shared>>
      %dma_wait3A_24 = arith.constant 0 : i32
      %dma_wait3A_25 = tpu.memref_slice %arg15[%add3A_11, %dma_wait3A_24] : memref<10240x16xf32, #tpu.memory_space<vmem_shared>> -> memref<128x16xf32, #tpu.memory_space<vmem_shared>>
      tpu.wait_dma2 semaphore(%run_scoped3A : memref<!tpu.dma_semaphore, #tpu.memory_space<semaphore_mem>>) src(%arg7 : memref<128x16xf32, #tpu.memory_space<vmem>>) dst(%dma_wait3A_25 : memref<128x16xf32, #tpu.memory_space<vmem_shared>>)
      tpu.yield
    }) : () -> ()
    %add3A_12 = arith.constant 512 : i32
    %add3A_13 = arith.addi %mul3A_0, %add3A_12 : i32
    "tpu.region"() ({
      %run_scoped3A = tpu.sem_alloc : memref<!tpu.dma_semaphore, #tpu.memory_space<semaphore_mem>>
      %dma_start3A = arith.constant 0 : i32
      %dma_start3A_20 = tpu.memref_slice %arg15[%add3A_13, %dma_start3A] : memref<10240x16xf32, #tpu.memory_space<vmem_shared>> -> memref<128x16xf32, #tpu.memory_space<vmem_shared>>
      %dma_start3A_21 = arith.constant 0 : i32
      %dma_start3A_22 = tpu.memref_slice %arg15[%add3A_13, %dma_start3A_21] : memref<10240x16xf32, #tpu.memory_space<vmem_shared>> -> memref<128x16xf32, #tpu.memory_space<vmem_shared>>
      tpu.enqueue_dma source(%arg7 : memref<128x16xf32, #tpu.memory_space<vmem>>) target(%dma_start3A_22 : memref<128x16xf32, #tpu.memory_space<vmem_shared>>) target_semaphore(%run_scoped3A : memref<!tpu.dma_semaphore, #tpu.memory_space<semaphore_mem>>)
      %dma_wait3A = arith.constant 0 : i32
      %dma_wait3A_23 = tpu.memref_slice %arg15[%add3A_13, %dma_wait3A] : memref<10240x16xf32, #tpu.memory_space<vmem_shared>> -> memref<128x16xf32, #tpu.memory_space<vmem_shared>>
      %dma_wait3A_24 = arith.constant 0 : i32
      %dma_wait3A_25 = tpu.memref_slice %arg15[%add3A_13, %dma_wait3A_24] : memref<10240x16xf32, #tpu.memory_space<vmem_shared>> -> memref<128x16xf32, #tpu.memory_space<vmem_shared>>
      tpu.wait_dma2 semaphore(%run_scoped3A : memref<!tpu.dma_semaphore, #tpu.memory_space<semaphore_mem>>) src(%arg7 : memref<128x16xf32, #tpu.memory_space<vmem>>) dst(%dma_wait3A_25 : memref<128x16xf32, #tpu.memory_space<vmem_shared>>)
      tpu.yield
    }) : () -> ()
    %eq3A = arith.constant 0 : i32
    %eq3A_14 = arith.cmpi eq, %arg0, %eq3A : i32
    %convert_element_type3A = arith.extui %eq3A_14 : i1 to i32
    %cond3A = arith.constant 0 : i32
    %cond3A_15 = arith.cmpi ne, %convert_element_type3A, %cond3A : i32
    scf.if %cond3A_15 {
      %mul3A_20 = arith.constant 144 : i32
      %mul3A_21 = arith.muli %arg1, %mul3A_20 : i32
      %run_scoped3A = arith.constant 0 : i32
      "tpu.region"() ({
        %run_scoped3A_251 = tpu.sem_alloc : memref<!tpu.dma_semaphore, #tpu.memory_space<semaphore_mem>>
        %dma_start3A_252 = arith.constant 0 : i32
        %dma_start3A_253 = arith.constant 0 : i32
        %dma_start3A_254 = tpu.memref_slice %arg5[%dma_start3A_252, %dma_start3A_253] : memref<144x128xi32, #tpu.memory_space<vmem>> -> memref<144x128xi32, #tpu.memory_space<vmem>>
        %dma_start3A_255 = arith.constant 0 : i32
        %dma_start3A_256 = tpu.memref_slice %arg3[%run_scoped3A, %mul3A_21, %dma_start3A_255] : memref<2x2560x128xi32, #tpu.memory_space<hbm>> -> memref<1x144x128xi32, #tpu.memory_space<hbm>>
        %dma_start3A_257 = tpu.memref_squeeze %dma_start3A_256 : memref<1x144x128xi32, #tpu.memory_space<hbm>> -> memref<144x128xi32, #tpu.memory_space<hbm>>
        %dma_start3A_258 = arith.constant 0 : i32
        %dma_start3A_259 = arith.constant 0 : i32
        %dma_start3A_260 = tpu.memref_slice %arg5[%dma_start3A_258, %dma_start3A_259] : memref<144x128xi32, #tpu.memory_space<vmem>> -> memref<144x128xi32, #tpu.memory_space<vmem>>
        %dma_start3A_261 = arith.constant 0 : i32
        %dma_start3A_262 = tpu.memref_slice %arg3[%run_scoped3A, %mul3A_21, %dma_start3A_261] : memref<2x2560x128xi32, #tpu.memory_space<hbm>> -> memref<1x144x128xi32, #tpu.memory_space<hbm>>
        %dma_start3A_263 = tpu.memref_squeeze %dma_start3A_262 : memref<1x144x128xi32, #tpu.memory_space<hbm>> -> memref<144x128xi32, #tpu.memory_space<hbm>>
        tpu.enqueue_dma source(%dma_start3A_263 : memref<144x128xi32, #tpu.memory_space<hbm>>) target(%dma_start3A_260 : memref<144x128xi32, #tpu.memory_space<vmem>>) target_semaphore(%run_scoped3A_251 : memref<!tpu.dma_semaphore, #tpu.memory_space<semaphore_mem>>)
        %dma_wait3A_264 = arith.constant 0 : i32
        %dma_wait3A_265 = arith.constant 0 : i32
        %dma_wait3A_266 = tpu.memref_slice %arg5[%dma_wait3A_264, %dma_wait3A_265] : memref<144x128xi32, #tpu.memory_space<vmem>> -> memref<144x128xi32, #tpu.memory_space<vmem>>
        %dma_wait3A_267 = arith.constant 0 : i32
        %dma_wait3A_268 = tpu.memref_slice %arg3[%run_scoped3A, %mul3A_21, %dma_wait3A_267] : memref<2x2560x128xi32, #tpu.memory_space<hbm>> -> memref<1x144x128xi32, #tpu.memory_space<hbm>>
        %dma_wait3A_269 = tpu.memref_squeeze %dma_wait3A_268 : memref<1x144x128xi32, #tpu.memory_space<hbm>> -> memref<144x128xi32, #tpu.memory_space<hbm>>
        %dma_wait3A_270 = arith.constant 0 : i32
        %dma_wait3A_271 = arith.constant 0 : i32
        %dma_wait3A_272 = tpu.memref_slice %arg5[%dma_wait3A_270, %dma_wait3A_271] : memref<144x128xi32, #tpu.memory_space<vmem>> -> memref<144x128xi32, #tpu.memory_space<vmem>>
        %dma_wait3A_273 = arith.constant 0 : i32
        %dma_wait3A_274 = tpu.memref_slice %arg3[%run_scoped3A, %mul3A_21, %dma_wait3A_273] : memref<2x2560x128xi32, #tpu.memory_space<hbm>> -> memref<1x144x128xi32, #tpu.memory_space<hbm>>
        %dma_wait3A_275 = tpu.memref_squeeze %dma_wait3A_274 : memref<1x144x128xi32, #tpu.memory_space<hbm>> -> memref<144x128xi32, #tpu.memory_space<hbm>>
        tpu.wait_dma2 semaphore(%run_scoped3A_251 : memref<!tpu.dma_semaphore, #tpu.memory_space<semaphore_mem>>) src(%dma_wait3A_275 : memref<144x128xi32, #tpu.memory_space<hbm>>) dst(%dma_wait3A_272 : memref<144x128xi32, #tpu.memory_space<vmem>>)
        tpu.yield
      }) : () -> ()
      %run_scoped3A_22 = arith.constant 1 : i32
      "tpu.region"() ({
        %run_scoped3A_251 = tpu.sem_alloc : memref<!tpu.dma_semaphore, #tpu.memory_space<semaphore_mem>>
        %dma_start3A_252 = arith.constant 0 : i32
        %dma_start3A_253 = arith.constant 0 : i32
        %dma_start3A_254 = tpu.memref_slice %arg6[%dma_start3A_252, %dma_start3A_253] : memref<144x128xi32, #tpu.memory_space<vmem>> -> memref<144x128xi32, #tpu.memory_space<vmem>>
        %dma_start3A_255 = arith.constant 0 : i32
        %dma_start3A_256 = tpu.memref_slice %arg3[%run_scoped3A_22, %mul3A_21, %dma_start3A_255] : memref<2x2560x128xi32, #tpu.memory_space<hbm>> -> memref<1x144x128xi32, #tpu.memory_space<hbm>>
        %dma_start3A_257 = tpu.memref_squeeze %dma_start3A_256 : memref<1x144x128xi32, #tpu.memory_space<hbm>> -> memref<144x128xi32, #tpu.memory_space<hbm>>
        %dma_start3A_258 = arith.constant 0 : i32
        %dma_start3A_259 = arith.constant 0 : i32
        %dma_start3A_260 = tpu.memref_slice %arg6[%dma_start3A_258, %dma_start3A_259] : memref<144x128xi32, #tpu.memory_space<vmem>> -> memref<144x128xi32, #tpu.memory_space<vmem>>
        %dma_start3A_261 = arith.constant 0 : i32
        %dma_start3A_262 = tpu.memref_slice %arg3[%run_scoped3A_22, %mul3A_21, %dma_start3A_261] : memref<2x2560x128xi32, #tpu.memory_space<hbm>> -> memref<1x144x128xi32, #tpu.memory_space<hbm>>
        %dma_start3A_263 = tpu.memref_squeeze %dma_start3A_262 : memref<1x144x128xi32, #tpu.memory_space<hbm>> -> memref<144x128xi32, #tpu.memory_space<hbm>>
        tpu.enqueue_dma source(%dma_start3A_263 : memref<144x128xi32, #tpu.memory_space<hbm>>) target(%dma_start3A_260 : memref<144x128xi32, #tpu.memory_space<vmem>>) target_semaphore(%run_scoped3A_251 : memref<!tpu.dma_semaphore, #tpu.memory_space<semaphore_mem>>)
        %dma_wait3A_264 = arith.constant 0 : i32
        %dma_wait3A_265 = arith.constant 0 : i32
        %dma_wait3A_266 = tpu.memref_slice %arg6[%dma_wait3A_264, %dma_wait3A_265] : memref<144x128xi32, #tpu.memory_space<vmem>> -> memref<144x128xi32, #tpu.memory_space<vmem>>
        %dma_wait3A_267 = arith.constant 0 : i32
        %dma_wait3A_268 = tpu.memref_slice %arg3[%run_scoped3A_22, %mul3A_21, %dma_wait3A_267] : memref<2x2560x128xi32, #tpu.memory_space<hbm>> -> memref<1x144x128xi32, #tpu.memory_space<hbm>>
        %dma_wait3A_269 = tpu.memref_squeeze %dma_wait3A_268 : memref<1x144x128xi32, #tpu.memory_space<hbm>> -> memref<144x128xi32, #tpu.memory_space<hbm>>
        %dma_wait3A_270 = arith.constant 0 : i32
        %dma_wait3A_271 = arith.constant 0 : i32
        %dma_wait3A_272 = tpu.memref_slice %arg6[%dma_wait3A_270, %dma_wait3A_271] : memref<144x128xi32, #tpu.memory_space<vmem>> -> memref<144x128xi32, #tpu.memory_space<vmem>>
        %dma_wait3A_273 = arith.constant 0 : i32
        %dma_wait3A_274 = tpu.memref_slice %arg3[%run_scoped3A_22, %mul3A_21, %dma_wait3A_273] : memref<2x2560x128xi32, #tpu.memory_space<hbm>> -> memref<1x144x128xi32, #tpu.memory_space<hbm>>
        %dma_wait3A_275 = tpu.memref_squeeze %dma_wait3A_274 : memref<1x144x128xi32, #tpu.memory_space<hbm>> -> memref<144x128xi32, #tpu.memory_space<hbm>>
        tpu.wait_dma2 semaphore(%run_scoped3A_251 : memref<!tpu.dma_semaphore, #tpu.memory_space<semaphore_mem>>) src(%dma_wait3A_275 : memref<144x128xi32, #tpu.memory_space<hbm>>) dst(%dma_wait3A_272 : memref<144x128xi32, #tpu.memory_space<vmem>>)
        tpu.yield
      }) : () -> ()
      %barrier3A_23 = arith.constant 0 : index
      tpu.barrier barrier_id(%barrier3A_23)
      %dma_start3A = arith.constant 0 : i32
      %dma_start3A_24 = arith.constant 0 : i32
      %dma_start3A_25 = tpu.memref_slice %arg5[%dma_start3A, %dma_start3A_24] : memref<144x128xi32, #tpu.memory_space<vmem>> -> memref<1x128xi32, #tpu.memory_space<vmem>>
      %dma_start3A_26 = tpu.memref_squeeze %dma_start3A_25 : memref<1x128xi32, #tpu.memory_space<vmem>> -> memref<128xi32, #tpu.memory_space<vmem>>
      %dma_start3A_27 = arith.constant 0 : i32
      %dma_start3A_28 = arith.constant 0 : i32
      %dma_start3A_29 = tpu.memref_slice %arg2[%dma_start3A_27, %dma_start3A_28] : memref<10240x16xf32, #tpu.memory_space<hbm>> -> memref<10240x16xf32, #tpu.memory_space<hbm>>
      tpu.enqueue_indirect_dma source(%dma_start3A_29 : memref<10240x16xf32, #tpu.memory_space<hbm>>) target(%arg7 : memref<128x16xf32, #tpu.memory_space<vmem>>) offsets(%dma_start3A_26 : memref<128xi32, #tpu.memory_space<vmem>>) semaphore(%arg16 : memref<!tpu.dma_semaphore, #tpu.memory_space<semaphore_mem>>)
      %dma_start3A_30 = arith.constant 1 : i32
      %dma_start3A_31 = arith.constant 0 : i32
      %dma_start3A_32 = tpu.memref_slice %arg5[%dma_start3A_30, %dma_start3A_31] : memref<144x128xi32, #tpu.memory_space<vmem>> -> memref<1x128xi32, #tpu.memory_space<vmem>>
      %dma_start3A_33 = tpu.memref_squeeze %dma_start3A_32 : memref<1x128xi32, #tpu.memory_space<vmem>> -> memref<128xi32, #tpu.memory_space<vmem>>
      %dma_start3A_34 = arith.constant 0 : i32
      %dma_start3A_35 = arith.constant 0 : i32
      %dma_start3A_36 = tpu.memref_slice %arg2[%dma_start3A_34, %dma_start3A_35] : memref<10240x16xf32, #tpu.memory_space<hbm>> -> memref<10240x16xf32, #tpu.memory_space<hbm>>
      tpu.enqueue_indirect_dma source(%dma_start3A_36 : memref<10240x16xf32, #tpu.memory_space<hbm>>) target(%arg8 : memref<128x16xf32, #tpu.memory_space<vmem>>) offsets(%dma_start3A_33 : memref<128xi32, #tpu.memory_space<vmem>>) semaphore(%arg16 : memref<!tpu.dma_semaphore, #tpu.memory_space<semaphore_mem>>)
      %dma_start3A_37 = arith.constant 2 : i32
      %dma_start3A_38 = arith.constant 0 : i32
      %dma_start3A_39 = tpu.memref_slice %arg5[%dma_start3A_37, %dma_start3A_38] : memref<144x128xi32, #tpu.memory_space<vmem>> -> memref<1x128xi32, #tpu.memory_space<vmem>>
      %dma_start3A_40 = tpu.memref_squeeze %dma_start3A_39 : memref<1x128xi32, #tpu.memory_space<vmem>> -> memref<128xi32, #tpu.memory_space<vmem>>
      %dma_start3A_41 = arith.constant 0 : i32
      %dma_start3A_42 = arith.constant 0 : i32
      %dma_start3A_43 = tpu.memref_slice %arg2[%dma_start3A_41, %dma_start3A_42] : memref<10240x16xf32, #tpu.memory_space<hbm>> -> memref<10240x16xf32, #tpu.memory_space<hbm>>
      tpu.enqueue_indirect_dma source(%dma_start3A_43 : memref<10240x16xf32, #tpu.memory_space<hbm>>) target(%arg9 : memref<128x16xf32, #tpu.memory_space<vmem>>) offsets(%dma_start3A_40 : memref<128xi32, #tpu.memory_space<vmem>>) semaphore(%arg16 : memref<!tpu.dma_semaphore, #tpu.memory_space<semaphore_mem>>)
      %dma_start3A_44 = arith.constant 3 : i32
      %dma_start3A_45 = arith.constant 0 : i32
      %dma_start3A_46 = tpu.memref_slice %arg5[%dma_start3A_44, %dma_start3A_45] : memref<144x128xi32, #tpu.memory_space<vmem>> -> memref<1x128xi32, #tpu.memory_space<vmem>>
      %dma_start3A_47 = tpu.memref_squeeze %dma_start3A_46 : memref<1x128xi32, #tpu.memory_space<vmem>> -> memref<128xi32, #tpu.memory_space<vmem>>
      %dma_start3A_48 = arith.constant 0 : i32
      %dma_start3A_49 = arith.constant 0 : i32
      %dma_start3A_50 = tpu.memref_slice %arg2[%dma_start3A_48, %dma_start3A_49] : memref<10240x16xf32, #tpu.memory_space<hbm>> -> memref<10240x16xf32, #tpu.memory_space<hbm>>
      tpu.enqueue_indirect_dma source(%dma_start3A_50 : memref<10240x16xf32, #tpu.memory_space<hbm>>) target(%arg10 : memref<128x16xf32, #tpu.memory_space<vmem>>) offsets(%dma_start3A_47 : memref<128xi32, #tpu.memory_space<vmem>>) semaphore(%arg16 : memref<!tpu.dma_semaphore, #tpu.memory_space<semaphore_mem>>)
      %scan3A_51 = arith.constant 0 : i32
      %scan3A_52 = arith.constant 17 : i32
      %scan3A_53 = arith.addi %scan3A_51, %scan3A_52 : i32
      %scan3A_54 = arith.constant 1 : i32
      scf.for %scan3A_251 = %scan3A_51 to %scan3A_53 step %scan3A_54  : i32 {
        %mul3A_252 = arith.constant 8 : i32
        %mul3A_253 = arith.muli %scan3A_251, %mul3A_252 : i32
        %add3A_254 = arith.constant 0 : i32
        %add3A_255 = arith.addi %add3A_254, %mul3A_253 : i32
        %add3A_256 = arith.constant 4 : i32
        %add3A_257 = arith.addi %add3A_255, %add3A_256 : i32
        %add3A_258 = arith.constant 0 : i32
        %add3A_259 = arith.addi %add3A_257, %add3A_258 : i32
        %dma_start3A_260 = arith.constant 0 : i32
        %dma_start3A_261 = tpu.memref_slice %arg5[%add3A_259, %dma_start3A_260] : memref<144x128xi32, #tpu.memory_space<vmem>> -> memref<1x128xi32, #tpu.memory_space<vmem>>
        %dma_start3A_262 = tpu.memref_squeeze %dma_start3A_261 : memref<1x128xi32, #tpu.memory_space<vmem>> -> memref<128xi32, #tpu.memory_space<vmem>>
        %dma_start3A_263 = arith.constant 0 : i32
        %dma_start3A_264 = arith.constant 0 : i32
        %dma_start3A_265 = tpu.memref_slice %arg2[%dma_start3A_263, %dma_start3A_264] : memref<10240x16xf32, #tpu.memory_space<hbm>> -> memref<10240x16xf32, #tpu.memory_space<hbm>>
        tpu.enqueue_indirect_dma source(%dma_start3A_265 : memref<10240x16xf32, #tpu.memory_space<hbm>>) target(%arg11 : memref<128x16xf32, #tpu.memory_space<vmem>>) offsets(%dma_start3A_262 : memref<128xi32, #tpu.memory_space<vmem>>) semaphore(%arg17 : memref<!tpu.dma_semaphore, #tpu.memory_space<semaphore_mem>>)
        %add3A_266 = arith.constant 1 : i32
        %add3A_267 = arith.addi %add3A_257, %add3A_266 : i32
        %dma_start3A_268 = arith.constant 0 : i32
        %dma_start3A_269 = tpu.memref_slice %arg5[%add3A_267, %dma_start3A_268] : memref<144x128xi32, #tpu.memory_space<vmem>> -> memref<1x128xi32, #tpu.memory_space<vmem>>
        %dma_start3A_270 = tpu.memref_squeeze %dma_start3A_269 : memref<1x128xi32, #tpu.memory_space<vmem>> -> memref<128xi32, #tpu.memory_space<vmem>>
        %dma_start3A_271 = arith.constant 0 : i32
        %dma_start3A_272 = arith.constant 0 : i32
        %dma_start3A_273 = tpu.memref_slice %arg2[%dma_start3A_271, %dma_start3A_272] : memref<10240x16xf32, #tpu.memory_space<hbm>> -> memref<10240x16xf32, #tpu.memory_space<hbm>>
        tpu.enqueue_indirect_dma source(%dma_start3A_273 : memref<10240x16xf32, #tpu.memory_space<hbm>>) target(%arg12 : memref<128x16xf32, #tpu.memory_space<vmem>>) offsets(%dma_start3A_270 : memref<128xi32, #tpu.memory_space<vmem>>) semaphore(%arg17 : memref<!tpu.dma_semaphore, #tpu.memory_space<semaphore_mem>>)
        %add3A_274 = arith.constant 2 : i32
        %add3A_275 = arith.addi %add3A_257, %add3A_274 : i32
        %dma_start3A_276 = arith.constant 0 : i32
        %dma_start3A_277 = tpu.memref_slice %arg5[%add3A_275, %dma_start3A_276] : memref<144x128xi32, #tpu.memory_space<vmem>> -> memref<1x128xi32, #tpu.memory_space<vmem>>
        %dma_start3A_278 = tpu.memref_squeeze %dma_start3A_277 : memref<1x128xi32, #tpu.memory_space<vmem>> -> memref<128xi32, #tpu.memory_space<vmem>>
        %dma_start3A_279 = arith.constant 0 : i32
        %dma_start3A_280 = arith.constant 0 : i32
        %dma_start3A_281 = tpu.memref_slice %arg2[%dma_start3A_279, %dma_start3A_280] : memref<10240x16xf32, #tpu.memory_space<hbm>> -> memref<10240x16xf32, #tpu.memory_space<hbm>>
        tpu.enqueue_indirect_dma source(%dma_start3A_281 : memref<10240x16xf32, #tpu.memory_space<hbm>>) target(%arg13 : memref<128x16xf32, #tpu.memory_space<vmem>>) offsets(%dma_start3A_278 : memref<128xi32, #tpu.memory_space<vmem>>) semaphore(%arg17 : memref<!tpu.dma_semaphore, #tpu.memory_space<semaphore_mem>>)
        %add3A_282 = arith.constant 3 : i32
        %add3A_283 = arith.addi %add3A_257, %add3A_282 : i32
        %dma_start3A_284 = arith.constant 0 : i32
        %dma_start3A_285 = tpu.memref_slice %arg5[%add3A_283, %dma_start3A_284] : memref<144x128xi32, #tpu.memory_space<vmem>> -> memref<1x128xi32, #tpu.memory_space<vmem>>
        %dma_start3A_286 = tpu.memref_squeeze %dma_start3A_285 : memref<1x128xi32, #tpu.memory_space<vmem>> -> memref<128xi32, #tpu.memory_space<vmem>>
        %dma_start3A_287 = arith.constant 0 : i32
        %dma_start3A_288 = arith.constant 0 : i32
        %dma_start3A_289 = tpu.memref_slice %arg2[%dma_start3A_287, %dma_start3A_288] : memref<10240x16xf32, #tpu.memory_space<hbm>> -> memref<10240x16xf32, #tpu.memory_space<hbm>>
        tpu.enqueue_indirect_dma source(%dma_start3A_289 : memref<10240x16xf32, #tpu.memory_space<hbm>>) target(%arg14 : memref<128x16xf32, #tpu.memory_space<vmem>>) offsets(%dma_start3A_286 : memref<128xi32, #tpu.memory_space<vmem>>) semaphore(%arg17 : memref<!tpu.dma_semaphore, #tpu.memory_space<semaphore_mem>>)
        %dma_wait3A_290 = arith.constant 0 : i32
        %dma_wait3A_291 = arith.constant 0 : i32
        %dma_wait3A_292 = tpu.memref_slice %arg5[%dma_wait3A_290, %dma_wait3A_291] : memref<144x128xi32, #tpu.memory_space<vmem>> -> memref<1x128xi32, #tpu.memory_space<vmem>>
        %dma_wait3A_293 = tpu.memref_squeeze %dma_wait3A_292 : memref<1x128xi32, #tpu.memory_space<vmem>> -> memref<128xi32, #tpu.memory_space<vmem>>
        %dma_wait3A_294 = arith.constant 0 : i32
        %dma_wait3A_295 = arith.constant 0 : i32
        %dma_wait3A_296 = tpu.memref_slice %arg2[%dma_wait3A_294, %dma_wait3A_295] : memref<10240x16xf32, #tpu.memory_space<hbm>> -> memref<10240x16xf32, #tpu.memory_space<hbm>>
        tpu.wait_indirect_dma semaphore(%arg16 : memref<!tpu.dma_semaphore, #tpu.memory_space<semaphore_mem>>) src(%dma_wait3A_296 : memref<10240x16xf32, #tpu.memory_space<hbm>>) dst(%arg7 : memref<128x16xf32, #tpu.memory_space<vmem>>)
        %dma_wait3A_297 = arith.constant 0 : i32
        %dma_wait3A_298 = arith.constant 0 : i32
        %dma_wait3A_299 = tpu.memref_slice %arg5[%dma_wait3A_297, %dma_wait3A_298] : memref<144x128xi32, #tpu.memory_space<vmem>> -> memref<1x128xi32, #tpu.memory_space<vmem>>
        %dma_wait3A_300 = tpu.memref_squeeze %dma_wait3A_299 : memref<1x128xi32, #tpu.memory_space<vmem>> -> memref<128xi32, #tpu.memory_space<vmem>>
        %dma_wait3A_301 = arith.constant 0 : i32
        %dma_wait3A_302 = arith.constant 0 : i32
        %dma_wait3A_303 = tpu.memref_slice %arg2[%dma_wait3A_301, %dma_wait3A_302] : memref<10240x16xf32, #tpu.memory_space<hbm>> -> memref<10240x16xf32, #tpu.memory_space<hbm>>
        tpu.wait_indirect_dma semaphore(%arg16 : memref<!tpu.dma_semaphore, #tpu.memory_space<semaphore_mem>>) src(%dma_wait3A_303 : memref<10240x16xf32, #tpu.memory_space<hbm>>) dst(%arg8 : memref<128x16xf32, #tpu.memory_space<vmem>>)
        %dma_wait3A_304 = arith.constant 0 : i32
        %dma_wait3A_305 = arith.constant 0 : i32
        %dma_wait3A_306 = tpu.memref_slice %arg5[%dma_wait3A_304, %dma_wait3A_305] : memref<144x128xi32, #tpu.memory_space<vmem>> -> memref<1x128xi32, #tpu.memory_space<vmem>>
        %dma_wait3A_307 = tpu.memref_squeeze %dma_wait3A_306 : memref<1x128xi32, #tpu.memory_space<vmem>> -> memref<128xi32, #tpu.memory_space<vmem>>
        %dma_wait3A_308 = arith.constant 0 : i32
        %dma_wait3A_309 = arith.constant 0 : i32
        %dma_wait3A_310 = tpu.memref_slice %arg2[%dma_wait3A_308, %dma_wait3A_309] : memref<10240x16xf32, #tpu.memory_space<hbm>> -> memref<10240x16xf32, #tpu.memory_space<hbm>>
        tpu.wait_indirect_dma semaphore(%arg16 : memref<!tpu.dma_semaphore, #tpu.memory_space<semaphore_mem>>) src(%dma_wait3A_310 : memref<10240x16xf32, #tpu.memory_space<hbm>>) dst(%arg9 : memref<128x16xf32, #tpu.memory_space<vmem>>)
        %dma_wait3A_311 = arith.constant 0 : i32
        %dma_wait3A_312 = arith.constant 0 : i32
        %dma_wait3A_313 = tpu.memref_slice %arg5[%dma_wait3A_311, %dma_wait3A_312] : memref<144x128xi32, #tpu.memory_space<vmem>> -> memref<1x128xi32, #tpu.memory_space<vmem>>
        %dma_wait3A_314 = tpu.memref_squeeze %dma_wait3A_313 : memref<1x128xi32, #tpu.memory_space<vmem>> -> memref<128xi32, #tpu.memory_space<vmem>>
        %dma_wait3A_315 = arith.constant 0 : i32
        %dma_wait3A_316 = arith.constant 0 : i32
        %dma_wait3A_317 = tpu.memref_slice %arg2[%dma_wait3A_315, %dma_wait3A_316] : memref<10240x16xf32, #tpu.memory_space<hbm>> -> memref<10240x16xf32, #tpu.memory_space<hbm>>
        tpu.wait_indirect_dma semaphore(%arg16 : memref<!tpu.dma_semaphore, #tpu.memory_space<semaphore_mem>>) src(%dma_wait3A_317 : memref<10240x16xf32, #tpu.memory_space<hbm>>) dst(%arg10 : memref<128x16xf32, #tpu.memory_space<vmem>>)
        %add3A_318 = arith.constant 0 : i32
        %add3A_319 = arith.addi %add3A_255, %add3A_318 : i32
        %dma_start3A_320 = arith.constant 0 : i32
        %dma_start3A_321 = tpu.memref_slice %arg6[%add3A_319, %dma_start3A_320] : memref<144x128xi32, #tpu.memory_space<vmem>> -> memref<1x128xi32, #tpu.memory_space<vmem>>
        %dma_start3A_322 = tpu.memref_squeeze %dma_start3A_321 : memref<1x128xi32, #tpu.memory_space<vmem>> -> memref<128xi32, #tpu.memory_space<vmem>>
        %dma_start3A_323 = arith.constant 0 : i32
        %dma_start3A_324 = arith.constant 0 : i32
        %dma_start3A_325 = tpu.memref_slice %arg15[%dma_start3A_323, %dma_start3A_324] : memref<10240x16xf32, #tpu.memory_space<vmem_shared>> -> memref<10240x16xf32, #tpu.memory_space<vmem_shared>>
        tpu.enqueue_indirect_dma source(%arg7 : memref<128x16xf32, #tpu.memory_space<vmem>>) target(%dma_start3A_325 : memref<10240x16xf32, #tpu.memory_space<vmem_shared>>) offsets(%dma_start3A_322 : memref<128xi32, #tpu.memory_space<vmem>>) semaphore(%arg18 : memref<!tpu.dma_semaphore, #tpu.memory_space<semaphore_mem>>) {add = true}
        %add3A_326 = arith.constant 1 : i32
        %add3A_327 = arith.addi %add3A_255, %add3A_326 : i32
        %dma_start3A_328 = arith.constant 0 : i32
        %dma_start3A_329 = tpu.memref_slice %arg6[%add3A_327, %dma_start3A_328] : memref<144x128xi32, #tpu.memory_space<vmem>> -> memref<1x128xi32, #tpu.memory_space<vmem>>
        %dma_start3A_330 = tpu.memref_squeeze %dma_start3A_329 : memref<1x128xi32, #tpu.memory_space<vmem>> -> memref<128xi32, #tpu.memory_space<vmem>>
        %dma_start3A_331 = arith.constant 0 : i32
        %dma_start3A_332 = arith.constant 0 : i32
        %dma_start3A_333 = tpu.memref_slice %arg15[%dma_start3A_331, %dma_start3A_332] : memref<10240x16xf32, #tpu.memory_space<vmem_shared>> -> memref<10240x16xf32, #tpu.memory_space<vmem_shared>>
        tpu.enqueue_indirect_dma source(%arg8 : memref<128x16xf32, #tpu.memory_space<vmem>>) target(%dma_start3A_333 : memref<10240x16xf32, #tpu.memory_space<vmem_shared>>) offsets(%dma_start3A_330 : memref<128xi32, #tpu.memory_space<vmem>>) semaphore(%arg18 : memref<!tpu.dma_semaphore, #tpu.memory_space<semaphore_mem>>) {add = true}
        %add3A_334 = arith.constant 2 : i32
        %add3A_335 = arith.addi %add3A_255, %add3A_334 : i32
        %dma_start3A_336 = arith.constant 0 : i32
        %dma_start3A_337 = tpu.memref_slice %arg6[%add3A_335, %dma_start3A_336] : memref<144x128xi32, #tpu.memory_space<vmem>> -> memref<1x128xi32, #tpu.memory_space<vmem>>
        %dma_start3A_338 = tpu.memref_squeeze %dma_start3A_337 : memref<1x128xi32, #tpu.memory_space<vmem>> -> memref<128xi32, #tpu.memory_space<vmem>>
        %dma_start3A_339 = arith.constant 0 : i32
        %dma_start3A_340 = arith.constant 0 : i32
        %dma_start3A_341 = tpu.memref_slice %arg15[%dma_start3A_339, %dma_start3A_340] : memref<10240x16xf32, #tpu.memory_space<vmem_shared>> -> memref<10240x16xf32, #tpu.memory_space<vmem_shared>>
        tpu.enqueue_indirect_dma source(%arg9 : memref<128x16xf32, #tpu.memory_space<vmem>>) target(%dma_start3A_341 : memref<10240x16xf32, #tpu.memory_space<vmem_shared>>) offsets(%dma_start3A_338 : memref<128xi32, #tpu.memory_space<vmem>>) semaphore(%arg18 : memref<!tpu.dma_semaphore, #tpu.memory_space<semaphore_mem>>) {add = true}
        %add3A_342 = arith.constant 3 : i32
        %add3A_343 = arith.addi %add3A_255, %add3A_342 : i32
        %dma_start3A_344 = arith.constant 0 : i32
        %dma_start3A_345 = tpu.memref_slice %arg6[%add3A_343, %dma_start3A_344] : memref<144x128xi32, #tpu.memory_space<vmem>> -> memref<1x128xi32, #tpu.memory_space<vmem>>
        %dma_start3A_346 = tpu.memref_squeeze %dma_start3A_345 : memref<1x128xi32, #tpu.memory_space<vmem>> -> memref<128xi32, #tpu.memory_space<vmem>>
        %dma_start3A_347 = arith.constant 0 : i32
        %dma_start3A_348 = arith.constant 0 : i32
        %dma_start3A_349 = tpu.memref_slice %arg15[%dma_start3A_347, %dma_start3A_348] : memref<10240x16xf32, #tpu.memory_space<vmem_shared>> -> memref<10240x16xf32, #tpu.memory_space<vmem_shared>>
        tpu.enqueue_indirect_dma source(%arg10 : memref<128x16xf32, #tpu.memory_space<vmem>>) target(%dma_start3A_349 : memref<10240x16xf32, #tpu.memory_space<vmem_shared>>) offsets(%dma_start3A_346 : memref<128xi32, #tpu.memory_space<vmem>>) semaphore(%arg18 : memref<!tpu.dma_semaphore, #tpu.memory_space<semaphore_mem>>) {add = true}
        %dma_wait3A_350 = arith.constant 0 : i32
        %dma_wait3A_351 = arith.constant 0 : i32
        %dma_wait3A_352 = tpu.memref_slice %arg6[%dma_wait3A_350, %dma_wait3A_351] : memref<144x128xi32, #tpu.memory_space<vmem>> -> memref<1x128xi32, #tpu.memory_space<vmem>>
        %dma_wait3A_353 = tpu.memref_squeeze %dma_wait3A_352 : memref<1x128xi32, #tpu.memory_space<vmem>> -> memref<128xi32, #tpu.memory_space<vmem>>
        %dma_wait3A_354 = arith.constant 0 : i32
        %dma_wait3A_355 = arith.constant 0 : i32
        %dma_wait3A_356 = tpu.memref_slice %arg15[%dma_wait3A_354, %dma_wait3A_355] : memref<10240x16xf32, #tpu.memory_space<vmem_shared>> -> memref<10240x16xf32, #tpu.memory_space<vmem_shared>>
        tpu.wait_indirect_dma semaphore(%arg18 : memref<!tpu.dma_semaphore, #tpu.memory_space<semaphore_mem>>) src(%arg7 : memref<128x16xf32, #tpu.memory_space<vmem>>) dst(%dma_wait3A_356 : memref<10240x16xf32, #tpu.memory_space<vmem_shared>>)
        %dma_wait3A_357 = arith.constant 0 : i32
        %dma_wait3A_358 = arith.constant 0 : i32
        %dma_wait3A_359 = tpu.memref_slice %arg6[%dma_wait3A_357, %dma_wait3A_358] : memref<144x128xi32, #tpu.memory_space<vmem>> -> memref<1x128xi32, #tpu.memory_space<vmem>>
        %dma_wait3A_360 = tpu.memref_squeeze %dma_wait3A_359 : memref<1x128xi32, #tpu.memory_space<vmem>> -> memref<128xi32, #tpu.memory_space<vmem>>
        %dma_wait3A_361 = arith.constant 0 : i32
        %dma_wait3A_362 = arith.constant 0 : i32
        %dma_wait3A_363 = tpu.memref_slice %arg15[%dma_wait3A_361, %dma_wait3A_362] : memref<10240x16xf32, #tpu.memory_space<vmem_shared>> -> memref<10240x16xf32, #tpu.memory_space<vmem_shared>>
        tpu.wait_indirect_dma semaphore(%arg18 : memref<!tpu.dma_semaphore, #tpu.memory_space<semaphore_mem>>) src(%arg8 : memref<128x16xf32, #tpu.memory_space<vmem>>) dst(%dma_wait3A_363 : memref<10240x16xf32, #tpu.memory_space<vmem_shared>>)
        %dma_wait3A_364 = arith.constant 0 : i32
        %dma_wait3A_365 = arith.constant 0 : i32
        %dma_wait3A_366 = tpu.memref_slice %arg6[%dma_wait3A_364, %dma_wait3A_365] : memref<144x128xi32, #tpu.memory_space<vmem>> -> memref<1x128xi32, #tpu.memory_space<vmem>>
        %dma_wait3A_367 = tpu.memref_squeeze %dma_wait3A_366 : memref<1x128xi32, #tpu.memory_space<vmem>> -> memref<128xi32, #tpu.memory_space<vmem>>
        %dma_wait3A_368 = arith.constant 0 : i32
        %dma_wait3A_369 = arith.constant 0 : i32
        %dma_wait3A_370 = tpu.memref_slice %arg15[%dma_wait3A_368, %dma_wait3A_369] : memref<10240x16xf32, #tpu.memory_space<vmem_shared>> -> memref<10240x16xf32, #tpu.memory_space<vmem_shared>>
        tpu.wait_indirect_dma semaphore(%arg18 : memref<!tpu.dma_semaphore, #tpu.memory_space<semaphore_mem>>) src(%arg9 : memref<128x16xf32, #tpu.memory_space<vmem>>) dst(%dma_wait3A_370 : memref<10240x16xf32, #tpu.memory_space<vmem_shared>>)
        %dma_wait3A_371 = arith.constant 0 : i32
        %dma_wait3A_372 = arith.constant 0 : i32
        %dma_wait3A_373 = tpu.memref_slice %arg6[%dma_wait3A_371, %dma_wait3A_372] : memref<144x128xi32, #tpu.memory_space<vmem>> -> memref<1x128xi32, #tpu.memory_space<vmem>>
        %dma_wait3A_374 = tpu.memref_squeeze %dma_wait3A_373 : memref<1x128xi32, #tpu.memory_space<vmem>> -> memref<128xi32, #tpu.memory_space<vmem>>
        %dma_wait3A_375 = arith.constant 0 : i32
        %dma_wait3A_376 = arith.constant 0 : i32
        %dma_wait3A_377 = tpu.memref_slice %arg15[%dma_wait3A_375, %dma_wait3A_376] : memref<10240x16xf32, #tpu.memory_space<vmem_shared>> -> memref<10240x16xf32, #tpu.memory_space<vmem_shared>>
        tpu.wait_indirect_dma semaphore(%arg18 : memref<!tpu.dma_semaphore, #tpu.memory_space<semaphore_mem>>) src(%arg10 : memref<128x16xf32, #tpu.memory_space<vmem>>) dst(%dma_wait3A_377 : memref<10240x16xf32, #tpu.memory_space<vmem_shared>>)
        %add3A_378 = arith.constant 8 : i32
        %add3A_379 = arith.addi %add3A_255, %add3A_378 : i32
        %add3A_380 = arith.constant 0 : i32
        %add3A_381 = arith.addi %add3A_379, %add3A_380 : i32
        %dma_start3A_382 = arith.constant 0 : i32
        %dma_start3A_383 = tpu.memref_slice %arg5[%add3A_381, %dma_start3A_382] : memref<144x128xi32, #tpu.memory_space<vmem>> -> memref<1x128xi32, #tpu.memory_space<vmem>>
        %dma_start3A_384 = tpu.memref_squeeze %dma_start3A_383 : memref<1x128xi32, #tpu.memory_space<vmem>> -> memref<128xi32, #tpu.memory_space<vmem>>
        %dma_start3A_385 = arith.constant 0 : i32
        %dma_start3A_386 = arith.constant 0 : i32
        %dma_start3A_387 = tpu.memref_slice %arg2[%dma_start3A_385, %dma_start3A_386] : memref<10240x16xf32, #tpu.memory_space<hbm>> -> memref<10240x16xf32, #tpu.memory_space<hbm>>
        tpu.enqueue_indirect_dma source(%dma_start3A_387 : memref<10240x16xf32, #tpu.memory_space<hbm>>) target(%arg7 : memref<128x16xf32, #tpu.memory_space<vmem>>) offsets(%dma_start3A_384 : memref<128xi32, #tpu.memory_space<vmem>>) semaphore(%arg16 : memref<!tpu.dma_semaphore, #tpu.memory_space<semaphore_mem>>)
        %add3A_388 = arith.constant 1 : i32
        %add3A_389 = arith.addi %add3A_379, %add3A_388 : i32
        %dma_start3A_390 = arith.constant 0 : i32
        %dma_start3A_391 = tpu.memref_slice %arg5[%add3A_389, %dma_start3A_390] : memref<144x128xi32, #tpu.memory_space<vmem>> -> memref<1x128xi32, #tpu.memory_space<vmem>>
        %dma_start3A_392 = tpu.memref_squeeze %dma_start3A_391 : memref<1x128xi32, #tpu.memory_space<vmem>> -> memref<128xi32, #tpu.memory_space<vmem>>
        %dma_start3A_393 = arith.constant 0 : i32
        %dma_start3A_394 = arith.constant 0 : i32
        %dma_start3A_395 = tpu.memref_slice %arg2[%dma_start3A_393, %dma_start3A_394] : memref<10240x16xf32, #tpu.memory_space<hbm>> -> memref<10240x16xf32, #tpu.memory_space<hbm>>
        tpu.enqueue_indirect_dma source(%dma_start3A_395 : memref<10240x16xf32, #tpu.memory_space<hbm>>) target(%arg8 : memref<128x16xf32, #tpu.memory_space<vmem>>) offsets(%dma_start3A_392 : memref<128xi32, #tpu.memory_space<vmem>>) semaphore(%arg16 : memref<!tpu.dma_semaphore, #tpu.memory_space<semaphore_mem>>)
        %add3A_396 = arith.constant 2 : i32
        %add3A_397 = arith.addi %add3A_379, %add3A_396 : i32
        %dma_start3A_398 = arith.constant 0 : i32
        %dma_start3A_399 = tpu.memref_slice %arg5[%add3A_397, %dma_start3A_398] : memref<144x128xi32, #tpu.memory_space<vmem>> -> memref<1x128xi32, #tpu.memory_space<vmem>>
        %dma_start3A_400 = tpu.memref_squeeze %dma_start3A_399 : memref<1x128xi32, #tpu.memory_space<vmem>> -> memref<128xi32, #tpu.memory_space<vmem>>
        %dma_start3A_401 = arith.constant 0 : i32
        %dma_start3A_402 = arith.constant 0 : i32
        %dma_start3A_403 = tpu.memref_slice %arg2[%dma_start3A_401, %dma_start3A_402] : memref<10240x16xf32, #tpu.memory_space<hbm>> -> memref<10240x16xf32, #tpu.memory_space<hbm>>
        tpu.enqueue_indirect_dma source(%dma_start3A_403 : memref<10240x16xf32, #tpu.memory_space<hbm>>) target(%arg9 : memref<128x16xf32, #tpu.memory_space<vmem>>) offsets(%dma_start3A_400 : memref<128xi32, #tpu.memory_space<vmem>>) semaphore(%arg16 : memref<!tpu.dma_semaphore, #tpu.memory_space<semaphore_mem>>)
        %add3A_404 = arith.constant 3 : i32
        %add3A_405 = arith.addi %add3A_379, %add3A_404 : i32
        %dma_start3A_406 = arith.constant 0 : i32
        %dma_start3A_407 = tpu.memref_slice %arg5[%add3A_405, %dma_start3A_406] : memref<144x128xi32, #tpu.memory_space<vmem>> -> memref<1x128xi32, #tpu.memory_space<vmem>>
        %dma_start3A_408 = tpu.memref_squeeze %dma_start3A_407 : memref<1x128xi32, #tpu.memory_space<vmem>> -> memref<128xi32, #tpu.memory_space<vmem>>
        %dma_start3A_409 = arith.constant 0 : i32
        %dma_start3A_410 = arith.constant 0 : i32
        %dma_start3A_411 = tpu.memref_slice %arg2[%dma_start3A_409, %dma_start3A_410] : memref<10240x16xf32, #tpu.memory_space<hbm>> -> memref<10240x16xf32, #tpu.memory_space<hbm>>
        tpu.enqueue_indirect_dma source(%dma_start3A_411 : memref<10240x16xf32, #tpu.memory_space<hbm>>) target(%arg10 : memref<128x16xf32, #tpu.memory_space<vmem>>) offsets(%dma_start3A_408 : memref<128xi32, #tpu.memory_space<vmem>>) semaphore(%arg16 : memref<!tpu.dma_semaphore, #tpu.memory_space<semaphore_mem>>)
        %dma_wait3A_412 = arith.constant 0 : i32
        %dma_wait3A_413 = arith.constant 0 : i32
        %dma_wait3A_414 = tpu.memref_slice %arg5[%dma_wait3A_412, %dma_wait3A_413] : memref<144x128xi32, #tpu.memory_space<vmem>> -> memref<1x128xi32, #tpu.memory_space<vmem>>
        %dma_wait3A_415 = tpu.memref_squeeze %dma_wait3A_414 : memref<1x128xi32, #tpu.memory_space<vmem>> -> memref<128xi32, #tpu.memory_space<vmem>>
        %dma_wait3A_416 = arith.constant 0 : i32
        %dma_wait3A_417 = arith.constant 0 : i32
        %dma_wait3A_418 = tpu.memref_slice %arg2[%dma_wait3A_416, %dma_wait3A_417] : memref<10240x16xf32, #tpu.memory_space<hbm>> -> memref<10240x16xf32, #tpu.memory_space<hbm>>
        tpu.wait_indirect_dma semaphore(%arg17 : memref<!tpu.dma_semaphore, #tpu.memory_space<semaphore_mem>>) src(%dma_wait3A_418 : memref<10240x16xf32, #tpu.memory_space<hbm>>) dst(%arg11 : memref<128x16xf32, #tpu.memory_space<vmem>>)
        %dma_wait3A_419 = arith.constant 0 : i32
        %dma_wait3A_420 = arith.constant 0 : i32
        %dma_wait3A_421 = tpu.memref_slice %arg5[%dma_wait3A_419, %dma_wait3A_420] : memref<144x128xi32, #tpu.memory_space<vmem>> -> memref<1x128xi32, #tpu.memory_space<vmem>>
        %dma_wait3A_422 = tpu.memref_squeeze %dma_wait3A_421 : memref<1x128xi32, #tpu.memory_space<vmem>> -> memref<128xi32, #tpu.memory_space<vmem>>
        %dma_wait3A_423 = arith.constant 0 : i32
        %dma_wait3A_424 = arith.constant 0 : i32
        %dma_wait3A_425 = tpu.memref_slice %arg2[%dma_wait3A_423, %dma_wait3A_424] : memref<10240x16xf32, #tpu.memory_space<hbm>> -> memref<10240x16xf32, #tpu.memory_space<hbm>>
        tpu.wait_indirect_dma semaphore(%arg17 : memref<!tpu.dma_semaphore, #tpu.memory_space<semaphore_mem>>) src(%dma_wait3A_425 : memref<10240x16xf32, #tpu.memory_space<hbm>>) dst(%arg12 : memref<128x16xf32, #tpu.memory_space<vmem>>)
        %dma_wait3A_426 = arith.constant 0 : i32
        %dma_wait3A_427 = arith.constant 0 : i32
        %dma_wait3A_428 = tpu.memref_slice %arg5[%dma_wait3A_426, %dma_wait3A_427] : memref<144x128xi32, #tpu.memory_space<vmem>> -> memref<1x128xi32, #tpu.memory_space<vmem>>
        %dma_wait3A_429 = tpu.memref_squeeze %dma_wait3A_428 : memref<1x128xi32, #tpu.memory_space<vmem>> -> memref<128xi32, #tpu.memory_space<vmem>>
        %dma_wait3A_430 = arith.constant 0 : i32
        %dma_wait3A_431 = arith.constant 0 : i32
        %dma_wait3A_432 = tpu.memref_slice %arg2[%dma_wait3A_430, %dma_wait3A_431] : memref<10240x16xf32, #tpu.memory_space<hbm>> -> memref<10240x16xf32, #tpu.memory_space<hbm>>
        tpu.wait_indirect_dma semaphore(%arg17 : memref<!tpu.dma_semaphore, #tpu.memory_space<semaphore_mem>>) src(%dma_wait3A_432 : memref<10240x16xf32, #tpu.memory_space<hbm>>) dst(%arg13 : memref<128x16xf32, #tpu.memory_space<vmem>>)
        %dma_wait3A_433 = arith.constant 0 : i32
        %dma_wait3A_434 = arith.constant 0 : i32
        %dma_wait3A_435 = tpu.memref_slice %arg5[%dma_wait3A_433, %dma_wait3A_434] : memref<144x128xi32, #tpu.memory_space<vmem>> -> memref<1x128xi32, #tpu.memory_space<vmem>>
        %dma_wait3A_436 = tpu.memref_squeeze %dma_wait3A_435 : memref<1x128xi32, #tpu.memory_space<vmem>> -> memref<128xi32, #tpu.memory_space<vmem>>
        %dma_wait3A_437 = arith.constant 0 : i32
        %dma_wait3A_438 = arith.constant 0 : i32
        %dma_wait3A_439 = tpu.memref_slice %arg2[%dma_wait3A_437, %dma_wait3A_438] : memref<10240x16xf32, #tpu.memory_space<hbm>> -> memref<10240x16xf32, #tpu.memory_space<hbm>>
        tpu.wait_indirect_dma semaphore(%arg17 : memref<!tpu.dma_semaphore, #tpu.memory_space<semaphore_mem>>) src(%dma_wait3A_439 : memref<10240x16xf32, #tpu.memory_space<hbm>>) dst(%arg14 : memref<128x16xf32, #tpu.memory_space<vmem>>)
        %add3A_440 = arith.constant 4 : i32
        %add3A_441 = arith.addi %add3A_255, %add3A_440 : i32
        %add3A_442 = arith.constant 0 : i32
        %add3A_443 = arith.addi %add3A_441, %add3A_442 : i32
        %dma_start3A_444 = arith.constant 0 : i32
        %dma_start3A_445 = tpu.memref_slice %arg6[%add3A_443, %dma_start3A_444] : memref<144x128xi32, #tpu.memory_space<vmem>> -> memref<1x128xi32, #tpu.memory_space<vmem>>
        %dma_start3A_446 = tpu.memref_squeeze %dma_start3A_445 : memref<1x128xi32, #tpu.memory_space<vmem>> -> memref<128xi32, #tpu.memory_space<vmem>>
        %dma_start3A_447 = arith.constant 0 : i32
        %dma_start3A_448 = arith.constant 0 : i32
        %dma_start3A_449 = tpu.memref_slice %arg15[%dma_start3A_447, %dma_start3A_448] : memref<10240x16xf32, #tpu.memory_space<vmem_shared>> -> memref<10240x16xf32, #tpu.memory_space<vmem_shared>>
        tpu.enqueue_indirect_dma source(%arg11 : memref<128x16xf32, #tpu.memory_space<vmem>>) target(%dma_start3A_449 : memref<10240x16xf32, #tpu.memory_space<vmem_shared>>) offsets(%dma_start3A_446 : memref<128xi32, #tpu.memory_space<vmem>>) semaphore(%arg19 : memref<!tpu.dma_semaphore, #tpu.memory_space<semaphore_mem>>) {add = true}
        %add3A_450 = arith.constant 1 : i32
        %add3A_451 = arith.addi %add3A_441, %add3A_450 : i32
        %dma_start3A_452 = arith.constant 0 : i32
        %dma_start3A_453 = tpu.memref_slice %arg6[%add3A_451, %dma_start3A_452] : memref<144x128xi32, #tpu.memory_space<vmem>> -> memref<1x128xi32, #tpu.memory_space<vmem>>
        %dma_start3A_454 = tpu.memref_squeeze %dma_start3A_453 : memref<1x128xi32, #tpu.memory_space<vmem>> -> memref<128xi32, #tpu.memory_space<vmem>>
        %dma_start3A_455 = arith.constant 0 : i32
        %dma_start3A_456 = arith.constant 0 : i32
        %dma_start3A_457 = tpu.memref_slice %arg15[%dma_start3A_455, %dma_start3A_456] : memref<10240x16xf32, #tpu.memory_space<vmem_shared>> -> memref<10240x16xf32, #tpu.memory_space<vmem_shared>>
        tpu.enqueue_indirect_dma source(%arg12 : memref<128x16xf32, #tpu.memory_space<vmem>>) target(%dma_start3A_457 : memref<10240x16xf32, #tpu.memory_space<vmem_shared>>) offsets(%dma_start3A_454 : memref<128xi32, #tpu.memory_space<vmem>>) semaphore(%arg19 : memref<!tpu.dma_semaphore, #tpu.memory_space<semaphore_mem>>) {add = true}
        %add3A_458 = arith.constant 2 : i32
        %add3A_459 = arith.addi %add3A_441, %add3A_458 : i32
        %dma_start3A_460 = arith.constant 0 : i32
        %dma_start3A_461 = tpu.memref_slice %arg6[%add3A_459, %dma_start3A_460] : memref<144x128xi32, #tpu.memory_space<vmem>> -> memref<1x128xi32, #tpu.memory_space<vmem>>
        %dma_start3A_462 = tpu.memref_squeeze %dma_start3A_461 : memref<1x128xi32, #tpu.memory_space<vmem>> -> memref<128xi32, #tpu.memory_space<vmem>>
        %dma_start3A_463 = arith.constant 0 : i32
        %dma_start3A_464 = arith.constant 0 : i32
        %dma_start3A_465 = tpu.memref_slice %arg15[%dma_start3A_463, %dma_start3A_464] : memref<10240x16xf32, #tpu.memory_space<vmem_shared>> -> memref<10240x16xf32, #tpu.memory_space<vmem_shared>>
        tpu.enqueue_indirect_dma source(%arg13 : memref<128x16xf32, #tpu.memory_space<vmem>>) target(%dma_start3A_465 : memref<10240x16xf32, #tpu.memory_space<vmem_shared>>) offsets(%dma_start3A_462 : memref<128xi32, #tpu.memory_space<vmem>>) semaphore(%arg19 : memref<!tpu.dma_semaphore, #tpu.memory_space<semaphore_mem>>) {add = true}
        %add3A_466 = arith.constant 3 : i32
        %add3A_467 = arith.addi %add3A_441, %add3A_466 : i32
        %dma_start3A_468 = arith.constant 0 : i32
        %dma_start3A_469 = tpu.memref_slice %arg6[%add3A_467, %dma_start3A_468] : memref<144x128xi32, #tpu.memory_space<vmem>> -> memref<1x128xi32, #tpu.memory_space<vmem>>
        %dma_start3A_470 = tpu.memref_squeeze %dma_start3A_469 : memref<1x128xi32, #tpu.memory_space<vmem>> -> memref<128xi32, #tpu.memory_space<vmem>>
        %dma_start3A_471 = arith.constant 0 : i32
        %dma_start3A_472 = arith.constant 0 : i32
        %dma_start3A_473 = tpu.memref_slice %arg15[%dma_start3A_471, %dma_start3A_472] : memref<10240x16xf32, #tpu.memory_space<vmem_shared>> -> memref<10240x16xf32, #tpu.memory_space<vmem_shared>>
        tpu.enqueue_indirect_dma source(%arg14 : memref<128x16xf32, #tpu.memory_space<vmem>>) target(%dma_start3A_473 : memref<10240x16xf32, #tpu.memory_space<vmem_shared>>) offsets(%dma_start3A_470 : memref<128xi32, #tpu.memory_space<vmem>>) semaphore(%arg19 : memref<!tpu.dma_semaphore, #tpu.memory_space<semaphore_mem>>) {add = true}
        %dma_wait3A_474 = arith.constant 0 : i32
        %dma_wait3A_475 = arith.constant 0 : i32
        %dma_wait3A_476 = tpu.memref_slice %arg6[%dma_wait3A_474, %dma_wait3A_475] : memref<144x128xi32, #tpu.memory_space<vmem>> -> memref<1x128xi32, #tpu.memory_space<vmem>>
        %dma_wait3A_477 = tpu.memref_squeeze %dma_wait3A_476 : memref<1x128xi32, #tpu.memory_space<vmem>> -> memref<128xi32, #tpu.memory_space<vmem>>
        %dma_wait3A_478 = arith.constant 0 : i32
        %dma_wait3A_479 = arith.constant 0 : i32
        %dma_wait3A_480 = tpu.memref_slice %arg15[%dma_wait3A_478, %dma_wait3A_479] : memref<10240x16xf32, #tpu.memory_space<vmem_shared>> -> memref<10240x16xf32, #tpu.memory_space<vmem_shared>>
        tpu.wait_indirect_dma semaphore(%arg19 : memref<!tpu.dma_semaphore, #tpu.memory_space<semaphore_mem>>) src(%arg11 : memref<128x16xf32, #tpu.memory_space<vmem>>) dst(%dma_wait3A_480 : memref<10240x16xf32, #tpu.memory_space<vmem_shared>>)
        %dma_wait3A_481 = arith.constant 0 : i32
        %dma_wait3A_482 = arith.constant 0 : i32
        %dma_wait3A_483 = tpu.memref_slice %arg6[%dma_wait3A_481, %dma_wait3A_482] : memref<144x128xi32, #tpu.memory_space<vmem>> -> memref<1x128xi32, #tpu.memory_space<vmem>>
        %dma_wait3A_484 = tpu.memref_squeeze %dma_wait3A_483 : memref<1x128xi32, #tpu.memory_space<vmem>> -> memref<128xi32, #tpu.memory_space<vmem>>
        %dma_wait3A_485 = arith.constant 0 : i32
        %dma_wait3A_486 = arith.constant 0 : i32
        %dma_wait3A_487 = tpu.memref_slice %arg15[%dma_wait3A_485, %dma_wait3A_486] : memref<10240x16xf32, #tpu.memory_space<vmem_shared>> -> memref<10240x16xf32, #tpu.memory_space<vmem_shared>>
        tpu.wait_indirect_dma semaphore(%arg19 : memref<!tpu.dma_semaphore, #tpu.memory_space<semaphore_mem>>) src(%arg12 : memref<128x16xf32, #tpu.memory_space<vmem>>) dst(%dma_wait3A_487 : memref<10240x16xf32, #tpu.memory_space<vmem_shared>>)
        %dma_wait3A_488 = arith.constant 0 : i32
        %dma_wait3A_489 = arith.constant 0 : i32
        %dma_wait3A_490 = tpu.memref_slice %arg6[%dma_wait3A_488, %dma_wait3A_489] : memref<144x128xi32, #tpu.memory_space<vmem>> -> memref<1x128xi32, #tpu.memory_space<vmem>>
        %dma_wait3A_491 = tpu.memref_squeeze %dma_wait3A_490 : memref<1x128xi32, #tpu.memory_space<vmem>> -> memref<128xi32, #tpu.memory_space<vmem>>
        %dma_wait3A_492 = arith.constant 0 : i32
        %dma_wait3A_493 = arith.constant 0 : i32
        %dma_wait3A_494 = tpu.memref_slice %arg15[%dma_wait3A_492, %dma_wait3A_493] : memref<10240x16xf32, #tpu.memory_space<vmem_shared>> -> memref<10240x16xf32, #tpu.memory_space<vmem_shared>>
        tpu.wait_indirect_dma semaphore(%arg19 : memref<!tpu.dma_semaphore, #tpu.memory_space<semaphore_mem>>) src(%arg13 : memref<128x16xf32, #tpu.memory_space<vmem>>) dst(%dma_wait3A_494 : memref<10240x16xf32, #tpu.memory_space<vmem_shared>>)
        %dma_wait3A_495 = arith.constant 0 : i32
        %dma_wait3A_496 = arith.constant 0 : i32
        %dma_wait3A_497 = tpu.memref_slice %arg6[%dma_wait3A_495, %dma_wait3A_496] : memref<144x128xi32, #tpu.memory_space<vmem>> -> memref<1x128xi32, #tpu.memory_space<vmem>>
        %dma_wait3A_498 = tpu.memref_squeeze %dma_wait3A_497 : memref<1x128xi32, #tpu.memory_space<vmem>> -> memref<128xi32, #tpu.memory_space<vmem>>
        %dma_wait3A_499 = arith.constant 0 : i32
        %dma_wait3A_500 = arith.constant 0 : i32
        %dma_wait3A_501 = tpu.memref_slice %arg15[%dma_wait3A_499, %dma_wait3A_500] : memref<10240x16xf32, #tpu.memory_space<vmem_shared>> -> memref<10240x16xf32, #tpu.memory_space<vmem_shared>>
        tpu.wait_indirect_dma semaphore(%arg19 : memref<!tpu.dma_semaphore, #tpu.memory_space<semaphore_mem>>) src(%arg14 : memref<128x16xf32, #tpu.memory_space<vmem>>) dst(%dma_wait3A_501 : memref<10240x16xf32, #tpu.memory_space<vmem_shared>>)
      }
      %scan3A_55 = arith.constant 17 : i32
      %dma_start3A_56 = arith.constant 140 : i32
      %dma_start3A_57 = arith.constant 0 : i32
      %dma_start3A_58 = tpu.memref_slice %arg5[%dma_start3A_56, %dma_start3A_57] : memref<144x128xi32, #tpu.memory_space<vmem>> -> memref<1x128xi32, #tpu.memory_space<vmem>>
      %dma_start3A_59 = tpu.memref_squeeze %dma_start3A_58 : memref<1x128xi32, #tpu.memory_space<vmem>> -> memref<128xi32, #tpu.memory_space<vmem>>
      %dma_start3A_60 = arith.constant 0 : i32
      %dma_start3A_61 = arith.constant 0 : i32
      %dma_start3A_62 = tpu.memref_slice %arg2[%dma_start3A_60, %dma_start3A_61] : memref<10240x16xf32, #tpu.memory_space<hbm>> -> memref<10240x16xf32, #tpu.memory_space<hbm>>
      tpu.enqueue_indirect_dma source(%dma_start3A_62 : memref<10240x16xf32, #tpu.memory_space<hbm>>) target(%arg11 : memref<128x16xf32, #tpu.memory_space<vmem>>) offsets(%dma_start3A_59 : memref<128xi32, #tpu.memory_space<vmem>>) semaphore(%arg17 : memref<!tpu.dma_semaphore, #tpu.memory_space<semaphore_mem>>)
      %dma_start3A_63 = arith.constant 141 : i32
      %dma_start3A_64 = arith.constant 0 : i32
      %dma_start3A_65 = tpu.memref_slice %arg5[%dma_start3A_63, %dma_start3A_64] : memref<144x128xi32, #tpu.memory_space<vmem>> -> memref<1x128xi32, #tpu.memory_space<vmem>>
      %dma_start3A_66 = tpu.memref_squeeze %dma_start3A_65 : memref<1x128xi32, #tpu.memory_space<vmem>> -> memref<128xi32, #tpu.memory_space<vmem>>
      %dma_start3A_67 = arith.constant 0 : i32
      %dma_start3A_68 = arith.constant 0 : i32
      %dma_start3A_69 = tpu.memref_slice %arg2[%dma_start3A_67, %dma_start3A_68] : memref<10240x16xf32, #tpu.memory_space<hbm>> -> memref<10240x16xf32, #tpu.memory_space<hbm>>
      tpu.enqueue_indirect_dma source(%dma_start3A_69 : memref<10240x16xf32, #tpu.memory_space<hbm>>) target(%arg12 : memref<128x16xf32, #tpu.memory_space<vmem>>) offsets(%dma_start3A_66 : memref<128xi32, #tpu.memory_space<vmem>>) semaphore(%arg17 : memref<!tpu.dma_semaphore, #tpu.memory_space<semaphore_mem>>)
      %dma_start3A_70 = arith.constant 142 : i32
      %dma_start3A_71 = arith.constant 0 : i32
      %dma_start3A_72 = tpu.memref_slice %arg5[%dma_start3A_70, %dma_start3A_71] : memref<144x128xi32, #tpu.memory_space<vmem>> -> memref<1x128xi32, #tpu.memory_space<vmem>>
      %dma_start3A_73 = tpu.memref_squeeze %dma_start3A_72 : memref<1x128xi32, #tpu.memory_space<vmem>> -> memref<128xi32, #tpu.memory_space<vmem>>
      %dma_start3A_74 = arith.constant 0 : i32
      %dma_start3A_75 = arith.constant 0 : i32
      %dma_start3A_76 = tpu.memref_slice %arg2[%dma_start3A_74, %dma_start3A_75] : memref<10240x16xf32, #tpu.memory_space<hbm>> -> memref<10240x16xf32, #tpu.memory_space<hbm>>
      tpu.enqueue_indirect_dma source(%dma_start3A_76 : memref<10240x16xf32, #tpu.memory_space<hbm>>) target(%arg13 : memref<128x16xf32, #tpu.memory_space<vmem>>) offsets(%dma_start3A_73 : memref<128xi32, #tpu.memory_space<vmem>>) semaphore(%arg17 : memref<!tpu.dma_semaphore, #tpu.memory_space<semaphore_mem>>)
      %dma_start3A_77 = arith.constant 143 : i32
      %dma_start3A_78 = arith.constant 0 : i32
      %dma_start3A_79 = tpu.memref_slice %arg5[%dma_start3A_77, %dma_start3A_78] : memref<144x128xi32, #tpu.memory_space<vmem>> -> memref<1x128xi32, #tpu.memory_space<vmem>>
      %dma_start3A_80 = tpu.memref_squeeze %dma_start3A_79 : memref<1x128xi32, #tpu.memory_space<vmem>> -> memref<128xi32, #tpu.memory_space<vmem>>
      %dma_start3A_81 = arith.constant 0 : i32
      %dma_start3A_82 = arith.constant 0 : i32
      %dma_start3A_83 = tpu.memref_slice %arg2[%dma_start3A_81, %dma_start3A_82] : memref<10240x16xf32, #tpu.memory_space<hbm>> -> memref<10240x16xf32, #tpu.memory_space<hbm>>
      tpu.enqueue_indirect_dma source(%dma_start3A_83 : memref<10240x16xf32, #tpu.memory_space<hbm>>) target(%arg14 : memref<128x16xf32, #tpu.memory_space<vmem>>) offsets(%dma_start3A_80 : memref<128xi32, #tpu.memory_space<vmem>>) semaphore(%arg17 : memref<!tpu.dma_semaphore, #tpu.memory_space<semaphore_mem>>)
      %dma_wait3A = arith.constant 0 : i32
      %dma_wait3A_84 = arith.constant 0 : i32
      %dma_wait3A_85 = tpu.memref_slice %arg5[%dma_wait3A, %dma_wait3A_84] : memref<144x128xi32, #tpu.memory_space<vmem>> -> memref<1x128xi32, #tpu.memory_space<vmem>>
      %dma_wait3A_86 = tpu.memref_squeeze %dma_wait3A_85 : memref<1x128xi32, #tpu.memory_space<vmem>> -> memref<128xi32, #tpu.memory_space<vmem>>
      %dma_wait3A_87 = arith.constant 0 : i32
      %dma_wait3A_88 = arith.constant 0 : i32
      %dma_wait3A_89 = tpu.memref_slice %arg2[%dma_wait3A_87, %dma_wait3A_88] : memref<10240x16xf32, #tpu.memory_space<hbm>> -> memref<10240x16xf32, #tpu.memory_space<hbm>>
      tpu.wait_indirect_dma semaphore(%arg16 : memref<!tpu.dma_semaphore, #tpu.memory_space<semaphore_mem>>) src(%dma_wait3A_89 : memref<10240x16xf32, #tpu.memory_space<hbm>>) dst(%arg7 : memref<128x16xf32, #tpu.memory_space<vmem>>)
      %dma_wait3A_90 = arith.constant 0 : i32
      %dma_wait3A_91 = arith.constant 0 : i32
      %dma_wait3A_92 = tpu.memref_slice %arg5[%dma_wait3A_90, %dma_wait3A_91] : memref<144x128xi32, #tpu.memory_space<vmem>> -> memref<1x128xi32, #tpu.memory_space<vmem>>
      %dma_wait3A_93 = tpu.memref_squeeze %dma_wait3A_92 : memref<1x128xi32, #tpu.memory_space<vmem>> -> memref<128xi32, #tpu.memory_space<vmem>>
      %dma_wait3A_94 = arith.constant 0 : i32
      %dma_wait3A_95 = arith.constant 0 : i32
      %dma_wait3A_96 = tpu.memref_slice %arg2[%dma_wait3A_94, %dma_wait3A_95] : memref<10240x16xf32, #tpu.memory_space<hbm>> -> memref<10240x16xf32, #tpu.memory_space<hbm>>
      tpu.wait_indirect_dma semaphore(%arg16 : memref<!tpu.dma_semaphore, #tpu.memory_space<semaphore_mem>>) src(%dma_wait3A_96 : memref<10240x16xf32, #tpu.memory_space<hbm>>) dst(%arg8 : memref<128x16xf32, #tpu.memory_space<vmem>>)
      %dma_wait3A_97 = arith.constant 0 : i32
      %dma_wait3A_98 = arith.constant 0 : i32
      %dma_wait3A_99 = tpu.memref_slice %arg5[%dma_wait3A_97, %dma_wait3A_98] : memref<144x128xi32, #tpu.memory_space<vmem>> -> memref<1x128xi32, #tpu.memory_space<vmem>>
      %dma_wait3A_100 = tpu.memref_squeeze %dma_wait3A_99 : memref<1x128xi32, #tpu.memory_space<vmem>> -> memref<128xi32, #tpu.memory_space<vmem>>
      %dma_wait3A_101 = arith.constant 0 : i32
      %dma_wait3A_102 = arith.constant 0 : i32
      %dma_wait3A_103 = tpu.memref_slice %arg2[%dma_wait3A_101, %dma_wait3A_102] : memref<10240x16xf32, #tpu.memory_space<hbm>> -> memref<10240x16xf32, #tpu.memory_space<hbm>>
      tpu.wait_indirect_dma semaphore(%arg16 : memref<!tpu.dma_semaphore, #tpu.memory_space<semaphore_mem>>) src(%dma_wait3A_103 : memref<10240x16xf32, #tpu.memory_space<hbm>>) dst(%arg9 : memref<128x16xf32, #tpu.memory_space<vmem>>)
      %dma_wait3A_104 = arith.constant 0 : i32
      %dma_wait3A_105 = arith.constant 0 : i32
      %dma_wait3A_106 = tpu.memref_slice %arg5[%dma_wait3A_104, %dma_wait3A_105] : memref<144x128xi32, #tpu.memory_space<vmem>> -> memref<1x128xi32, #tpu.memory_space<vmem>>
      %dma_wait3A_107 = tpu.memref_squeeze %dma_wait3A_106 : memref<1x128xi32, #tpu.memory_space<vmem>> -> memref<128xi32, #tpu.memory_space<vmem>>
      %dma_wait3A_108 = arith.constant 0 : i32
      %dma_wait3A_109 = arith.constant 0 : i32
      %dma_wait3A_110 = tpu.memref_slice %arg2[%dma_wait3A_108, %dma_wait3A_109] : memref<10240x16xf32, #tpu.memory_space<hbm>> -> memref<10240x16xf32, #tpu.memory_space<hbm>>
      tpu.wait_indirect_dma semaphore(%arg16 : memref<!tpu.dma_semaphore, #tpu.memory_space<semaphore_mem>>) src(%dma_wait3A_110 : memref<10240x16xf32, #tpu.memory_space<hbm>>) dst(%arg10 : memref<128x16xf32, #tpu.memory_space<vmem>>)
      %dma_start3A_111 = arith.constant 136 : i32
      %dma_start3A_112 = arith.constant 0 : i32
      %dma_start3A_113 = tpu.memref_slice %arg6[%dma_start3A_111, %dma_start3A_112] : memref<144x128xi32, #tpu.memory_space<vmem>> -> memref<1x128xi32, #tpu.memory_space<vmem>>
      %dma_start3A_114 = tpu.memref_squeeze %dma_start3A_113 : memref<1x128xi32, #tpu.memory_space<vmem>> -> memref<128xi32, #tpu.memory_space<vmem>>
      %dma_start3A_115 = arith.constant 0 : i32
      %dma_start3A_116 = arith.constant 0 : i32
      %dma_start3A_117 = tpu.memref_slice %arg15[%dma_start3A_115, %dma_start3A_116] : memref<10240x16xf32, #tpu.memory_space<vmem_shared>> -> memref<10240x16xf32, #tpu.memory_space<vmem_shared>>
      tpu.enqueue_indirect_dma source(%arg7 : memref<128x16xf32, #tpu.memory_space<vmem>>) target(%dma_start3A_117 : memref<10240x16xf32, #tpu.memory_space<vmem_shared>>) offsets(%dma_start3A_114 : memref<128xi32, #tpu.memory_space<vmem>>) semaphore(%arg18 : memref<!tpu.dma_semaphore, #tpu.memory_space<semaphore_mem>>) {add = true}
      %dma_start3A_118 = arith.constant 137 : i32
      %dma_start3A_119 = arith.constant 0 : i32
      %dma_start3A_120 = tpu.memref_slice %arg6[%dma_start3A_118, %dma_start3A_119] : memref<144x128xi32, #tpu.memory_space<vmem>> -> memref<1x128xi32, #tpu.memory_space<vmem>>
      %dma_start3A_121 = tpu.memref_squeeze %dma_start3A_120 : memref<1x128xi32, #tpu.memory_space<vmem>> -> memref<128xi32, #tpu.memory_space<vmem>>
      %dma_start3A_122 = arith.constant 0 : i32
      %dma_start3A_123 = arith.constant 0 : i32
      %dma_start3A_124 = tpu.memref_slice %arg15[%dma_start3A_122, %dma_start3A_123] : memref<10240x16xf32, #tpu.memory_space<vmem_shared>> -> memref<10240x16xf32, #tpu.memory_space<vmem_shared>>
      tpu.enqueue_indirect_dma source(%arg8 : memref<128x16xf32, #tpu.memory_space<vmem>>) target(%dma_start3A_124 : memref<10240x16xf32, #tpu.memory_space<vmem_shared>>) offsets(%dma_start3A_121 : memref<128xi32, #tpu.memory_space<vmem>>) semaphore(%arg18 : memref<!tpu.dma_semaphore, #tpu.memory_space<semaphore_mem>>) {add = true}
      %dma_start3A_125 = arith.constant 138 : i32
      %dma_start3A_126 = arith.constant 0 : i32
      %dma_start3A_127 = tpu.memref_slice %arg6[%dma_start3A_125, %dma_start3A_126] : memref<144x128xi32, #tpu.memory_space<vmem>> -> memref<1x128xi32, #tpu.memory_space<vmem>>
      %dma_start3A_128 = tpu.memref_squeeze %dma_start3A_127 : memref<1x128xi32, #tpu.memory_space<vmem>> -> memref<128xi32, #tpu.memory_space<vmem>>
      %dma_start3A_129 = arith.constant 0 : i32
      %dma_start3A_130 = arith.constant 0 : i32
      %dma_start3A_131 = tpu.memref_slice %arg15[%dma_start3A_129, %dma_start3A_130] : memref<10240x16xf32, #tpu.memory_space<vmem_shared>> -> memref<10240x16xf32, #tpu.memory_space<vmem_shared>>
      tpu.enqueue_indirect_dma source(%arg9 : memref<128x16xf32, #tpu.memory_space<vmem>>) target(%dma_start3A_131 : memref<10240x16xf32, #tpu.memory_space<vmem_shared>>) offsets(%dma_start3A_128 : memref<128xi32, #tpu.memory_space<vmem>>) semaphore(%arg18 : memref<!tpu.dma_semaphore, #tpu.memory_space<semaphore_mem>>) {add = true}
      %dma_start3A_132 = arith.constant 139 : i32
      %dma_start3A_133 = arith.constant 0 : i32
      %dma_start3A_134 = tpu.memref_slice %arg6[%dma_start3A_132, %dma_start3A_133] : memref<144x128xi32, #tpu.memory_space<vmem>> -> memref<1x128xi32, #tpu.memory_space<vmem>>
      %dma_start3A_135 = tpu.memref_squeeze %dma_start3A_134 : memref<1x128xi32, #tpu.memory_space<vmem>> -> memref<128xi32, #tpu.memory_space<vmem>>
      %dma_start3A_136 = arith.constant 0 : i32
      %dma_start3A_137 = arith.constant 0 : i32
      %dma_start3A_138 = tpu.memref_slice %arg15[%dma_start3A_136, %dma_start3A_137] : memref<10240x16xf32, #tpu.memory_space<vmem_shared>> -> memref<10240x16xf32, #tpu.memory_space<vmem_shared>>
      tpu.enqueue_indirect_dma source(%arg10 : memref<128x16xf32, #tpu.memory_space<vmem>>) target(%dma_start3A_138 : memref<10240x16xf32, #tpu.memory_space<vmem_shared>>) offsets(%dma_start3A_135 : memref<128xi32, #tpu.memory_space<vmem>>) semaphore(%arg18 : memref<!tpu.dma_semaphore, #tpu.memory_space<semaphore_mem>>) {add = true}
      %dma_wait3A_139 = arith.constant 0 : i32
      %dma_wait3A_140 = arith.constant 0 : i32
      %dma_wait3A_141 = tpu.memref_slice %arg6[%dma_wait3A_139, %dma_wait3A_140] : memref<144x128xi32, #tpu.memory_space<vmem>> -> memref<1x128xi32, #tpu.memory_space<vmem>>
      %dma_wait3A_142 = tpu.memref_squeeze %dma_wait3A_141 : memref<1x128xi32, #tpu.memory_space<vmem>> -> memref<128xi32, #tpu.memory_space<vmem>>
      %dma_wait3A_143 = arith.constant 0 : i32
      %dma_wait3A_144 = arith.constant 0 : i32
      %dma_wait3A_145 = tpu.memref_slice %arg15[%dma_wait3A_143, %dma_wait3A_144] : memref<10240x16xf32, #tpu.memory_space<vmem_shared>> -> memref<10240x16xf32, #tpu.memory_space<vmem_shared>>
      tpu.wait_indirect_dma semaphore(%arg18 : memref<!tpu.dma_semaphore, #tpu.memory_space<semaphore_mem>>) src(%arg7 : memref<128x16xf32, #tpu.memory_space<vmem>>) dst(%dma_wait3A_145 : memref<10240x16xf32, #tpu.memory_space<vmem_shared>>)
      %dma_wait3A_146 = arith.constant 0 : i32
      %dma_wait3A_147 = arith.constant 0 : i32
      %dma_wait3A_148 = tpu.memref_slice %arg6[%dma_wait3A_146, %dma_wait3A_147] : memref<144x128xi32, #tpu.memory_space<vmem>> -> memref<1x128xi32, #tpu.memory_space<vmem>>
      %dma_wait3A_149 = tpu.memref_squeeze %dma_wait3A_148 : memref<1x128xi32, #tpu.memory_space<vmem>> -> memref<128xi32, #tpu.memory_space<vmem>>
      %dma_wait3A_150 = arith.constant 0 : i32
      %dma_wait3A_151 = arith.constant 0 : i32
      %dma_wait3A_152 = tpu.memref_slice %arg15[%dma_wait3A_150, %dma_wait3A_151] : memref<10240x16xf32, #tpu.memory_space<vmem_shared>> -> memref<10240x16xf32, #tpu.memory_space<vmem_shared>>
      tpu.wait_indirect_dma semaphore(%arg18 : memref<!tpu.dma_semaphore, #tpu.memory_space<semaphore_mem>>) src(%arg8 : memref<128x16xf32, #tpu.memory_space<vmem>>) dst(%dma_wait3A_152 : memref<10240x16xf32, #tpu.memory_space<vmem_shared>>)
      %dma_wait3A_153 = arith.constant 0 : i32
      %dma_wait3A_154 = arith.constant 0 : i32
      %dma_wait3A_155 = tpu.memref_slice %arg6[%dma_wait3A_153, %dma_wait3A_154] : memref<144x128xi32, #tpu.memory_space<vmem>> -> memref<1x128xi32, #tpu.memory_space<vmem>>
      %dma_wait3A_156 = tpu.memref_squeeze %dma_wait3A_155 : memref<1x128xi32, #tpu.memory_space<vmem>> -> memref<128xi32, #tpu.memory_space<vmem>>
      %dma_wait3A_157 = arith.constant 0 : i32
      %dma_wait3A_158 = arith.constant 0 : i32
      %dma_wait3A_159 = tpu.memref_slice %arg15[%dma_wait3A_157, %dma_wait3A_158] : memref<10240x16xf32, #tpu.memory_space<vmem_shared>> -> memref<10240x16xf32, #tpu.memory_space<vmem_shared>>
      tpu.wait_indirect_dma semaphore(%arg18 : memref<!tpu.dma_semaphore, #tpu.memory_space<semaphore_mem>>) src(%arg9 : memref<128x16xf32, #tpu.memory_space<vmem>>) dst(%dma_wait3A_159 : memref<10240x16xf32, #tpu.memory_space<vmem_shared>>)
      %dma_wait3A_160 = arith.constant 0 : i32
      %dma_wait3A_161 = arith.constant 0 : i32
      %dma_wait3A_162 = tpu.memref_slice %arg6[%dma_wait3A_160, %dma_wait3A_161] : memref<144x128xi32, #tpu.memory_space<vmem>> -> memref<1x128xi32, #tpu.memory_space<vmem>>
      %dma_wait3A_163 = tpu.memref_squeeze %dma_wait3A_162 : memref<1x128xi32, #tpu.memory_space<vmem>> -> memref<128xi32, #tpu.memory_space<vmem>>
      %dma_wait3A_164 = arith.constant 0 : i32
      %dma_wait3A_165 = arith.constant 0 : i32
      %dma_wait3A_166 = tpu.memref_slice %arg15[%dma_wait3A_164, %dma_wait3A_165] : memref<10240x16xf32, #tpu.memory_space<vmem_shared>> -> memref<10240x16xf32, #tpu.memory_space<vmem_shared>>
      tpu.wait_indirect_dma semaphore(%arg18 : memref<!tpu.dma_semaphore, #tpu.memory_space<semaphore_mem>>) src(%arg10 : memref<128x16xf32, #tpu.memory_space<vmem>>) dst(%dma_wait3A_166 : memref<10240x16xf32, #tpu.memory_space<vmem_shared>>)
      %dma_wait3A_167 = arith.constant 0 : i32
      %dma_wait3A_168 = arith.constant 0 : i32
      %dma_wait3A_169 = tpu.memref_slice %arg5[%dma_wait3A_167, %dma_wait3A_168] : memref<144x128xi32, #tpu.memory_space<vmem>> -> memref<1x128xi32, #tpu.memory_space<vmem>>
      %dma_wait3A_170 = tpu.memref_squeeze %dma_wait3A_169 : memref<1x128xi32, #tpu.memory_space<vmem>> -> memref<128xi32, #tpu.memory_space<vmem>>
      %dma_wait3A_171 = arith.constant 0 : i32
      %dma_wait3A_172 = arith.constant 0 : i32
      %dma_wait3A_173 = tpu.memref_slice %arg2[%dma_wait3A_171, %dma_wait3A_172] : memref<10240x16xf32, #tpu.memory_space<hbm>> -> memref<10240x16xf32, #tpu.memory_space<hbm>>
      tpu.wait_indirect_dma semaphore(%arg17 : memref<!tpu.dma_semaphore, #tpu.memory_space<semaphore_mem>>) src(%dma_wait3A_173 : memref<10240x16xf32, #tpu.memory_space<hbm>>) dst(%arg11 : memref<128x16xf32, #tpu.memory_space<vmem>>)
      %dma_wait3A_174 = arith.constant 0 : i32
      %dma_wait3A_175 = arith.constant 0 : i32
      %dma_wait3A_176 = tpu.memref_slice %arg5[%dma_wait3A_174, %dma_wait3A_175] : memref<144x128xi32, #tpu.memory_space<vmem>> -> memref<1x128xi32, #tpu.memory_space<vmem>>
      %dma_wait3A_177 = tpu.memref_squeeze %dma_wait3A_176 : memref<1x128xi32, #tpu.memory_space<vmem>> -> memref<128xi32, #tpu.memory_space<vmem>>
      %dma_wait3A_178 = arith.constant 0 : i32
      %dma_wait3A_179 = arith.constant 0 : i32
      %dma_wait3A_180 = tpu.memref_slice %arg2[%dma_wait3A_178, %dma_wait3A_179] : memref<10240x16xf32, #tpu.memory_space<hbm>> -> memref<10240x16xf32, #tpu.memory_space<hbm>>
      tpu.wait_indirect_dma semaphore(%arg17 : memref<!tpu.dma_semaphore, #tpu.memory_space<semaphore_mem>>) src(%dma_wait3A_180 : memref<10240x16xf32, #tpu.memory_space<hbm>>) dst(%arg12 : memref<128x16xf32, #tpu.memory_space<vmem>>)
      %dma_wait3A_181 = arith.constant 0 : i32
      %dma_wait3A_182 = arith.constant 0 : i32
      %dma_wait3A_183 = tpu.memref_slice %arg5[%dma_wait3A_181, %dma_wait3A_182] : memref<144x128xi32, #tpu.memory_space<vmem>> -> memref<1x128xi32, #tpu.memory_space<vmem>>
      %dma_wait3A_184 = tpu.memref_squeeze %dma_wait3A_183 : memref<1x128xi32, #tpu.memory_space<vmem>> -> memref<128xi32, #tpu.memory_space<vmem>>
      %dma_wait3A_185 = arith.constant 0 : i32
      %dma_wait3A_186 = arith.constant 0 : i32
      %dma_wait3A_187 = tpu.memref_slice %arg2[%dma_wait3A_185, %dma_wait3A_186] : memref<10240x16xf32, #tpu.memory_space<hbm>> -> memref<10240x16xf32, #tpu.memory_space<hbm>>
      tpu.wait_indirect_dma semaphore(%arg17 : memref<!tpu.dma_semaphore, #tpu.memory_space<semaphore_mem>>) src(%dma_wait3A_187 : memref<10240x16xf32, #tpu.memory_space<hbm>>) dst(%arg13 : memref<128x16xf32, #tpu.memory_space<vmem>>)
      %dma_wait3A_188 = arith.constant 0 : i32
      %dma_wait3A_189 = arith.constant 0 : i32
      %dma_wait3A_190 = tpu.memref_slice %arg5[%dma_wait3A_188, %dma_wait3A_189] : memref<144x128xi32, #tpu.memory_space<vmem>> -> memref<1x128xi32, #tpu.memory_space<vmem>>
      %dma_wait3A_191 = tpu.memref_squeeze %dma_wait3A_190 : memref<1x128xi32, #tpu.memory_space<vmem>> -> memref<128xi32, #tpu.memory_space<vmem>>
      %dma_wait3A_192 = arith.constant 0 : i32
      %dma_wait3A_193 = arith.constant 0 : i32
      %dma_wait3A_194 = tpu.memref_slice %arg2[%dma_wait3A_192, %dma_wait3A_193] : memref<10240x16xf32, #tpu.memory_space<hbm>> -> memref<10240x16xf32, #tpu.memory_space<hbm>>
      tpu.wait_indirect_dma semaphore(%arg17 : memref<!tpu.dma_semaphore, #tpu.memory_space<semaphore_mem>>) src(%dma_wait3A_194 : memref<10240x16xf32, #tpu.memory_space<hbm>>) dst(%arg14 : memref<128x16xf32, #tpu.memory_space<vmem>>)
      %dma_start3A_195 = arith.constant 140 : i32
      %dma_start3A_196 = arith.constant 0 : i32
      %dma_start3A_197 = tpu.memref_slice %arg6[%dma_start3A_195, %dma_start3A_196] : memref<144x128xi32, #tpu.memory_space<vmem>> -> memref<1x128xi32, #tpu.memory_space<vmem>>
      %dma_start3A_198 = tpu.memref_squeeze %dma_start3A_197 : memref<1x128xi32, #tpu.memory_space<vmem>> -> memref<128xi32, #tpu.memory_space<vmem>>
      %dma_start3A_199 = arith.constant 0 : i32
      %dma_start3A_200 = arith.constant 0 : i32
      %dma_start3A_201 = tpu.memref_slice %arg15[%dma_start3A_199, %dma_start3A_200] : memref<10240x16xf32, #tpu.memory_space<vmem_shared>> -> memref<10240x16xf32, #tpu.memory_space<vmem_shared>>
      tpu.enqueue_indirect_dma source(%arg11 : memref<128x16xf32, #tpu.memory_space<vmem>>) target(%dma_start3A_201 : memref<10240x16xf32, #tpu.memory_space<vmem_shared>>) offsets(%dma_start3A_198 : memref<128xi32, #tpu.memory_space<vmem>>) semaphore(%arg19 : memref<!tpu.dma_semaphore, #tpu.memory_space<semaphore_mem>>) {add = true}
      %dma_start3A_202 = arith.constant 141 : i32
      %dma_start3A_203 = arith.constant 0 : i32
      %dma_start3A_204 = tpu.memref_slice %arg6[%dma_start3A_202, %dma_start3A_203] : memref<144x128xi32, #tpu.memory_space<vmem>> -> memref<1x128xi32, #tpu.memory_space<vmem>>
      %dma_start3A_205 = tpu.memref_squeeze %dma_start3A_204 : memref<1x128xi32, #tpu.memory_space<vmem>> -> memref<128xi32, #tpu.memory_space<vmem>>
      %dma_start3A_206 = arith.constant 0 : i32
      %dma_start3A_207 = arith.constant 0 : i32
      %dma_start3A_208 = tpu.memref_slice %arg15[%dma_start3A_206, %dma_start3A_207] : memref<10240x16xf32, #tpu.memory_space<vmem_shared>> -> memref<10240x16xf32, #tpu.memory_space<vmem_shared>>
      tpu.enqueue_indirect_dma source(%arg12 : memref<128x16xf32, #tpu.memory_space<vmem>>) target(%dma_start3A_208 : memref<10240x16xf32, #tpu.memory_space<vmem_shared>>) offsets(%dma_start3A_205 : memref<128xi32, #tpu.memory_space<vmem>>) semaphore(%arg19 : memref<!tpu.dma_semaphore, #tpu.memory_space<semaphore_mem>>) {add = true}
      %dma_start3A_209 = arith.constant 142 : i32
      %dma_start3A_210 = arith.constant 0 : i32
      %dma_start3A_211 = tpu.memref_slice %arg6[%dma_start3A_209, %dma_start3A_210] : memref<144x128xi32, #tpu.memory_space<vmem>> -> memref<1x128xi32, #tpu.memory_space<vmem>>
      %dma_start3A_212 = tpu.memref_squeeze %dma_start3A_211 : memref<1x128xi32, #tpu.memory_space<vmem>> -> memref<128xi32, #tpu.memory_space<vmem>>
      %dma_start3A_213 = arith.constant 0 : i32
      %dma_start3A_214 = arith.constant 0 : i32
      %dma_start3A_215 = tpu.memref_slice %arg15[%dma_start3A_213, %dma_start3A_214] : memref<10240x16xf32, #tpu.memory_space<vmem_shared>> -> memref<10240x16xf32, #tpu.memory_space<vmem_shared>>
      tpu.enqueue_indirect_dma source(%arg13 : memref<128x16xf32, #tpu.memory_space<vmem>>) target(%dma_start3A_215 : memref<10240x16xf32, #tpu.memory_space<vmem_shared>>) offsets(%dma_start3A_212 : memref<128xi32, #tpu.memory_space<vmem>>) semaphore(%arg19 : memref<!tpu.dma_semaphore, #tpu.memory_space<semaphore_mem>>) {add = true}
      %dma_start3A_216 = arith.constant 143 : i32
      %dma_start3A_217 = arith.constant 0 : i32
      %dma_start3A_218 = tpu.memref_slice %arg6[%dma_start3A_216, %dma_start3A_217] : memref<144x128xi32, #tpu.memory_space<vmem>> -> memref<1x128xi32, #tpu.memory_space<vmem>>
      %dma_start3A_219 = tpu.memref_squeeze %dma_start3A_218 : memref<1x128xi32, #tpu.memory_space<vmem>> -> memref<128xi32, #tpu.memory_space<vmem>>
      %dma_start3A_220 = arith.constant 0 : i32
      %dma_start3A_221 = arith.constant 0 : i32
      %dma_start3A_222 = tpu.memref_slice %arg15[%dma_start3A_220, %dma_start3A_221] : memref<10240x16xf32, #tpu.memory_space<vmem_shared>> -> memref<10240x16xf32, #tpu.memory_space<vmem_shared>>
      tpu.enqueue_indirect_dma source(%arg14 : memref<128x16xf32, #tpu.memory_space<vmem>>) target(%dma_start3A_222 : memref<10240x16xf32, #tpu.memory_space<vmem_shared>>) offsets(%dma_start3A_219 : memref<128xi32, #tpu.memory_space<vmem>>) semaphore(%arg19 : memref<!tpu.dma_semaphore, #tpu.memory_space<semaphore_mem>>) {add = true}
      %dma_wait3A_223 = arith.constant 0 : i32
      %dma_wait3A_224 = arith.constant 0 : i32
      %dma_wait3A_225 = tpu.memref_slice %arg6[%dma_wait3A_223, %dma_wait3A_224] : memref<144x128xi32, #tpu.memory_space<vmem>> -> memref<1x128xi32, #tpu.memory_space<vmem>>
      %dma_wait3A_226 = tpu.memref_squeeze %dma_wait3A_225 : memref<1x128xi32, #tpu.memory_space<vmem>> -> memref<128xi32, #tpu.memory_space<vmem>>
      %dma_wait3A_227 = arith.constant 0 : i32
      %dma_wait3A_228 = arith.constant 0 : i32
      %dma_wait3A_229 = tpu.memref_slice %arg15[%dma_wait3A_227, %dma_wait3A_228] : memref<10240x16xf32, #tpu.memory_space<vmem_shared>> -> memref<10240x16xf32, #tpu.memory_space<vmem_shared>>
      tpu.wait_indirect_dma semaphore(%arg19 : memref<!tpu.dma_semaphore, #tpu.memory_space<semaphore_mem>>) src(%arg11 : memref<128x16xf32, #tpu.memory_space<vmem>>) dst(%dma_wait3A_229 : memref<10240x16xf32, #tpu.memory_space<vmem_shared>>)
      %dma_wait3A_230 = arith.constant 0 : i32
      %dma_wait3A_231 = arith.constant 0 : i32
      %dma_wait3A_232 = tpu.memref_slice %arg6[%dma_wait3A_230, %dma_wait3A_231] : memref<144x128xi32, #tpu.memory_space<vmem>> -> memref<1x128xi32, #tpu.memory_space<vmem>>
      %dma_wait3A_233 = tpu.memref_squeeze %dma_wait3A_232 : memref<1x128xi32, #tpu.memory_space<vmem>> -> memref<128xi32, #tpu.memory_space<vmem>>
      %dma_wait3A_234 = arith.constant 0 : i32
      %dma_wait3A_235 = arith.constant 0 : i32
      %dma_wait3A_236 = tpu.memref_slice %arg15[%dma_wait3A_234, %dma_wait3A_235] : memref<10240x16xf32, #tpu.memory_space<vmem_shared>> -> memref<10240x16xf32, #tpu.memory_space<vmem_shared>>
      tpu.wait_indirect_dma semaphore(%arg19 : memref<!tpu.dma_semaphore, #tpu.memory_space<semaphore_mem>>) src(%arg12 : memref<128x16xf32, #tpu.memory_space<vmem>>) dst(%dma_wait3A_236 : memref<10240x16xf32, #tpu.memory_space<vmem_shared>>)
      %dma_wait3A_237 = arith.constant 0 : i32
      %dma_wait3A_238 = arith.constant 0 : i32
      %dma_wait3A_239 = tpu.memref_slice %arg6[%dma_wait3A_237, %dma_wait3A_238] : memref<144x128xi32, #tpu.memory_space<vmem>> -> memref<1x128xi32, #tpu.memory_space<vmem>>
      %dma_wait3A_240 = tpu.memref_squeeze %dma_wait3A_239 : memref<1x128xi32, #tpu.memory_space<vmem>> -> memref<128xi32, #tpu.memory_space<vmem>>
      %dma_wait3A_241 = arith.constant 0 : i32
      %dma_wait3A_242 = arith.constant 0 : i32
      %dma_wait3A_243 = tpu.memref_slice %arg15[%dma_wait3A_241, %dma_wait3A_242] : memref<10240x16xf32, #tpu.memory_space<vmem_shared>> -> memref<10240x16xf32, #tpu.memory_space<vmem_shared>>
      tpu.wait_indirect_dma semaphore(%arg19 : memref<!tpu.dma_semaphore, #tpu.memory_space<semaphore_mem>>) src(%arg13 : memref<128x16xf32, #tpu.memory_space<vmem>>) dst(%dma_wait3A_243 : memref<10240x16xf32, #tpu.memory_space<vmem_shared>>)
      %dma_wait3A_244 = arith.constant 0 : i32
      %dma_wait3A_245 = arith.constant 0 : i32
      %dma_wait3A_246 = tpu.memref_slice %arg6[%dma_wait3A_244, %dma_wait3A_245] : memref<144x128xi32, #tpu.memory_space<vmem>> -> memref<1x128xi32, #tpu.memory_space<vmem>>
      %dma_wait3A_247 = tpu.memref_squeeze %dma_wait3A_246 : memref<1x128xi32, #tpu.memory_space<vmem>> -> memref<128xi32, #tpu.memory_space<vmem>>
      %dma_wait3A_248 = arith.constant 0 : i32
      %dma_wait3A_249 = arith.constant 0 : i32
      %dma_wait3A_250 = tpu.memref_slice %arg15[%dma_wait3A_248, %dma_wait3A_249] : memref<10240x16xf32, #tpu.memory_space<vmem_shared>> -> memref<10240x16xf32, #tpu.memory_space<vmem_shared>>
      tpu.wait_indirect_dma semaphore(%arg19 : memref<!tpu.dma_semaphore, #tpu.memory_space<semaphore_mem>>) src(%arg14 : memref<128x16xf32, #tpu.memory_space<vmem>>) dst(%dma_wait3A_250 : memref<10240x16xf32, #tpu.memory_space<vmem_shared>>)
    } else {
    }
    %ne3A = arith.constant 0 : i32
    %ne3A_16 = arith.cmpi ne, %arg0, %ne3A : i32
    %convert_element_type3A_17 = arith.extui %ne3A_16 : i1 to i32
    %cond3A_18 = arith.constant 0 : i32
    %cond3A_19 = arith.cmpi ne, %convert_element_type3A_17, %cond3A_18 : i32
    scf.if %cond3A_19 {
      %mul3A_20 = arith.constant 16 : i32
      %mul3A_21 = arith.muli %arg1, %mul3A_20 : i32
      %add3A_22 = arith.constant 2304 : i32
      %add3A_23 = arith.addi %add3A_22, %mul3A_21 : i32
      %run_scoped3A = arith.constant 0 : i32
      "tpu.region"() ({
        %run_scoped3A_500 = tpu.sem_alloc : memref<!tpu.dma_semaphore, #tpu.memory_space<semaphore_mem>>
        %dma_start3A_501 = arith.constant 0 : i32
        %dma_start3A_502 = arith.constant 0 : i32
        %dma_start3A_503 = tpu.memref_slice %arg5[%dma_start3A_501, %dma_start3A_502] : memref<144x128xi32, #tpu.memory_space<vmem>> -> memref<16x128xi32, #tpu.memory_space<vmem>>
        %dma_start3A_504 = arith.constant 0 : i32
        %dma_start3A_505 = tpu.memref_slice %arg3[%run_scoped3A, %add3A_23, %dma_start3A_504] : memref<2x2560x128xi32, #tpu.memory_space<hbm>> -> memref<1x16x128xi32, #tpu.memory_space<hbm>>
        %dma_start3A_506 = tpu.memref_squeeze %dma_start3A_505 : memref<1x16x128xi32, #tpu.memory_space<hbm>> -> memref<16x128xi32, #tpu.memory_space<hbm>>
        %dma_start3A_507 = arith.constant 0 : i32
        %dma_start3A_508 = arith.constant 0 : i32
        %dma_start3A_509 = tpu.memref_slice %arg5[%dma_start3A_507, %dma_start3A_508] : memref<144x128xi32, #tpu.memory_space<vmem>> -> memref<16x128xi32, #tpu.memory_space<vmem>>
        %dma_start3A_510 = arith.constant 0 : i32
        %dma_start3A_511 = tpu.memref_slice %arg3[%run_scoped3A, %add3A_23, %dma_start3A_510] : memref<2x2560x128xi32, #tpu.memory_space<hbm>> -> memref<1x16x128xi32, #tpu.memory_space<hbm>>
        %dma_start3A_512 = tpu.memref_squeeze %dma_start3A_511 : memref<1x16x128xi32, #tpu.memory_space<hbm>> -> memref<16x128xi32, #tpu.memory_space<hbm>>
        tpu.enqueue_dma source(%dma_start3A_512 : memref<16x128xi32, #tpu.memory_space<hbm>>) target(%dma_start3A_509 : memref<16x128xi32, #tpu.memory_space<vmem>>) target_semaphore(%run_scoped3A_500 : memref<!tpu.dma_semaphore, #tpu.memory_space<semaphore_mem>>)
        %dma_wait3A_513 = arith.constant 0 : i32
        %dma_wait3A_514 = arith.constant 0 : i32
        %dma_wait3A_515 = tpu.memref_slice %arg5[%dma_wait3A_513, %dma_wait3A_514] : memref<144x128xi32, #tpu.memory_space<vmem>> -> memref<16x128xi32, #tpu.memory_space<vmem>>
        %dma_wait3A_516 = arith.constant 0 : i32
        %dma_wait3A_517 = tpu.memref_slice %arg3[%run_scoped3A, %add3A_23, %dma_wait3A_516] : memref<2x2560x128xi32, #tpu.memory_space<hbm>> -> memref<1x16x128xi32, #tpu.memory_space<hbm>>
        %dma_wait3A_518 = tpu.memref_squeeze %dma_wait3A_517 : memref<1x16x128xi32, #tpu.memory_space<hbm>> -> memref<16x128xi32, #tpu.memory_space<hbm>>
        %dma_wait3A_519 = arith.constant 0 : i32
        %dma_wait3A_520 = arith.constant 0 : i32
        %dma_wait3A_521 = tpu.memref_slice %arg5[%dma_wait3A_519, %dma_wait3A_520] : memref<144x128xi32, #tpu.memory_space<vmem>> -> memref<16x128xi32, #tpu.memory_space<vmem>>
        %dma_wait3A_522 = arith.constant 0 : i32
        %dma_wait3A_523 = tpu.memref_slice %arg3[%run_scoped3A, %add3A_23, %dma_wait3A_522] : memref<2x2560x128xi32, #tpu.memory_space<hbm>> -> memref<1x16x128xi32, #tpu.memory_space<hbm>>
        %dma_wait3A_524 = tpu.memref_squeeze %dma_wait3A_523 : memref<1x16x128xi32, #tpu.memory_space<hbm>> -> memref<16x128xi32, #tpu.memory_space<hbm>>
        tpu.wait_dma2 semaphore(%run_scoped3A_500 : memref<!tpu.dma_semaphore, #tpu.memory_space<semaphore_mem>>) src(%dma_wait3A_524 : memref<16x128xi32, #tpu.memory_space<hbm>>) dst(%dma_wait3A_521 : memref<16x128xi32, #tpu.memory_space<vmem>>)
        tpu.yield
      }) : () -> ()
      %run_scoped3A_24 = arith.constant 1 : i32
      "tpu.region"() ({
        %run_scoped3A_500 = tpu.sem_alloc : memref<!tpu.dma_semaphore, #tpu.memory_space<semaphore_mem>>
        %dma_start3A_501 = arith.constant 0 : i32
        %dma_start3A_502 = arith.constant 0 : i32
        %dma_start3A_503 = tpu.memref_slice %arg6[%dma_start3A_501, %dma_start3A_502] : memref<144x128xi32, #tpu.memory_space<vmem>> -> memref<16x128xi32, #tpu.memory_space<vmem>>
        %dma_start3A_504 = arith.constant 0 : i32
        %dma_start3A_505 = tpu.memref_slice %arg3[%run_scoped3A_24, %add3A_23, %dma_start3A_504] : memref<2x2560x128xi32, #tpu.memory_space<hbm>> -> memref<1x16x128xi32, #tpu.memory_space<hbm>>
        %dma_start3A_506 = tpu.memref_squeeze %dma_start3A_505 : memref<1x16x128xi32, #tpu.memory_space<hbm>> -> memref<16x128xi32, #tpu.memory_space<hbm>>
        %dma_start3A_507 = arith.constant 0 : i32
        %dma_start3A_508 = arith.constant 0 : i32
        %dma_start3A_509 = tpu.memref_slice %arg6[%dma_start3A_507, %dma_start3A_508] : memref<144x128xi32, #tpu.memory_space<vmem>> -> memref<16x128xi32, #tpu.memory_space<vmem>>
        %dma_start3A_510 = arith.constant 0 : i32
        %dma_start3A_511 = tpu.memref_slice %arg3[%run_scoped3A_24, %add3A_23, %dma_start3A_510] : memref<2x2560x128xi32, #tpu.memory_space<hbm>> -> memref<1x16x128xi32, #tpu.memory_space<hbm>>
        %dma_start3A_512 = tpu.memref_squeeze %dma_start3A_511 : memref<1x16x128xi32, #tpu.memory_space<hbm>> -> memref<16x128xi32, #tpu.memory_space<hbm>>
        tpu.enqueue_dma source(%dma_start3A_512 : memref<16x128xi32, #tpu.memory_space<hbm>>) target(%dma_start3A_509 : memref<16x128xi32, #tpu.memory_space<vmem>>) target_semaphore(%run_scoped3A_500 : memref<!tpu.dma_semaphore, #tpu.memory_space<semaphore_mem>>)
        %dma_wait3A_513 = arith.constant 0 : i32
        %dma_wait3A_514 = arith.constant 0 : i32
        %dma_wait3A_515 = tpu.memref_slice %arg6[%dma_wait3A_513, %dma_wait3A_514] : memref<144x128xi32, #tpu.memory_space<vmem>> -> memref<16x128xi32, #tpu.memory_space<vmem>>
        %dma_wait3A_516 = arith.constant 0 : i32
        %dma_wait3A_517 = tpu.memref_slice %arg3[%run_scoped3A_24, %add3A_23, %dma_wait3A_516] : memref<2x2560x128xi32, #tpu.memory_space<hbm>> -> memref<1x16x128xi32, #tpu.memory_space<hbm>>
        %dma_wait3A_518 = tpu.memref_squeeze %dma_wait3A_517 : memref<1x16x128xi32, #tpu.memory_space<hbm>> -> memref<16x128xi32, #tpu.memory_space<hbm>>
        %dma_wait3A_519 = arith.constant 0 : i32
        %dma_wait3A_520 = arith.constant 0 : i32
        %dma_wait3A_521 = tpu.memref_slice %arg6[%dma_wait3A_519, %dma_wait3A_520] : memref<144x128xi32, #tpu.memory_space<vmem>> -> memref<16x128xi32, #tpu.memory_space<vmem>>
        %dma_wait3A_522 = arith.constant 0 : i32
        %dma_wait3A_523 = tpu.memref_slice %arg3[%run_scoped3A_24, %add3A_23, %dma_wait3A_522] : memref<2x2560x128xi32, #tpu.memory_space<hbm>> -> memref<1x16x128xi32, #tpu.memory_space<hbm>>
        %dma_wait3A_524 = tpu.memref_squeeze %dma_wait3A_523 : memref<1x16x128xi32, #tpu.memory_space<hbm>> -> memref<16x128xi32, #tpu.memory_space<hbm>>
        tpu.wait_dma2 semaphore(%run_scoped3A_500 : memref<!tpu.dma_semaphore, #tpu.memory_space<semaphore_mem>>) src(%dma_wait3A_524 : memref<16x128xi32, #tpu.memory_space<hbm>>) dst(%dma_wait3A_521 : memref<16x128xi32, #tpu.memory_space<vmem>>)
        tpu.yield
      }) : () -> ()
      %barrier3A_25 = arith.constant 0 : index
      tpu.barrier barrier_id(%barrier3A_25)
      %dma_start3A = arith.constant 0 : i32
      %dma_start3A_26 = arith.constant 0 : i32
      %dma_start3A_27 = tpu.memref_slice %arg5[%dma_start3A, %dma_start3A_26] : memref<144x128xi32, #tpu.memory_space<vmem>> -> memref<1x128xi32, #tpu.memory_space<vmem>>
      %dma_start3A_28 = tpu.memref_squeeze %dma_start3A_27 : memref<1x128xi32, #tpu.memory_space<vmem>> -> memref<128xi32, #tpu.memory_space<vmem>>
      %dma_start3A_29 = arith.constant 0 : i32
      %dma_start3A_30 = arith.constant 0 : i32
      %dma_start3A_31 = tpu.memref_slice %arg2[%dma_start3A_29, %dma_start3A_30] : memref<10240x16xf32, #tpu.memory_space<hbm>> -> memref<10240x16xf32, #tpu.memory_space<hbm>>
      tpu.enqueue_indirect_dma source(%dma_start3A_31 : memref<10240x16xf32, #tpu.memory_space<hbm>>) target(%arg7 : memref<128x16xf32, #tpu.memory_space<vmem>>) offsets(%dma_start3A_28 : memref<128xi32, #tpu.memory_space<vmem>>) semaphore(%arg16 : memref<!tpu.dma_semaphore, #tpu.memory_space<semaphore_mem>>)
      %dma_start3A_32 = arith.constant 1 : i32
      %dma_start3A_33 = arith.constant 0 : i32
      %dma_start3A_34 = tpu.memref_slice %arg5[%dma_start3A_32, %dma_start3A_33] : memref<144x128xi32, #tpu.memory_space<vmem>> -> memref<1x128xi32, #tpu.memory_space<vmem>>
      %dma_start3A_35 = tpu.memref_squeeze %dma_start3A_34 : memref<1x128xi32, #tpu.memory_space<vmem>> -> memref<128xi32, #tpu.memory_space<vmem>>
      %dma_start3A_36 = arith.constant 0 : i32
      %dma_start3A_37 = arith.constant 0 : i32
      %dma_start3A_38 = tpu.memref_slice %arg2[%dma_start3A_36, %dma_start3A_37] : memref<10240x16xf32, #tpu.memory_space<hbm>> -> memref<10240x16xf32, #tpu.memory_space<hbm>>
      tpu.enqueue_indirect_dma source(%dma_start3A_38 : memref<10240x16xf32, #tpu.memory_space<hbm>>) target(%arg8 : memref<128x16xf32, #tpu.memory_space<vmem>>) offsets(%dma_start3A_35 : memref<128xi32, #tpu.memory_space<vmem>>) semaphore(%arg16 : memref<!tpu.dma_semaphore, #tpu.memory_space<semaphore_mem>>)
      %dma_start3A_39 = arith.constant 2 : i32
      %dma_start3A_40 = arith.constant 0 : i32
      %dma_start3A_41 = tpu.memref_slice %arg5[%dma_start3A_39, %dma_start3A_40] : memref<144x128xi32, #tpu.memory_space<vmem>> -> memref<1x128xi32, #tpu.memory_space<vmem>>
      %dma_start3A_42 = tpu.memref_squeeze %dma_start3A_41 : memref<1x128xi32, #tpu.memory_space<vmem>> -> memref<128xi32, #tpu.memory_space<vmem>>
      %dma_start3A_43 = arith.constant 0 : i32
      %dma_start3A_44 = arith.constant 0 : i32
      %dma_start3A_45 = tpu.memref_slice %arg2[%dma_start3A_43, %dma_start3A_44] : memref<10240x16xf32, #tpu.memory_space<hbm>> -> memref<10240x16xf32, #tpu.memory_space<hbm>>
      tpu.enqueue_indirect_dma source(%dma_start3A_45 : memref<10240x16xf32, #tpu.memory_space<hbm>>) target(%arg9 : memref<128x16xf32, #tpu.memory_space<vmem>>) offsets(%dma_start3A_42 : memref<128xi32, #tpu.memory_space<vmem>>) semaphore(%arg16 : memref<!tpu.dma_semaphore, #tpu.memory_space<semaphore_mem>>)
      %dma_start3A_46 = arith.constant 3 : i32
      %dma_start3A_47 = arith.constant 0 : i32
      %dma_start3A_48 = tpu.memref_slice %arg5[%dma_start3A_46, %dma_start3A_47] : memref<144x128xi32, #tpu.memory_space<vmem>> -> memref<1x128xi32, #tpu.memory_space<vmem>>
      %dma_start3A_49 = tpu.memref_squeeze %dma_start3A_48 : memref<1x128xi32, #tpu.memory_space<vmem>> -> memref<128xi32, #tpu.memory_space<vmem>>
      %dma_start3A_50 = arith.constant 0 : i32
      %dma_start3A_51 = arith.constant 0 : i32
      %dma_start3A_52 = tpu.memref_slice %arg2[%dma_start3A_50, %dma_start3A_51] : memref<10240x16xf32, #tpu.memory_space<hbm>> -> memref<10240x16xf32, #tpu.memory_space<hbm>>
      tpu.enqueue_indirect_dma source(%dma_start3A_52 : memref<10240x16xf32, #tpu.memory_space<hbm>>) target(%arg10 : memref<128x16xf32, #tpu.memory_space<vmem>>) offsets(%dma_start3A_49 : memref<128xi32, #tpu.memory_space<vmem>>) semaphore(%arg16 : memref<!tpu.dma_semaphore, #tpu.memory_space<semaphore_mem>>)
      %scan3A_53 = arith.constant 0 : i32
      %mul3A_54 = arith.constant 8 : i32
      %mul3A_55 = arith.muli %scan3A_53, %mul3A_54 : i32
      %add3A_56 = arith.constant 0 : i32
      %add3A_57 = arith.addi %add3A_56, %mul3A_55 : i32
      %add3A_58 = arith.constant 4 : i32
      %add3A_59 = arith.addi %add3A_57, %add3A_58 : i32
      %add3A_60 = arith.constant 0 : i32
      %add3A_61 = arith.addi %add3A_59, %add3A_60 : i32
      %dma_start3A_62 = arith.constant 0 : i32
      %dma_start3A_63 = tpu.memref_slice %arg5[%add3A_61, %dma_start3A_62] : memref<144x128xi32, #tpu.memory_space<vmem>> -> memref<1x128xi32, #tpu.memory_space<vmem>>
      %dma_start3A_64 = tpu.memref_squeeze %dma_start3A_63 : memref<1x128xi32, #tpu.memory_space<vmem>> -> memref<128xi32, #tpu.memory_space<vmem>>
      %dma_start3A_65 = arith.constant 0 : i32
      %dma_start3A_66 = arith.constant 0 : i32
      %dma_start3A_67 = tpu.memref_slice %arg2[%dma_start3A_65, %dma_start3A_66] : memref<10240x16xf32, #tpu.memory_space<hbm>> -> memref<10240x16xf32, #tpu.memory_space<hbm>>
      tpu.enqueue_indirect_dma source(%dma_start3A_67 : memref<10240x16xf32, #tpu.memory_space<hbm>>) target(%arg11 : memref<128x16xf32, #tpu.memory_space<vmem>>) offsets(%dma_start3A_64 : memref<128xi32, #tpu.memory_space<vmem>>) semaphore(%arg17 : memref<!tpu.dma_semaphore, #tpu.memory_space<semaphore_mem>>)
      %add3A_68 = arith.constant 1 : i32
      %add3A_69 = arith.addi %add3A_59, %add3A_68 : i32
      %dma_start3A_70 = arith.constant 0 : i32
      %dma_start3A_71 = tpu.memref_slice %arg5[%add3A_69, %dma_start3A_70] : memref<144x128xi32, #tpu.memory_space<vmem>> -> memref<1x128xi32, #tpu.memory_space<vmem>>
      %dma_start3A_72 = tpu.memref_squeeze %dma_start3A_71 : memref<1x128xi32, #tpu.memory_space<vmem>> -> memref<128xi32, #tpu.memory_space<vmem>>
      %dma_start3A_73 = arith.constant 0 : i32
      %dma_start3A_74 = arith.constant 0 : i32
      %dma_start3A_75 = tpu.memref_slice %arg2[%dma_start3A_73, %dma_start3A_74] : memref<10240x16xf32, #tpu.memory_space<hbm>> -> memref<10240x16xf32, #tpu.memory_space<hbm>>
      tpu.enqueue_indirect_dma source(%dma_start3A_75 : memref<10240x16xf32, #tpu.memory_space<hbm>>) target(%arg12 : memref<128x16xf32, #tpu.memory_space<vmem>>) offsets(%dma_start3A_72 : memref<128xi32, #tpu.memory_space<vmem>>) semaphore(%arg17 : memref<!tpu.dma_semaphore, #tpu.memory_space<semaphore_mem>>)
      %add3A_76 = arith.constant 2 : i32
      %add3A_77 = arith.addi %add3A_59, %add3A_76 : i32
      %dma_start3A_78 = arith.constant 0 : i32
      %dma_start3A_79 = tpu.memref_slice %arg5[%add3A_77, %dma_start3A_78] : memref<144x128xi32, #tpu.memory_space<vmem>> -> memref<1x128xi32, #tpu.memory_space<vmem>>
      %dma_start3A_80 = tpu.memref_squeeze %dma_start3A_79 : memref<1x128xi32, #tpu.memory_space<vmem>> -> memref<128xi32, #tpu.memory_space<vmem>>
      %dma_start3A_81 = arith.constant 0 : i32
      %dma_start3A_82 = arith.constant 0 : i32
      %dma_start3A_83 = tpu.memref_slice %arg2[%dma_start3A_81, %dma_start3A_82] : memref<10240x16xf32, #tpu.memory_space<hbm>> -> memref<10240x16xf32, #tpu.memory_space<hbm>>
      tpu.enqueue_indirect_dma source(%dma_start3A_83 : memref<10240x16xf32, #tpu.memory_space<hbm>>) target(%arg13 : memref<128x16xf32, #tpu.memory_space<vmem>>) offsets(%dma_start3A_80 : memref<128xi32, #tpu.memory_space<vmem>>) semaphore(%arg17 : memref<!tpu.dma_semaphore, #tpu.memory_space<semaphore_mem>>)
      %add3A_84 = arith.constant 3 : i32
      %add3A_85 = arith.addi %add3A_59, %add3A_84 : i32
      %dma_start3A_86 = arith.constant 0 : i32
      %dma_start3A_87 = tpu.memref_slice %arg5[%add3A_85, %dma_start3A_86] : memref<144x128xi32, #tpu.memory_space<vmem>> -> memref<1x128xi32, #tpu.memory_space<vmem>>
      %dma_start3A_88 = tpu.memref_squeeze %dma_start3A_87 : memref<1x128xi32, #tpu.memory_space<vmem>> -> memref<128xi32, #tpu.memory_space<vmem>>
      %dma_start3A_89 = arith.constant 0 : i32
      %dma_start3A_90 = arith.constant 0 : i32
      %dma_start3A_91 = tpu.memref_slice %arg2[%dma_start3A_89, %dma_start3A_90] : memref<10240x16xf32, #tpu.memory_space<hbm>> -> memref<10240x16xf32, #tpu.memory_space<hbm>>
      tpu.enqueue_indirect_dma source(%dma_start3A_91 : memref<10240x16xf32, #tpu.memory_space<hbm>>) target(%arg14 : memref<128x16xf32, #tpu.memory_space<vmem>>) offsets(%dma_start3A_88 : memref<128xi32, #tpu.memory_space<vmem>>) semaphore(%arg17 : memref<!tpu.dma_semaphore, #tpu.memory_space<semaphore_mem>>)
      %dma_wait3A = arith.constant 0 : i32
      %dma_wait3A_92 = arith.constant 0 : i32
      %dma_wait3A_93 = tpu.memref_slice %arg5[%dma_wait3A, %dma_wait3A_92] : memref<144x128xi32, #tpu.memory_space<vmem>> -> memref<1x128xi32, #tpu.memory_space<vmem>>
      %dma_wait3A_94 = tpu.memref_squeeze %dma_wait3A_93 : memref<1x128xi32, #tpu.memory_space<vmem>> -> memref<128xi32, #tpu.memory_space<vmem>>
      %dma_wait3A_95 = arith.constant 0 : i32
      %dma_wait3A_96 = arith.constant 0 : i32
      %dma_wait3A_97 = tpu.memref_slice %arg2[%dma_wait3A_95, %dma_wait3A_96] : memref<10240x16xf32, #tpu.memory_space<hbm>> -> memref<10240x16xf32, #tpu.memory_space<hbm>>
      tpu.wait_indirect_dma semaphore(%arg16 : memref<!tpu.dma_semaphore, #tpu.memory_space<semaphore_mem>>) src(%dma_wait3A_97 : memref<10240x16xf32, #tpu.memory_space<hbm>>) dst(%arg7 : memref<128x16xf32, #tpu.memory_space<vmem>>)
      %dma_wait3A_98 = arith.constant 0 : i32
      %dma_wait3A_99 = arith.constant 0 : i32
      %dma_wait3A_100 = tpu.memref_slice %arg5[%dma_wait3A_98, %dma_wait3A_99] : memref<144x128xi32, #tpu.memory_space<vmem>> -> memref<1x128xi32, #tpu.memory_space<vmem>>
      %dma_wait3A_101 = tpu.memref_squeeze %dma_wait3A_100 : memref<1x128xi32, #tpu.memory_space<vmem>> -> memref<128xi32, #tpu.memory_space<vmem>>
      %dma_wait3A_102 = arith.constant 0 : i32
      %dma_wait3A_103 = arith.constant 0 : i32
      %dma_wait3A_104 = tpu.memref_slice %arg2[%dma_wait3A_102, %dma_wait3A_103] : memref<10240x16xf32, #tpu.memory_space<hbm>> -> memref<10240x16xf32, #tpu.memory_space<hbm>>
      tpu.wait_indirect_dma semaphore(%arg16 : memref<!tpu.dma_semaphore, #tpu.memory_space<semaphore_mem>>) src(%dma_wait3A_104 : memref<10240x16xf32, #tpu.memory_space<hbm>>) dst(%arg8 : memref<128x16xf32, #tpu.memory_space<vmem>>)
      %dma_wait3A_105 = arith.constant 0 : i32
      %dma_wait3A_106 = arith.constant 0 : i32
      %dma_wait3A_107 = tpu.memref_slice %arg5[%dma_wait3A_105, %dma_wait3A_106] : memref<144x128xi32, #tpu.memory_space<vmem>> -> memref<1x128xi32, #tpu.memory_space<vmem>>
      %dma_wait3A_108 = tpu.memref_squeeze %dma_wait3A_107 : memref<1x128xi32, #tpu.memory_space<vmem>> -> memref<128xi32, #tpu.memory_space<vmem>>
      %dma_wait3A_109 = arith.constant 0 : i32
      %dma_wait3A_110 = arith.constant 0 : i32
      %dma_wait3A_111 = tpu.memref_slice %arg2[%dma_wait3A_109, %dma_wait3A_110] : memref<10240x16xf32, #tpu.memory_space<hbm>> -> memref<10240x16xf32, #tpu.memory_space<hbm>>
      tpu.wait_indirect_dma semaphore(%arg16 : memref<!tpu.dma_semaphore, #tpu.memory_space<semaphore_mem>>) src(%dma_wait3A_111 : memref<10240x16xf32, #tpu.memory_space<hbm>>) dst(%arg9 : memref<128x16xf32, #tpu.memory_space<vmem>>)
      %dma_wait3A_112 = arith.constant 0 : i32
      %dma_wait3A_113 = arith.constant 0 : i32
      %dma_wait3A_114 = tpu.memref_slice %arg5[%dma_wait3A_112, %dma_wait3A_113] : memref<144x128xi32, #tpu.memory_space<vmem>> -> memref<1x128xi32, #tpu.memory_space<vmem>>
      %dma_wait3A_115 = tpu.memref_squeeze %dma_wait3A_114 : memref<1x128xi32, #tpu.memory_space<vmem>> -> memref<128xi32, #tpu.memory_space<vmem>>
      %dma_wait3A_116 = arith.constant 0 : i32
      %dma_wait3A_117 = arith.constant 0 : i32
      %dma_wait3A_118 = tpu.memref_slice %arg2[%dma_wait3A_116, %dma_wait3A_117] : memref<10240x16xf32, #tpu.memory_space<hbm>> -> memref<10240x16xf32, #tpu.memory_space<hbm>>
      tpu.wait_indirect_dma semaphore(%arg16 : memref<!tpu.dma_semaphore, #tpu.memory_space<semaphore_mem>>) src(%dma_wait3A_118 : memref<10240x16xf32, #tpu.memory_space<hbm>>) dst(%arg10 : memref<128x16xf32, #tpu.memory_space<vmem>>)
      %add3A_119 = arith.constant 0 : i32
      %add3A_120 = arith.addi %add3A_57, %add3A_119 : i32
      %dma_start3A_121 = arith.constant 0 : i32
      %dma_start3A_122 = tpu.memref_slice %arg6[%add3A_120, %dma_start3A_121] : memref<144x128xi32, #tpu.memory_space<vmem>> -> memref<1x128xi32, #tpu.memory_space<vmem>>
      %dma_start3A_123 = tpu.memref_squeeze %dma_start3A_122 : memref<1x128xi32, #tpu.memory_space<vmem>> -> memref<128xi32, #tpu.memory_space<vmem>>
      %dma_start3A_124 = arith.constant 0 : i32
      %dma_start3A_125 = arith.constant 0 : i32
      %dma_start3A_126 = tpu.memref_slice %arg15[%dma_start3A_124, %dma_start3A_125] : memref<10240x16xf32, #tpu.memory_space<vmem_shared>> -> memref<10240x16xf32, #tpu.memory_space<vmem_shared>>
      tpu.enqueue_indirect_dma source(%arg7 : memref<128x16xf32, #tpu.memory_space<vmem>>) target(%dma_start3A_126 : memref<10240x16xf32, #tpu.memory_space<vmem_shared>>) offsets(%dma_start3A_123 : memref<128xi32, #tpu.memory_space<vmem>>) semaphore(%arg18 : memref<!tpu.dma_semaphore, #tpu.memory_space<semaphore_mem>>) {add = true}
      %add3A_127 = arith.constant 1 : i32
      %add3A_128 = arith.addi %add3A_57, %add3A_127 : i32
      %dma_start3A_129 = arith.constant 0 : i32
      %dma_start3A_130 = tpu.memref_slice %arg6[%add3A_128, %dma_start3A_129] : memref<144x128xi32, #tpu.memory_space<vmem>> -> memref<1x128xi32, #tpu.memory_space<vmem>>
      %dma_start3A_131 = tpu.memref_squeeze %dma_start3A_130 : memref<1x128xi32, #tpu.memory_space<vmem>> -> memref<128xi32, #tpu.memory_space<vmem>>
      %dma_start3A_132 = arith.constant 0 : i32
      %dma_start3A_133 = arith.constant 0 : i32
      %dma_start3A_134 = tpu.memref_slice %arg15[%dma_start3A_132, %dma_start3A_133] : memref<10240x16xf32, #tpu.memory_space<vmem_shared>> -> memref<10240x16xf32, #tpu.memory_space<vmem_shared>>
      tpu.enqueue_indirect_dma source(%arg8 : memref<128x16xf32, #tpu.memory_space<vmem>>) target(%dma_start3A_134 : memref<10240x16xf32, #tpu.memory_space<vmem_shared>>) offsets(%dma_start3A_131 : memref<128xi32, #tpu.memory_space<vmem>>) semaphore(%arg18 : memref<!tpu.dma_semaphore, #tpu.memory_space<semaphore_mem>>) {add = true}
      %add3A_135 = arith.constant 2 : i32
      %add3A_136 = arith.addi %add3A_57, %add3A_135 : i32
      %dma_start3A_137 = arith.constant 0 : i32
      %dma_start3A_138 = tpu.memref_slice %arg6[%add3A_136, %dma_start3A_137] : memref<144x128xi32, #tpu.memory_space<vmem>> -> memref<1x128xi32, #tpu.memory_space<vmem>>
      %dma_start3A_139 = tpu.memref_squeeze %dma_start3A_138 : memref<1x128xi32, #tpu.memory_space<vmem>> -> memref<128xi32, #tpu.memory_space<vmem>>
      %dma_start3A_140 = arith.constant 0 : i32
      %dma_start3A_141 = arith.constant 0 : i32
      %dma_start3A_142 = tpu.memref_slice %arg15[%dma_start3A_140, %dma_start3A_141] : memref<10240x16xf32, #tpu.memory_space<vmem_shared>> -> memref<10240x16xf32, #tpu.memory_space<vmem_shared>>
      tpu.enqueue_indirect_dma source(%arg9 : memref<128x16xf32, #tpu.memory_space<vmem>>) target(%dma_start3A_142 : memref<10240x16xf32, #tpu.memory_space<vmem_shared>>) offsets(%dma_start3A_139 : memref<128xi32, #tpu.memory_space<vmem>>) semaphore(%arg18 : memref<!tpu.dma_semaphore, #tpu.memory_space<semaphore_mem>>) {add = true}
      %add3A_143 = arith.constant 3 : i32
      %add3A_144 = arith.addi %add3A_57, %add3A_143 : i32
      %dma_start3A_145 = arith.constant 0 : i32
      %dma_start3A_146 = tpu.memref_slice %arg6[%add3A_144, %dma_start3A_145] : memref<144x128xi32, #tpu.memory_space<vmem>> -> memref<1x128xi32, #tpu.memory_space<vmem>>
      %dma_start3A_147 = tpu.memref_squeeze %dma_start3A_146 : memref<1x128xi32, #tpu.memory_space<vmem>> -> memref<128xi32, #tpu.memory_space<vmem>>
      %dma_start3A_148 = arith.constant 0 : i32
      %dma_start3A_149 = arith.constant 0 : i32
      %dma_start3A_150 = tpu.memref_slice %arg15[%dma_start3A_148, %dma_start3A_149] : memref<10240x16xf32, #tpu.memory_space<vmem_shared>> -> memref<10240x16xf32, #tpu.memory_space<vmem_shared>>
      tpu.enqueue_indirect_dma source(%arg10 : memref<128x16xf32, #tpu.memory_space<vmem>>) target(%dma_start3A_150 : memref<10240x16xf32, #tpu.memory_space<vmem_shared>>) offsets(%dma_start3A_147 : memref<128xi32, #tpu.memory_space<vmem>>) semaphore(%arg18 : memref<!tpu.dma_semaphore, #tpu.memory_space<semaphore_mem>>) {add = true}
      %dma_wait3A_151 = arith.constant 0 : i32
      %dma_wait3A_152 = arith.constant 0 : i32
      %dma_wait3A_153 = tpu.memref_slice %arg6[%dma_wait3A_151, %dma_wait3A_152] : memref<144x128xi32, #tpu.memory_space<vmem>> -> memref<1x128xi32, #tpu.memory_space<vmem>>
      %dma_wait3A_154 = tpu.memref_squeeze %dma_wait3A_153 : memref<1x128xi32, #tpu.memory_space<vmem>> -> memref<128xi32, #tpu.memory_space<vmem>>
      %dma_wait3A_155 = arith.constant 0 : i32
      %dma_wait3A_156 = arith.constant 0 : i32
      %dma_wait3A_157 = tpu.memref_slice %arg15[%dma_wait3A_155, %dma_wait3A_156] : memref<10240x16xf32, #tpu.memory_space<vmem_shared>> -> memref<10240x16xf32, #tpu.memory_space<vmem_shared>>
      tpu.wait_indirect_dma semaphore(%arg18 : memref<!tpu.dma_semaphore, #tpu.memory_space<semaphore_mem>>) src(%arg7 : memref<128x16xf32, #tpu.memory_space<vmem>>) dst(%dma_wait3A_157 : memref<10240x16xf32, #tpu.memory_space<vmem_shared>>)
      %dma_wait3A_158 = arith.constant 0 : i32
      %dma_wait3A_159 = arith.constant 0 : i32
      %dma_wait3A_160 = tpu.memref_slice %arg6[%dma_wait3A_158, %dma_wait3A_159] : memref<144x128xi32, #tpu.memory_space<vmem>> -> memref<1x128xi32, #tpu.memory_space<vmem>>
      %dma_wait3A_161 = tpu.memref_squeeze %dma_wait3A_160 : memref<1x128xi32, #tpu.memory_space<vmem>> -> memref<128xi32, #tpu.memory_space<vmem>>
      %dma_wait3A_162 = arith.constant 0 : i32
      %dma_wait3A_163 = arith.constant 0 : i32
      %dma_wait3A_164 = tpu.memref_slice %arg15[%dma_wait3A_162, %dma_wait3A_163] : memref<10240x16xf32, #tpu.memory_space<vmem_shared>> -> memref<10240x16xf32, #tpu.memory_space<vmem_shared>>
      tpu.wait_indirect_dma semaphore(%arg18 : memref<!tpu.dma_semaphore, #tpu.memory_space<semaphore_mem>>) src(%arg8 : memref<128x16xf32, #tpu.memory_space<vmem>>) dst(%dma_wait3A_164 : memref<10240x16xf32, #tpu.memory_space<vmem_shared>>)
      %dma_wait3A_165 = arith.constant 0 : i32
      %dma_wait3A_166 = arith.constant 0 : i32
      %dma_wait3A_167 = tpu.memref_slice %arg6[%dma_wait3A_165, %dma_wait3A_166] : memref<144x128xi32, #tpu.memory_space<vmem>> -> memref<1x128xi32, #tpu.memory_space<vmem>>
      %dma_wait3A_168 = tpu.memref_squeeze %dma_wait3A_167 : memref<1x128xi32, #tpu.memory_space<vmem>> -> memref<128xi32, #tpu.memory_space<vmem>>
      %dma_wait3A_169 = arith.constant 0 : i32
      %dma_wait3A_170 = arith.constant 0 : i32
      %dma_wait3A_171 = tpu.memref_slice %arg15[%dma_wait3A_169, %dma_wait3A_170] : memref<10240x16xf32, #tpu.memory_space<vmem_shared>> -> memref<10240x16xf32, #tpu.memory_space<vmem_shared>>
      tpu.wait_indirect_dma semaphore(%arg18 : memref<!tpu.dma_semaphore, #tpu.memory_space<semaphore_mem>>) src(%arg9 : memref<128x16xf32, #tpu.memory_space<vmem>>) dst(%dma_wait3A_171 : memref<10240x16xf32, #tpu.memory_space<vmem_shared>>)
      %dma_wait3A_172 = arith.constant 0 : i32
      %dma_wait3A_173 = arith.constant 0 : i32
      %dma_wait3A_174 = tpu.memref_slice %arg6[%dma_wait3A_172, %dma_wait3A_173] : memref<144x128xi32, #tpu.memory_space<vmem>> -> memref<1x128xi32, #tpu.memory_space<vmem>>
      %dma_wait3A_175 = tpu.memref_squeeze %dma_wait3A_174 : memref<1x128xi32, #tpu.memory_space<vmem>> -> memref<128xi32, #tpu.memory_space<vmem>>
      %dma_wait3A_176 = arith.constant 0 : i32
      %dma_wait3A_177 = arith.constant 0 : i32
      %dma_wait3A_178 = tpu.memref_slice %arg15[%dma_wait3A_176, %dma_wait3A_177] : memref<10240x16xf32, #tpu.memory_space<vmem_shared>> -> memref<10240x16xf32, #tpu.memory_space<vmem_shared>>
      tpu.wait_indirect_dma semaphore(%arg18 : memref<!tpu.dma_semaphore, #tpu.memory_space<semaphore_mem>>) src(%arg10 : memref<128x16xf32, #tpu.memory_space<vmem>>) dst(%dma_wait3A_178 : memref<10240x16xf32, #tpu.memory_space<vmem_shared>>)
      %add3A_179 = arith.constant 8 : i32
      %add3A_180 = arith.addi %add3A_57, %add3A_179 : i32
      %add3A_181 = arith.constant 0 : i32
      %add3A_182 = arith.addi %add3A_180, %add3A_181 : i32
      %dma_start3A_183 = arith.constant 0 : i32
      %dma_start3A_184 = tpu.memref_slice %arg5[%add3A_182, %dma_start3A_183] : memref<144x128xi32, #tpu.memory_space<vmem>> -> memref<1x128xi32, #tpu.memory_space<vmem>>
      %dma_start3A_185 = tpu.memref_squeeze %dma_start3A_184 : memref<1x128xi32, #tpu.memory_space<vmem>> -> memref<128xi32, #tpu.memory_space<vmem>>
      %dma_start3A_186 = arith.constant 0 : i32
      %dma_start3A_187 = arith.constant 0 : i32
      %dma_start3A_188 = tpu.memref_slice %arg2[%dma_start3A_186, %dma_start3A_187] : memref<10240x16xf32, #tpu.memory_space<hbm>> -> memref<10240x16xf32, #tpu.memory_space<hbm>>
      tpu.enqueue_indirect_dma source(%dma_start3A_188 : memref<10240x16xf32, #tpu.memory_space<hbm>>) target(%arg7 : memref<128x16xf32, #tpu.memory_space<vmem>>) offsets(%dma_start3A_185 : memref<128xi32, #tpu.memory_space<vmem>>) semaphore(%arg16 : memref<!tpu.dma_semaphore, #tpu.memory_space<semaphore_mem>>)
      %add3A_189 = arith.constant 1 : i32
      %add3A_190 = arith.addi %add3A_180, %add3A_189 : i32
      %dma_start3A_191 = arith.constant 0 : i32
      %dma_start3A_192 = tpu.memref_slice %arg5[%add3A_190, %dma_start3A_191] : memref<144x128xi32, #tpu.memory_space<vmem>> -> memref<1x128xi32, #tpu.memory_space<vmem>>
      %dma_start3A_193 = tpu.memref_squeeze %dma_start3A_192 : memref<1x128xi32, #tpu.memory_space<vmem>> -> memref<128xi32, #tpu.memory_space<vmem>>
      %dma_start3A_194 = arith.constant 0 : i32
      %dma_start3A_195 = arith.constant 0 : i32
      %dma_start3A_196 = tpu.memref_slice %arg2[%dma_start3A_194, %dma_start3A_195] : memref<10240x16xf32, #tpu.memory_space<hbm>> -> memref<10240x16xf32, #tpu.memory_space<hbm>>
      tpu.enqueue_indirect_dma source(%dma_start3A_196 : memref<10240x16xf32, #tpu.memory_space<hbm>>) target(%arg8 : memref<128x16xf32, #tpu.memory_space<vmem>>) offsets(%dma_start3A_193 : memref<128xi32, #tpu.memory_space<vmem>>) semaphore(%arg16 : memref<!tpu.dma_semaphore, #tpu.memory_space<semaphore_mem>>)
      %add3A_197 = arith.constant 2 : i32
      %add3A_198 = arith.addi %add3A_180, %add3A_197 : i32
      %dma_start3A_199 = arith.constant 0 : i32
      %dma_start3A_200 = tpu.memref_slice %arg5[%add3A_198, %dma_start3A_199] : memref<144x128xi32, #tpu.memory_space<vmem>> -> memref<1x128xi32, #tpu.memory_space<vmem>>
      %dma_start3A_201 = tpu.memref_squeeze %dma_start3A_200 : memref<1x128xi32, #tpu.memory_space<vmem>> -> memref<128xi32, #tpu.memory_space<vmem>>
      %dma_start3A_202 = arith.constant 0 : i32
      %dma_start3A_203 = arith.constant 0 : i32
      %dma_start3A_204 = tpu.memref_slice %arg2[%dma_start3A_202, %dma_start3A_203] : memref<10240x16xf32, #tpu.memory_space<hbm>> -> memref<10240x16xf32, #tpu.memory_space<hbm>>
      tpu.enqueue_indirect_dma source(%dma_start3A_204 : memref<10240x16xf32, #tpu.memory_space<hbm>>) target(%arg9 : memref<128x16xf32, #tpu.memory_space<vmem>>) offsets(%dma_start3A_201 : memref<128xi32, #tpu.memory_space<vmem>>) semaphore(%arg16 : memref<!tpu.dma_semaphore, #tpu.memory_space<semaphore_mem>>)
      %add3A_205 = arith.constant 3 : i32
      %add3A_206 = arith.addi %add3A_180, %add3A_205 : i32
      %dma_start3A_207 = arith.constant 0 : i32
      %dma_start3A_208 = tpu.memref_slice %arg5[%add3A_206, %dma_start3A_207] : memref<144x128xi32, #tpu.memory_space<vmem>> -> memref<1x128xi32, #tpu.memory_space<vmem>>
      %dma_start3A_209 = tpu.memref_squeeze %dma_start3A_208 : memref<1x128xi32, #tpu.memory_space<vmem>> -> memref<128xi32, #tpu.memory_space<vmem>>
      %dma_start3A_210 = arith.constant 0 : i32
      %dma_start3A_211 = arith.constant 0 : i32
      %dma_start3A_212 = tpu.memref_slice %arg2[%dma_start3A_210, %dma_start3A_211] : memref<10240x16xf32, #tpu.memory_space<hbm>> -> memref<10240x16xf32, #tpu.memory_space<hbm>>
      tpu.enqueue_indirect_dma source(%dma_start3A_212 : memref<10240x16xf32, #tpu.memory_space<hbm>>) target(%arg10 : memref<128x16xf32, #tpu.memory_space<vmem>>) offsets(%dma_start3A_209 : memref<128xi32, #tpu.memory_space<vmem>>) semaphore(%arg16 : memref<!tpu.dma_semaphore, #tpu.memory_space<semaphore_mem>>)
      %dma_wait3A_213 = arith.constant 0 : i32
      %dma_wait3A_214 = arith.constant 0 : i32
      %dma_wait3A_215 = tpu.memref_slice %arg5[%dma_wait3A_213, %dma_wait3A_214] : memref<144x128xi32, #tpu.memory_space<vmem>> -> memref<1x128xi32, #tpu.memory_space<vmem>>
      %dma_wait3A_216 = tpu.memref_squeeze %dma_wait3A_215 : memref<1x128xi32, #tpu.memory_space<vmem>> -> memref<128xi32, #tpu.memory_space<vmem>>
      %dma_wait3A_217 = arith.constant 0 : i32
      %dma_wait3A_218 = arith.constant 0 : i32
      %dma_wait3A_219 = tpu.memref_slice %arg2[%dma_wait3A_217, %dma_wait3A_218] : memref<10240x16xf32, #tpu.memory_space<hbm>> -> memref<10240x16xf32, #tpu.memory_space<hbm>>
      tpu.wait_indirect_dma semaphore(%arg17 : memref<!tpu.dma_semaphore, #tpu.memory_space<semaphore_mem>>) src(%dma_wait3A_219 : memref<10240x16xf32, #tpu.memory_space<hbm>>) dst(%arg11 : memref<128x16xf32, #tpu.memory_space<vmem>>)
      %dma_wait3A_220 = arith.constant 0 : i32
      %dma_wait3A_221 = arith.constant 0 : i32
      %dma_wait3A_222 = tpu.memref_slice %arg5[%dma_wait3A_220, %dma_wait3A_221] : memref<144x128xi32, #tpu.memory_space<vmem>> -> memref<1x128xi32, #tpu.memory_space<vmem>>
      %dma_wait3A_223 = tpu.memref_squeeze %dma_wait3A_222 : memref<1x128xi32, #tpu.memory_space<vmem>> -> memref<128xi32, #tpu.memory_space<vmem>>
      %dma_wait3A_224 = arith.constant 0 : i32
      %dma_wait3A_225 = arith.constant 0 : i32
      %dma_wait3A_226 = tpu.memref_slice %arg2[%dma_wait3A_224, %dma_wait3A_225] : memref<10240x16xf32, #tpu.memory_space<hbm>> -> memref<10240x16xf32, #tpu.memory_space<hbm>>
      tpu.wait_indirect_dma semaphore(%arg17 : memref<!tpu.dma_semaphore, #tpu.memory_space<semaphore_mem>>) src(%dma_wait3A_226 : memref<10240x16xf32, #tpu.memory_space<hbm>>) dst(%arg12 : memref<128x16xf32, #tpu.memory_space<vmem>>)
      %dma_wait3A_227 = arith.constant 0 : i32
      %dma_wait3A_228 = arith.constant 0 : i32
      %dma_wait3A_229 = tpu.memref_slice %arg5[%dma_wait3A_227, %dma_wait3A_228] : memref<144x128xi32, #tpu.memory_space<vmem>> -> memref<1x128xi32, #tpu.memory_space<vmem>>
      %dma_wait3A_230 = tpu.memref_squeeze %dma_wait3A_229 : memref<1x128xi32, #tpu.memory_space<vmem>> -> memref<128xi32, #tpu.memory_space<vmem>>
      %dma_wait3A_231 = arith.constant 0 : i32
      %dma_wait3A_232 = arith.constant 0 : i32
      %dma_wait3A_233 = tpu.memref_slice %arg2[%dma_wait3A_231, %dma_wait3A_232] : memref<10240x16xf32, #tpu.memory_space<hbm>> -> memref<10240x16xf32, #tpu.memory_space<hbm>>
      tpu.wait_indirect_dma semaphore(%arg17 : memref<!tpu.dma_semaphore, #tpu.memory_space<semaphore_mem>>) src(%dma_wait3A_233 : memref<10240x16xf32, #tpu.memory_space<hbm>>) dst(%arg13 : memref<128x16xf32, #tpu.memory_space<vmem>>)
      %dma_wait3A_234 = arith.constant 0 : i32
      %dma_wait3A_235 = arith.constant 0 : i32
      %dma_wait3A_236 = tpu.memref_slice %arg5[%dma_wait3A_234, %dma_wait3A_235] : memref<144x128xi32, #tpu.memory_space<vmem>> -> memref<1x128xi32, #tpu.memory_space<vmem>>
      %dma_wait3A_237 = tpu.memref_squeeze %dma_wait3A_236 : memref<1x128xi32, #tpu.memory_space<vmem>> -> memref<128xi32, #tpu.memory_space<vmem>>
      %dma_wait3A_238 = arith.constant 0 : i32
      %dma_wait3A_239 = arith.constant 0 : i32
      %dma_wait3A_240 = tpu.memref_slice %arg2[%dma_wait3A_238, %dma_wait3A_239] : memref<10240x16xf32, #tpu.memory_space<hbm>> -> memref<10240x16xf32, #tpu.memory_space<hbm>>
      tpu.wait_indirect_dma semaphore(%arg17 : memref<!tpu.dma_semaphore, #tpu.memory_space<semaphore_mem>>) src(%dma_wait3A_240 : memref<10240x16xf32, #tpu.memory_space<hbm>>) dst(%arg14 : memref<128x16xf32, #tpu.memory_space<vmem>>)
      %add3A_241 = arith.constant 4 : i32
      %add3A_242 = arith.addi %add3A_57, %add3A_241 : i32
      %add3A_243 = arith.constant 0 : i32
      %add3A_244 = arith.addi %add3A_242, %add3A_243 : i32
      %dma_start3A_245 = arith.constant 0 : i32
      %dma_start3A_246 = tpu.memref_slice %arg6[%add3A_244, %dma_start3A_245] : memref<144x128xi32, #tpu.memory_space<vmem>> -> memref<1x128xi32, #tpu.memory_space<vmem>>
      %dma_start3A_247 = tpu.memref_squeeze %dma_start3A_246 : memref<1x128xi32, #tpu.memory_space<vmem>> -> memref<128xi32, #tpu.memory_space<vmem>>
      %dma_start3A_248 = arith.constant 0 : i32
      %dma_start3A_249 = arith.constant 0 : i32
      %dma_start3A_250 = tpu.memref_slice %arg15[%dma_start3A_248, %dma_start3A_249] : memref<10240x16xf32, #tpu.memory_space<vmem_shared>> -> memref<10240x16xf32, #tpu.memory_space<vmem_shared>>
      tpu.enqueue_indirect_dma source(%arg11 : memref<128x16xf32, #tpu.memory_space<vmem>>) target(%dma_start3A_250 : memref<10240x16xf32, #tpu.memory_space<vmem_shared>>) offsets(%dma_start3A_247 : memref<128xi32, #tpu.memory_space<vmem>>) semaphore(%arg19 : memref<!tpu.dma_semaphore, #tpu.memory_space<semaphore_mem>>) {add = true}
      %add3A_251 = arith.constant 1 : i32
      %add3A_252 = arith.addi %add3A_242, %add3A_251 : i32
      %dma_start3A_253 = arith.constant 0 : i32
      %dma_start3A_254 = tpu.memref_slice %arg6[%add3A_252, %dma_start3A_253] : memref<144x128xi32, #tpu.memory_space<vmem>> -> memref<1x128xi32, #tpu.memory_space<vmem>>
      %dma_start3A_255 = tpu.memref_squeeze %dma_start3A_254 : memref<1x128xi32, #tpu.memory_space<vmem>> -> memref<128xi32, #tpu.memory_space<vmem>>
      %dma_start3A_256 = arith.constant 0 : i32
      %dma_start3A_257 = arith.constant 0 : i32
      %dma_start3A_258 = tpu.memref_slice %arg15[%dma_start3A_256, %dma_start3A_257] : memref<10240x16xf32, #tpu.memory_space<vmem_shared>> -> memref<10240x16xf32, #tpu.memory_space<vmem_shared>>
      tpu.enqueue_indirect_dma source(%arg12 : memref<128x16xf32, #tpu.memory_space<vmem>>) target(%dma_start3A_258 : memref<10240x16xf32, #tpu.memory_space<vmem_shared>>) offsets(%dma_start3A_255 : memref<128xi32, #tpu.memory_space<vmem>>) semaphore(%arg19 : memref<!tpu.dma_semaphore, #tpu.memory_space<semaphore_mem>>) {add = true}
      %add3A_259 = arith.constant 2 : i32
      %add3A_260 = arith.addi %add3A_242, %add3A_259 : i32
      %dma_start3A_261 = arith.constant 0 : i32
      %dma_start3A_262 = tpu.memref_slice %arg6[%add3A_260, %dma_start3A_261] : memref<144x128xi32, #tpu.memory_space<vmem>> -> memref<1x128xi32, #tpu.memory_space<vmem>>
      %dma_start3A_263 = tpu.memref_squeeze %dma_start3A_262 : memref<1x128xi32, #tpu.memory_space<vmem>> -> memref<128xi32, #tpu.memory_space<vmem>>
      %dma_start3A_264 = arith.constant 0 : i32
      %dma_start3A_265 = arith.constant 0 : i32
      %dma_start3A_266 = tpu.memref_slice %arg15[%dma_start3A_264, %dma_start3A_265] : memref<10240x16xf32, #tpu.memory_space<vmem_shared>> -> memref<10240x16xf32, #tpu.memory_space<vmem_shared>>
      tpu.enqueue_indirect_dma source(%arg13 : memref<128x16xf32, #tpu.memory_space<vmem>>) target(%dma_start3A_266 : memref<10240x16xf32, #tpu.memory_space<vmem_shared>>) offsets(%dma_start3A_263 : memref<128xi32, #tpu.memory_space<vmem>>) semaphore(%arg19 : memref<!tpu.dma_semaphore, #tpu.memory_space<semaphore_mem>>) {add = true}
      %add3A_267 = arith.constant 3 : i32
      %add3A_268 = arith.addi %add3A_242, %add3A_267 : i32
      %dma_start3A_269 = arith.constant 0 : i32
      %dma_start3A_270 = tpu.memref_slice %arg6[%add3A_268, %dma_start3A_269] : memref<144x128xi32, #tpu.memory_space<vmem>> -> memref<1x128xi32, #tpu.memory_space<vmem>>
      %dma_start3A_271 = tpu.memref_squeeze %dma_start3A_270 : memref<1x128xi32, #tpu.memory_space<vmem>> -> memref<128xi32, #tpu.memory_space<vmem>>
      %dma_start3A_272 = arith.constant 0 : i32
      %dma_start3A_273 = arith.constant 0 : i32
      %dma_start3A_274 = tpu.memref_slice %arg15[%dma_start3A_272, %dma_start3A_273] : memref<10240x16xf32, #tpu.memory_space<vmem_shared>> -> memref<10240x16xf32, #tpu.memory_space<vmem_shared>>
      tpu.enqueue_indirect_dma source(%arg14 : memref<128x16xf32, #tpu.memory_space<vmem>>) target(%dma_start3A_274 : memref<10240x16xf32, #tpu.memory_space<vmem_shared>>) offsets(%dma_start3A_271 : memref<128xi32, #tpu.memory_space<vmem>>) semaphore(%arg19 : memref<!tpu.dma_semaphore, #tpu.memory_space<semaphore_mem>>) {add = true}
      %dma_wait3A_275 = arith.constant 0 : i32
      %dma_wait3A_276 = arith.constant 0 : i32
      %dma_wait3A_277 = tpu.memref_slice %arg6[%dma_wait3A_275, %dma_wait3A_276] : memref<144x128xi32, #tpu.memory_space<vmem>> -> memref<1x128xi32, #tpu.memory_space<vmem>>
      %dma_wait3A_278 = tpu.memref_squeeze %dma_wait3A_277 : memref<1x128xi32, #tpu.memory_space<vmem>> -> memref<128xi32, #tpu.memory_space<vmem>>
      %dma_wait3A_279 = arith.constant 0 : i32
      %dma_wait3A_280 = arith.constant 0 : i32
      %dma_wait3A_281 = tpu.memref_slice %arg15[%dma_wait3A_279, %dma_wait3A_280] : memref<10240x16xf32, #tpu.memory_space<vmem_shared>> -> memref<10240x16xf32, #tpu.memory_space<vmem_shared>>
      tpu.wait_indirect_dma semaphore(%arg19 : memref<!tpu.dma_semaphore, #tpu.memory_space<semaphore_mem>>) src(%arg11 : memref<128x16xf32, #tpu.memory_space<vmem>>) dst(%dma_wait3A_281 : memref<10240x16xf32, #tpu.memory_space<vmem_shared>>)
      %dma_wait3A_282 = arith.constant 0 : i32
      %dma_wait3A_283 = arith.constant 0 : i32
      %dma_wait3A_284 = tpu.memref_slice %arg6[%dma_wait3A_282, %dma_wait3A_283] : memref<144x128xi32, #tpu.memory_space<vmem>> -> memref<1x128xi32, #tpu.memory_space<vmem>>
      %dma_wait3A_285 = tpu.memref_squeeze %dma_wait3A_284 : memref<1x128xi32, #tpu.memory_space<vmem>> -> memref<128xi32, #tpu.memory_space<vmem>>
      %dma_wait3A_286 = arith.constant 0 : i32
      %dma_wait3A_287 = arith.constant 0 : i32
      %dma_wait3A_288 = tpu.memref_slice %arg15[%dma_wait3A_286, %dma_wait3A_287] : memref<10240x16xf32, #tpu.memory_space<vmem_shared>> -> memref<10240x16xf32, #tpu.memory_space<vmem_shared>>
      tpu.wait_indirect_dma semaphore(%arg19 : memref<!tpu.dma_semaphore, #tpu.memory_space<semaphore_mem>>) src(%arg12 : memref<128x16xf32, #tpu.memory_space<vmem>>) dst(%dma_wait3A_288 : memref<10240x16xf32, #tpu.memory_space<vmem_shared>>)
      %dma_wait3A_289 = arith.constant 0 : i32
      %dma_wait3A_290 = arith.constant 0 : i32
      %dma_wait3A_291 = tpu.memref_slice %arg6[%dma_wait3A_289, %dma_wait3A_290] : memref<144x128xi32, #tpu.memory_space<vmem>> -> memref<1x128xi32, #tpu.memory_space<vmem>>
      %dma_wait3A_292 = tpu.memref_squeeze %dma_wait3A_291 : memref<1x128xi32, #tpu.memory_space<vmem>> -> memref<128xi32, #tpu.memory_space<vmem>>
      %dma_wait3A_293 = arith.constant 0 : i32
      %dma_wait3A_294 = arith.constant 0 : i32
      %dma_wait3A_295 = tpu.memref_slice %arg15[%dma_wait3A_293, %dma_wait3A_294] : memref<10240x16xf32, #tpu.memory_space<vmem_shared>> -> memref<10240x16xf32, #tpu.memory_space<vmem_shared>>
      tpu.wait_indirect_dma semaphore(%arg19 : memref<!tpu.dma_semaphore, #tpu.memory_space<semaphore_mem>>) src(%arg13 : memref<128x16xf32, #tpu.memory_space<vmem>>) dst(%dma_wait3A_295 : memref<10240x16xf32, #tpu.memory_space<vmem_shared>>)
      %dma_wait3A_296 = arith.constant 0 : i32
      %dma_wait3A_297 = arith.constant 0 : i32
      %dma_wait3A_298 = tpu.memref_slice %arg6[%dma_wait3A_296, %dma_wait3A_297] : memref<144x128xi32, #tpu.memory_space<vmem>> -> memref<1x128xi32, #tpu.memory_space<vmem>>
      %dma_wait3A_299 = tpu.memref_squeeze %dma_wait3A_298 : memref<1x128xi32, #tpu.memory_space<vmem>> -> memref<128xi32, #tpu.memory_space<vmem>>
      %dma_wait3A_300 = arith.constant 0 : i32
      %dma_wait3A_301 = arith.constant 0 : i32
      %dma_wait3A_302 = tpu.memref_slice %arg15[%dma_wait3A_300, %dma_wait3A_301] : memref<10240x16xf32, #tpu.memory_space<vmem_shared>> -> memref<10240x16xf32, #tpu.memory_space<vmem_shared>>
      tpu.wait_indirect_dma semaphore(%arg19 : memref<!tpu.dma_semaphore, #tpu.memory_space<semaphore_mem>>) src(%arg14 : memref<128x16xf32, #tpu.memory_space<vmem>>) dst(%dma_wait3A_302 : memref<10240x16xf32, #tpu.memory_space<vmem_shared>>)
      %scan3A_303 = arith.constant 1 : i32
      %dma_start3A_304 = arith.constant 12 : i32
      %dma_start3A_305 = arith.constant 0 : i32
      %dma_start3A_306 = tpu.memref_slice %arg5[%dma_start3A_304, %dma_start3A_305] : memref<144x128xi32, #tpu.memory_space<vmem>> -> memref<1x128xi32, #tpu.memory_space<vmem>>
      %dma_start3A_307 = tpu.memref_squeeze %dma_start3A_306 : memref<1x128xi32, #tpu.memory_space<vmem>> -> memref<128xi32, #tpu.memory_space<vmem>>
      %dma_start3A_308 = arith.constant 0 : i32
      %dma_start3A_309 = arith.constant 0 : i32
      %dma_start3A_310 = tpu.memref_slice %arg2[%dma_start3A_308, %dma_start3A_309] : memref<10240x16xf32, #tpu.memory_space<hbm>> -> memref<10240x16xf32, #tpu.memory_space<hbm>>
      tpu.enqueue_indirect_dma source(%dma_start3A_310 : memref<10240x16xf32, #tpu.memory_space<hbm>>) target(%arg11 : memref<128x16xf32, #tpu.memory_space<vmem>>) offsets(%dma_start3A_307 : memref<128xi32, #tpu.memory_space<vmem>>) semaphore(%arg17 : memref<!tpu.dma_semaphore, #tpu.memory_space<semaphore_mem>>)
      %dma_start3A_311 = arith.constant 13 : i32
      %dma_start3A_312 = arith.constant 0 : i32
      %dma_start3A_313 = tpu.memref_slice %arg5[%dma_start3A_311, %dma_start3A_312] : memref<144x128xi32, #tpu.memory_space<vmem>> -> memref<1x128xi32, #tpu.memory_space<vmem>>
      %dma_start3A_314 = tpu.memref_squeeze %dma_start3A_313 : memref<1x128xi32, #tpu.memory_space<vmem>> -> memref<128xi32, #tpu.memory_space<vmem>>
      %dma_start3A_315 = arith.constant 0 : i32
      %dma_start3A_316 = arith.constant 0 : i32
      %dma_start3A_317 = tpu.memref_slice %arg2[%dma_start3A_315, %dma_start3A_316] : memref<10240x16xf32, #tpu.memory_space<hbm>> -> memref<10240x16xf32, #tpu.memory_space<hbm>>
      tpu.enqueue_indirect_dma source(%dma_start3A_317 : memref<10240x16xf32, #tpu.memory_space<hbm>>) target(%arg12 : memref<128x16xf32, #tpu.memory_space<vmem>>) offsets(%dma_start3A_314 : memref<128xi32, #tpu.memory_space<vmem>>) semaphore(%arg17 : memref<!tpu.dma_semaphore, #tpu.memory_space<semaphore_mem>>)
      %dma_start3A_318 = arith.constant 14 : i32
      %dma_start3A_319 = arith.constant 0 : i32
      %dma_start3A_320 = tpu.memref_slice %arg5[%dma_start3A_318, %dma_start3A_319] : memref<144x128xi32, #tpu.memory_space<vmem>> -> memref<1x128xi32, #tpu.memory_space<vmem>>
      %dma_start3A_321 = tpu.memref_squeeze %dma_start3A_320 : memref<1x128xi32, #tpu.memory_space<vmem>> -> memref<128xi32, #tpu.memory_space<vmem>>
      %dma_start3A_322 = arith.constant 0 : i32
      %dma_start3A_323 = arith.constant 0 : i32
      %dma_start3A_324 = tpu.memref_slice %arg2[%dma_start3A_322, %dma_start3A_323] : memref<10240x16xf32, #tpu.memory_space<hbm>> -> memref<10240x16xf32, #tpu.memory_space<hbm>>
      tpu.enqueue_indirect_dma source(%dma_start3A_324 : memref<10240x16xf32, #tpu.memory_space<hbm>>) target(%arg13 : memref<128x16xf32, #tpu.memory_space<vmem>>) offsets(%dma_start3A_321 : memref<128xi32, #tpu.memory_space<vmem>>) semaphore(%arg17 : memref<!tpu.dma_semaphore, #tpu.memory_space<semaphore_mem>>)
      %dma_start3A_325 = arith.constant 15 : i32
      %dma_start3A_326 = arith.constant 0 : i32
      %dma_start3A_327 = tpu.memref_slice %arg5[%dma_start3A_325, %dma_start3A_326] : memref<144x128xi32, #tpu.memory_space<vmem>> -> memref<1x128xi32, #tpu.memory_space<vmem>>
      %dma_start3A_328 = tpu.memref_squeeze %dma_start3A_327 : memref<1x128xi32, #tpu.memory_space<vmem>> -> memref<128xi32, #tpu.memory_space<vmem>>
      %dma_start3A_329 = arith.constant 0 : i32
      %dma_start3A_330 = arith.constant 0 : i32
      %dma_start3A_331 = tpu.memref_slice %arg2[%dma_start3A_329, %dma_start3A_330] : memref<10240x16xf32, #tpu.memory_space<hbm>> -> memref<10240x16xf32, #tpu.memory_space<hbm>>
      tpu.enqueue_indirect_dma source(%dma_start3A_331 : memref<10240x16xf32, #tpu.memory_space<hbm>>) target(%arg14 : memref<128x16xf32, #tpu.memory_space<vmem>>) offsets(%dma_start3A_328 : memref<128xi32, #tpu.memory_space<vmem>>) semaphore(%arg17 : memref<!tpu.dma_semaphore, #tpu.memory_space<semaphore_mem>>)
      %dma_wait3A_332 = arith.constant 0 : i32
      %dma_wait3A_333 = arith.constant 0 : i32
      %dma_wait3A_334 = tpu.memref_slice %arg5[%dma_wait3A_332, %dma_wait3A_333] : memref<144x128xi32, #tpu.memory_space<vmem>> -> memref<1x128xi32, #tpu.memory_space<vmem>>
      %dma_wait3A_335 = tpu.memref_squeeze %dma_wait3A_334 : memref<1x128xi32, #tpu.memory_space<vmem>> -> memref<128xi32, #tpu.memory_space<vmem>>
      %dma_wait3A_336 = arith.constant 0 : i32
      %dma_wait3A_337 = arith.constant 0 : i32
      %dma_wait3A_338 = tpu.memref_slice %arg2[%dma_wait3A_336, %dma_wait3A_337] : memref<10240x16xf32, #tpu.memory_space<hbm>> -> memref<10240x16xf32, #tpu.memory_space<hbm>>
      tpu.wait_indirect_dma semaphore(%arg16 : memref<!tpu.dma_semaphore, #tpu.memory_space<semaphore_mem>>) src(%dma_wait3A_338 : memref<10240x16xf32, #tpu.memory_space<hbm>>) dst(%arg7 : memref<128x16xf32, #tpu.memory_space<vmem>>)
      %dma_wait3A_339 = arith.constant 0 : i32
      %dma_wait3A_340 = arith.constant 0 : i32
      %dma_wait3A_341 = tpu.memref_slice %arg5[%dma_wait3A_339, %dma_wait3A_340] : memref<144x128xi32, #tpu.memory_space<vmem>> -> memref<1x128xi32, #tpu.memory_space<vmem>>
      %dma_wait3A_342 = tpu.memref_squeeze %dma_wait3A_341 : memref<1x128xi32, #tpu.memory_space<vmem>> -> memref<128xi32, #tpu.memory_space<vmem>>
      %dma_wait3A_343 = arith.constant 0 : i32
      %dma_wait3A_344 = arith.constant 0 : i32
      %dma_wait3A_345 = tpu.memref_slice %arg2[%dma_wait3A_343, %dma_wait3A_344] : memref<10240x16xf32, #tpu.memory_space<hbm>> -> memref<10240x16xf32, #tpu.memory_space<hbm>>
      tpu.wait_indirect_dma semaphore(%arg16 : memref<!tpu.dma_semaphore, #tpu.memory_space<semaphore_mem>>) src(%dma_wait3A_345 : memref<10240x16xf32, #tpu.memory_space<hbm>>) dst(%arg8 : memref<128x16xf32, #tpu.memory_space<vmem>>)
      %dma_wait3A_346 = arith.constant 0 : i32
      %dma_wait3A_347 = arith.constant 0 : i32
      %dma_wait3A_348 = tpu.memref_slice %arg5[%dma_wait3A_346, %dma_wait3A_347] : memref<144x128xi32, #tpu.memory_space<vmem>> -> memref<1x128xi32, #tpu.memory_space<vmem>>
      %dma_wait3A_349 = tpu.memref_squeeze %dma_wait3A_348 : memref<1x128xi32, #tpu.memory_space<vmem>> -> memref<128xi32, #tpu.memory_space<vmem>>
      %dma_wait3A_350 = arith.constant 0 : i32
      %dma_wait3A_351 = arith.constant 0 : i32
      %dma_wait3A_352 = tpu.memref_slice %arg2[%dma_wait3A_350, %dma_wait3A_351] : memref<10240x16xf32, #tpu.memory_space<hbm>> -> memref<10240x16xf32, #tpu.memory_space<hbm>>
      tpu.wait_indirect_dma semaphore(%arg16 : memref<!tpu.dma_semaphore, #tpu.memory_space<semaphore_mem>>) src(%dma_wait3A_352 : memref<10240x16xf32, #tpu.memory_space<hbm>>) dst(%arg9 : memref<128x16xf32, #tpu.memory_space<vmem>>)
      %dma_wait3A_353 = arith.constant 0 : i32
      %dma_wait3A_354 = arith.constant 0 : i32
      %dma_wait3A_355 = tpu.memref_slice %arg5[%dma_wait3A_353, %dma_wait3A_354] : memref<144x128xi32, #tpu.memory_space<vmem>> -> memref<1x128xi32, #tpu.memory_space<vmem>>
      %dma_wait3A_356 = tpu.memref_squeeze %dma_wait3A_355 : memref<1x128xi32, #tpu.memory_space<vmem>> -> memref<128xi32, #tpu.memory_space<vmem>>
      %dma_wait3A_357 = arith.constant 0 : i32
      %dma_wait3A_358 = arith.constant 0 : i32
      %dma_wait3A_359 = tpu.memref_slice %arg2[%dma_wait3A_357, %dma_wait3A_358] : memref<10240x16xf32, #tpu.memory_space<hbm>> -> memref<10240x16xf32, #tpu.memory_space<hbm>>
      tpu.wait_indirect_dma semaphore(%arg16 : memref<!tpu.dma_semaphore, #tpu.memory_space<semaphore_mem>>) src(%dma_wait3A_359 : memref<10240x16xf32, #tpu.memory_space<hbm>>) dst(%arg10 : memref<128x16xf32, #tpu.memory_space<vmem>>)
      %dma_start3A_360 = arith.constant 8 : i32
      %dma_start3A_361 = arith.constant 0 : i32
      %dma_start3A_362 = tpu.memref_slice %arg6[%dma_start3A_360, %dma_start3A_361] : memref<144x128xi32, #tpu.memory_space<vmem>> -> memref<1x128xi32, #tpu.memory_space<vmem>>
      %dma_start3A_363 = tpu.memref_squeeze %dma_start3A_362 : memref<1x128xi32, #tpu.memory_space<vmem>> -> memref<128xi32, #tpu.memory_space<vmem>>
      %dma_start3A_364 = arith.constant 0 : i32
      %dma_start3A_365 = arith.constant 0 : i32
      %dma_start3A_366 = tpu.memref_slice %arg15[%dma_start3A_364, %dma_start3A_365] : memref<10240x16xf32, #tpu.memory_space<vmem_shared>> -> memref<10240x16xf32, #tpu.memory_space<vmem_shared>>
      tpu.enqueue_indirect_dma source(%arg7 : memref<128x16xf32, #tpu.memory_space<vmem>>) target(%dma_start3A_366 : memref<10240x16xf32, #tpu.memory_space<vmem_shared>>) offsets(%dma_start3A_363 : memref<128xi32, #tpu.memory_space<vmem>>) semaphore(%arg18 : memref<!tpu.dma_semaphore, #tpu.memory_space<semaphore_mem>>) {add = true}
      %dma_start3A_367 = arith.constant 9 : i32
      %dma_start3A_368 = arith.constant 0 : i32
      %dma_start3A_369 = tpu.memref_slice %arg6[%dma_start3A_367, %dma_start3A_368] : memref<144x128xi32, #tpu.memory_space<vmem>> -> memref<1x128xi32, #tpu.memory_space<vmem>>
      %dma_start3A_370 = tpu.memref_squeeze %dma_start3A_369 : memref<1x128xi32, #tpu.memory_space<vmem>> -> memref<128xi32, #tpu.memory_space<vmem>>
      %dma_start3A_371 = arith.constant 0 : i32
      %dma_start3A_372 = arith.constant 0 : i32
      %dma_start3A_373 = tpu.memref_slice %arg15[%dma_start3A_371, %dma_start3A_372] : memref<10240x16xf32, #tpu.memory_space<vmem_shared>> -> memref<10240x16xf32, #tpu.memory_space<vmem_shared>>
      tpu.enqueue_indirect_dma source(%arg8 : memref<128x16xf32, #tpu.memory_space<vmem>>) target(%dma_start3A_373 : memref<10240x16xf32, #tpu.memory_space<vmem_shared>>) offsets(%dma_start3A_370 : memref<128xi32, #tpu.memory_space<vmem>>) semaphore(%arg18 : memref<!tpu.dma_semaphore, #tpu.memory_space<semaphore_mem>>) {add = true}
      %dma_start3A_374 = arith.constant 10 : i32
      %dma_start3A_375 = arith.constant 0 : i32
      %dma_start3A_376 = tpu.memref_slice %arg6[%dma_start3A_374, %dma_start3A_375] : memref<144x128xi32, #tpu.memory_space<vmem>> -> memref<1x128xi32, #tpu.memory_space<vmem>>
      %dma_start3A_377 = tpu.memref_squeeze %dma_start3A_376 : memref<1x128xi32, #tpu.memory_space<vmem>> -> memref<128xi32, #tpu.memory_space<vmem>>
      %dma_start3A_378 = arith.constant 0 : i32
      %dma_start3A_379 = arith.constant 0 : i32
      %dma_start3A_380 = tpu.memref_slice %arg15[%dma_start3A_378, %dma_start3A_379] : memref<10240x16xf32, #tpu.memory_space<vmem_shared>> -> memref<10240x16xf32, #tpu.memory_space<vmem_shared>>
      tpu.enqueue_indirect_dma source(%arg9 : memref<128x16xf32, #tpu.memory_space<vmem>>) target(%dma_start3A_380 : memref<10240x16xf32, #tpu.memory_space<vmem_shared>>) offsets(%dma_start3A_377 : memref<128xi32, #tpu.memory_space<vmem>>) semaphore(%arg18 : memref<!tpu.dma_semaphore, #tpu.memory_space<semaphore_mem>>) {add = true}
      %dma_start3A_381 = arith.constant 11 : i32
      %dma_start3A_382 = arith.constant 0 : i32
      %dma_start3A_383 = tpu.memref_slice %arg6[%dma_start3A_381, %dma_start3A_382] : memref<144x128xi32, #tpu.memory_space<vmem>> -> memref<1x128xi32, #tpu.memory_space<vmem>>
      %dma_start3A_384 = tpu.memref_squeeze %dma_start3A_383 : memref<1x128xi32, #tpu.memory_space<vmem>> -> memref<128xi32, #tpu.memory_space<vmem>>
      %dma_start3A_385 = arith.constant 0 : i32
      %dma_start3A_386 = arith.constant 0 : i32
      %dma_start3A_387 = tpu.memref_slice %arg15[%dma_start3A_385, %dma_start3A_386] : memref<10240x16xf32, #tpu.memory_space<vmem_shared>> -> memref<10240x16xf32, #tpu.memory_space<vmem_shared>>
      tpu.enqueue_indirect_dma source(%arg10 : memref<128x16xf32, #tpu.memory_space<vmem>>) target(%dma_start3A_387 : memref<10240x16xf32, #tpu.memory_space<vmem_shared>>) offsets(%dma_start3A_384 : memref<128xi32, #tpu.memory_space<vmem>>) semaphore(%arg18 : memref<!tpu.dma_semaphore, #tpu.memory_space<semaphore_mem>>) {add = true}
      %dma_wait3A_388 = arith.constant 0 : i32
      %dma_wait3A_389 = arith.constant 0 : i32
      %dma_wait3A_390 = tpu.memref_slice %arg6[%dma_wait3A_388, %dma_wait3A_389] : memref<144x128xi32, #tpu.memory_space<vmem>> -> memref<1x128xi32, #tpu.memory_space<vmem>>
      %dma_wait3A_391 = tpu.memref_squeeze %dma_wait3A_390 : memref<1x128xi32, #tpu.memory_space<vmem>> -> memref<128xi32, #tpu.memory_space<vmem>>
      %dma_wait3A_392 = arith.constant 0 : i32
      %dma_wait3A_393 = arith.constant 0 : i32
      %dma_wait3A_394 = tpu.memref_slice %arg15[%dma_wait3A_392, %dma_wait3A_393] : memref<10240x16xf32, #tpu.memory_space<vmem_shared>> -> memref<10240x16xf32, #tpu.memory_space<vmem_shared>>
      tpu.wait_indirect_dma semaphore(%arg18 : memref<!tpu.dma_semaphore, #tpu.memory_space<semaphore_mem>>) src(%arg7 : memref<128x16xf32, #tpu.memory_space<vmem>>) dst(%dma_wait3A_394 : memref<10240x16xf32, #tpu.memory_space<vmem_shared>>)
      %dma_wait3A_395 = arith.constant 0 : i32
      %dma_wait3A_396 = arith.constant 0 : i32
      %dma_wait3A_397 = tpu.memref_slice %arg6[%dma_wait3A_395, %dma_wait3A_396] : memref<144x128xi32, #tpu.memory_space<vmem>> -> memref<1x128xi32, #tpu.memory_space<vmem>>
      %dma_wait3A_398 = tpu.memref_squeeze %dma_wait3A_397 : memref<1x128xi32, #tpu.memory_space<vmem>> -> memref<128xi32, #tpu.memory_space<vmem>>
      %dma_wait3A_399 = arith.constant 0 : i32
      %dma_wait3A_400 = arith.constant 0 : i32
      %dma_wait3A_401 = tpu.memref_slice %arg15[%dma_wait3A_399, %dma_wait3A_400] : memref<10240x16xf32, #tpu.memory_space<vmem_shared>> -> memref<10240x16xf32, #tpu.memory_space<vmem_shared>>
      tpu.wait_indirect_dma semaphore(%arg18 : memref<!tpu.dma_semaphore, #tpu.memory_space<semaphore_mem>>) src(%arg8 : memref<128x16xf32, #tpu.memory_space<vmem>>) dst(%dma_wait3A_401 : memref<10240x16xf32, #tpu.memory_space<vmem_shared>>)
      %dma_wait3A_402 = arith.constant 0 : i32
      %dma_wait3A_403 = arith.constant 0 : i32
      %dma_wait3A_404 = tpu.memref_slice %arg6[%dma_wait3A_402, %dma_wait3A_403] : memref<144x128xi32, #tpu.memory_space<vmem>> -> memref<1x128xi32, #tpu.memory_space<vmem>>
      %dma_wait3A_405 = tpu.memref_squeeze %dma_wait3A_404 : memref<1x128xi32, #tpu.memory_space<vmem>> -> memref<128xi32, #tpu.memory_space<vmem>>
      %dma_wait3A_406 = arith.constant 0 : i32
      %dma_wait3A_407 = arith.constant 0 : i32
      %dma_wait3A_408 = tpu.memref_slice %arg15[%dma_wait3A_406, %dma_wait3A_407] : memref<10240x16xf32, #tpu.memory_space<vmem_shared>> -> memref<10240x16xf32, #tpu.memory_space<vmem_shared>>
      tpu.wait_indirect_dma semaphore(%arg18 : memref<!tpu.dma_semaphore, #tpu.memory_space<semaphore_mem>>) src(%arg9 : memref<128x16xf32, #tpu.memory_space<vmem>>) dst(%dma_wait3A_408 : memref<10240x16xf32, #tpu.memory_space<vmem_shared>>)
      %dma_wait3A_409 = arith.constant 0 : i32
      %dma_wait3A_410 = arith.constant 0 : i32
      %dma_wait3A_411 = tpu.memref_slice %arg6[%dma_wait3A_409, %dma_wait3A_410] : memref<144x128xi32, #tpu.memory_space<vmem>> -> memref<1x128xi32, #tpu.memory_space<vmem>>
      %dma_wait3A_412 = tpu.memref_squeeze %dma_wait3A_411 : memref<1x128xi32, #tpu.memory_space<vmem>> -> memref<128xi32, #tpu.memory_space<vmem>>
      %dma_wait3A_413 = arith.constant 0 : i32
      %dma_wait3A_414 = arith.constant 0 : i32
      %dma_wait3A_415 = tpu.memref_slice %arg15[%dma_wait3A_413, %dma_wait3A_414] : memref<10240x16xf32, #tpu.memory_space<vmem_shared>> -> memref<10240x16xf32, #tpu.memory_space<vmem_shared>>
      tpu.wait_indirect_dma semaphore(%arg18 : memref<!tpu.dma_semaphore, #tpu.memory_space<semaphore_mem>>) src(%arg10 : memref<128x16xf32, #tpu.memory_space<vmem>>) dst(%dma_wait3A_415 : memref<10240x16xf32, #tpu.memory_space<vmem_shared>>)
      %dma_wait3A_416 = arith.constant 0 : i32
      %dma_wait3A_417 = arith.constant 0 : i32
      %dma_wait3A_418 = tpu.memref_slice %arg5[%dma_wait3A_416, %dma_wait3A_417] : memref<144x128xi32, #tpu.memory_space<vmem>> -> memref<1x128xi32, #tpu.memory_space<vmem>>
      %dma_wait3A_419 = tpu.memref_squeeze %dma_wait3A_418 : memref<1x128xi32, #tpu.memory_space<vmem>> -> memref<128xi32, #tpu.memory_space<vmem>>
      %dma_wait3A_420 = arith.constant 0 : i32
      %dma_wait3A_421 = arith.constant 0 : i32
      %dma_wait3A_422 = tpu.memref_slice %arg2[%dma_wait3A_420, %dma_wait3A_421] : memref<10240x16xf32, #tpu.memory_space<hbm>> -> memref<10240x16xf32, #tpu.memory_space<hbm>>
      tpu.wait_indirect_dma semaphore(%arg17 : memref<!tpu.dma_semaphore, #tpu.memory_space<semaphore_mem>>) src(%dma_wait3A_422 : memref<10240x16xf32, #tpu.memory_space<hbm>>) dst(%arg11 : memref<128x16xf32, #tpu.memory_space<vmem>>)
      %dma_wait3A_423 = arith.constant 0 : i32
      %dma_wait3A_424 = arith.constant 0 : i32
      %dma_wait3A_425 = tpu.memref_slice %arg5[%dma_wait3A_423, %dma_wait3A_424] : memref<144x128xi32, #tpu.memory_space<vmem>> -> memref<1x128xi32, #tpu.memory_space<vmem>>
      %dma_wait3A_426 = tpu.memref_squeeze %dma_wait3A_425 : memref<1x128xi32, #tpu.memory_space<vmem>> -> memref<128xi32, #tpu.memory_space<vmem>>
      %dma_wait3A_427 = arith.constant 0 : i32
      %dma_wait3A_428 = arith.constant 0 : i32
      %dma_wait3A_429 = tpu.memref_slice %arg2[%dma_wait3A_427, %dma_wait3A_428] : memref<10240x16xf32, #tpu.memory_space<hbm>> -> memref<10240x16xf32, #tpu.memory_space<hbm>>
      tpu.wait_indirect_dma semaphore(%arg17 : memref<!tpu.dma_semaphore, #tpu.memory_space<semaphore_mem>>) src(%dma_wait3A_429 : memref<10240x16xf32, #tpu.memory_space<hbm>>) dst(%arg12 : memref<128x16xf32, #tpu.memory_space<vmem>>)
      %dma_wait3A_430 = arith.constant 0 : i32
      %dma_wait3A_431 = arith.constant 0 : i32
      %dma_wait3A_432 = tpu.memref_slice %arg5[%dma_wait3A_430, %dma_wait3A_431] : memref<144x128xi32, #tpu.memory_space<vmem>> -> memref<1x128xi32, #tpu.memory_space<vmem>>
      %dma_wait3A_433 = tpu.memref_squeeze %dma_wait3A_432 : memref<1x128xi32, #tpu.memory_space<vmem>> -> memref<128xi32, #tpu.memory_space<vmem>>
      %dma_wait3A_434 = arith.constant 0 : i32
      %dma_wait3A_435 = arith.constant 0 : i32
      %dma_wait3A_436 = tpu.memref_slice %arg2[%dma_wait3A_434, %dma_wait3A_435] : memref<10240x16xf32, #tpu.memory_space<hbm>> -> memref<10240x16xf32, #tpu.memory_space<hbm>>
      tpu.wait_indirect_dma semaphore(%arg17 : memref<!tpu.dma_semaphore, #tpu.memory_space<semaphore_mem>>) src(%dma_wait3A_436 : memref<10240x16xf32, #tpu.memory_space<hbm>>) dst(%arg13 : memref<128x16xf32, #tpu.memory_space<vmem>>)
      %dma_wait3A_437 = arith.constant 0 : i32
      %dma_wait3A_438 = arith.constant 0 : i32
      %dma_wait3A_439 = tpu.memref_slice %arg5[%dma_wait3A_437, %dma_wait3A_438] : memref<144x128xi32, #tpu.memory_space<vmem>> -> memref<1x128xi32, #tpu.memory_space<vmem>>
      %dma_wait3A_440 = tpu.memref_squeeze %dma_wait3A_439 : memref<1x128xi32, #tpu.memory_space<vmem>> -> memref<128xi32, #tpu.memory_space<vmem>>
      %dma_wait3A_441 = arith.constant 0 : i32
      %dma_wait3A_442 = arith.constant 0 : i32
      %dma_wait3A_443 = tpu.memref_slice %arg2[%dma_wait3A_441, %dma_wait3A_442] : memref<10240x16xf32, #tpu.memory_space<hbm>> -> memref<10240x16xf32, #tpu.memory_space<hbm>>
      tpu.wait_indirect_dma semaphore(%arg17 : memref<!tpu.dma_semaphore, #tpu.memory_space<semaphore_mem>>) src(%dma_wait3A_443 : memref<10240x16xf32, #tpu.memory_space<hbm>>) dst(%arg14 : memref<128x16xf32, #tpu.memory_space<vmem>>)
      %dma_start3A_444 = arith.constant 12 : i32
      %dma_start3A_445 = arith.constant 0 : i32
      %dma_start3A_446 = tpu.memref_slice %arg6[%dma_start3A_444, %dma_start3A_445] : memref<144x128xi32, #tpu.memory_space<vmem>> -> memref<1x128xi32, #tpu.memory_space<vmem>>
      %dma_start3A_447 = tpu.memref_squeeze %dma_start3A_446 : memref<1x128xi32, #tpu.memory_space<vmem>> -> memref<128xi32, #tpu.memory_space<vmem>>
      %dma_start3A_448 = arith.constant 0 : i32
      %dma_start3A_449 = arith.constant 0 : i32
      %dma_start3A_450 = tpu.memref_slice %arg15[%dma_start3A_448, %dma_start3A_449] : memref<10240x16xf32, #tpu.memory_space<vmem_shared>> -> memref<10240x16xf32, #tpu.memory_space<vmem_shared>>
      tpu.enqueue_indirect_dma source(%arg11 : memref<128x16xf32, #tpu.memory_space<vmem>>) target(%dma_start3A_450 : memref<10240x16xf32, #tpu.memory_space<vmem_shared>>) offsets(%dma_start3A_447 : memref<128xi32, #tpu.memory_space<vmem>>) semaphore(%arg19 : memref<!tpu.dma_semaphore, #tpu.memory_space<semaphore_mem>>) {add = true}
      %dma_start3A_451 = arith.constant 13 : i32
      %dma_start3A_452 = arith.constant 0 : i32
      %dma_start3A_453 = tpu.memref_slice %arg6[%dma_start3A_451, %dma_start3A_452] : memref<144x128xi32, #tpu.memory_space<vmem>> -> memref<1x128xi32, #tpu.memory_space<vmem>>
      %dma_start3A_454 = tpu.memref_squeeze %dma_start3A_453 : memref<1x128xi32, #tpu.memory_space<vmem>> -> memref<128xi32, #tpu.memory_space<vmem>>
      %dma_start3A_455 = arith.constant 0 : i32
      %dma_start3A_456 = arith.constant 0 : i32
      %dma_start3A_457 = tpu.memref_slice %arg15[%dma_start3A_455, %dma_start3A_456] : memref<10240x16xf32, #tpu.memory_space<vmem_shared>> -> memref<10240x16xf32, #tpu.memory_space<vmem_shared>>
      tpu.enqueue_indirect_dma source(%arg12 : memref<128x16xf32, #tpu.memory_space<vmem>>) target(%dma_start3A_457 : memref<10240x16xf32, #tpu.memory_space<vmem_shared>>) offsets(%dma_start3A_454 : memref<128xi32, #tpu.memory_space<vmem>>) semaphore(%arg19 : memref<!tpu.dma_semaphore, #tpu.memory_space<semaphore_mem>>) {add = true}
      %dma_start3A_458 = arith.constant 14 : i32
      %dma_start3A_459 = arith.constant 0 : i32
      %dma_start3A_460 = tpu.memref_slice %arg6[%dma_start3A_458, %dma_start3A_459] : memref<144x128xi32, #tpu.memory_space<vmem>> -> memref<1x128xi32, #tpu.memory_space<vmem>>
      %dma_start3A_461 = tpu.memref_squeeze %dma_start3A_460 : memref<1x128xi32, #tpu.memory_space<vmem>> -> memref<128xi32, #tpu.memory_space<vmem>>
      %dma_start3A_462 = arith.constant 0 : i32
      %dma_start3A_463 = arith.constant 0 : i32
      %dma_start3A_464 = tpu.memref_slice %arg15[%dma_start3A_462, %dma_start3A_463] : memref<10240x16xf32, #tpu.memory_space<vmem_shared>> -> memref<10240x16xf32, #tpu.memory_space<vmem_shared>>
      tpu.enqueue_indirect_dma source(%arg13 : memref<128x16xf32, #tpu.memory_space<vmem>>) target(%dma_start3A_464 : memref<10240x16xf32, #tpu.memory_space<vmem_shared>>) offsets(%dma_start3A_461 : memref<128xi32, #tpu.memory_space<vmem>>) semaphore(%arg19 : memref<!tpu.dma_semaphore, #tpu.memory_space<semaphore_mem>>) {add = true}
      %dma_start3A_465 = arith.constant 15 : i32
      %dma_start3A_466 = arith.constant 0 : i32
      %dma_start3A_467 = tpu.memref_slice %arg6[%dma_start3A_465, %dma_start3A_466] : memref<144x128xi32, #tpu.memory_space<vmem>> -> memref<1x128xi32, #tpu.memory_space<vmem>>
      %dma_start3A_468 = tpu.memref_squeeze %dma_start3A_467 : memref<1x128xi32, #tpu.memory_space<vmem>> -> memref<128xi32, #tpu.memory_space<vmem>>
      %dma_start3A_469 = arith.constant 0 : i32
      %dma_start3A_470 = arith.constant 0 : i32
      %dma_start3A_471 = tpu.memref_slice %arg15[%dma_start3A_469, %dma_start3A_470] : memref<10240x16xf32, #tpu.memory_space<vmem_shared>> -> memref<10240x16xf32, #tpu.memory_space<vmem_shared>>
      tpu.enqueue_indirect_dma source(%arg14 : memref<128x16xf32, #tpu.memory_space<vmem>>) target(%dma_start3A_471 : memref<10240x16xf32, #tpu.memory_space<vmem_shared>>) offsets(%dma_start3A_468 : memref<128xi32, #tpu.memory_space<vmem>>) semaphore(%arg19 : memref<!tpu.dma_semaphore, #tpu.memory_space<semaphore_mem>>) {add = true}
      %dma_wait3A_472 = arith.constant 0 : i32
      %dma_wait3A_473 = arith.constant 0 : i32
      %dma_wait3A_474 = tpu.memref_slice %arg6[%dma_wait3A_472, %dma_wait3A_473] : memref<144x128xi32, #tpu.memory_space<vmem>> -> memref<1x128xi32, #tpu.memory_space<vmem>>
      %dma_wait3A_475 = tpu.memref_squeeze %dma_wait3A_474 : memref<1x128xi32, #tpu.memory_space<vmem>> -> memref<128xi32, #tpu.memory_space<vmem>>
      %dma_wait3A_476 = arith.constant 0 : i32
      %dma_wait3A_477 = arith.constant 0 : i32
      %dma_wait3A_478 = tpu.memref_slice %arg15[%dma_wait3A_476, %dma_wait3A_477] : memref<10240x16xf32, #tpu.memory_space<vmem_shared>> -> memref<10240x16xf32, #tpu.memory_space<vmem_shared>>
      tpu.wait_indirect_dma semaphore(%arg19 : memref<!tpu.dma_semaphore, #tpu.memory_space<semaphore_mem>>) src(%arg11 : memref<128x16xf32, #tpu.memory_space<vmem>>) dst(%dma_wait3A_478 : memref<10240x16xf32, #tpu.memory_space<vmem_shared>>)
      %dma_wait3A_479 = arith.constant 0 : i32
      %dma_wait3A_480 = arith.constant 0 : i32
      %dma_wait3A_481 = tpu.memref_slice %arg6[%dma_wait3A_479, %dma_wait3A_480] : memref<144x128xi32, #tpu.memory_space<vmem>> -> memref<1x128xi32, #tpu.memory_space<vmem>>
      %dma_wait3A_482 = tpu.memref_squeeze %dma_wait3A_481 : memref<1x128xi32, #tpu.memory_space<vmem>> -> memref<128xi32, #tpu.memory_space<vmem>>
      %dma_wait3A_483 = arith.constant 0 : i32
      %dma_wait3A_484 = arith.constant 0 : i32
      %dma_wait3A_485 = tpu.memref_slice %arg15[%dma_wait3A_483, %dma_wait3A_484] : memref<10240x16xf32, #tpu.memory_space<vmem_shared>> -> memref<10240x16xf32, #tpu.memory_space<vmem_shared>>
      tpu.wait_indirect_dma semaphore(%arg19 : memref<!tpu.dma_semaphore, #tpu.memory_space<semaphore_mem>>) src(%arg12 : memref<128x16xf32, #tpu.memory_space<vmem>>) dst(%dma_wait3A_485 : memref<10240x16xf32, #tpu.memory_space<vmem_shared>>)
      %dma_wait3A_486 = arith.constant 0 : i32
      %dma_wait3A_487 = arith.constant 0 : i32
      %dma_wait3A_488 = tpu.memref_slice %arg6[%dma_wait3A_486, %dma_wait3A_487] : memref<144x128xi32, #tpu.memory_space<vmem>> -> memref<1x128xi32, #tpu.memory_space<vmem>>
      %dma_wait3A_489 = tpu.memref_squeeze %dma_wait3A_488 : memref<1x128xi32, #tpu.memory_space<vmem>> -> memref<128xi32, #tpu.memory_space<vmem>>
      %dma_wait3A_490 = arith.constant 0 : i32
      %dma_wait3A_491 = arith.constant 0 : i32
      %dma_wait3A_492 = tpu.memref_slice %arg15[%dma_wait3A_490, %dma_wait3A_491] : memref<10240x16xf32, #tpu.memory_space<vmem_shared>> -> memref<10240x16xf32, #tpu.memory_space<vmem_shared>>
      tpu.wait_indirect_dma semaphore(%arg19 : memref<!tpu.dma_semaphore, #tpu.memory_space<semaphore_mem>>) src(%arg13 : memref<128x16xf32, #tpu.memory_space<vmem>>) dst(%dma_wait3A_492 : memref<10240x16xf32, #tpu.memory_space<vmem_shared>>)
      %dma_wait3A_493 = arith.constant 0 : i32
      %dma_wait3A_494 = arith.constant 0 : i32
      %dma_wait3A_495 = tpu.memref_slice %arg6[%dma_wait3A_493, %dma_wait3A_494] : memref<144x128xi32, #tpu.memory_space<vmem>> -> memref<1x128xi32, #tpu.memory_space<vmem>>
      %dma_wait3A_496 = tpu.memref_squeeze %dma_wait3A_495 : memref<1x128xi32, #tpu.memory_space<vmem>> -> memref<128xi32, #tpu.memory_space<vmem>>
      %dma_wait3A_497 = arith.constant 0 : i32
      %dma_wait3A_498 = arith.constant 0 : i32
      %dma_wait3A_499 = tpu.memref_slice %arg15[%dma_wait3A_497, %dma_wait3A_498] : memref<10240x16xf32, #tpu.memory_space<vmem_shared>> -> memref<10240x16xf32, #tpu.memory_space<vmem_shared>>
      tpu.wait_indirect_dma semaphore(%arg19 : memref<!tpu.dma_semaphore, #tpu.memory_space<semaphore_mem>>) src(%arg14 : memref<128x16xf32, #tpu.memory_space<vmem>>) dst(%dma_wait3A_499 : memref<10240x16xf32, #tpu.memory_space<vmem_shared>>)
    } else {
    }
    %barrier3A = arith.constant 0 : index
    tpu.barrier barrier_id(%barrier3A)
    "tpu.region"() ({
      %run_scoped3A = tpu.sem_alloc : memref<!tpu.dma_semaphore, #tpu.memory_space<semaphore_mem>>
      %dma_start3A = arith.constant 0 : i32
      %dma_start3A_20 = tpu.memref_slice %arg4[%arg0, %mul3A_0, %dma_start3A] : memref<2x10240x16xf32, #tpu.memory_space<hbm>> -> memref<1x640x16xf32, #tpu.memory_space<hbm>>
      %dma_start3A_21 = tpu.memref_squeeze %dma_start3A_20 : memref<1x640x16xf32, #tpu.memory_space<hbm>> -> memref<640x16xf32, #tpu.memory_space<hbm>>
      %dma_start3A_22 = arith.constant 0 : i32
      %dma_start3A_23 = tpu.memref_slice %arg15[%mul3A_0, %dma_start3A_22] : memref<10240x16xf32, #tpu.memory_space<vmem_shared>> -> memref<640x16xf32, #tpu.memory_space<vmem_shared>>
      tpu.enqueue_dma source(%dma_start3A_23 : memref<640x16xf32, #tpu.memory_space<vmem_shared>>) target(%dma_start3A_21 : memref<640x16xf32, #tpu.memory_space<hbm>>) target_semaphore(%run_scoped3A : memref<!tpu.dma_semaphore, #tpu.memory_space<semaphore_mem>>)
      %dma_wait3A = arith.constant 0 : i32
      %dma_wait3A_24 = tpu.memref_slice %arg4[%arg0, %mul3A_0, %dma_wait3A] : memref<2x10240x16xf32, #tpu.memory_space<hbm>> -> memref<1x640x16xf32, #tpu.memory_space<hbm>>
      %dma_wait3A_25 = tpu.memref_squeeze %dma_wait3A_24 : memref<1x640x16xf32, #tpu.memory_space<hbm>> -> memref<640x16xf32, #tpu.memory_space<hbm>>
      %dma_wait3A_26 = arith.constant 0 : i32
      %dma_wait3A_27 = tpu.memref_slice %arg15[%mul3A_0, %dma_wait3A_26] : memref<10240x16xf32, #tpu.memory_space<vmem_shared>> -> memref<640x16xf32, #tpu.memory_space<vmem_shared>>
      tpu.wait_dma2 semaphore(%run_scoped3A : memref<!tpu.dma_semaphore, #tpu.memory_space<semaphore_mem>>) src(%dma_wait3A_27 : memref<640x16xf32, #tpu.memory_space<vmem_shared>>) dst(%dma_wait3A_25 : memref<640x16xf32, #tpu.memory_space<hbm>>)
      tpu.yield
    }) : () -> ()
    return
  }
}

#map = affine_map<(d0, d1) -> (0, 0)>
#map1 = affine_map<(d0, d1) -> (0, 0, 0)>
module attributes {stable_mosaic.version = 14 : i64} {
  func.func @_edge_agg(%arg0: i32, %arg1: i32, %arg2: memref<10240x16xf32, #tpu.memory_space<hbm>>, %arg3: memref<2x2560x128xi32, #tpu.memory_space<hbm>>, %arg4: memref<2x10240x16xf32, #tpu.memory_space<hbm>>, %arg5: memref<144x128xi32, #tpu.memory_space<vmem>>, %arg6: memref<144x128xi32, #tpu.memory_space<vmem>>, %arg7: memref<128x16xf32, #tpu.memory_space<vmem>>, %arg8: memref<128x16xf32, #tpu.memory_space<vmem>>, %arg9: memref<128x16xf32, #tpu.memory_space<vmem>>, %arg10: memref<128x16xf32, #tpu.memory_space<vmem>>, %arg11: memref<128x16xf32, #tpu.memory_space<vmem>>, %arg12: memref<128x16xf32, #tpu.memory_space<vmem>>, %arg13: memref<128x16xf32, #tpu.memory_space<vmem>>, %arg14: memref<128x16xf32, #tpu.memory_space<vmem>>, %arg15: memref<10240x16xf32, #tpu.memory_space<vmem_shared>>, %arg16: memref<!tpu.dma_semaphore, #tpu.memory_space<semaphore_mem>>, %arg17: memref<!tpu.dma_semaphore, #tpu.memory_space<semaphore_mem>>, %arg18: memref<!tpu.dma_semaphore, #tpu.memory_space<semaphore_mem>>, %arg19: memref<!tpu.dma_semaphore, #tpu.memory_space<semaphore_mem>>) attributes {dimension_semantics = [#tpu.dimension_semantics<core_parallel>, #tpu.dimension_semantics<subcore_parallel>], iteration_bounds = array<i64: 2, 16>, scalar_prefetch = 0 : i64, scratch_operands = 15 : i64, tpu.core_type = #tpu.core_type<sc_vector_subcore>, window_params = [{transform_indices = #map}, {transform_indices = #map1}, {transform_indices = #map1}]} {
    %mul3A = arith.constant 640 : i32
    %mul3A_0 = arith.muli %arg1, %mul3A : i32
    %scan3A = arith.constant 0 : i32
    %scan3A_1 = arith.constant 128 : i32
    %scan3A_2 = arith.addi %scan3A, %scan3A_1 : i32
    %scan3A_3 = arith.constant 1 : i32
    scf.for %scan3A_20 = %scan3A to %scan3A_2 step %scan3A_3  : i32 {
      %mul3A_21 = arith.constant 1 : i32
      %mul3A_22 = arith.muli %scan3A_20, %mul3A_21 : i32
      %add3A_23 = arith.constant 0 : i32
      %add3A_24 = arith.addi %add3A_23, %mul3A_22 : i32
      %broadcast_in_dim3A = arith.constant 0.000000e+00 : f32
      %broadcast_in_dim3A_25 = vector.broadcast %broadcast_in_dim3A : f32 to vector<16xf32>
      %swap3A = arith.index_cast %add3A_24 : i32 to index
      %swap3A_26 = arith.constant 0 : index
      %swap3A_27 = tpu.vector_load %arg7[%swap3A, %swap3A_26] {strides = array<i32>} : memref<128x16xf32, #tpu.memory_space<vmem>>, vector<1x16xf32>,
      %swap3A_28 = vector.shape_cast %swap3A_27 : vector<1x16xf32> to vector<16xf32>
      %swap3A_29 = vector.shape_cast %broadcast_in_dim3A_25 : vector<16xf32> to vector<1x16xf32>
      tpu.vector_store %arg7[%swap3A, %swap3A_26], %swap3A_29 {strides = array<i32>} : memref<128x16xf32, #tpu.memory_space<vmem>>, vector<1x16xf32>,
    }
    %scan3A_4 = arith.constant 128 : i32
    %add3A = arith.constant 0 : i32
    %add3A_5 = arith.addi %mul3A_0, %add3A : i32
    "tpu.region"() ({
      %run_scoped3A = tpu.sem_alloc : memref<!tpu.dma_semaphore, #tpu.memory_space<semaphore_mem>>
      %dma_start3A = arith.constant 0 : i32
      %dma_start3A_20 = tpu.memref_slice %arg15[%add3A_5, %dma_start3A] : memref<10240x16xf32, #tpu.memory_space<vmem_shared>> -> memref<128x16xf32, #tpu.memory_space<vmem_shared>>
      %dma_start3A_21 = arith.constant 0 : i32
      %dma_start3A_22 = tpu.memref_slice %arg15[%add3A_5, %dma_start3A_21] : memref<10240x16xf32, #tpu.memory_space<vmem_shared>> -> memref<128x16xf32, #tpu.memory_space<vmem_shared>>
      tpu.enqueue_dma source(%arg7 : memref<128x16xf32, #tpu.memory_space<vmem>>) target(%dma_start3A_22 : memref<128x16xf32, #tpu.memory_space<vmem_shared>>) target_semaphore(%run_scoped3A : memref<!tpu.dma_semaphore, #tpu.memory_space<semaphore_mem>>)
      %dma_wait3A = arith.constant 0 : i32
      %dma_wait3A_23 = tpu.memref_slice %arg15[%add3A_5, %dma_wait3A] : memref<10240x16xf32, #tpu.memory_space<vmem_shared>> -> memref<128x16xf32, #tpu.memory_space<vmem_shared>>
      %dma_wait3A_24 = arith.constant 0 : i32
      %dma_wait3A_25 = tpu.memref_slice %arg15[%add3A_5, %dma_wait3A_24] : memref<10240x16xf32, #tpu.memory_space<vmem_shared>> -> memref<128x16xf32, #tpu.memory_space<vmem_shared>>
      tpu.wait_dma2 semaphore(%run_scoped3A : memref<!tpu.dma_semaphore, #tpu.memory_space<semaphore_mem>>) src(%arg7 : memref<128x16xf32, #tpu.memory_space<vmem>>) dst(%dma_wait3A_25 : memref<128x16xf32, #tpu.memory_space<vmem_shared>>)
      tpu.yield
    }) : () -> ()
    %add3A_6 = arith.constant 128 : i32
    %add3A_7 = arith.addi %mul3A_0, %add3A_6 : i32
    "tpu.region"() ({
      %run_scoped3A = tpu.sem_alloc : memref<!tpu.dma_semaphore, #tpu.memory_space<semaphore_mem>>
      %dma_start3A = arith.constant 0 : i32
      %dma_start3A_20 = tpu.memref_slice %arg15[%add3A_7, %dma_start3A] : memref<10240x16xf32, #tpu.memory_space<vmem_shared>> -> memref<128x16xf32, #tpu.memory_space<vmem_shared>>
      %dma_start3A_21 = arith.constant 0 : i32
      %dma_start3A_22 = tpu.memref_slice %arg15[%add3A_7, %dma_start3A_21] : memref<10240x16xf32, #tpu.memory_space<vmem_shared>> -> memref<128x16xf32, #tpu.memory_space<vmem_shared>>
      tpu.enqueue_dma source(%arg7 : memref<128x16xf32, #tpu.memory_space<vmem>>) target(%dma_start3A_22 : memref<128x16xf32, #tpu.memory_space<vmem_shared>>) target_semaphore(%run_scoped3A : memref<!tpu.dma_semaphore, #tpu.memory_space<semaphore_mem>>)
      %dma_wait3A = arith.constant 0 : i32
      %dma_wait3A_23 = tpu.memref_slice %arg15[%add3A_7, %dma_wait3A] : memref<10240x16xf32, #tpu.memory_space<vmem_shared>> -> memref<128x16xf32, #tpu.memory_space<vmem_shared>>
      %dma_wait3A_24 = arith.constant 0 : i32
      %dma_wait3A_25 = tpu.memref_slice %arg15[%add3A_7, %dma_wait3A_24] : memref<10240x16xf32, #tpu.memory_space<vmem_shared>> -> memref<128x16xf32, #tpu.memory_space<vmem_shared>>
      tpu.wait_dma2 semaphore(%run_scoped3A : memref<!tpu.dma_semaphore, #tpu.memory_space<semaphore_mem>>) src(%arg7 : memref<128x16xf32, #tpu.memory_space<vmem>>) dst(%dma_wait3A_25 : memref<128x16xf32, #tpu.memory_space<vmem_shared>>)
      tpu.yield
    }) : () -> ()
    %add3A_8 = arith.constant 256 : i32
    %add3A_9 = arith.addi %mul3A_0, %add3A_8 : i32
    "tpu.region"() ({
      %run_scoped3A = tpu.sem_alloc : memref<!tpu.dma_semaphore, #tpu.memory_space<semaphore_mem>>
      %dma_start3A = arith.constant 0 : i32
      %dma_start3A_20 = tpu.memref_slice %arg15[%add3A_9, %dma_start3A] : memref<10240x16xf32, #tpu.memory_space<vmem_shared>> -> memref<128x16xf32, #tpu.memory_space<vmem_shared>>
      %dma_start3A_21 = arith.constant 0 : i32
      %dma_start3A_22 = tpu.memref_slice %arg15[%add3A_9, %dma_start3A_21] : memref<10240x16xf32, #tpu.memory_space<vmem_shared>> -> memref<128x16xf32, #tpu.memory_space<vmem_shared>>
      tpu.enqueue_dma source(%arg7 : memref<128x16xf32, #tpu.memory_space<vmem>>) target(%dma_start3A_22 : memref<128x16xf32, #tpu.memory_space<vmem_shared>>) target_semaphore(%run_scoped3A : memref<!tpu.dma_semaphore, #tpu.memory_space<semaphore_mem>>)
      %dma_wait3A = arith.constant 0 : i32
      %dma_wait3A_23 = tpu.memref_slice %arg15[%add3A_9, %dma_wait3A] : memref<10240x16xf32, #tpu.memory_space<vmem_shared>> -> memref<128x16xf32, #tpu.memory_space<vmem_shared>>
      %dma_wait3A_24 = arith.constant 0 : i32
      %dma_wait3A_25 = tpu.memref_slice %arg15[%add3A_9, %dma_wait3A_24] : memref<10240x16xf32, #tpu.memory_space<vmem_shared>> -> memref<128x16xf32, #tpu.memory_space<vmem_shared>>
      tpu.wait_dma2 semaphore(%run_scoped3A : memref<!tpu.dma_semaphore, #tpu.memory_space<semaphore_mem>>) src(%arg7 : memref<128x16xf32, #tpu.memory_space<vmem>>) dst(%dma_wait3A_25 : memref<128x16xf32, #tpu.memory_space<vmem_shared>>)
      tpu.yield
    }) : () -> ()
    %add3A_10 = arith.constant 384 : i32
    %add3A_11 = arith.addi %mul3A_0, %add3A_10 : i32
    "tpu.region"() ({
      %run_scoped3A = tpu.sem_alloc : memref<!tpu.dma_semaphore, #tpu.memory_space<semaphore_mem>>
      %dma_start3A = arith.constant 0 : i32
      %dma_start3A_20 = tpu.memref_slice %arg15[%add3A_11, %dma_start3A] : memref<10240x16xf32, #tpu.memory_space<vmem_shared>> -> memref<128x16xf32, #tpu.memory_space<vmem_shared>>
      %dma_start3A_21 = arith.constant 0 : i32
      %dma_start3A_22 = tpu.memref_slice %arg15[%add3A_11, %dma_start3A_21] : memref<10240x16xf32, #tpu.memory_space<vmem_shared>> -> memref<128x16xf32, #tpu.memory_space<vmem_shared>>
      tpu.enqueue_dma source(%arg7 : memref<128x16xf32, #tpu.memory_space<vmem>>) target(%dma_start3A_22 : memref<128x16xf32, #tpu.memory_space<vmem_shared>>) target_semaphore(%run_scoped3A : memref<!tpu.dma_semaphore, #tpu.memory_space<semaphore_mem>>)
      %dma_wait3A = arith.constant 0 : i32
      %dma_wait3A_23 = tpu.memref_slice %arg15[%add3A_11, %dma_wait3A] : memref<10240x16xf32, #tpu.memory_space<vmem_shared>> -> memref<128x16xf32, #tpu.memory_space<vmem_shared>>
      %dma_wait3A_24 = arith.constant 0 : i32
      %dma_wait3A_25 = tpu.memref_slice %arg15[%add3A_11, %dma_wait3A_24] : memref<10240x16xf32, #tpu.memory_space<vmem_shared>> -> memref<128x16xf32, #tpu.memory_space<vmem_shared>>
      tpu.wait_dma2 semaphore(%run_scoped3A : memref<!tpu.dma_semaphore, #tpu.memory_space<semaphore_mem>>) src(%arg7 : memref<128x16xf32, #tpu.memory_space<vmem>>) dst(%dma_wait3A_25 : memref<128x16xf32, #tpu.memory_space<vmem_shared>>)
      tpu.yield
    }) : () -> ()
    %add3A_12 = arith.constant 512 : i32
    %add3A_13 = arith.addi %mul3A_0, %add3A_12 : i32
    "tpu.region"() ({
      %run_scoped3A = tpu.sem_alloc : memref<!tpu.dma_semaphore, #tpu.memory_space<semaphore_mem>>
      %dma_start3A = arith.constant 0 : i32
      %dma_start3A_20 = tpu.memref_slice %arg15[%add3A_13, %dma_start3A] : memref<10240x16xf32, #tpu.memory_space<vmem_shared>> -> memref<128x16xf32, #tpu.memory_space<vmem_shared>>
      %dma_start3A_21 = arith.constant 0 : i32
      %dma_start3A_22 = tpu.memref_slice %arg15[%add3A_13, %dma_start3A_21] : memref<10240x16xf32, #tpu.memory_space<vmem_shared>> -> memref<128x16xf32, #tpu.memory_space<vmem_shared>>
      tpu.enqueue_dma source(%arg7 : memref<128x16xf32, #tpu.memory_space<vmem>>) target(%dma_start3A_22 : memref<128x16xf32, #tpu.memory_space<vmem_shared>>) target_semaphore(%run_scoped3A : memref<!tpu.dma_semaphore, #tpu.memory_space<semaphore_mem>>)
      %dma_wait3A = arith.constant 0 : i32
      %dma_wait3A_23 = tpu.memref_slice %arg15[%add3A_13, %dma_wait3A] : memref<10240x16xf32, #tpu.memory_space<vmem_shared>> -> memref<128x16xf32, #tpu.memory_space<vmem_shared>>
      %dma_wait3A_24 = arith.constant 0 : i32
      %dma_wait3A_25 = tpu.memref_slice %arg15[%add3A_13, %dma_wait3A_24] : memref<10240x16xf32, #tpu.memory_space<vmem_shared>> -> memref<128x16xf32, #tpu.memory_space<vmem_shared>>
      tpu.wait_dma2 semaphore(%run_scoped3A : memref<!tpu.dma_semaphore, #tpu.memory_space<semaphore_mem>>) src(%arg7 : memref<128x16xf32, #tpu.memory_space<vmem>>) dst(%dma_wait3A_25 : memref<128x16xf32, #tpu.memory_space<vmem_shared>>)
      tpu.yield
    }) : () -> ()
    %eq3A = arith.constant 0 : i32
    %eq3A_14 = arith.cmpi eq, %arg0, %eq3A : i32
    %convert_element_type3A = arith.extui %eq3A_14 : i1 to i32
    %cond3A = arith.constant 0 : i32
    %cond3A_15 = arith.cmpi ne, %convert_element_type3A, %cond3A : i32
    scf.if %cond3A_15 {
      %mul3A_20 = arith.constant 144 : i32
      %mul3A_21 = arith.muli %arg1, %mul3A_20 : i32
      %run_scoped3A = arith.constant 0 : i32
      "tpu.region"() ({
        %run_scoped3A_251 = tpu.sem_alloc : memref<!tpu.dma_semaphore, #tpu.memory_space<semaphore_mem>>
        %dma_start3A_252 = arith.constant 0 : i32
        %dma_start3A_253 = arith.constant 0 : i32
        %dma_start3A_254 = tpu.memref_slice %arg5[%dma_start3A_252, %dma_start3A_253] : memref<144x128xi32, #tpu.memory_space<vmem>> -> memref<144x128xi32, #tpu.memory_space<vmem>>
        %dma_start3A_255 = arith.constant 0 : i32
        %dma_start3A_256 = tpu.memref_slice %arg3[%run_scoped3A, %mul3A_21, %dma_start3A_255] : memref<2x2560x128xi32, #tpu.memory_space<hbm>> -> memref<1x144x128xi32, #tpu.memory_space<hbm>>
        %dma_start3A_257 = tpu.memref_squeeze %dma_start3A_256 : memref<1x144x128xi32, #tpu.memory_space<hbm>> -> memref<144x128xi32, #tpu.memory_space<hbm>>
        %dma_start3A_258 = arith.constant 0 : i32
        %dma_start3A_259 = arith.constant 0 : i32
        %dma_start3A_260 = tpu.memref_slice %arg5[%dma_start3A_258, %dma_start3A_259] : memref<144x128xi32, #tpu.memory_space<vmem>> -> memref<144x128xi32, #tpu.memory_space<vmem>>
        %dma_start3A_261 = arith.constant 0 : i32
        %dma_start3A_262 = tpu.memref_slice %arg3[%run_scoped3A, %mul3A_21, %dma_start3A_261] : memref<2x2560x128xi32, #tpu.memory_space<hbm>> -> memref<1x144x128xi32, #tpu.memory_space<hbm>>
        %dma_start3A_263 = tpu.memref_squeeze %dma_start3A_262 : memref<1x144x128xi32, #tpu.memory_space<hbm>> -> memref<144x128xi32, #tpu.memory_space<hbm>>
        tpu.enqueue_dma source(%dma_start3A_263 : memref<144x128xi32, #tpu.memory_space<hbm>>) target(%dma_start3A_260 : memref<144x128xi32, #tpu.memory_space<vmem>>) target_semaphore(%run_scoped3A_251 : memref<!tpu.dma_semaphore, #tpu.memory_space<semaphore_mem>>)
        %dma_wait3A_264 = arith.constant 0 : i32
        %dma_wait3A_265 = arith.constant 0 : i32
        %dma_wait3A_266 = tpu.memref_slice %arg5[%dma_wait3A_264, %dma_wait3A_265] : memref<144x128xi32, #tpu.memory_space<vmem>> -> memref<144x128xi32, #tpu.memory_space<vmem>>
        %dma_wait3A_267 = arith.constant 0 : i32
        %dma_wait3A_268 = tpu.memref_slice %arg3[%run_scoped3A, %mul3A_21, %dma_wait3A_267] : memref<2x2560x128xi32, #tpu.memory_space<hbm>> -> memref<1x144x128xi32, #tpu.memory_space<hbm>>
        %dma_wait3A_269 = tpu.memref_squeeze %dma_wait3A_268 : memref<1x144x128xi32, #tpu.memory_space<hbm>> -> memref<144x128xi32, #tpu.memory_space<hbm>>
        %dma_wait3A_270 = arith.constant 0 : i32
        %dma_wait3A_271 = arith.constant 0 : i32
        %dma_wait3A_272 = tpu.memref_slice %arg5[%dma_wait3A_270, %dma_wait3A_271] : memref<144x128xi32, #tpu.memory_space<vmem>> -> memref<144x128xi32, #tpu.memory_space<vmem>>
        %dma_wait3A_273 = arith.constant 0 : i32
        %dma_wait3A_274 = tpu.memref_slice %arg3[%run_scoped3A, %mul3A_21, %dma_wait3A_273] : memref<2x2560x128xi32, #tpu.memory_space<hbm>> -> memref<1x144x128xi32, #tpu.memory_space<hbm>>
        %dma_wait3A_275 = tpu.memref_squeeze %dma_wait3A_274 : memref<1x144x128xi32, #tpu.memory_space<hbm>> -> memref<144x128xi32, #tpu.memory_space<hbm>>
        tpu.wait_dma2 semaphore(%run_scoped3A_251 : memref<!tpu.dma_semaphore, #tpu.memory_space<semaphore_mem>>) src(%dma_wait3A_275 : memref<144x128xi32, #tpu.memory_space<hbm>>) dst(%dma_wait3A_272 : memref<144x128xi32, #tpu.memory_space<vmem>>)
        tpu.yield
      }) : () -> ()
      %run_scoped3A_22 = arith.constant 1 : i32
      "tpu.region"() ({
        %run_scoped3A_251 = tpu.sem_alloc : memref<!tpu.dma_semaphore, #tpu.memory_space<semaphore_mem>>
        %dma_start3A_252 = arith.constant 0 : i32
        %dma_start3A_253 = arith.constant 0 : i32
        %dma_start3A_254 = tpu.memref_slice %arg6[%dma_start3A_252, %dma_start3A_253] : memref<144x128xi32, #tpu.memory_space<vmem>> -> memref<144x128xi32, #tpu.memory_space<vmem>>
        %dma_start3A_255 = arith.constant 0 : i32
        %dma_start3A_256 = tpu.memref_slice %arg3[%run_scoped3A_22, %mul3A_21, %dma_start3A_255] : memref<2x2560x128xi32, #tpu.memory_space<hbm>> -> memref<1x144x128xi32, #tpu.memory_space<hbm>>
        %dma_start3A_257 = tpu.memref_squeeze %dma_start3A_256 : memref<1x144x128xi32, #tpu.memory_space<hbm>> -> memref<144x128xi32, #tpu.memory_space<hbm>>
        %dma_start3A_258 = arith.constant 0 : i32
        %dma_start3A_259 = arith.constant 0 : i32
        %dma_start3A_260 = tpu.memref_slice %arg6[%dma_start3A_258, %dma_start3A_259] : memref<144x128xi32, #tpu.memory_space<vmem>> -> memref<144x128xi32, #tpu.memory_space<vmem>>
        %dma_start3A_261 = arith.constant 0 : i32
        %dma_start3A_262 = tpu.memref_slice %arg3[%run_scoped3A_22, %mul3A_21, %dma_start3A_261] : memref<2x2560x128xi32, #tpu.memory_space<hbm>> -> memref<1x144x128xi32, #tpu.memory_space<hbm>>
        %dma_start3A_263 = tpu.memref_squeeze %dma_start3A_262 : memref<1x144x128xi32, #tpu.memory_space<hbm>> -> memref<144x128xi32, #tpu.memory_space<hbm>>
        tpu.enqueue_dma source(%dma_start3A_263 : memref<144x128xi32, #tpu.memory_space<hbm>>) target(%dma_start3A_260 : memref<144x128xi32, #tpu.memory_space<vmem>>) target_semaphore(%run_scoped3A_251 : memref<!tpu.dma_semaphore, #tpu.memory_space<semaphore_mem>>)
        %dma_wait3A_264 = arith.constant 0 : i32
        %dma_wait3A_265 = arith.constant 0 : i32
        %dma_wait3A_266 = tpu.memref_slice %arg6[%dma_wait3A_264, %dma_wait3A_265] : memref<144x128xi32, #tpu.memory_space<vmem>> -> memref<144x128xi32, #tpu.memory_space<vmem>>
        %dma_wait3A_267 = arith.constant 0 : i32
        %dma_wait3A_268 = tpu.memref_slice %arg3[%run_scoped3A_22, %mul3A_21, %dma_wait3A_267] : memref<2x2560x128xi32, #tpu.memory_space<hbm>> -> memref<1x144x128xi32, #tpu.memory_space<hbm>>
        %dma_wait3A_269 = tpu.memref_squeeze %dma_wait3A_268 : memref<1x144x128xi32, #tpu.memory_space<hbm>> -> memref<144x128xi32, #tpu.memory_space<hbm>>
        %dma_wait3A_270 = arith.constant 0 : i32
        %dma_wait3A_271 = arith.constant 0 : i32
        %dma_wait3A_272 = tpu.memref_slice %arg6[%dma_wait3A_270, %dma_wait3A_271] : memref<144x128xi32, #tpu.memory_space<vmem>> -> memref<144x128xi32, #tpu.memory_space<vmem>>
        %dma_wait3A_273 = arith.constant 0 : i32
        %dma_wait3A_274 = tpu.memref_slice %arg3[%run_scoped3A_22, %mul3A_21, %dma_wait3A_273] : memref<2x2560x128xi32, #tpu.memory_space<hbm>> -> memref<1x144x128xi32, #tpu.memory_space<hbm>>
        %dma_wait3A_275 = tpu.memref_squeeze %dma_wait3A_274 : memref<1x144x128xi32, #tpu.memory_space<hbm>> -> memref<144x128xi32, #tpu.memory_space<hbm>>
        tpu.wait_dma2 semaphore(%run_scoped3A_251 : memref<!tpu.dma_semaphore, #tpu.memory_space<semaphore_mem>>) src(%dma_wait3A_275 : memref<144x128xi32, #tpu.memory_space<hbm>>) dst(%dma_wait3A_272 : memref<144x128xi32, #tpu.memory_space<vmem>>)
        tpu.yield
      }) : () -> ()
      %barrier3A_23 = arith.constant 0 : index
      tpu.barrier barrier_id(%barrier3A_23)
      %dma_start3A = arith.constant 0 : i32
      %dma_start3A_24 = arith.constant 0 : i32
      %dma_start3A_25 = tpu.memref_slice %arg5[%dma_start3A, %dma_start3A_24] : memref<144x128xi32, #tpu.memory_space<vmem>> -> memref<1x128xi32, #tpu.memory_space<vmem>>
      %dma_start3A_26 = tpu.memref_squeeze %dma_start3A_25 : memref<1x128xi32, #tpu.memory_space<vmem>> -> memref<128xi32, #tpu.memory_space<vmem>>
      %dma_start3A_27 = arith.constant 0 : i32
      %dma_start3A_28 = arith.constant 0 : i32
      %dma_start3A_29 = tpu.memref_slice %arg2[%dma_start3A_27, %dma_start3A_28] : memref<10240x16xf32, #tpu.memory_space<hbm>> -> memref<10240x16xf32, #tpu.memory_space<hbm>>
      tpu.enqueue_indirect_dma source(%dma_start3A_29 : memref<10240x16xf32, #tpu.memory_space<hbm>>) target(%arg7 : memref<128x16xf32, #tpu.memory_space<vmem>>) offsets(%dma_start3A_26 : memref<128xi32, #tpu.memory_space<vmem>>) semaphore(%arg16 : memref<!tpu.dma_semaphore, #tpu.memory_space<semaphore_mem>>)
      %dma_start3A_30 = arith.constant 1 : i32
      %dma_start3A_31 = arith.constant 0 : i32
      %dma_start3A_32 = tpu.memref_slice %arg5[%dma_start3A_30, %dma_start3A_31] : memref<144x128xi32, #tpu.memory_space<vmem>> -> memref<1x128xi32, #tpu.memory_space<vmem>>
      %dma_start3A_33 = tpu.memref_squeeze %dma_start3A_32 : memref<1x128xi32, #tpu.memory_space<vmem>> -> memref<128xi32, #tpu.memory_space<vmem>>
      %dma_start3A_34 = arith.constant 0 : i32
      %dma_start3A_35 = arith.constant 0 : i32
      %dma_start3A_36 = tpu.memref_slice %arg2[%dma_start3A_34, %dma_start3A_35] : memref<10240x16xf32, #tpu.memory_space<hbm>> -> memref<10240x16xf32, #tpu.memory_space<hbm>>
      tpu.enqueue_indirect_dma source(%dma_start3A_36 : memref<10240x16xf32, #tpu.memory_space<hbm>>) target(%arg8 : memref<128x16xf32, #tpu.memory_space<vmem>>) offsets(%dma_start3A_33 : memref<128xi32, #tpu.memory_space<vmem>>) semaphore(%arg16 : memref<!tpu.dma_semaphore, #tpu.memory_space<semaphore_mem>>)
      %dma_start3A_37 = arith.constant 2 : i32
      %dma_start3A_38 = arith.constant 0 : i32
      %dma_start3A_39 = tpu.memref_slice %arg5[%dma_start3A_37, %dma_start3A_38] : memref<144x128xi32, #tpu.memory_space<vmem>> -> memref<1x128xi32, #tpu.memory_space<vmem>>
      %dma_start3A_40 = tpu.memref_squeeze %dma_start3A_39 : memref<1x128xi32, #tpu.memory_space<vmem>> -> memref<128xi32, #tpu.memory_space<vmem>>
      %dma_start3A_41 = arith.constant 0 : i32
      %dma_start3A_42 = arith.constant 0 : i32
      %dma_start3A_43 = tpu.memref_slice %arg2[%dma_start3A_41, %dma_start3A_42] : memref<10240x16xf32, #tpu.memory_space<hbm>> -> memref<10240x16xf32, #tpu.memory_space<hbm>>
      tpu.enqueue_indirect_dma source(%dma_start3A_43 : memref<10240x16xf32, #tpu.memory_space<hbm>>) target(%arg9 : memref<128x16xf32, #tpu.memory_space<vmem>>) offsets(%dma_start3A_40 : memref<128xi32, #tpu.memory_space<vmem>>) semaphore(%arg16 : memref<!tpu.dma_semaphore, #tpu.memory_space<semaphore_mem>>)
      %dma_start3A_44 = arith.constant 3 : i32
      %dma_start3A_45 = arith.constant 0 : i32
      %dma_start3A_46 = tpu.memref_slice %arg5[%dma_start3A_44, %dma_start3A_45] : memref<144x128xi32, #tpu.memory_space<vmem>> -> memref<1x128xi32, #tpu.memory_space<vmem>>
      %dma_start3A_47 = tpu.memref_squeeze %dma_start3A_46 : memref<1x128xi32, #tpu.memory_space<vmem>> -> memref<128xi32, #tpu.memory_space<vmem>>
      %dma_start3A_48 = arith.constant 0 : i32
      %dma_start3A_49 = arith.constant 0 : i32
      %dma_start3A_50 = tpu.memref_slice %arg2[%dma_start3A_48, %dma_start3A_49] : memref<10240x16xf32, #tpu.memory_space<hbm>> -> memref<10240x16xf32, #tpu.memory_space<hbm>>
      tpu.enqueue_indirect_dma source(%dma_start3A_50 : memref<10240x16xf32, #tpu.memory_space<hbm>>) target(%arg10 : memref<128x16xf32, #tpu.memory_space<vmem>>) offsets(%dma_start3A_47 : memref<128xi32, #tpu.memory_space<vmem>>) semaphore(%arg16 : memref<!tpu.dma_semaphore, #tpu.memory_space<semaphore_mem>>)
      %scan3A_51 = arith.constant 0 : i32
      %scan3A_52 = arith.constant 17 : i32
      %scan3A_53 = arith.addi %scan3A_51, %scan3A_52 : i32
      %scan3A_54 = arith.constant 1 : i32
      scf.for %scan3A_251 = %scan3A_51 to %scan3A_53 step %scan3A_54  : i32 {
        %mul3A_252 = arith.constant 8 : i32
        %mul3A_253 = arith.muli %scan3A_251, %mul3A_252 : i32
        %add3A_254 = arith.constant 0 : i32
        %add3A_255 = arith.addi %add3A_254, %mul3A_253 : i32
        %add3A_256 = arith.constant 4 : i32
        %add3A_257 = arith.addi %add3A_255, %add3A_256 : i32
        %add3A_258 = arith.constant 0 : i32
        %add3A_259 = arith.addi %add3A_257, %add3A_258 : i32
        %dma_start3A_260 = arith.constant 0 : i32
        %dma_start3A_261 = tpu.memref_slice %arg5[%add3A_259, %dma_start3A_260] : memref<144x128xi32, #tpu.memory_space<vmem>> -> memref<1x128xi32, #tpu.memory_space<vmem>>
        %dma_start3A_262 = tpu.memref_squeeze %dma_start3A_261 : memref<1x128xi32, #tpu.memory_space<vmem>> -> memref<128xi32, #tpu.memory_space<vmem>>
        %dma_start3A_263 = arith.constant 0 : i32
        %dma_start3A_264 = arith.constant 0 : i32
        %dma_start3A_265 = tpu.memref_slice %arg2[%dma_start3A_263, %dma_start3A_264] : memref<10240x16xf32, #tpu.memory_space<hbm>> -> memref<10240x16xf32, #tpu.memory_space<hbm>>
        tpu.enqueue_indirect_dma source(%dma_start3A_265 : memref<10240x16xf32, #tpu.memory_space<hbm>>) target(%arg11 : memref<128x16xf32, #tpu.memory_space<vmem>>) offsets(%dma_start3A_262 : memref<128xi32, #tpu.memory_space<vmem>>) semaphore(%arg17 : memref<!tpu.dma_semaphore, #tpu.memory_space<semaphore_mem>>)
        %add3A_266 = arith.constant 1 : i32
        %add3A_267 = arith.addi %add3A_257, %add3A_266 : i32
        %dma_start3A_268 = arith.constant 0 : i32
        %dma_start3A_269 = tpu.memref_slice %arg5[%add3A_267, %dma_start3A_268] : memref<144x128xi32, #tpu.memory_space<vmem>> -> memref<1x128xi32, #tpu.memory_space<vmem>>
        %dma_start3A_270 = tpu.memref_squeeze %dma_start3A_269 : memref<1x128xi32, #tpu.memory_space<vmem>> -> memref<128xi32, #tpu.memory_space<vmem>>
        %dma_start3A_271 = arith.constant 0 : i32
        %dma_start3A_272 = arith.constant 0 : i32
        %dma_start3A_273 = tpu.memref_slice %arg2[%dma_start3A_271, %dma_start3A_272] : memref<10240x16xf32, #tpu.memory_space<hbm>> -> memref<10240x16xf32, #tpu.memory_space<hbm>>
        tpu.enqueue_indirect_dma source(%dma_start3A_273 : memref<10240x16xf32, #tpu.memory_space<hbm>>) target(%arg12 : memref<128x16xf32, #tpu.memory_space<vmem>>) offsets(%dma_start3A_270 : memref<128xi32, #tpu.memory_space<vmem>>) semaphore(%arg17 : memref<!tpu.dma_semaphore, #tpu.memory_space<semaphore_mem>>)
        %add3A_274 = arith.constant 2 : i32
        %add3A_275 = arith.addi %add3A_257, %add3A_274 : i32
        %dma_start3A_276 = arith.constant 0 : i32
        %dma_start3A_277 = tpu.memref_slice %arg5[%add3A_275, %dma_start3A_276] : memref<144x128xi32, #tpu.memory_space<vmem>> -> memref<1x128xi32, #tpu.memory_space<vmem>>
        %dma_start3A_278 = tpu.memref_squeeze %dma_start3A_277 : memref<1x128xi32, #tpu.memory_space<vmem>> -> memref<128xi32, #tpu.memory_space<vmem>>
        %dma_start3A_279 = arith.constant 0 : i32
        %dma_start3A_280 = arith.constant 0 : i32
        %dma_start3A_281 = tpu.memref_slice %arg2[%dma_start3A_279, %dma_start3A_280] : memref<10240x16xf32, #tpu.memory_space<hbm>> -> memref<10240x16xf32, #tpu.memory_space<hbm>>
        tpu.enqueue_indirect_dma source(%dma_start3A_281 : memref<10240x16xf32, #tpu.memory_space<hbm>>) target(%arg13 : memref<128x16xf32, #tpu.memory_space<vmem>>) offsets(%dma_start3A_278 : memref<128xi32, #tpu.memory_space<vmem>>) semaphore(%arg17 : memref<!tpu.dma_semaphore, #tpu.memory_space<semaphore_mem>>)
        %add3A_282 = arith.constant 3 : i32
        %add3A_283 = arith.addi %add3A_257, %add3A_282 : i32
        %dma_start3A_284 = arith.constant 0 : i32
        %dma_start3A_285 = tpu.memref_slice %arg5[%add3A_283, %dma_start3A_284] : memref<144x128xi32, #tpu.memory_space<vmem>> -> memref<1x128xi32, #tpu.memory_space<vmem>>
        %dma_start3A_286 = tpu.memref_squeeze %dma_start3A_285 : memref<1x128xi32, #tpu.memory_space<vmem>> -> memref<128xi32, #tpu.memory_space<vmem>>
        %dma_start3A_287 = arith.constant 0 : i32
        %dma_start3A_288 = arith.constant 0 : i32
        %dma_start3A_289 = tpu.memref_slice %arg2[%dma_start3A_287, %dma_start3A_288] : memref<10240x16xf32, #tpu.memory_space<hbm>> -> memref<10240x16xf32, #tpu.memory_space<hbm>>
        tpu.enqueue_indirect_dma source(%dma_start3A_289 : memref<10240x16xf32, #tpu.memory_space<hbm>>) target(%arg14 : memref<128x16xf32, #tpu.memory_space<vmem>>) offsets(%dma_start3A_286 : memref<128xi32, #tpu.memory_space<vmem>>) semaphore(%arg17 : memref<!tpu.dma_semaphore, #tpu.memory_space<semaphore_mem>>)
        %dma_wait3A_290 = arith.constant 0 : i32
        %dma_wait3A_291 = arith.constant 0 : i32
        %dma_wait3A_292 = tpu.memref_slice %arg5[%dma_wait3A_290, %dma_wait3A_291] : memref<144x128xi32, #tpu.memory_space<vmem>> -> memref<1x128xi32, #tpu.memory_space<vmem>>
        %dma_wait3A_293 = tpu.memref_squeeze %dma_wait3A_292 : memref<1x128xi32, #tpu.memory_space<vmem>> -> memref<128xi32, #tpu.memory_space<vmem>>
        %dma_wait3A_294 = arith.constant 0 : i32
        %dma_wait3A_295 = arith.constant 0 : i32
        %dma_wait3A_296 = tpu.memref_slice %arg2[%dma_wait3A_294, %dma_wait3A_295] : memref<10240x16xf32, #tpu.memory_space<hbm>> -> memref<10240x16xf32, #tpu.memory_space<hbm>>
        tpu.wait_indirect_dma semaphore(%arg16 : memref<!tpu.dma_semaphore, #tpu.memory_space<semaphore_mem>>) src(%dma_wait3A_296 : memref<10240x16xf32, #tpu.memory_space<hbm>>) dst(%arg7 : memref<128x16xf32, #tpu.memory_space<vmem>>)
        %dma_wait3A_297 = arith.constant 0 : i32
        %dma_wait3A_298 = arith.constant 0 : i32
        %dma_wait3A_299 = tpu.memref_slice %arg5[%dma_wait3A_297, %dma_wait3A_298] : memref<144x128xi32, #tpu.memory_space<vmem>> -> memref<1x128xi32, #tpu.memory_space<vmem>>
        %dma_wait3A_300 = tpu.memref_squeeze %dma_wait3A_299 : memref<1x128xi32, #tpu.memory_space<vmem>> -> memref<128xi32, #tpu.memory_space<vmem>>
        %dma_wait3A_301 = arith.constant 0 : i32
        %dma_wait3A_302 = arith.constant 0 : i32
        %dma_wait3A_303 = tpu.memref_slice %arg2[%dma_wait3A_301, %dma_wait3A_302] : memref<10240x16xf32, #tpu.memory_space<hbm>> -> memref<10240x16xf32, #tpu.memory_space<hbm>>
        tpu.wait_indirect_dma semaphore(%arg16 : memref<!tpu.dma_semaphore, #tpu.memory_space<semaphore_mem>>) src(%dma_wait3A_303 : memref<10240x16xf32, #tpu.memory_space<hbm>>) dst(%arg8 : memref<128x16xf32, #tpu.memory_space<vmem>>)
        %dma_wait3A_304 = arith.constant 0 : i32
        %dma_wait3A_305 = arith.constant 0 : i32
        %dma_wait3A_306 = tpu.memref_slice %arg5[%dma_wait3A_304, %dma_wait3A_305] : memref<144x128xi32, #tpu.memory_space<vmem>> -> memref<1x128xi32, #tpu.memory_space<vmem>>
        %dma_wait3A_307 = tpu.memref_squeeze %dma_wait3A_306 : memref<1x128xi32, #tpu.memory_space<vmem>> -> memref<128xi32, #tpu.memory_space<vmem>>
        %dma_wait3A_308 = arith.constant 0 : i32
        %dma_wait3A_309 = arith.constant 0 : i32
        %dma_wait3A_310 = tpu.memref_slice %arg2[%dma_wait3A_308, %dma_wait3A_309] : memref<10240x16xf32, #tpu.memory_space<hbm>> -> memref<10240x16xf32, #tpu.memory_space<hbm>>
        tpu.wait_indirect_dma semaphore(%arg16 : memref<!tpu.dma_semaphore, #tpu.memory_space<semaphore_mem>>) src(%dma_wait3A_310 : memref<10240x16xf32, #tpu.memory_space<hbm>>) dst(%arg9 : memref<128x16xf32, #tpu.memory_space<vmem>>)
        %dma_wait3A_311 = arith.constant 0 : i32
        %dma_wait3A_312 = arith.constant 0 : i32
        %dma_wait3A_313 = tpu.memref_slice %arg5[%dma_wait3A_311, %dma_wait3A_312] : memref<144x128xi32, #tpu.memory_space<vmem>> -> memref<1x128xi32, #tpu.memory_space<vmem>>
        %dma_wait3A_314 = tpu.memref_squeeze %dma_wait3A_313 : memref<1x128xi32, #tpu.memory_space<vmem>> -> memref<128xi32, #tpu.memory_space<vmem>>
        %dma_wait3A_315 = arith.constant 0 : i32
        %dma_wait3A_316 = arith.constant 0 : i32
        %dma_wait3A_317 = tpu.memref_slice %arg2[%dma_wait3A_315, %dma_wait3A_316] : memref<10240x16xf32, #tpu.memory_space<hbm>> -> memref<10240x16xf32, #tpu.memory_space<hbm>>
        tpu.wait_indirect_dma semaphore(%arg16 : memref<!tpu.dma_semaphore, #tpu.memory_space<semaphore_mem>>) src(%dma_wait3A_317 : memref<10240x16xf32, #tpu.memory_space<hbm>>) dst(%arg10 : memref<128x16xf32, #tpu.memory_space<vmem>>)
        %add3A_318 = arith.constant 0 : i32
        %add3A_319 = arith.addi %add3A_255, %add3A_318 : i32
        %dma_start3A_320 = arith.constant 0 : i32
        %dma_start3A_321 = tpu.memref_slice %arg6[%add3A_319, %dma_start3A_320] : memref<144x128xi32, #tpu.memory_space<vmem>> -> memref<1x128xi32, #tpu.memory_space<vmem>>
        %dma_start3A_322 = tpu.memref_squeeze %dma_start3A_321 : memref<1x128xi32, #tpu.memory_space<vmem>> -> memref<128xi32, #tpu.memory_space<vmem>>
        %dma_start3A_323 = arith.constant 0 : i32
        %dma_start3A_324 = arith.constant 0 : i32
        %dma_start3A_325 = tpu.memref_slice %arg15[%dma_start3A_323, %dma_start3A_324] : memref<10240x16xf32, #tpu.memory_space<vmem_shared>> -> memref<10240x16xf32, #tpu.memory_space<vmem_shared>>
        tpu.enqueue_indirect_dma source(%arg7 : memref<128x16xf32, #tpu.memory_space<vmem>>) target(%dma_start3A_325 : memref<10240x16xf32, #tpu.memory_space<vmem_shared>>) offsets(%dma_start3A_322 : memref<128xi32, #tpu.memory_space<vmem>>) semaphore(%arg18 : memref<!tpu.dma_semaphore, #tpu.memory_space<semaphore_mem>>) {add = true}
        %add3A_326 = arith.constant 1 : i32
        %add3A_327 = arith.addi %add3A_255, %add3A_326 : i32
        %dma_start3A_328 = arith.constant 0 : i32
        %dma_start3A_329 = tpu.memref_slice %arg6[%add3A_327, %dma_start3A_328] : memref<144x128xi32, #tpu.memory_space<vmem>> -> memref<1x128xi32, #tpu.memory_space<vmem>>
        %dma_start3A_330 = tpu.memref_squeeze %dma_start3A_329 : memref<1x128xi32, #tpu.memory_space<vmem>> -> memref<128xi32, #tpu.memory_space<vmem>>
        %dma_start3A_331 = arith.constant 0 : i32
        %dma_start3A_332 = arith.constant 0 : i32
        %dma_start3A_333 = tpu.memref_slice %arg15[%dma_start3A_331, %dma_start3A_332] : memref<10240x16xf32, #tpu.memory_space<vmem_shared>> -> memref<10240x16xf32, #tpu.memory_space<vmem_shared>>
        tpu.enqueue_indirect_dma source(%arg8 : memref<128x16xf32, #tpu.memory_space<vmem>>) target(%dma_start3A_333 : memref<10240x16xf32, #tpu.memory_space<vmem_shared>>) offsets(%dma_start3A_330 : memref<128xi32, #tpu.memory_space<vmem>>) semaphore(%arg18 : memref<!tpu.dma_semaphore, #tpu.memory_space<semaphore_mem>>) {add = true}
        %add3A_334 = arith.constant 2 : i32
        %add3A_335 = arith.addi %add3A_255, %add3A_334 : i32
        %dma_start3A_336 = arith.constant 0 : i32
        %dma_start3A_337 = tpu.memref_slice %arg6[%add3A_335, %dma_start3A_336] : memref<144x128xi32, #tpu.memory_space<vmem>> -> memref<1x128xi32, #tpu.memory_space<vmem>>
        %dma_start3A_338 = tpu.memref_squeeze %dma_start3A_337 : memref<1x128xi32, #tpu.memory_space<vmem>> -> memref<128xi32, #tpu.memory_space<vmem>>
        %dma_start3A_339 = arith.constant 0 : i32
        %dma_start3A_340 = arith.constant 0 : i32
        %dma_start3A_341 = tpu.memref_slice %arg15[%dma_start3A_339, %dma_start3A_340] : memref<10240x16xf32, #tpu.memory_space<vmem_shared>> -> memref<10240x16xf32, #tpu.memory_space<vmem_shared>>
        tpu.enqueue_indirect_dma source(%arg9 : memref<128x16xf32, #tpu.memory_space<vmem>>) target(%dma_start3A_341 : memref<10240x16xf32, #tpu.memory_space<vmem_shared>>) offsets(%dma_start3A_338 : memref<128xi32, #tpu.memory_space<vmem>>) semaphore(%arg18 : memref<!tpu.dma_semaphore, #tpu.memory_space<semaphore_mem>>) {add = true}
        %add3A_342 = arith.constant 3 : i32
        %add3A_343 = arith.addi %add3A_255, %add3A_342 : i32
        %dma_start3A_344 = arith.constant 0 : i32
        %dma_start3A_345 = tpu.memref_slice %arg6[%add3A_343, %dma_start3A_344] : memref<144x128xi32, #tpu.memory_space<vmem>> -> memref<1x128xi32, #tpu.memory_space<vmem>>
        %dma_start3A_346 = tpu.memref_squeeze %dma_start3A_345 : memref<1x128xi32, #tpu.memory_space<vmem>> -> memref<128xi32, #tpu.memory_space<vmem>>
        %dma_start3A_347 = arith.constant 0 : i32
        %dma_start3A_348 = arith.constant 0 : i32
        %dma_start3A_349 = tpu.memref_slice %arg15[%dma_start3A_347, %dma_start3A_348] : memref<10240x16xf32, #tpu.memory_space<vmem_shared>> -> memref<10240x16xf32, #tpu.memory_space<vmem_shared>>
        tpu.enqueue_indirect_dma source(%arg10 : memref<128x16xf32, #tpu.memory_space<vmem>>) target(%dma_start3A_349 : memref<10240x16xf32, #tpu.memory_space<vmem_shared>>) offsets(%dma_start3A_346 : memref<128xi32, #tpu.memory_space<vmem>>) semaphore(%arg18 : memref<!tpu.dma_semaphore, #tpu.memory_space<semaphore_mem>>) {add = true}
        %dma_wait3A_350 = arith.constant 0 : i32
        %dma_wait3A_351 = arith.constant 0 : i32
        %dma_wait3A_352 = tpu.memref_slice %arg6[%dma_wait3A_350, %dma_wait3A_351] : memref<144x128xi32, #tpu.memory_space<vmem>> -> memref<1x128xi32, #tpu.memory_space<vmem>>
        %dma_wait3A_353 = tpu.memref_squeeze %dma_wait3A_352 : memref<1x128xi32, #tpu.memory_space<vmem>> -> memref<128xi32, #tpu.memory_space<vmem>>
        %dma_wait3A_354 = arith.constant 0 : i32
        %dma_wait3A_355 = arith.constant 0 : i32
        %dma_wait3A_356 = tpu.memref_slice %arg15[%dma_wait3A_354, %dma_wait3A_355] : memref<10240x16xf32, #tpu.memory_space<vmem_shared>> -> memref<10240x16xf32, #tpu.memory_space<vmem_shared>>
        tpu.wait_indirect_dma semaphore(%arg18 : memref<!tpu.dma_semaphore, #tpu.memory_space<semaphore_mem>>) src(%arg7 : memref<128x16xf32, #tpu.memory_space<vmem>>) dst(%dma_wait3A_356 : memref<10240x16xf32, #tpu.memory_space<vmem_shared>>)
        %dma_wait3A_357 = arith.constant 0 : i32
        %dma_wait3A_358 = arith.constant 0 : i32
        %dma_wait3A_359 = tpu.memref_slice %arg6[%dma_wait3A_357, %dma_wait3A_358] : memref<144x128xi32, #tpu.memory_space<vmem>> -> memref<1x128xi32, #tpu.memory_space<vmem>>
        %dma_wait3A_360 = tpu.memref_squeeze %dma_wait3A_359 : memref<1x128xi32, #tpu.memory_space<vmem>> -> memref<128xi32, #tpu.memory_space<vmem>>
        %dma_wait3A_361 = arith.constant 0 : i32
        %dma_wait3A_362 = arith.constant 0 : i32
        %dma_wait3A_363 = tpu.memref_slice %arg15[%dma_wait3A_361, %dma_wait3A_362] : memref<10240x16xf32, #tpu.memory_space<vmem_shared>> -> memref<10240x16xf32, #tpu.memory_space<vmem_shared>>
        tpu.wait_indirect_dma semaphore(%arg18 : memref<!tpu.dma_semaphore, #tpu.memory_space<semaphore_mem>>) src(%arg8 : memref<128x16xf32, #tpu.memory_space<vmem>>) dst(%dma_wait3A_363 : memref<10240x16xf32, #tpu.memory_space<vmem_shared>>)
        %dma_wait3A_364 = arith.constant 0 : i32
        %dma_wait3A_365 = arith.constant 0 : i32
        %dma_wait3A_366 = tpu.memref_slice %arg6[%dma_wait3A_364, %dma_wait3A_365] : memref<144x128xi32, #tpu.memory_space<vmem>> -> memref<1x128xi32, #tpu.memory_space<vmem>>
        %dma_wait3A_367 = tpu.memref_squeeze %dma_wait3A_366 : memref<1x128xi32, #tpu.memory_space<vmem>> -> memref<128xi32, #tpu.memory_space<vmem>>
        %dma_wait3A_368 = arith.constant 0 : i32
        %dma_wait3A_369 = arith.constant 0 : i32
        %dma_wait3A_370 = tpu.memref_slice %arg15[%dma_wait3A_368, %dma_wait3A_369] : memref<10240x16xf32, #tpu.memory_space<vmem_shared>> -> memref<10240x16xf32, #tpu.memory_space<vmem_shared>>
        tpu.wait_indirect_dma semaphore(%arg18 : memref<!tpu.dma_semaphore, #tpu.memory_space<semaphore_mem>>) src(%arg9 : memref<128x16xf32, #tpu.memory_space<vmem>>) dst(%dma_wait3A_370 : memref<10240x16xf32, #tpu.memory_space<vmem_shared>>)
        %dma_wait3A_371 = arith.constant 0 : i32
        %dma_wait3A_372 = arith.constant 0 : i32
        %dma_wait3A_373 = tpu.memref_slice %arg6[%dma_wait3A_371, %dma_wait3A_372] : memref<144x128xi32, #tpu.memory_space<vmem>> -> memref<1x128xi32, #tpu.memory_space<vmem>>
        %dma_wait3A_374 = tpu.memref_squeeze %dma_wait3A_373 : memref<1x128xi32, #tpu.memory_space<vmem>> -> memref<128xi32, #tpu.memory_space<vmem>>
        %dma_wait3A_375 = arith.constant 0 : i32
        %dma_wait3A_376 = arith.constant 0 : i32
        %dma_wait3A_377 = tpu.memref_slice %arg15[%dma_wait3A_375, %dma_wait3A_376] : memref<10240x16xf32, #tpu.memory_space<vmem_shared>> -> memref<10240x16xf32, #tpu.memory_space<vmem_shared>>
        tpu.wait_indirect_dma semaphore(%arg18 : memref<!tpu.dma_semaphore, #tpu.memory_space<semaphore_mem>>) src(%arg10 : memref<128x16xf32, #tpu.memory_space<vmem>>) dst(%dma_wait3A_377 : memref<10240x16xf32, #tpu.memory_space<vmem_shared>>)
        %add3A_378 = arith.constant 8 : i32
        %add3A_379 = arith.addi %add3A_255, %add3A_378 : i32
        %add3A_380 = arith.constant 0 : i32
        %add3A_381 = arith.addi %add3A_379, %add3A_380 : i32
        %dma_start3A_382 = arith.constant 0 : i32
        %dma_start3A_383 = tpu.memref_slice %arg5[%add3A_381, %dma_start3A_382] : memref<144x128xi32, #tpu.memory_space<vmem>> -> memref<1x128xi32, #tpu.memory_space<vmem>>
        %dma_start3A_384 = tpu.memref_squeeze %dma_start3A_383 : memref<1x128xi32, #tpu.memory_space<vmem>> -> memref<128xi32, #tpu.memory_space<vmem>>
        %dma_start3A_385 = arith.constant 0 : i32
        %dma_start3A_386 = arith.constant 0 : i32
        %dma_start3A_387 = tpu.memref_slice %arg2[%dma_start3A_385, %dma_start3A_386] : memref<10240x16xf32, #tpu.memory_space<hbm>> -> memref<10240x16xf32, #tpu.memory_space<hbm>>
        tpu.enqueue_indirect_dma source(%dma_start3A_387 : memref<10240x16xf32, #tpu.memory_space<hbm>>) target(%arg7 : memref<128x16xf32, #tpu.memory_space<vmem>>) offsets(%dma_start3A_384 : memref<128xi32, #tpu.memory_space<vmem>>) semaphore(%arg16 : memref<!tpu.dma_semaphore, #tpu.memory_space<semaphore_mem>>)
        %add3A_388 = arith.constant 1 : i32
        %add3A_389 = arith.addi %add3A_379, %add3A_388 : i32
        %dma_start3A_390 = arith.constant 0 : i32
        %dma_start3A_391 = tpu.memref_slice %arg5[%add3A_389, %dma_start3A_390] : memref<144x128xi32, #tpu.memory_space<vmem>> -> memref<1x128xi32, #tpu.memory_space<vmem>>
        %dma_start3A_392 = tpu.memref_squeeze %dma_start3A_391 : memref<1x128xi32, #tpu.memory_space<vmem>> -> memref<128xi32, #tpu.memory_space<vmem>>
        %dma_start3A_393 = arith.constant 0 : i32
        %dma_start3A_394 = arith.constant 0 : i32
        %dma_start3A_395 = tpu.memref_slice %arg2[%dma_start3A_393, %dma_start3A_394] : memref<10240x16xf32, #tpu.memory_space<hbm>> -> memref<10240x16xf32, #tpu.memory_space<hbm>>
        tpu.enqueue_indirect_dma source(%dma_start3A_395 : memref<10240x16xf32, #tpu.memory_space<hbm>>) target(%arg8 : memref<128x16xf32, #tpu.memory_space<vmem>>) offsets(%dma_start3A_392 : memref<128xi32, #tpu.memory_space<vmem>>) semaphore(%arg16 : memref<!tpu.dma_semaphore, #tpu.memory_space<semaphore_mem>>)
        %add3A_396 = arith.constant 2 : i32
        %add3A_397 = arith.addi %add3A_379, %add3A_396 : i32
        %dma_start3A_398 = arith.constant 0 : i32
        %dma_start3A_399 = tpu.memref_slice %arg5[%add3A_397, %dma_start3A_398] : memref<144x128xi32, #tpu.memory_space<vmem>> -> memref<1x128xi32, #tpu.memory_space<vmem>>
        %dma_start3A_400 = tpu.memref_squeeze %dma_start3A_399 : memref<1x128xi32, #tpu.memory_space<vmem>> -> memref<128xi32, #tpu.memory_space<vmem>>
        %dma_start3A_401 = arith.constant 0 : i32
        %dma_start3A_402 = arith.constant 0 : i32
        %dma_start3A_403 = tpu.memref_slice %arg2[%dma_start3A_401, %dma_start3A_402] : memref<10240x16xf32, #tpu.memory_space<hbm>> -> memref<10240x16xf32, #tpu.memory_space<hbm>>
        tpu.enqueue_indirect_dma source(%dma_start3A_403 : memref<10240x16xf32, #tpu.memory_space<hbm>>) target(%arg9 : memref<128x16xf32, #tpu.memory_space<vmem>>) offsets(%dma_start3A_400 : memref<128xi32, #tpu.memory_space<vmem>>) semaphore(%arg16 : memref<!tpu.dma_semaphore, #tpu.memory_space<semaphore_mem>>)
        %add3A_404 = arith.constant 3 : i32
        %add3A_405 = arith.addi %add3A_379, %add3A_404 : i32
        %dma_start3A_406 = arith.constant 0 : i32
        %dma_start3A_407 = tpu.memref_slice %arg5[%add3A_405, %dma_start3A_406] : memref<144x128xi32, #tpu.memory_space<vmem>> -> memref<1x128xi32, #tpu.memory_space<vmem>>
        %dma_start3A_408 = tpu.memref_squeeze %dma_start3A_407 : memref<1x128xi32, #tpu.memory_space<vmem>> -> memref<128xi32, #tpu.memory_space<vmem>>
        %dma_start3A_409 = arith.constant 0 : i32
        %dma_start3A_410 = arith.constant 0 : i32
        %dma_start3A_411 = tpu.memref_slice %arg2[%dma_start3A_409, %dma_start3A_410] : memref<10240x16xf32, #tpu.memory_space<hbm>> -> memref<10240x16xf32, #tpu.memory_space<hbm>>
        tpu.enqueue_indirect_dma source(%dma_start3A_411 : memref<10240x16xf32, #tpu.memory_space<hbm>>) target(%arg10 : memref<128x16xf32, #tpu.memory_space<vmem>>) offsets(%dma_start3A_408 : memref<128xi32, #tpu.memory_space<vmem>>) semaphore(%arg16 : memref<!tpu.dma_semaphore, #tpu.memory_space<semaphore_mem>>)
        %dma_wait3A_412 = arith.constant 0 : i32
        %dma_wait3A_413 = arith.constant 0 : i32
        %dma_wait3A_414 = tpu.memref_slice %arg5[%dma_wait3A_412, %dma_wait3A_413] : memref<144x128xi32, #tpu.memory_space<vmem>> -> memref<1x128xi32, #tpu.memory_space<vmem>>
        %dma_wait3A_415 = tpu.memref_squeeze %dma_wait3A_414 : memref<1x128xi32, #tpu.memory_space<vmem>> -> memref<128xi32, #tpu.memory_space<vmem>>
        %dma_wait3A_416 = arith.constant 0 : i32
        %dma_wait3A_417 = arith.constant 0 : i32
        %dma_wait3A_418 = tpu.memref_slice %arg2[%dma_wait3A_416, %dma_wait3A_417] : memref<10240x16xf32, #tpu.memory_space<hbm>> -> memref<10240x16xf32, #tpu.memory_space<hbm>>
        tpu.wait_indirect_dma semaphore(%arg17 : memref<!tpu.dma_semaphore, #tpu.memory_space<semaphore_mem>>) src(%dma_wait3A_418 : memref<10240x16xf32, #tpu.memory_space<hbm>>) dst(%arg11 : memref<128x16xf32, #tpu.memory_space<vmem>>)
        %dma_wait3A_419 = arith.constant 0 : i32
        %dma_wait3A_420 = arith.constant 0 : i32
        %dma_wait3A_421 = tpu.memref_slice %arg5[%dma_wait3A_419, %dma_wait3A_420] : memref<144x128xi32, #tpu.memory_space<vmem>> -> memref<1x128xi32, #tpu.memory_space<vmem>>
        %dma_wait3A_422 = tpu.memref_squeeze %dma_wait3A_421 : memref<1x128xi32, #tpu.memory_space<vmem>> -> memref<128xi32, #tpu.memory_space<vmem>>
        %dma_wait3A_423 = arith.constant 0 : i32
        %dma_wait3A_424 = arith.constant 0 : i32
        %dma_wait3A_425 = tpu.memref_slice %arg2[%dma_wait3A_423, %dma_wait3A_424] : memref<10240x16xf32, #tpu.memory_space<hbm>> -> memref<10240x16xf32, #tpu.memory_space<hbm>>
        tpu.wait_indirect_dma semaphore(%arg17 : memref<!tpu.dma_semaphore, #tpu.memory_space<semaphore_mem>>) src(%dma_wait3A_425 : memref<10240x16xf32, #tpu.memory_space<hbm>>) dst(%arg12 : memref<128x16xf32, #tpu.memory_space<vmem>>)
        %dma_wait3A_426 = arith.constant 0 : i32
        %dma_wait3A_427 = arith.constant 0 : i32
        %dma_wait3A_428 = tpu.memref_slice %arg5[%dma_wait3A_426, %dma_wait3A_427] : memref<144x128xi32, #tpu.memory_space<vmem>> -> memref<1x128xi32, #tpu.memory_space<vmem>>
        %dma_wait3A_429 = tpu.memref_squeeze %dma_wait3A_428 : memref<1x128xi32, #tpu.memory_space<vmem>> -> memref<128xi32, #tpu.memory_space<vmem>>
        %dma_wait3A_430 = arith.constant 0 : i32
        %dma_wait3A_431 = arith.constant 0 : i32
        %dma_wait3A_432 = tpu.memref_slice %arg2[%dma_wait3A_430, %dma_wait3A_431] : memref<10240x16xf32, #tpu.memory_space<hbm>> -> memref<10240x16xf32, #tpu.memory_space<hbm>>
        tpu.wait_indirect_dma semaphore(%arg17 : memref<!tpu.dma_semaphore, #tpu.memory_space<semaphore_mem>>) src(%dma_wait3A_432 : memref<10240x16xf32, #tpu.memory_space<hbm>>) dst(%arg13 : memref<128x16xf32, #tpu.memory_space<vmem>>)
        %dma_wait3A_433 = arith.constant 0 : i32
        %dma_wait3A_434 = arith.constant 0 : i32
        %dma_wait3A_435 = tpu.memref_slice %arg5[%dma_wait3A_433, %dma_wait3A_434] : memref<144x128xi32, #tpu.memory_space<vmem>> -> memref<1x128xi32, #tpu.memory_space<vmem>>
        %dma_wait3A_436 = tpu.memref_squeeze %dma_wait3A_435 : memref<1x128xi32, #tpu.memory_space<vmem>> -> memref<128xi32, #tpu.memory_space<vmem>>
        %dma_wait3A_437 = arith.constant 0 : i32
        %dma_wait3A_438 = arith.constant 0 : i32
        %dma_wait3A_439 = tpu.memref_slice %arg2[%dma_wait3A_437, %dma_wait3A_438] : memref<10240x16xf32, #tpu.memory_space<hbm>> -> memref<10240x16xf32, #tpu.memory_space<hbm>>
        tpu.wait_indirect_dma semaphore(%arg17 : memref<!tpu.dma_semaphore, #tpu.memory_space<semaphore_mem>>) src(%dma_wait3A_439 : memref<10240x16xf32, #tpu.memory_space<hbm>>) dst(%arg14 : memref<128x16xf32, #tpu.memory_space<vmem>>)
        %add3A_440 = arith.constant 4 : i32
        %add3A_441 = arith.addi %add3A_255, %add3A_440 : i32
        %add3A_442 = arith.constant 0 : i32
        %add3A_443 = arith.addi %add3A_441, %add3A_442 : i32
        %dma_start3A_444 = arith.constant 0 : i32
        %dma_start3A_445 = tpu.memref_slice %arg6[%add3A_443, %dma_start3A_444] : memref<144x128xi32, #tpu.memory_space<vmem>> -> memref<1x128xi32, #tpu.memory_space<vmem>>
        %dma_start3A_446 = tpu.memref_squeeze %dma_start3A_445 : memref<1x128xi32, #tpu.memory_space<vmem>> -> memref<128xi32, #tpu.memory_space<vmem>>
        %dma_start3A_447 = arith.constant 0 : i32
        %dma_start3A_448 = arith.constant 0 : i32
        %dma_start3A_449 = tpu.memref_slice %arg15[%dma_start3A_447, %dma_start3A_448] : memref<10240x16xf32, #tpu.memory_space<vmem_shared>> -> memref<10240x16xf32, #tpu.memory_space<vmem_shared>>
        tpu.enqueue_indirect_dma source(%arg11 : memref<128x16xf32, #tpu.memory_space<vmem>>) target(%dma_start3A_449 : memref<10240x16xf32, #tpu.memory_space<vmem_shared>>) offsets(%dma_start3A_446 : memref<128xi32, #tpu.memory_space<vmem>>) semaphore(%arg19 : memref<!tpu.dma_semaphore, #tpu.memory_space<semaphore_mem>>) {add = true}
        %add3A_450 = arith.constant 1 : i32
        %add3A_451 = arith.addi %add3A_441, %add3A_450 : i32
        %dma_start3A_452 = arith.constant 0 : i32
        %dma_start3A_453 = tpu.memref_slice %arg6[%add3A_451, %dma_start3A_452] : memref<144x128xi32, #tpu.memory_space<vmem>> -> memref<1x128xi32, #tpu.memory_space<vmem>>
        %dma_start3A_454 = tpu.memref_squeeze %dma_start3A_453 : memref<1x128xi32, #tpu.memory_space<vmem>> -> memref<128xi32, #tpu.memory_space<vmem>>
        %dma_start3A_455 = arith.constant 0 : i32
        %dma_start3A_456 = arith.constant 0 : i32
        %dma_start3A_457 = tpu.memref_slice %arg15[%dma_start3A_455, %dma_start3A_456] : memref<10240x16xf32, #tpu.memory_space<vmem_shared>> -> memref<10240x16xf32, #tpu.memory_space<vmem_shared>>
        tpu.enqueue_indirect_dma source(%arg12 : memref<128x16xf32, #tpu.memory_space<vmem>>) target(%dma_start3A_457 : memref<10240x16xf32, #tpu.memory_space<vmem_shared>>) offsets(%dma_start3A_454 : memref<128xi32, #tpu.memory_space<vmem>>) semaphore(%arg19 : memref<!tpu.dma_semaphore, #tpu.memory_space<semaphore_mem>>) {add = true}
        %add3A_458 = arith.constant 2 : i32
        %add3A_459 = arith.addi %add3A_441, %add3A_458 : i32
        %dma_start3A_460 = arith.constant 0 : i32
        %dma_start3A_461 = tpu.memref_slice %arg6[%add3A_459, %dma_start3A_460] : memref<144x128xi32, #tpu.memory_space<vmem>> -> memref<1x128xi32, #tpu.memory_space<vmem>>
        %dma_start3A_462 = tpu.memref_squeeze %dma_start3A_461 : memref<1x128xi32, #tpu.memory_space<vmem>> -> memref<128xi32, #tpu.memory_space<vmem>>
        %dma_start3A_463 = arith.constant 0 : i32
        %dma_start3A_464 = arith.constant 0 : i32
        %dma_start3A_465 = tpu.memref_slice %arg15[%dma_start3A_463, %dma_start3A_464] : memref<10240x16xf32, #tpu.memory_space<vmem_shared>> -> memref<10240x16xf32, #tpu.memory_space<vmem_shared>>
        tpu.enqueue_indirect_dma source(%arg13 : memref<128x16xf32, #tpu.memory_space<vmem>>) target(%dma_start3A_465 : memref<10240x16xf32, #tpu.memory_space<vmem_shared>>) offsets(%dma_start3A_462 : memref<128xi32, #tpu.memory_space<vmem>>) semaphore(%arg19 : memref<!tpu.dma_semaphore, #tpu.memory_space<semaphore_mem>>) {add = true}
        %add3A_466 = arith.constant 3 : i32
        %add3A_467 = arith.addi %add3A_441, %add3A_466 : i32
        %dma_start3A_468 = arith.constant 0 : i32
        %dma_start3A_469 = tpu.memref_slice %arg6[%add3A_467, %dma_start3A_468] : memref<144x128xi32, #tpu.memory_space<vmem>> -> memref<1x128xi32, #tpu.memory_space<vmem>>
        %dma_start3A_470 = tpu.memref_squeeze %dma_start3A_469 : memref<1x128xi32, #tpu.memory_space<vmem>> -> memref<128xi32, #tpu.memory_space<vmem>>
        %dma_start3A_471 = arith.constant 0 : i32
        %dma_start3A_472 = arith.constant 0 : i32
        %dma_start3A_473 = tpu.memref_slice %arg15[%dma_start3A_471, %dma_start3A_472] : memref<10240x16xf32, #tpu.memory_space<vmem_shared>> -> memref<10240x16xf32, #tpu.memory_space<vmem_shared>>
        tpu.enqueue_indirect_dma source(%arg14 : memref<128x16xf32, #tpu.memory_space<vmem>>) target(%dma_start3A_473 : memref<10240x16xf32, #tpu.memory_space<vmem_shared>>) offsets(%dma_start3A_470 : memref<128xi32, #tpu.memory_space<vmem>>) semaphore(%arg19 : memref<!tpu.dma_semaphore, #tpu.memory_space<semaphore_mem>>) {add = true}
        %dma_wait3A_474 = arith.constant 0 : i32
        %dma_wait3A_475 = arith.constant 0 : i32
        %dma_wait3A_476 = tpu.memref_slice %arg6[%dma_wait3A_474, %dma_wait3A_475] : memref<144x128xi32, #tpu.memory_space<vmem>> -> memref<1x128xi32, #tpu.memory_space<vmem>>
        %dma_wait3A_477 = tpu.memref_squeeze %dma_wait3A_476 : memref<1x128xi32, #tpu.memory_space<vmem>> -> memref<128xi32, #tpu.memory_space<vmem>>
        %dma_wait3A_478 = arith.constant 0 : i32
        %dma_wait3A_479 = arith.constant 0 : i32
        %dma_wait3A_480 = tpu.memref_slice %arg15[%dma_wait3A_478, %dma_wait3A_479] : memref<10240x16xf32, #tpu.memory_space<vmem_shared>> -> memref<10240x16xf32, #tpu.memory_space<vmem_shared>>
        tpu.wait_indirect_dma semaphore(%arg19 : memref<!tpu.dma_semaphore, #tpu.memory_space<semaphore_mem>>) src(%arg11 : memref<128x16xf32, #tpu.memory_space<vmem>>) dst(%dma_wait3A_480 : memref<10240x16xf32, #tpu.memory_space<vmem_shared>>)
        %dma_wait3A_481 = arith.constant 0 : i32
        %dma_wait3A_482 = arith.constant 0 : i32
        %dma_wait3A_483 = tpu.memref_slice %arg6[%dma_wait3A_481, %dma_wait3A_482] : memref<144x128xi32, #tpu.memory_space<vmem>> -> memref<1x128xi32, #tpu.memory_space<vmem>>
        %dma_wait3A_484 = tpu.memref_squeeze %dma_wait3A_483 : memref<1x128xi32, #tpu.memory_space<vmem>> -> memref<128xi32, #tpu.memory_space<vmem>>
        %dma_wait3A_485 = arith.constant 0 : i32
        %dma_wait3A_486 = arith.constant 0 : i32
        %dma_wait3A_487 = tpu.memref_slice %arg15[%dma_wait3A_485, %dma_wait3A_486] : memref<10240x16xf32, #tpu.memory_space<vmem_shared>> -> memref<10240x16xf32, #tpu.memory_space<vmem_shared>>
        tpu.wait_indirect_dma semaphore(%arg19 : memref<!tpu.dma_semaphore, #tpu.memory_space<semaphore_mem>>) src(%arg12 : memref<128x16xf32, #tpu.memory_space<vmem>>) dst(%dma_wait3A_487 : memref<10240x16xf32, #tpu.memory_space<vmem_shared>>)
        %dma_wait3A_488 = arith.constant 0 : i32
        %dma_wait3A_489 = arith.constant 0 : i32
        %dma_wait3A_490 = tpu.memref_slice %arg6[%dma_wait3A_488, %dma_wait3A_489] : memref<144x128xi32, #tpu.memory_space<vmem>> -> memref<1x128xi32, #tpu.memory_space<vmem>>
        %dma_wait3A_491 = tpu.memref_squeeze %dma_wait3A_490 : memref<1x128xi32, #tpu.memory_space<vmem>> -> memref<128xi32, #tpu.memory_space<vmem>>
        %dma_wait3A_492 = arith.constant 0 : i32
        %dma_wait3A_493 = arith.constant 0 : i32
        %dma_wait3A_494 = tpu.memref_slice %arg15[%dma_wait3A_492, %dma_wait3A_493] : memref<10240x16xf32, #tpu.memory_space<vmem_shared>> -> memref<10240x16xf32, #tpu.memory_space<vmem_shared>>
        tpu.wait_indirect_dma semaphore(%arg19 : memref<!tpu.dma_semaphore, #tpu.memory_space<semaphore_mem>>) src(%arg13 : memref<128x16xf32, #tpu.memory_space<vmem>>) dst(%dma_wait3A_494 : memref<10240x16xf32, #tpu.memory_space<vmem_shared>>)
        %dma_wait3A_495 = arith.constant 0 : i32
        %dma_wait3A_496 = arith.constant 0 : i32
        %dma_wait3A_497 = tpu.memref_slice %arg6[%dma_wait3A_495, %dma_wait3A_496] : memref<144x128xi32, #tpu.memory_space<vmem>> -> memref<1x128xi32, #tpu.memory_space<vmem>>
        %dma_wait3A_498 = tpu.memref_squeeze %dma_wait3A_497 : memref<1x128xi32, #tpu.memory_space<vmem>> -> memref<128xi32, #tpu.memory_space<vmem>>
        %dma_wait3A_499 = arith.constant 0 : i32
        %dma_wait3A_500 = arith.constant 0 : i32
        %dma_wait3A_501 = tpu.memref_slice %arg15[%dma_wait3A_499, %dma_wait3A_500] : memref<10240x16xf32, #tpu.memory_space<vmem_shared>> -> memref<10240x16xf32, #tpu.memory_space<vmem_shared>>
        tpu.wait_indirect_dma semaphore(%arg19 : memref<!tpu.dma_semaphore, #tpu.memory_space<semaphore_mem>>) src(%arg14 : memref<128x16xf32, #tpu.memory_space<vmem>>) dst(%dma_wait3A_501 : memref<10240x16xf32, #tpu.memory_space<vmem_shared>>)
      }
      %scan3A_55 = arith.constant 17 : i32
      %dma_start3A_56 = arith.constant 140 : i32
      %dma_start3A_57 = arith.constant 0 : i32
      %dma_start3A_58 = tpu.memref_slice %arg5[%dma_start3A_56, %dma_start3A_57] : memref<144x128xi32, #tpu.memory_space<vmem>> -> memref<1x128xi32, #tpu.memory_space<vmem>>
      %dma_start3A_59 = tpu.memref_squeeze %dma_start3A_58 : memref<1x128xi32, #tpu.memory_space<vmem>> -> memref<128xi32, #tpu.memory_space<vmem>>
      %dma_start3A_60 = arith.constant 0 : i32
      %dma_start3A_61 = arith.constant 0 : i32
      %dma_start3A_62 = tpu.memref_slice %arg2[%dma_start3A_60, %dma_start3A_61] : memref<10240x16xf32, #tpu.memory_space<hbm>> -> memref<10240x16xf32, #tpu.memory_space<hbm>>
      tpu.enqueue_indirect_dma source(%dma_start3A_62 : memref<10240x16xf32, #tpu.memory_space<hbm>>) target(%arg11 : memref<128x16xf32, #tpu.memory_space<vmem>>) offsets(%dma_start3A_59 : memref<128xi32, #tpu.memory_space<vmem>>) semaphore(%arg17 : memref<!tpu.dma_semaphore, #tpu.memory_space<semaphore_mem>>)
      %dma_start3A_63 = arith.constant 141 : i32
      %dma_start3A_64 = arith.constant 0 : i32
      %dma_start3A_65 = tpu.memref_slice %arg5[%dma_start3A_63, %dma_start3A_64] : memref<144x128xi32, #tpu.memory_space<vmem>> -> memref<1x128xi32, #tpu.memory_space<vmem>>
      %dma_start3A_66 = tpu.memref_squeeze %dma_start3A_65 : memref<1x128xi32, #tpu.memory_space<vmem>> -> memref<128xi32, #tpu.memory_space<vmem>>
      %dma_start3A_67 = arith.constant 0 : i32
      %dma_start3A_68 = arith.constant 0 : i32
      %dma_start3A_69 = tpu.memref_slice %arg2[%dma_start3A_67, %dma_start3A_68] : memref<10240x16xf32, #tpu.memory_space<hbm>> -> memref<10240x16xf32, #tpu.memory_space<hbm>>
      tpu.enqueue_indirect_dma source(%dma_start3A_69 : memref<10240x16xf32, #tpu.memory_space<hbm>>) target(%arg12 : memref<128x16xf32, #tpu.memory_space<vmem>>) offsets(%dma_start3A_66 : memref<128xi32, #tpu.memory_space<vmem>>) semaphore(%arg17 : memref<!tpu.dma_semaphore, #tpu.memory_space<semaphore_mem>>)
      %dma_start3A_70 = arith.constant 142 : i32
      %dma_start3A_71 = arith.constant 0 : i32
      %dma_start3A_72 = tpu.memref_slice %arg5[%dma_start3A_70, %dma_start3A_71] : memref<144x128xi32, #tpu.memory_space<vmem>> -> memref<1x128xi32, #tpu.memory_space<vmem>>
      %dma_start3A_73 = tpu.memref_squeeze %dma_start3A_72 : memref<1x128xi32, #tpu.memory_space<vmem>> -> memref<128xi32, #tpu.memory_space<vmem>>
      %dma_start3A_74 = arith.constant 0 : i32
      %dma_start3A_75 = arith.constant 0 : i32
      %dma_start3A_76 = tpu.memref_slice %arg2[%dma_start3A_74, %dma_start3A_75] : memref<10240x16xf32, #tpu.memory_space<hbm>> -> memref<10240x16xf32, #tpu.memory_space<hbm>>
      tpu.enqueue_indirect_dma source(%dma_start3A_76 : memref<10240x16xf32, #tpu.memory_space<hbm>>) target(%arg13 : memref<128x16xf32, #tpu.memory_space<vmem>>) offsets(%dma_start3A_73 : memref<128xi32, #tpu.memory_space<vmem>>) semaphore(%arg17 : memref<!tpu.dma_semaphore, #tpu.memory_space<semaphore_mem>>)
      %dma_start3A_77 = arith.constant 143 : i32
      %dma_start3A_78 = arith.constant 0 : i32
      %dma_start3A_79 = tpu.memref_slice %arg5[%dma_start3A_77, %dma_start3A_78] : memref<144x128xi32, #tpu.memory_space<vmem>> -> memref<1x128xi32, #tpu.memory_space<vmem>>
      %dma_start3A_80 = tpu.memref_squeeze %dma_start3A_79 : memref<1x128xi32, #tpu.memory_space<vmem>> -> memref<128xi32, #tpu.memory_space<vmem>>
      %dma_start3A_81 = arith.constant 0 : i32
      %dma_start3A_82 = arith.constant 0 : i32
      %dma_start3A_83 = tpu.memref_slice %arg2[%dma_start3A_81, %dma_start3A_82] : memref<10240x16xf32, #tpu.memory_space<hbm>> -> memref<10240x16xf32, #tpu.memory_space<hbm>>
      tpu.enqueue_indirect_dma source(%dma_start3A_83 : memref<10240x16xf32, #tpu.memory_space<hbm>>) target(%arg14 : memref<128x16xf32, #tpu.memory_space<vmem>>) offsets(%dma_start3A_80 : memref<128xi32, #tpu.memory_space<vmem>>) semaphore(%arg17 : memref<!tpu.dma_semaphore, #tpu.memory_space<semaphore_mem>>)
      %dma_wait3A = arith.constant 0 : i32
      %dma_wait3A_84 = arith.constant 0 : i32
      %dma_wait3A_85 = tpu.memref_slice %arg5[%dma_wait3A, %dma_wait3A_84] : memref<144x128xi32, #tpu.memory_space<vmem>> -> memref<1x128xi32, #tpu.memory_space<vmem>>
      %dma_wait3A_86 = tpu.memref_squeeze %dma_wait3A_85 : memref<1x128xi32, #tpu.memory_space<vmem>> -> memref<128xi32, #tpu.memory_space<vmem>>
      %dma_wait3A_87 = arith.constant 0 : i32
      %dma_wait3A_88 = arith.constant 0 : i32
      %dma_wait3A_89 = tpu.memref_slice %arg2[%dma_wait3A_87, %dma_wait3A_88] : memref<10240x16xf32, #tpu.memory_space<hbm>> -> memref<10240x16xf32, #tpu.memory_space<hbm>>
      tpu.wait_indirect_dma semaphore(%arg16 : memref<!tpu.dma_semaphore, #tpu.memory_space<semaphore_mem>>) src(%dma_wait3A_89 : memref<10240x16xf32, #tpu.memory_space<hbm>>) dst(%arg7 : memref<128x16xf32, #tpu.memory_space<vmem>>)
      %dma_wait3A_90 = arith.constant 0 : i32
      %dma_wait3A_91 = arith.constant 0 : i32
      %dma_wait3A_92 = tpu.memref_slice %arg5[%dma_wait3A_90, %dma_wait3A_91] : memref<144x128xi32, #tpu.memory_space<vmem>> -> memref<1x128xi32, #tpu.memory_space<vmem>>
      %dma_wait3A_93 = tpu.memref_squeeze %dma_wait3A_92 : memref<1x128xi32, #tpu.memory_space<vmem>> -> memref<128xi32, #tpu.memory_space<vmem>>
      %dma_wait3A_94 = arith.constant 0 : i32
      %dma_wait3A_95 = arith.constant 0 : i32
      %dma_wait3A_96 = tpu.memref_slice %arg2[%dma_wait3A_94, %dma_wait3A_95] : memref<10240x16xf32, #tpu.memory_space<hbm>> -> memref<10240x16xf32, #tpu.memory_space<hbm>>
      tpu.wait_indirect_dma semaphore(%arg16 : memref<!tpu.dma_semaphore, #tpu.memory_space<semaphore_mem>>) src(%dma_wait3A_96 : memref<10240x16xf32, #tpu.memory_space<hbm>>) dst(%arg8 : memref<128x16xf32, #tpu.memory_space<vmem>>)
      %dma_wait3A_97 = arith.constant 0 : i32
      %dma_wait3A_98 = arith.constant 0 : i32
      %dma_wait3A_99 = tpu.memref_slice %arg5[%dma_wait3A_97, %dma_wait3A_98] : memref<144x128xi32, #tpu.memory_space<vmem>> -> memref<1x128xi32, #tpu.memory_space<vmem>>
      %dma_wait3A_100 = tpu.memref_squeeze %dma_wait3A_99 : memref<1x128xi32, #tpu.memory_space<vmem>> -> memref<128xi32, #tpu.memory_space<vmem>>
      %dma_wait3A_101 = arith.constant 0 : i32
      %dma_wait3A_102 = arith.constant 0 : i32
      %dma_wait3A_103 = tpu.memref_slice %arg2[%dma_wait3A_101, %dma_wait3A_102] : memref<10240x16xf32, #tpu.memory_space<hbm>> -> memref<10240x16xf32, #tpu.memory_space<hbm>>
      tpu.wait_indirect_dma semaphore(%arg16 : memref<!tpu.dma_semaphore, #tpu.memory_space<semaphore_mem>>) src(%dma_wait3A_103 : memref<10240x16xf32, #tpu.memory_space<hbm>>) dst(%arg9 : memref<128x16xf32, #tpu.memory_space<vmem>>)
      %dma_wait3A_104 = arith.constant 0 : i32
      %dma_wait3A_105 = arith.constant 0 : i32
      %dma_wait3A_106 = tpu.memref_slice %arg5[%dma_wait3A_104, %dma_wait3A_105] : memref<144x128xi32, #tpu.memory_space<vmem>> -> memref<1x128xi32, #tpu.memory_space<vmem>>
      %dma_wait3A_107 = tpu.memref_squeeze %dma_wait3A_106 : memref<1x128xi32, #tpu.memory_space<vmem>> -> memref<128xi32, #tpu.memory_space<vmem>>
      %dma_wait3A_108 = arith.constant 0 : i32
      %dma_wait3A_109 = arith.constant 0 : i32
      %dma_wait3A_110 = tpu.memref_slice %arg2[%dma_wait3A_108, %dma_wait3A_109] : memref<10240x16xf32, #tpu.memory_space<hbm>> -> memref<10240x16xf32, #tpu.memory_space<hbm>>
      tpu.wait_indirect_dma semaphore(%arg16 : memref<!tpu.dma_semaphore, #tpu.memory_space<semaphore_mem>>) src(%dma_wait3A_110 : memref<10240x16xf32, #tpu.memory_space<hbm>>) dst(%arg10 : memref<128x16xf32, #tpu.memory_space<vmem>>)
      %dma_start3A_111 = arith.constant 136 : i32
      %dma_start3A_112 = arith.constant 0 : i32
      %dma_start3A_113 = tpu.memref_slice %arg6[%dma_start3A_111, %dma_start3A_112] : memref<144x128xi32, #tpu.memory_space<vmem>> -> memref<1x128xi32, #tpu.memory_space<vmem>>
      %dma_start3A_114 = tpu.memref_squeeze %dma_start3A_113 : memref<1x128xi32, #tpu.memory_space<vmem>> -> memref<128xi32, #tpu.memory_space<vmem>>
      %dma_start3A_115 = arith.constant 0 : i32
      %dma_start3A_116 = arith.constant 0 : i32
      %dma_start3A_117 = tpu.memref_slice %arg15[%dma_start3A_115, %dma_start3A_116] : memref<10240x16xf32, #tpu.memory_space<vmem_shared>> -> memref<10240x16xf32, #tpu.memory_space<vmem_shared>>
      tpu.enqueue_indirect_dma source(%arg7 : memref<128x16xf32, #tpu.memory_space<vmem>>) target(%dma_start3A_117 : memref<10240x16xf32, #tpu.memory_space<vmem_shared>>) offsets(%dma_start3A_114 : memref<128xi32, #tpu.memory_space<vmem>>) semaphore(%arg18 : memref<!tpu.dma_semaphore, #tpu.memory_space<semaphore_mem>>) {add = true}
      %dma_start3A_118 = arith.constant 137 : i32
      %dma_start3A_119 = arith.constant 0 : i32
      %dma_start3A_120 = tpu.memref_slice %arg6[%dma_start3A_118, %dma_start3A_119] : memref<144x128xi32, #tpu.memory_space<vmem>> -> memref<1x128xi32, #tpu.memory_space<vmem>>
      %dma_start3A_121 = tpu.memref_squeeze %dma_start3A_120 : memref<1x128xi32, #tpu.memory_space<vmem>> -> memref<128xi32, #tpu.memory_space<vmem>>
      %dma_start3A_122 = arith.constant 0 : i32
      %dma_start3A_123 = arith.constant 0 : i32
      %dma_start3A_124 = tpu.memref_slice %arg15[%dma_start3A_122, %dma_start3A_123] : memref<10240x16xf32, #tpu.memory_space<vmem_shared>> -> memref<10240x16xf32, #tpu.memory_space<vmem_shared>>
      tpu.enqueue_indirect_dma source(%arg8 : memref<128x16xf32, #tpu.memory_space<vmem>>) target(%dma_start3A_124 : memref<10240x16xf32, #tpu.memory_space<vmem_shared>>) offsets(%dma_start3A_121 : memref<128xi32, #tpu.memory_space<vmem>>) semaphore(%arg18 : memref<!tpu.dma_semaphore, #tpu.memory_space<semaphore_mem>>) {add = true}
      %dma_start3A_125 = arith.constant 138 : i32
      %dma_start3A_126 = arith.constant 0 : i32
      %dma_start3A_127 = tpu.memref_slice %arg6[%dma_start3A_125, %dma_start3A_126] : memref<144x128xi32, #tpu.memory_space<vmem>> -> memref<1x128xi32, #tpu.memory_space<vmem>>
      %dma_start3A_128 = tpu.memref_squeeze %dma_start3A_127 : memref<1x128xi32, #tpu.memory_space<vmem>> -> memref<128xi32, #tpu.memory_space<vmem>>
      %dma_start3A_129 = arith.constant 0 : i32
      %dma_start3A_130 = arith.constant 0 : i32
      %dma_start3A_131 = tpu.memref_slice %arg15[%dma_start3A_129, %dma_start3A_130] : memref<10240x16xf32, #tpu.memory_space<vmem_shared>> -> memref<10240x16xf32, #tpu.memory_space<vmem_shared>>
      tpu.enqueue_indirect_dma source(%arg9 : memref<128x16xf32, #tpu.memory_space<vmem>>) target(%dma_start3A_131 : memref<10240x16xf32, #tpu.memory_space<vmem_shared>>) offsets(%dma_start3A_128 : memref<128xi32, #tpu.memory_space<vmem>>) semaphore(%arg18 : memref<!tpu.dma_semaphore, #tpu.memory_space<semaphore_mem>>) {add = true}
      %dma_start3A_132 = arith.constant 139 : i32
      %dma_start3A_133 = arith.constant 0 : i32
      %dma_start3A_134 = tpu.memref_slice %arg6[%dma_start3A_132, %dma_start3A_133] : memref<144x128xi32, #tpu.memory_space<vmem>> -> memref<1x128xi32, #tpu.memory_space<vmem>>
      %dma_start3A_135 = tpu.memref_squeeze %dma_start3A_134 : memref<1x128xi32, #tpu.memory_space<vmem>> -> memref<128xi32, #tpu.memory_space<vmem>>
      %dma_start3A_136 = arith.constant 0 : i32
      %dma_start3A_137 = arith.constant 0 : i32
      %dma_start3A_138 = tpu.memref_slice %arg15[%dma_start3A_136, %dma_start3A_137] : memref<10240x16xf32, #tpu.memory_space<vmem_shared>> -> memref<10240x16xf32, #tpu.memory_space<vmem_shared>>
      tpu.enqueue_indirect_dma source(%arg10 : memref<128x16xf32, #tpu.memory_space<vmem>>) target(%dma_start3A_138 : memref<10240x16xf32, #tpu.memory_space<vmem_shared>>) offsets(%dma_start3A_135 : memref<128xi32, #tpu.memory_space<vmem>>) semaphore(%arg18 : memref<!tpu.dma_semaphore, #tpu.memory_space<semaphore_mem>>) {add = true}
      %dma_wait3A_139 = arith.constant 0 : i32
      %dma_wait3A_140 = arith.constant 0 : i32
      %dma_wait3A_141 = tpu.memref_slice %arg6[%dma_wait3A_139, %dma_wait3A_140] : memref<144x128xi32, #tpu.memory_space<vmem>> -> memref<1x128xi32, #tpu.memory_space<vmem>>
      %dma_wait3A_142 = tpu.memref_squeeze %dma_wait3A_141 : memref<1x128xi32, #tpu.memory_space<vmem>> -> memref<128xi32, #tpu.memory_space<vmem>>
      %dma_wait3A_143 = arith.constant 0 : i32
      %dma_wait3A_144 = arith.constant 0 : i32
      %dma_wait3A_145 = tpu.memref_slice %arg15[%dma_wait3A_143, %dma_wait3A_144] : memref<10240x16xf32, #tpu.memory_space<vmem_shared>> -> memref<10240x16xf32, #tpu.memory_space<vmem_shared>>
      tpu.wait_indirect_dma semaphore(%arg18 : memref<!tpu.dma_semaphore, #tpu.memory_space<semaphore_mem>>) src(%arg7 : memref<128x16xf32, #tpu.memory_space<vmem>>) dst(%dma_wait3A_145 : memref<10240x16xf32, #tpu.memory_space<vmem_shared>>)
      %dma_wait3A_146 = arith.constant 0 : i32
      %dma_wait3A_147 = arith.constant 0 : i32
      %dma_wait3A_148 = tpu.memref_slice %arg6[%dma_wait3A_146, %dma_wait3A_147] : memref<144x128xi32, #tpu.memory_space<vmem>> -> memref<1x128xi32, #tpu.memory_space<vmem>>
      %dma_wait3A_149 = tpu.memref_squeeze %dma_wait3A_148 : memref<1x128xi32, #tpu.memory_space<vmem>> -> memref<128xi32, #tpu.memory_space<vmem>>
      %dma_wait3A_150 = arith.constant 0 : i32
      %dma_wait3A_151 = arith.constant 0 : i32
      %dma_wait3A_152 = tpu.memref_slice %arg15[%dma_wait3A_150, %dma_wait3A_151] : memref<10240x16xf32, #tpu.memory_space<vmem_shared>> -> memref<10240x16xf32, #tpu.memory_space<vmem_shared>>
      tpu.wait_indirect_dma semaphore(%arg18 : memref<!tpu.dma_semaphore, #tpu.memory_space<semaphore_mem>>) src(%arg8 : memref<128x16xf32, #tpu.memory_space<vmem>>) dst(%dma_wait3A_152 : memref<10240x16xf32, #tpu.memory_space<vmem_shared>>)
      %dma_wait3A_153 = arith.constant 0 : i32
      %dma_wait3A_154 = arith.constant 0 : i32
      %dma_wait3A_155 = tpu.memref_slice %arg6[%dma_wait3A_153, %dma_wait3A_154] : memref<144x128xi32, #tpu.memory_space<vmem>> -> memref<1x128xi32, #tpu.memory_space<vmem>>
      %dma_wait3A_156 = tpu.memref_squeeze %dma_wait3A_155 : memref<1x128xi32, #tpu.memory_space<vmem>> -> memref<128xi32, #tpu.memory_space<vmem>>
      %dma_wait3A_157 = arith.constant 0 : i32
      %dma_wait3A_158 = arith.constant 0 : i32
      %dma_wait3A_159 = tpu.memref_slice %arg15[%dma_wait3A_157, %dma_wait3A_158] : memref<10240x16xf32, #tpu.memory_space<vmem_shared>> -> memref<10240x16xf32, #tpu.memory_space<vmem_shared>>
      tpu.wait_indirect_dma semaphore(%arg18 : memref<!tpu.dma_semaphore, #tpu.memory_space<semaphore_mem>>) src(%arg9 : memref<128x16xf32, #tpu.memory_space<vmem>>) dst(%dma_wait3A_159 : memref<10240x16xf32, #tpu.memory_space<vmem_shared>>)
      %dma_wait3A_160 = arith.constant 0 : i32
      %dma_wait3A_161 = arith.constant 0 : i32
      %dma_wait3A_162 = tpu.memref_slice %arg6[%dma_wait3A_160, %dma_wait3A_161] : memref<144x128xi32, #tpu.memory_space<vmem>> -> memref<1x128xi32, #tpu.memory_space<vmem>>
      %dma_wait3A_163 = tpu.memref_squeeze %dma_wait3A_162 : memref<1x128xi32, #tpu.memory_space<vmem>> -> memref<128xi32, #tpu.memory_space<vmem>>
      %dma_wait3A_164 = arith.constant 0 : i32
      %dma_wait3A_165 = arith.constant 0 : i32
      %dma_wait3A_166 = tpu.memref_slice %arg15[%dma_wait3A_164, %dma_wait3A_165] : memref<10240x16xf32, #tpu.memory_space<vmem_shared>> -> memref<10240x16xf32, #tpu.memory_space<vmem_shared>>
      tpu.wait_indirect_dma semaphore(%arg18 : memref<!tpu.dma_semaphore, #tpu.memory_space<semaphore_mem>>) src(%arg10 : memref<128x16xf32, #tpu.memory_space<vmem>>) dst(%dma_wait3A_166 : memref<10240x16xf32, #tpu.memory_space<vmem_shared>>)
      %dma_wait3A_167 = arith.constant 0 : i32
      %dma_wait3A_168 = arith.constant 0 : i32
      %dma_wait3A_169 = tpu.memref_slice %arg5[%dma_wait3A_167, %dma_wait3A_168] : memref<144x128xi32, #tpu.memory_space<vmem>> -> memref<1x128xi32, #tpu.memory_space<vmem>>
      %dma_wait3A_170 = tpu.memref_squeeze %dma_wait3A_169 : memref<1x128xi32, #tpu.memory_space<vmem>> -> memref<128xi32, #tpu.memory_space<vmem>>
      %dma_wait3A_171 = arith.constant 0 : i32
      %dma_wait3A_172 = arith.constant 0 : i32
      %dma_wait3A_173 = tpu.memref_slice %arg2[%dma_wait3A_171, %dma_wait3A_172] : memref<10240x16xf32, #tpu.memory_space<hbm>> -> memref<10240x16xf32, #tpu.memory_space<hbm>>
      tpu.wait_indirect_dma semaphore(%arg17 : memref<!tpu.dma_semaphore, #tpu.memory_space<semaphore_mem>>) src(%dma_wait3A_173 : memref<10240x16xf32, #tpu.memory_space<hbm>>) dst(%arg11 : memref<128x16xf32, #tpu.memory_space<vmem>>)
      %dma_wait3A_174 = arith.constant 0 : i32
      %dma_wait3A_175 = arith.constant 0 : i32
      %dma_wait3A_176 = tpu.memref_slice %arg5[%dma_wait3A_174, %dma_wait3A_175] : memref<144x128xi32, #tpu.memory_space<vmem>> -> memref<1x128xi32, #tpu.memory_space<vmem>>
      %dma_wait3A_177 = tpu.memref_squeeze %dma_wait3A_176 : memref<1x128xi32, #tpu.memory_space<vmem>> -> memref<128xi32, #tpu.memory_space<vmem>>
      %dma_wait3A_178 = arith.constant 0 : i32
      %dma_wait3A_179 = arith.constant 0 : i32
      %dma_wait3A_180 = tpu.memref_slice %arg2[%dma_wait3A_178, %dma_wait3A_179] : memref<10240x16xf32, #tpu.memory_space<hbm>> -> memref<10240x16xf32, #tpu.memory_space<hbm>>
      tpu.wait_indirect_dma semaphore(%arg17 : memref<!tpu.dma_semaphore, #tpu.memory_space<semaphore_mem>>) src(%dma_wait3A_180 : memref<10240x16xf32, #tpu.memory_space<hbm>>) dst(%arg12 : memref<128x16xf32, #tpu.memory_space<vmem>>)
      %dma_wait3A_181 = arith.constant 0 : i32
      %dma_wait3A_182 = arith.constant 0 : i32
      %dma_wait3A_183 = tpu.memref_slice %arg5[%dma_wait3A_181, %dma_wait3A_182] : memref<144x128xi32, #tpu.memory_space<vmem>> -> memref<1x128xi32, #tpu.memory_space<vmem>>
      %dma_wait3A_184 = tpu.memref_squeeze %dma_wait3A_183 : memref<1x128xi32, #tpu.memory_space<vmem>> -> memref<128xi32, #tpu.memory_space<vmem>>
      %dma_wait3A_185 = arith.constant 0 : i32
      %dma_wait3A_186 = arith.constant 0 : i32
      %dma_wait3A_187 = tpu.memref_slice %arg2[%dma_wait3A_185, %dma_wait3A_186] : memref<10240x16xf32, #tpu.memory_space<hbm>> -> memref<10240x16xf32, #tpu.memory_space<hbm>>
      tpu.wait_indirect_dma semaphore(%arg17 : memref<!tpu.dma_semaphore, #tpu.memory_space<semaphore_mem>>) src(%dma_wait3A_187 : memref<10240x16xf32, #tpu.memory_space<hbm>>) dst(%arg13 : memref<128x16xf32, #tpu.memory_space<vmem>>)
      %dma_wait3A_188 = arith.constant 0 : i32
      %dma_wait3A_189 = arith.constant 0 : i32
      %dma_wait3A_190 = tpu.memref_slice %arg5[%dma_wait3A_188, %dma_wait3A_189] : memref<144x128xi32, #tpu.memory_space<vmem>> -> memref<1x128xi32, #tpu.memory_space<vmem>>
      %dma_wait3A_191 = tpu.memref_squeeze %dma_wait3A_190 : memref<1x128xi32, #tpu.memory_space<vmem>> -> memref<128xi32, #tpu.memory_space<vmem>>
      %dma_wait3A_192 = arith.constant 0 : i32
      %dma_wait3A_193 = arith.constant 0 : i32
      %dma_wait3A_194 = tpu.memref_slice %arg2[%dma_wait3A_192, %dma_wait3A_193] : memref<10240x16xf32, #tpu.memory_space<hbm>> -> memref<10240x16xf32, #tpu.memory_space<hbm>>
      tpu.wait_indirect_dma semaphore(%arg17 : memref<!tpu.dma_semaphore, #tpu.memory_space<semaphore_mem>>) src(%dma_wait3A_194 : memref<10240x16xf32, #tpu.memory_space<hbm>>) dst(%arg14 : memref<128x16xf32, #tpu.memory_space<vmem>>)
      %dma_start3A_195 = arith.constant 140 : i32
      %dma_start3A_196 = arith.constant 0 : i32
      %dma_start3A_197 = tpu.memref_slice %arg6[%dma_start3A_195, %dma_start3A_196] : memref<144x128xi32, #tpu.memory_space<vmem>> -> memref<1x128xi32, #tpu.memory_space<vmem>>
      %dma_start3A_198 = tpu.memref_squeeze %dma_start3A_197 : memref<1x128xi32, #tpu.memory_space<vmem>> -> memref<128xi32, #tpu.memory_space<vmem>>
      %dma_start3A_199 = arith.constant 0 : i32
      %dma_start3A_200 = arith.constant 0 : i32
      %dma_start3A_201 = tpu.memref_slice %arg15[%dma_start3A_199, %dma_start3A_200] : memref<10240x16xf32, #tpu.memory_space<vmem_shared>> -> memref<10240x16xf32, #tpu.memory_space<vmem_shared>>
      tpu.enqueue_indirect_dma source(%arg11 : memref<128x16xf32, #tpu.memory_space<vmem>>) target(%dma_start3A_201 : memref<10240x16xf32, #tpu.memory_space<vmem_shared>>) offsets(%dma_start3A_198 : memref<128xi32, #tpu.memory_space<vmem>>) semaphore(%arg19 : memref<!tpu.dma_semaphore, #tpu.memory_space<semaphore_mem>>) {add = true}
      %dma_start3A_202 = arith.constant 141 : i32
      %dma_start3A_203 = arith.constant 0 : i32
      %dma_start3A_204 = tpu.memref_slice %arg6[%dma_start3A_202, %dma_start3A_203] : memref<144x128xi32, #tpu.memory_space<vmem>> -> memref<1x128xi32, #tpu.memory_space<vmem>>
      %dma_start3A_205 = tpu.memref_squeeze %dma_start3A_204 : memref<1x128xi32, #tpu.memory_space<vmem>> -> memref<128xi32, #tpu.memory_space<vmem>>
      %dma_start3A_206 = arith.constant 0 : i32
      %dma_start3A_207 = arith.constant 0 : i32
      %dma_start3A_208 = tpu.memref_slice %arg15[%dma_start3A_206, %dma_start3A_207] : memref<10240x16xf32, #tpu.memory_space<vmem_shared>> -> memref<10240x16xf32, #tpu.memory_space<vmem_shared>>
      tpu.enqueue_indirect_dma source(%arg12 : memref<128x16xf32, #tpu.memory_space<vmem>>) target(%dma_start3A_208 : memref<10240x16xf32, #tpu.memory_space<vmem_shared>>) offsets(%dma_start3A_205 : memref<128xi32, #tpu.memory_space<vmem>>) semaphore(%arg19 : memref<!tpu.dma_semaphore, #tpu.memory_space<semaphore_mem>>) {add = true}
      %dma_start3A_209 = arith.constant 142 : i32
      %dma_start3A_210 = arith.constant 0 : i32
      %dma_start3A_211 = tpu.memref_slice %arg6[%dma_start3A_209, %dma_start3A_210] : memref<144x128xi32, #tpu.memory_space<vmem>> -> memref<1x128xi32, #tpu.memory_space<vmem>>
      %dma_start3A_212 = tpu.memref_squeeze %dma_start3A_211 : memref<1x128xi32, #tpu.memory_space<vmem>> -> memref<128xi32, #tpu.memory_space<vmem>>
      %dma_start3A_213 = arith.constant 0 : i32
      %dma_start3A_214 = arith.constant 0 : i32
      %dma_start3A_215 = tpu.memref_slice %arg15[%dma_start3A_213, %dma_start3A_214] : memref<10240x16xf32, #tpu.memory_space<vmem_shared>> -> memref<10240x16xf32, #tpu.memory_space<vmem_shared>>
      tpu.enqueue_indirect_dma source(%arg13 : memref<128x16xf32, #tpu.memory_space<vmem>>) target(%dma_start3A_215 : memref<10240x16xf32, #tpu.memory_space<vmem_shared>>) offsets(%dma_start3A_212 : memref<128xi32, #tpu.memory_space<vmem>>) semaphore(%arg19 : memref<!tpu.dma_semaphore, #tpu.memory_space<semaphore_mem>>) {add = true}
      %dma_start3A_216 = arith.constant 143 : i32
      %dma_start3A_217 = arith.constant 0 : i32
      %dma_start3A_218 = tpu.memref_slice %arg6[%dma_start3A_216, %dma_start3A_217] : memref<144x128xi32, #tpu.memory_space<vmem>> -> memref<1x128xi32, #tpu.memory_space<vmem>>
      %dma_start3A_219 = tpu.memref_squeeze %dma_start3A_218 : memref<1x128xi32, #tpu.memory_space<vmem>> -> memref<128xi32, #tpu.memory_space<vmem>>
      %dma_start3A_220 = arith.constant 0 : i32
      %dma_start3A_221 = arith.constant 0 : i32
      %dma_start3A_222 = tpu.memref_slice %arg15[%dma_start3A_220, %dma_start3A_221] : memref<10240x16xf32, #tpu.memory_space<vmem_shared>> -> memref<10240x16xf32, #tpu.memory_space<vmem_shared>>
      tpu.enqueue_indirect_dma source(%arg14 : memref<128x16xf32, #tpu.memory_space<vmem>>) target(%dma_start3A_222 : memref<10240x16xf32, #tpu.memory_space<vmem_shared>>) offsets(%dma_start3A_219 : memref<128xi32, #tpu.memory_space<vmem>>) semaphore(%arg19 : memref<!tpu.dma_semaphore, #tpu.memory_space<semaphore_mem>>) {add = true}
      %dma_wait3A_223 = arith.constant 0 : i32
      %dma_wait3A_224 = arith.constant 0 : i32
      %dma_wait3A_225 = tpu.memref_slice %arg6[%dma_wait3A_223, %dma_wait3A_224] : memref<144x128xi32, #tpu.memory_space<vmem>> -> memref<1x128xi32, #tpu.memory_space<vmem>>
      %dma_wait3A_226 = tpu.memref_squeeze %dma_wait3A_225 : memref<1x128xi32, #tpu.memory_space<vmem>> -> memref<128xi32, #tpu.memory_space<vmem>>
      %dma_wait3A_227 = arith.constant 0 : i32
      %dma_wait3A_228 = arith.constant 0 : i32
      %dma_wait3A_229 = tpu.memref_slice %arg15[%dma_wait3A_227, %dma_wait3A_228] : memref<10240x16xf32, #tpu.memory_space<vmem_shared>> -> memref<10240x16xf32, #tpu.memory_space<vmem_shared>>
      tpu.wait_indirect_dma semaphore(%arg19 : memref<!tpu.dma_semaphore, #tpu.memory_space<semaphore_mem>>) src(%arg11 : memref<128x16xf32, #tpu.memory_space<vmem>>) dst(%dma_wait3A_229 : memref<10240x16xf32, #tpu.memory_space<vmem_shared>>)
      %dma_wait3A_230 = arith.constant 0 : i32
      %dma_wait3A_231 = arith.constant 0 : i32
      %dma_wait3A_232 = tpu.memref_slice %arg6[%dma_wait3A_230, %dma_wait3A_231] : memref<144x128xi32, #tpu.memory_space<vmem>> -> memref<1x128xi32, #tpu.memory_space<vmem>>
      %dma_wait3A_233 = tpu.memref_squeeze %dma_wait3A_232 : memref<1x128xi32, #tpu.memory_space<vmem>> -> memref<128xi32, #tpu.memory_space<vmem>>
      %dma_wait3A_234 = arith.constant 0 : i32
      %dma_wait3A_235 = arith.constant 0 : i32
      %dma_wait3A_236 = tpu.memref_slice %arg15[%dma_wait3A_234, %dma_wait3A_235] : memref<10240x16xf32, #tpu.memory_space<vmem_shared>> -> memref<10240x16xf32, #tpu.memory_space<vmem_shared>>
      tpu.wait_indirect_dma semaphore(%arg19 : memref<!tpu.dma_semaphore, #tpu.memory_space<semaphore_mem>>) src(%arg12 : memref<128x16xf32, #tpu.memory_space<vmem>>) dst(%dma_wait3A_236 : memref<10240x16xf32, #tpu.memory_space<vmem_shared>>)
      %dma_wait3A_237 = arith.constant 0 : i32
      %dma_wait3A_238 = arith.constant 0 : i32
      %dma_wait3A_239 = tpu.memref_slice %arg6[%dma_wait3A_237, %dma_wait3A_238] : memref<144x128xi32, #tpu.memory_space<vmem>> -> memref<1x128xi32, #tpu.memory_space<vmem>>
      %dma_wait3A_240 = tpu.memref_squeeze %dma_wait3A_239 : memref<1x128xi32, #tpu.memory_space<vmem>> -> memref<128xi32, #tpu.memory_space<vmem>>
      %dma_wait3A_241 = arith.constant 0 : i32
      %dma_wait3A_242 = arith.constant 0 : i32
      %dma_wait3A_243 = tpu.memref_slice %arg15[%dma_wait3A_241, %dma_wait3A_242] : memref<10240x16xf32, #tpu.memory_space<vmem_shared>> -> memref<10240x16xf32, #tpu.memory_space<vmem_shared>>
      tpu.wait_indirect_dma semaphore(%arg19 : memref<!tpu.dma_semaphore, #tpu.memory_space<semaphore_mem>>) src(%arg13 : memref<128x16xf32, #tpu.memory_space<vmem>>) dst(%dma_wait3A_243 : memref<10240x16xf32, #tpu.memory_space<vmem_shared>>)
      %dma_wait3A_244 = arith.constant 0 : i32
      %dma_wait3A_245 = arith.constant 0 : i32
      %dma_wait3A_246 = tpu.memref_slice %arg6[%dma_wait3A_244, %dma_wait3A_245] : memref<144x128xi32, #tpu.memory_space<vmem>> -> memref<1x128xi32, #tpu.memory_space<vmem>>
      %dma_wait3A_247 = tpu.memref_squeeze %dma_wait3A_246 : memref<1x128xi32, #tpu.memory_space<vmem>> -> memref<128xi32, #tpu.memory_space<vmem>>
      %dma_wait3A_248 = arith.constant 0 : i32
      %dma_wait3A_249 = arith.constant 0 : i32
      %dma_wait3A_250 = tpu.memref_slice %arg15[%dma_wait3A_248, %dma_wait3A_249] : memref<10240x16xf32, #tpu.memory_space<vmem_shared>> -> memref<10240x16xf32, #tpu.memory_space<vmem_shared>>
      tpu.wait_indirect_dma semaphore(%arg19 : memref<!tpu.dma_semaphore, #tpu.memory_space<semaphore_mem>>) src(%arg14 : memref<128x16xf32, #tpu.memory_space<vmem>>) dst(%dma_wait3A_250 : memref<10240x16xf32, #tpu.memory_space<vmem_shared>>)
    } else {
    }
    %ne3A = arith.constant 0 : i32
    %ne3A_16 = arith.cmpi ne, %arg0, %ne3A : i32
    %convert_element_type3A_17 = arith.extui %ne3A_16 : i1 to i32
    %cond3A_18 = arith.constant 0 : i32
    %cond3A_19 = arith.cmpi ne, %convert_element_type3A_17, %cond3A_18 : i32
    scf.if %cond3A_19 {
      %mul3A_20 = arith.constant 16 : i32
      %mul3A_21 = arith.muli %arg1, %mul3A_20 : i32
      %add3A_22 = arith.constant 2304 : i32
      %add3A_23 = arith.addi %add3A_22, %mul3A_21 : i32
      %run_scoped3A = arith.constant 0 : i32
      "tpu.region"() ({
        %run_scoped3A_500 = tpu.sem_alloc : memref<!tpu.dma_semaphore, #tpu.memory_space<semaphore_mem>>
        %dma_start3A_501 = arith.constant 0 : i32
        %dma_start3A_502 = arith.constant 0 : i32
        %dma_start3A_503 = tpu.memref_slice %arg5[%dma_start3A_501, %dma_start3A_502] : memref<144x128xi32, #tpu.memory_space<vmem>> -> memref<16x128xi32, #tpu.memory_space<vmem>>
        %dma_start3A_504 = arith.constant 0 : i32
        %dma_start3A_505 = tpu.memref_slice %arg3[%run_scoped3A, %add3A_23, %dma_start3A_504] : memref<2x2560x128xi32, #tpu.memory_space<hbm>> -> memref<1x16x128xi32, #tpu.memory_space<hbm>>
        %dma_start3A_506 = tpu.memref_squeeze %dma_start3A_505 : memref<1x16x128xi32, #tpu.memory_space<hbm>> -> memref<16x128xi32, #tpu.memory_space<hbm>>
        %dma_start3A_507 = arith.constant 0 : i32
        %dma_start3A_508 = arith.constant 0 : i32
        %dma_start3A_509 = tpu.memref_slice %arg5[%dma_start3A_507, %dma_start3A_508] : memref<144x128xi32, #tpu.memory_space<vmem>> -> memref<16x128xi32, #tpu.memory_space<vmem>>
        %dma_start3A_510 = arith.constant 0 : i32
        %dma_start3A_511 = tpu.memref_slice %arg3[%run_scoped3A, %add3A_23, %dma_start3A_510] : memref<2x2560x128xi32, #tpu.memory_space<hbm>> -> memref<1x16x128xi32, #tpu.memory_space<hbm>>
        %dma_start3A_512 = tpu.memref_squeeze %dma_start3A_511 : memref<1x16x128xi32, #tpu.memory_space<hbm>> -> memref<16x128xi32, #tpu.memory_space<hbm>>
        tpu.enqueue_dma source(%dma_start3A_512 : memref<16x128xi32, #tpu.memory_space<hbm>>) target(%dma_start3A_509 : memref<16x128xi32, #tpu.memory_space<vmem>>) target_semaphore(%run_scoped3A_500 : memref<!tpu.dma_semaphore, #tpu.memory_space<semaphore_mem>>)
        %dma_wait3A_513 = arith.constant 0 : i32
        %dma_wait3A_514 = arith.constant 0 : i32
        %dma_wait3A_515 = tpu.memref_slice %arg5[%dma_wait3A_513, %dma_wait3A_514] : memref<144x128xi32, #tpu.memory_space<vmem>> -> memref<16x128xi32, #tpu.memory_space<vmem>>
        %dma_wait3A_516 = arith.constant 0 : i32
        %dma_wait3A_517 = tpu.memref_slice %arg3[%run_scoped3A, %add3A_23, %dma_wait3A_516] : memref<2x2560x128xi32, #tpu.memory_space<hbm>> -> memref<1x16x128xi32, #tpu.memory_space<hbm>>
        %dma_wait3A_518 = tpu.memref_squeeze %dma_wait3A_517 : memref<1x16x128xi32, #tpu.memory_space<hbm>> -> memref<16x128xi32, #tpu.memory_space<hbm>>
        %dma_wait3A_519 = arith.constant 0 : i32
        %dma_wait3A_520 = arith.constant 0 : i32
        %dma_wait3A_521 = tpu.memref_slice %arg5[%dma_wait3A_519, %dma_wait3A_520] : memref<144x128xi32, #tpu.memory_space<vmem>> -> memref<16x128xi32, #tpu.memory_space<vmem>>
        %dma_wait3A_522 = arith.constant 0 : i32
        %dma_wait3A_523 = tpu.memref_slice %arg3[%run_scoped3A, %add3A_23, %dma_wait3A_522] : memref<2x2560x128xi32, #tpu.memory_space<hbm>> -> memref<1x16x128xi32, #tpu.memory_space<hbm>>
        %dma_wait3A_524 = tpu.memref_squeeze %dma_wait3A_523 : memref<1x16x128xi32, #tpu.memory_space<hbm>> -> memref<16x128xi32, #tpu.memory_space<hbm>>
        tpu.wait_dma2 semaphore(%run_scoped3A_500 : memref<!tpu.dma_semaphore, #tpu.memory_space<semaphore_mem>>) src(%dma_wait3A_524 : memref<16x128xi32, #tpu.memory_space<hbm>>) dst(%dma_wait3A_521 : memref<16x128xi32, #tpu.memory_space<vmem>>)
        tpu.yield
      }) : () -> ()
      %run_scoped3A_24 = arith.constant 1 : i32
      "tpu.region"() ({
        %run_scoped3A_500 = tpu.sem_alloc : memref<!tpu.dma_semaphore, #tpu.memory_space<semaphore_mem>>
        %dma_start3A_501 = arith.constant 0 : i32
        %dma_start3A_502 = arith.constant 0 : i32
        %dma_start3A_503 = tpu.memref_slice %arg6[%dma_start3A_501, %dma_start3A_502] : memref<144x128xi32, #tpu.memory_space<vmem>> -> memref<16x128xi32, #tpu.memory_space<vmem>>
        %dma_start3A_504 = arith.constant 0 : i32
        %dma_start3A_505 = tpu.memref_slice %arg3[%run_scoped3A_24, %add3A_23, %dma_start3A_504] : memref<2x2560x128xi32, #tpu.memory_space<hbm>> -> memref<1x16x128xi32, #tpu.memory_space<hbm>>
        %dma_start3A_506 = tpu.memref_squeeze %dma_start3A_505 : memref<1x16x128xi32, #tpu.memory_space<hbm>> -> memref<16x128xi32, #tpu.memory_space<hbm>>
        %dma_start3A_507 = arith.constant 0 : i32
        %dma_start3A_508 = arith.constant 0 : i32
        %dma_start3A_509 = tpu.memref_slice %arg6[%dma_start3A_507, %dma_start3A_508] : memref<144x128xi32, #tpu.memory_space<vmem>> -> memref<16x128xi32, #tpu.memory_space<vmem>>
        %dma_start3A_510 = arith.constant 0 : i32
        %dma_start3A_511 = tpu.memref_slice %arg3[%run_scoped3A_24, %add3A_23, %dma_start3A_510] : memref<2x2560x128xi32, #tpu.memory_space<hbm>> -> memref<1x16x128xi32, #tpu.memory_space<hbm>>
        %dma_start3A_512 = tpu.memref_squeeze %dma_start3A_511 : memref<1x16x128xi32, #tpu.memory_space<hbm>> -> memref<16x128xi32, #tpu.memory_space<hbm>>
        tpu.enqueue_dma source(%dma_start3A_512 : memref<16x128xi32, #tpu.memory_space<hbm>>) target(%dma_start3A_509 : memref<16x128xi32, #tpu.memory_space<vmem>>) target_semaphore(%run_scoped3A_500 : memref<!tpu.dma_semaphore, #tpu.memory_space<semaphore_mem>>)
        %dma_wait3A_513 = arith.constant 0 : i32
        %dma_wait3A_514 = arith.constant 0 : i32
        %dma_wait3A_515 = tpu.memref_slice %arg6[%dma_wait3A_513, %dma_wait3A_514] : memref<144x128xi32, #tpu.memory_space<vmem>> -> memref<16x128xi32, #tpu.memory_space<vmem>>
        %dma_wait3A_516 = arith.constant 0 : i32
        %dma_wait3A_517 = tpu.memref_slice %arg3[%run_scoped3A_24, %add3A_23, %dma_wait3A_516] : memref<2x2560x128xi32, #tpu.memory_space<hbm>> -> memref<1x16x128xi32, #tpu.memory_space<hbm>>
        %dma_wait3A_518 = tpu.memref_squeeze %dma_wait3A_517 : memref<1x16x128xi32, #tpu.memory_space<hbm>> -> memref<16x128xi32, #tpu.memory_space<hbm>>
        %dma_wait3A_519 = arith.constant 0 : i32
        %dma_wait3A_520 = arith.constant 0 : i32
        %dma_wait3A_521 = tpu.memref_slice %arg6[%dma_wait3A_519, %dma_wait3A_520] : memref<144x128xi32, #tpu.memory_space<vmem>> -> memref<16x128xi32, #tpu.memory_space<vmem>>
        %dma_wait3A_522 = arith.constant 0 : i32
        %dma_wait3A_523 = tpu.memref_slice %arg3[%run_scoped3A_24, %add3A_23, %dma_wait3A_522] : memref<2x2560x128xi32, #tpu.memory_space<hbm>> -> memref<1x16x128xi32, #tpu.memory_space<hbm>>
        %dma_wait3A_524 = tpu.memref_squeeze %dma_wait3A_523 : memref<1x16x128xi32, #tpu.memory_space<hbm>> -> memref<16x128xi32, #tpu.memory_space<hbm>>
        tpu.wait_dma2 semaphore(%run_scoped3A_500 : memref<!tpu.dma_semaphore, #tpu.memory_space<semaphore_mem>>) src(%dma_wait3A_524 : memref<16x128xi32, #tpu.memory_space<hbm>>) dst(%dma_wait3A_521 : memref<16x128xi32, #tpu.memory_space<vmem>>)
        tpu.yield
      }) : () -> ()
      %barrier3A_25 = arith.constant 0 : index
      tpu.barrier barrier_id(%barrier3A_25)
      %dma_start3A = arith.constant 0 : i32
      %dma_start3A_26 = arith.constant 0 : i32
      %dma_start3A_27 = tpu.memref_slice %arg5[%dma_start3A, %dma_start3A_26] : memref<144x128xi32, #tpu.memory_space<vmem>> -> memref<1x128xi32, #tpu.memory_space<vmem>>
      %dma_start3A_28 = tpu.memref_squeeze %dma_start3A_27 : memref<1x128xi32, #tpu.memory_space<vmem>> -> memref<128xi32, #tpu.memory_space<vmem>>
      %dma_start3A_29 = arith.constant 0 : i32
      %dma_start3A_30 = arith.constant 0 : i32
      %dma_start3A_31 = tpu.memref_slice %arg2[%dma_start3A_29, %dma_start3A_30] : memref<10240x16xf32, #tpu.memory_space<hbm>> -> memref<10240x16xf32, #tpu.memory_space<hbm>>
      tpu.enqueue_indirect_dma source(%dma_start3A_31 : memref<10240x16xf32, #tpu.memory_space<hbm>>) target(%arg7 : memref<128x16xf32, #tpu.memory_space<vmem>>) offsets(%dma_start3A_28 : memref<128xi32, #tpu.memory_space<vmem>>) semaphore(%arg16 : memref<!tpu.dma_semaphore, #tpu.memory_space<semaphore_mem>>)
      %dma_start3A_32 = arith.constant 1 : i32
      %dma_start3A_33 = arith.constant 0 : i32
      %dma_start3A_34 = tpu.memref_slice %arg5[%dma_start3A_32, %dma_start3A_33] : memref<144x128xi32, #tpu.memory_space<vmem>> -> memref<1x128xi32, #tpu.memory_space<vmem>>
      %dma_start3A_35 = tpu.memref_squeeze %dma_start3A_34 : memref<1x128xi32, #tpu.memory_space<vmem>> -> memref<128xi32, #tpu.memory_space<vmem>>
      %dma_start3A_36 = arith.constant 0 : i32
      %dma_start3A_37 = arith.constant 0 : i32
      %dma_start3A_38 = tpu.memref_slice %arg2[%dma_start3A_36, %dma_start3A_37] : memref<10240x16xf32, #tpu.memory_space<hbm>> -> memref<10240x16xf32, #tpu.memory_space<hbm>>
      tpu.enqueue_indirect_dma source(%dma_start3A_38 : memref<10240x16xf32, #tpu.memory_space<hbm>>) target(%arg8 : memref<128x16xf32, #tpu.memory_space<vmem>>) offsets(%dma_start3A_35 : memref<128xi32, #tpu.memory_space<vmem>>) semaphore(%arg16 : memref<!tpu.dma_semaphore, #tpu.memory_space<semaphore_mem>>)
      %dma_start3A_39 = arith.constant 2 : i32
      %dma_start3A_40 = arith.constant 0 : i32
      %dma_start3A_41 = tpu.memref_slice %arg5[%dma_start3A_39, %dma_start3A_40] : memref<144x128xi32, #tpu.memory_space<vmem>> -> memref<1x128xi32, #tpu.memory_space<vmem>>
      %dma_start3A_42 = tpu.memref_squeeze %dma_start3A_41 : memref<1x128xi32, #tpu.memory_space<vmem>> -> memref<128xi32, #tpu.memory_space<vmem>>
      %dma_start3A_43 = arith.constant 0 : i32
      %dma_start3A_44 = arith.constant 0 : i32
      %dma_start3A_45 = tpu.memref_slice %arg2[%dma_start3A_43, %dma_start3A_44] : memref<10240x16xf32, #tpu.memory_space<hbm>> -> memref<10240x16xf32, #tpu.memory_space<hbm>>
      tpu.enqueue_indirect_dma source(%dma_start3A_45 : memref<10240x16xf32, #tpu.memory_space<hbm>>) target(%arg9 : memref<128x16xf32, #tpu.memory_space<vmem>>) offsets(%dma_start3A_42 : memref<128xi32, #tpu.memory_space<vmem>>) semaphore(%arg16 : memref<!tpu.dma_semaphore, #tpu.memory_space<semaphore_mem>>)
      %dma_start3A_46 = arith.constant 3 : i32
      %dma_start3A_47 = arith.constant 0 : i32
      %dma_start3A_48 = tpu.memref_slice %arg5[%dma_start3A_46, %dma_start3A_47] : memref<144x128xi32, #tpu.memory_space<vmem>> -> memref<1x128xi32, #tpu.memory_space<vmem>>
      %dma_start3A_49 = tpu.memref_squeeze %dma_start3A_48 : memref<1x128xi32, #tpu.memory_space<vmem>> -> memref<128xi32, #tpu.memory_space<vmem>>
      %dma_start3A_50 = arith.constant 0 : i32
      %dma_start3A_51 = arith.constant 0 : i32
      %dma_start3A_52 = tpu.memref_slice %arg2[%dma_start3A_50, %dma_start3A_51] : memref<10240x16xf32, #tpu.memory_space<hbm>> -> memref<10240x16xf32, #tpu.memory_space<hbm>>
      tpu.enqueue_indirect_dma source(%dma_start3A_52 : memref<10240x16xf32, #tpu.memory_space<hbm>>) target(%arg10 : memref<128x16xf32, #tpu.memory_space<vmem>>) offsets(%dma_start3A_49 : memref<128xi32, #tpu.memory_space<vmem>>) semaphore(%arg16 : memref<!tpu.dma_semaphore, #tpu.memory_space<semaphore_mem>>)
      %scan3A_53 = arith.constant 0 : i32
      %mul3A_54 = arith.constant 8 : i32
      %mul3A_55 = arith.muli %scan3A_53, %mul3A_54 : i32
      %add3A_56 = arith.constant 0 : i32
      %add3A_57 = arith.addi %add3A_56, %mul3A_55 : i32
      %add3A_58 = arith.constant 4 : i32
      %add3A_59 = arith.addi %add3A_57, %add3A_58 : i32
      %add3A_60 = arith.constant 0 : i32
      %add3A_61 = arith.addi %add3A_59, %add3A_60 : i32
      %dma_start3A_62 = arith.constant 0 : i32
      %dma_start3A_63 = tpu.memref_slice %arg5[%add3A_61, %dma_start3A_62] : memref<144x128xi32, #tpu.memory_space<vmem>> -> memref<1x128xi32, #tpu.memory_space<vmem>>
      %dma_start3A_64 = tpu.memref_squeeze %dma_start3A_63 : memref<1x128xi32, #tpu.memory_space<vmem>> -> memref<128xi32, #tpu.memory_space<vmem>>
      %dma_start3A_65 = arith.constant 0 : i32
      %dma_start3A_66 = arith.constant 0 : i32
      %dma_start3A_67 = tpu.memref_slice %arg2[%dma_start3A_65, %dma_start3A_66] : memref<10240x16xf32, #tpu.memory_space<hbm>> -> memref<10240x16xf32, #tpu.memory_space<hbm>>
      tpu.enqueue_indirect_dma source(%dma_start3A_67 : memref<10240x16xf32, #tpu.memory_space<hbm>>) target(%arg11 : memref<128x16xf32, #tpu.memory_space<vmem>>) offsets(%dma_start3A_64 : memref<128xi32, #tpu.memory_space<vmem>>) semaphore(%arg17 : memref<!tpu.dma_semaphore, #tpu.memory_space<semaphore_mem>>)
      %add3A_68 = arith.constant 1 : i32
      %add3A_69 = arith.addi %add3A_59, %add3A_68 : i32
      %dma_start3A_70 = arith.constant 0 : i32
      %dma_start3A_71 = tpu.memref_slice %arg5[%add3A_69, %dma_start3A_70] : memref<144x128xi32, #tpu.memory_space<vmem>> -> memref<1x128xi32, #tpu.memory_space<vmem>>
      %dma_start3A_72 = tpu.memref_squeeze %dma_start3A_71 : memref<1x128xi32, #tpu.memory_space<vmem>> -> memref<128xi32, #tpu.memory_space<vmem>>
      %dma_start3A_73 = arith.constant 0 : i32
      %dma_start3A_74 = arith.constant 0 : i32
      %dma_start3A_75 = tpu.memref_slice %arg2[%dma_start3A_73, %dma_start3A_74] : memref<10240x16xf32, #tpu.memory_space<hbm>> -> memref<10240x16xf32, #tpu.memory_space<hbm>>
      tpu.enqueue_indirect_dma source(%dma_start3A_75 : memref<10240x16xf32, #tpu.memory_space<hbm>>) target(%arg12 : memref<128x16xf32, #tpu.memory_space<vmem>>) offsets(%dma_start3A_72 : memref<128xi32, #tpu.memory_space<vmem>>) semaphore(%arg17 : memref<!tpu.dma_semaphore, #tpu.memory_space<semaphore_mem>>)
      %add3A_76 = arith.constant 2 : i32
      %add3A_77 = arith.addi %add3A_59, %add3A_76 : i32
      %dma_start3A_78 = arith.constant 0 : i32
      %dma_start3A_79 = tpu.memref_slice %arg5[%add3A_77, %dma_start3A_78] : memref<144x128xi32, #tpu.memory_space<vmem>> -> memref<1x128xi32, #tpu.memory_space<vmem>>
      %dma_start3A_80 = tpu.memref_squeeze %dma_start3A_79 : memref<1x128xi32, #tpu.memory_space<vmem>> -> memref<128xi32, #tpu.memory_space<vmem>>
      %dma_start3A_81 = arith.constant 0 : i32
      %dma_start3A_82 = arith.constant 0 : i32
      %dma_start3A_83 = tpu.memref_slice %arg2[%dma_start3A_81, %dma_start3A_82] : memref<10240x16xf32, #tpu.memory_space<hbm>> -> memref<10240x16xf32, #tpu.memory_space<hbm>>
      tpu.enqueue_indirect_dma source(%dma_start3A_83 : memref<10240x16xf32, #tpu.memory_space<hbm>>) target(%arg13 : memref<128x16xf32, #tpu.memory_space<vmem>>) offsets(%dma_start3A_80 : memref<128xi32, #tpu.memory_space<vmem>>) semaphore(%arg17 : memref<!tpu.dma_semaphore, #tpu.memory_space<semaphore_mem>>)
      %add3A_84 = arith.constant 3 : i32
      %add3A_85 = arith.addi %add3A_59, %add3A_84 : i32
      %dma_start3A_86 = arith.constant 0 : i32
      %dma_start3A_87 = tpu.memref_slice %arg5[%add3A_85, %dma_start3A_86] : memref<144x128xi32, #tpu.memory_space<vmem>> -> memref<1x128xi32, #tpu.memory_space<vmem>>
      %dma_start3A_88 = tpu.memref_squeeze %dma_start3A_87 : memref<1x128xi32, #tpu.memory_space<vmem>> -> memref<128xi32, #tpu.memory_space<vmem>>
      %dma_start3A_89 = arith.constant 0 : i32
      %dma_start3A_90 = arith.constant 0 : i32
      %dma_start3A_91 = tpu.memref_slice %arg2[%dma_start3A_89, %dma_start3A_90] : memref<10240x16xf32, #tpu.memory_space<hbm>> -> memref<10240x16xf32, #tpu.memory_space<hbm>>
      tpu.enqueue_indirect_dma source(%dma_start3A_91 : memref<10240x16xf32, #tpu.memory_space<hbm>>) target(%arg14 : memref<128x16xf32, #tpu.memory_space<vmem>>) offsets(%dma_start3A_88 : memref<128xi32, #tpu.memory_space<vmem>>) semaphore(%arg17 : memref<!tpu.dma_semaphore, #tpu.memory_space<semaphore_mem>>)
      %dma_wait3A = arith.constant 0 : i32
      %dma_wait3A_92 = arith.constant 0 : i32
      %dma_wait3A_93 = tpu.memref_slice %arg5[%dma_wait3A, %dma_wait3A_92] : memref<144x128xi32, #tpu.memory_space<vmem>> -> memref<1x128xi32, #tpu.memory_space<vmem>>
      %dma_wait3A_94 = tpu.memref_squeeze %dma_wait3A_93 : memref<1x128xi32, #tpu.memory_space<vmem>> -> memref<128xi32, #tpu.memory_space<vmem>>
      %dma_wait3A_95 = arith.constant 0 : i32
      %dma_wait3A_96 = arith.constant 0 : i32
      %dma_wait3A_97 = tpu.memref_slice %arg2[%dma_wait3A_95, %dma_wait3A_96] : memref<10240x16xf32, #tpu.memory_space<hbm>> -> memref<10240x16xf32, #tpu.memory_space<hbm>>
      tpu.wait_indirect_dma semaphore(%arg16 : memref<!tpu.dma_semaphore, #tpu.memory_space<semaphore_mem>>) src(%dma_wait3A_97 : memref<10240x16xf32, #tpu.memory_space<hbm>>) dst(%arg7 : memref<128x16xf32, #tpu.memory_space<vmem>>)
      %dma_wait3A_98 = arith.constant 0 : i32
      %dma_wait3A_99 = arith.constant 0 : i32
      %dma_wait3A_100 = tpu.memref_slice %arg5[%dma_wait3A_98, %dma_wait3A_99] : memref<144x128xi32, #tpu.memory_space<vmem>> -> memref<1x128xi32, #tpu.memory_space<vmem>>
      %dma_wait3A_101 = tpu.memref_squeeze %dma_wait3A_100 : memref<1x128xi32, #tpu.memory_space<vmem>> -> memref<128xi32, #tpu.memory_space<vmem>>
      %dma_wait3A_102 = arith.constant 0 : i32
      %dma_wait3A_103 = arith.constant 0 : i32
      %dma_wait3A_104 = tpu.memref_slice %arg2[%dma_wait3A_102, %dma_wait3A_103] : memref<10240x16xf32, #tpu.memory_space<hbm>> -> memref<10240x16xf32, #tpu.memory_space<hbm>>
      tpu.wait_indirect_dma semaphore(%arg16 : memref<!tpu.dma_semaphore, #tpu.memory_space<semaphore_mem>>) src(%dma_wait3A_104 : memref<10240x16xf32, #tpu.memory_space<hbm>>) dst(%arg8 : memref<128x16xf32, #tpu.memory_space<vmem>>)
      %dma_wait3A_105 = arith.constant 0 : i32
      %dma_wait3A_106 = arith.constant 0 : i32
      %dma_wait3A_107 = tpu.memref_slice %arg5[%dma_wait3A_105, %dma_wait3A_106] : memref<144x128xi32, #tpu.memory_space<vmem>> -> memref<1x128xi32, #tpu.memory_space<vmem>>
      %dma_wait3A_108 = tpu.memref_squeeze %dma_wait3A_107 : memref<1x128xi32, #tpu.memory_space<vmem>> -> memref<128xi32, #tpu.memory_space<vmem>>
      %dma_wait3A_109 = arith.constant 0 : i32
      %dma_wait3A_110 = arith.constant 0 : i32
      %dma_wait3A_111 = tpu.memref_slice %arg2[%dma_wait3A_109, %dma_wait3A_110] : memref<10240x16xf32, #tpu.memory_space<hbm>> -> memref<10240x16xf32, #tpu.memory_space<hbm>>
      tpu.wait_indirect_dma semaphore(%arg16 : memref<!tpu.dma_semaphore, #tpu.memory_space<semaphore_mem>>) src(%dma_wait3A_111 : memref<10240x16xf32, #tpu.memory_space<hbm>>) dst(%arg9 : memref<128x16xf32, #tpu.memory_space<vmem>>)
      %dma_wait3A_112 = arith.constant 0 : i32
      %dma_wait3A_113 = arith.constant 0 : i32
      %dma_wait3A_114 = tpu.memref_slice %arg5[%dma_wait3A_112, %dma_wait3A_113] : memref<144x128xi32, #tpu.memory_space<vmem>> -> memref<1x128xi32, #tpu.memory_space<vmem>>
      %dma_wait3A_115 = tpu.memref_squeeze %dma_wait3A_114 : memref<1x128xi32, #tpu.memory_space<vmem>> -> memref<128xi32, #tpu.memory_space<vmem>>
      %dma_wait3A_116 = arith.constant 0 : i32
      %dma_wait3A_117 = arith.constant 0 : i32
      %dma_wait3A_118 = tpu.memref_slice %arg2[%dma_wait3A_116, %dma_wait3A_117] : memref<10240x16xf32, #tpu.memory_space<hbm>> -> memref<10240x16xf32, #tpu.memory_space<hbm>>
      tpu.wait_indirect_dma semaphore(%arg16 : memref<!tpu.dma_semaphore, #tpu.memory_space<semaphore_mem>>) src(%dma_wait3A_118 : memref<10240x16xf32, #tpu.memory_space<hbm>>) dst(%arg10 : memref<128x16xf32, #tpu.memory_space<vmem>>)
      %add3A_119 = arith.constant 0 : i32
      %add3A_120 = arith.addi %add3A_57, %add3A_119 : i32
      %dma_start3A_121 = arith.constant 0 : i32
      %dma_start3A_122 = tpu.memref_slice %arg6[%add3A_120, %dma_start3A_121] : memref<144x128xi32, #tpu.memory_space<vmem>> -> memref<1x128xi32, #tpu.memory_space<vmem>>
      %dma_start3A_123 = tpu.memref_squeeze %dma_start3A_122 : memref<1x128xi32, #tpu.memory_space<vmem>> -> memref<128xi32, #tpu.memory_space<vmem>>
      %dma_start3A_124 = arith.constant 0 : i32
      %dma_start3A_125 = arith.constant 0 : i32
      %dma_start3A_126 = tpu.memref_slice %arg15[%dma_start3A_124, %dma_start3A_125] : memref<10240x16xf32, #tpu.memory_space<vmem_shared>> -> memref<10240x16xf32, #tpu.memory_space<vmem_shared>>
      tpu.enqueue_indirect_dma source(%arg7 : memref<128x16xf32, #tpu.memory_space<vmem>>) target(%dma_start3A_126 : memref<10240x16xf32, #tpu.memory_space<vmem_shared>>) offsets(%dma_start3A_123 : memref<128xi32, #tpu.memory_space<vmem>>) semaphore(%arg18 : memref<!tpu.dma_semaphore, #tpu.memory_space<semaphore_mem>>) {add = true}
      %add3A_127 = arith.constant 1 : i32
      %add3A_128 = arith.addi %add3A_57, %add3A_127 : i32
      %dma_start3A_129 = arith.constant 0 : i32
      %dma_start3A_130 = tpu.memref_slice %arg6[%add3A_128, %dma_start3A_129] : memref<144x128xi32, #tpu.memory_space<vmem>> -> memref<1x128xi32, #tpu.memory_space<vmem>>
      %dma_start3A_131 = tpu.memref_squeeze %dma_start3A_130 : memref<1x128xi32, #tpu.memory_space<vmem>> -> memref<128xi32, #tpu.memory_space<vmem>>
      %dma_start3A_132 = arith.constant 0 : i32
      %dma_start3A_133 = arith.constant 0 : i32
      %dma_start3A_134 = tpu.memref_slice %arg15[%dma_start3A_132, %dma_start3A_133] : memref<10240x16xf32, #tpu.memory_space<vmem_shared>> -> memref<10240x16xf32, #tpu.memory_space<vmem_shared>>
      tpu.enqueue_indirect_dma source(%arg8 : memref<128x16xf32, #tpu.memory_space<vmem>>) target(%dma_start3A_134 : memref<10240x16xf32, #tpu.memory_space<vmem_shared>>) offsets(%dma_start3A_131 : memref<128xi32, #tpu.memory_space<vmem>>) semaphore(%arg18 : memref<!tpu.dma_semaphore, #tpu.memory_space<semaphore_mem>>) {add = true}
      %add3A_135 = arith.constant 2 : i32
      %add3A_136 = arith.addi %add3A_57, %add3A_135 : i32
      %dma_start3A_137 = arith.constant 0 : i32
      %dma_start3A_138 = tpu.memref_slice %arg6[%add3A_136, %dma_start3A_137] : memref<144x128xi32, #tpu.memory_space<vmem>> -> memref<1x128xi32, #tpu.memory_space<vmem>>
      %dma_start3A_139 = tpu.memref_squeeze %dma_start3A_138 : memref<1x128xi32, #tpu.memory_space<vmem>> -> memref<128xi32, #tpu.memory_space<vmem>>
      %dma_start3A_140 = arith.constant 0 : i32
      %dma_start3A_141 = arith.constant 0 : i32
      %dma_start3A_142 = tpu.memref_slice %arg15[%dma_start3A_140, %dma_start3A_141] : memref<10240x16xf32, #tpu.memory_space<vmem_shared>> -> memref<10240x16xf32, #tpu.memory_space<vmem_shared>>
      tpu.enqueue_indirect_dma source(%arg9 : memref<128x16xf32, #tpu.memory_space<vmem>>) target(%dma_start3A_142 : memref<10240x16xf32, #tpu.memory_space<vmem_shared>>) offsets(%dma_start3A_139 : memref<128xi32, #tpu.memory_space<vmem>>) semaphore(%arg18 : memref<!tpu.dma_semaphore, #tpu.memory_space<semaphore_mem>>) {add = true}
      %add3A_143 = arith.constant 3 : i32
      %add3A_144 = arith.addi %add3A_57, %add3A_143 : i32
      %dma_start3A_145 = arith.constant 0 : i32
      %dma_start3A_146 = tpu.memref_slice %arg6[%add3A_144, %dma_start3A_145] : memref<144x128xi32, #tpu.memory_space<vmem>> -> memref<1x128xi32, #tpu.memory_space<vmem>>
      %dma_start3A_147 = tpu.memref_squeeze %dma_start3A_146 : memref<1x128xi32, #tpu.memory_space<vmem>> -> memref<128xi32, #tpu.memory_space<vmem>>
      %dma_start3A_148 = arith.constant 0 : i32
      %dma_start3A_149 = arith.constant 0 : i32
      %dma_start3A_150 = tpu.memref_slice %arg15[%dma_start3A_148, %dma_start3A_149] : memref<10240x16xf32, #tpu.memory_space<vmem_shared>> -> memref<10240x16xf32, #tpu.memory_space<vmem_shared>>
      tpu.enqueue_indirect_dma source(%arg10 : memref<128x16xf32, #tpu.memory_space<vmem>>) target(%dma_start3A_150 : memref<10240x16xf32, #tpu.memory_space<vmem_shared>>) offsets(%dma_start3A_147 : memref<128xi32, #tpu.memory_space<vmem>>) semaphore(%arg18 : memref<!tpu.dma_semaphore, #tpu.memory_space<semaphore_mem>>) {add = true}
      %dma_wait3A_151 = arith.constant 0 : i32
      %dma_wait3A_152 = arith.constant 0 : i32
      %dma_wait3A_153 = tpu.memref_slice %arg6[%dma_wait3A_151, %dma_wait3A_152] : memref<144x128xi32, #tpu.memory_space<vmem>> -> memref<1x128xi32, #tpu.memory_space<vmem>>
      %dma_wait3A_154 = tpu.memref_squeeze %dma_wait3A_153 : memref<1x128xi32, #tpu.memory_space<vmem>> -> memref<128xi32, #tpu.memory_space<vmem>>
      %dma_wait3A_155 = arith.constant 0 : i32
      %dma_wait3A_156 = arith.constant 0 : i32
      %dma_wait3A_157 = tpu.memref_slice %arg15[%dma_wait3A_155, %dma_wait3A_156] : memref<10240x16xf32, #tpu.memory_space<vmem_shared>> -> memref<10240x16xf32, #tpu.memory_space<vmem_shared>>
      tpu.wait_indirect_dma semaphore(%arg18 : memref<!tpu.dma_semaphore, #tpu.memory_space<semaphore_mem>>) src(%arg7 : memref<128x16xf32, #tpu.memory_space<vmem>>) dst(%dma_wait3A_157 : memref<10240x16xf32, #tpu.memory_space<vmem_shared>>)
      %dma_wait3A_158 = arith.constant 0 : i32
      %dma_wait3A_159 = arith.constant 0 : i32
      %dma_wait3A_160 = tpu.memref_slice %arg6[%dma_wait3A_158, %dma_wait3A_159] : memref<144x128xi32, #tpu.memory_space<vmem>> -> memref<1x128xi32, #tpu.memory_space<vmem>>
      %dma_wait3A_161 = tpu.memref_squeeze %dma_wait3A_160 : memref<1x128xi32, #tpu.memory_space<vmem>> -> memref<128xi32, #tpu.memory_space<vmem>>
      %dma_wait3A_162 = arith.constant 0 : i32
      %dma_wait3A_163 = arith.constant 0 : i32
      %dma_wait3A_164 = tpu.memref_slice %arg15[%dma_wait3A_162, %dma_wait3A_163] : memref<10240x16xf32, #tpu.memory_space<vmem_shared>> -> memref<10240x16xf32, #tpu.memory_space<vmem_shared>>
      tpu.wait_indirect_dma semaphore(%arg18 : memref<!tpu.dma_semaphore, #tpu.memory_space<semaphore_mem>>) src(%arg8 : memref<128x16xf32, #tpu.memory_space<vmem>>) dst(%dma_wait3A_164 : memref<10240x16xf32, #tpu.memory_space<vmem_shared>>)
      %dma_wait3A_165 = arith.constant 0 : i32
      %dma_wait3A_166 = arith.constant 0 : i32
      %dma_wait3A_167 = tpu.memref_slice %arg6[%dma_wait3A_165, %dma_wait3A_166] : memref<144x128xi32, #tpu.memory_space<vmem>> -> memref<1x128xi32, #tpu.memory_space<vmem>>
      %dma_wait3A_168 = tpu.memref_squeeze %dma_wait3A_167 : memref<1x128xi32, #tpu.memory_space<vmem>> -> memref<128xi32, #tpu.memory_space<vmem>>
      %dma_wait3A_169 = arith.constant 0 : i32
      %dma_wait3A_170 = arith.constant 0 : i32
      %dma_wait3A_171 = tpu.memref_slice %arg15[%dma_wait3A_169, %dma_wait3A_170] : memref<10240x16xf32, #tpu.memory_space<vmem_shared>> -> memref<10240x16xf32, #tpu.memory_space<vmem_shared>>
      tpu.wait_indirect_dma semaphore(%arg18 : memref<!tpu.dma_semaphore, #tpu.memory_space<semaphore_mem>>) src(%arg9 : memref<128x16xf32, #tpu.memory_space<vmem>>) dst(%dma_wait3A_171 : memref<10240x16xf32, #tpu.memory_space<vmem_shared>>)
      %dma_wait3A_172 = arith.constant 0 : i32
      %dma_wait3A_173 = arith.constant 0 : i32
      %dma_wait3A_174 = tpu.memref_slice %arg6[%dma_wait3A_172, %dma_wait3A_173] : memref<144x128xi32, #tpu.memory_space<vmem>> -> memref<1x128xi32, #tpu.memory_space<vmem>>
      %dma_wait3A_175 = tpu.memref_squeeze %dma_wait3A_174 : memref<1x128xi32, #tpu.memory_space<vmem>> -> memref<128xi32, #tpu.memory_space<vmem>>
      %dma_wait3A_176 = arith.constant 0 : i32
      %dma_wait3A_177 = arith.constant 0 : i32
      %dma_wait3A_178 = tpu.memref_slice %arg15[%dma_wait3A_176, %dma_wait3A_177] : memref<10240x16xf32, #tpu.memory_space<vmem_shared>> -> memref<10240x16xf32, #tpu.memory_space<vmem_shared>>
      tpu.wait_indirect_dma semaphore(%arg18 : memref<!tpu.dma_semaphore, #tpu.memory_space<semaphore_mem>>) src(%arg10 : memref<128x16xf32, #tpu.memory_space<vmem>>) dst(%dma_wait3A_178 : memref<10240x16xf32, #tpu.memory_space<vmem_shared>>)
      %add3A_179 = arith.constant 8 : i32
      %add3A_180 = arith.addi %add3A_57, %add3A_179 : i32
      %add3A_181 = arith.constant 0 : i32
      %add3A_182 = arith.addi %add3A_180, %add3A_181 : i32
      %dma_start3A_183 = arith.constant 0 : i32
      %dma_start3A_184 = tpu.memref_slice %arg5[%add3A_182, %dma_start3A_183] : memref<144x128xi32, #tpu.memory_space<vmem>> -> memref<1x128xi32, #tpu.memory_space<vmem>>
      %dma_start3A_185 = tpu.memref_squeeze %dma_start3A_184 : memref<1x128xi32, #tpu.memory_space<vmem>> -> memref<128xi32, #tpu.memory_space<vmem>>
      %dma_start3A_186 = arith.constant 0 : i32
      %dma_start3A_187 = arith.constant 0 : i32
      %dma_start3A_188 = tpu.memref_slice %arg2[%dma_start3A_186, %dma_start3A_187] : memref<10240x16xf32, #tpu.memory_space<hbm>> -> memref<10240x16xf32, #tpu.memory_space<hbm>>
      tpu.enqueue_indirect_dma source(%dma_start3A_188 : memref<10240x16xf32, #tpu.memory_space<hbm>>) target(%arg7 : memref<128x16xf32, #tpu.memory_space<vmem>>) offsets(%dma_start3A_185 : memref<128xi32, #tpu.memory_space<vmem>>) semaphore(%arg16 : memref<!tpu.dma_semaphore, #tpu.memory_space<semaphore_mem>>)
      %add3A_189 = arith.constant 1 : i32
      %add3A_190 = arith.addi %add3A_180, %add3A_189 : i32
      %dma_start3A_191 = arith.constant 0 : i32
      %dma_start3A_192 = tpu.memref_slice %arg5[%add3A_190, %dma_start3A_191] : memref<144x128xi32, #tpu.memory_space<vmem>> -> memref<1x128xi32, #tpu.memory_space<vmem>>
      %dma_start3A_193 = tpu.memref_squeeze %dma_start3A_192 : memref<1x128xi32, #tpu.memory_space<vmem>> -> memref<128xi32, #tpu.memory_space<vmem>>
      %dma_start3A_194 = arith.constant 0 : i32
      %dma_start3A_195 = arith.constant 0 : i32
      %dma_start3A_196 = tpu.memref_slice %arg2[%dma_start3A_194, %dma_start3A_195] : memref<10240x16xf32, #tpu.memory_space<hbm>> -> memref<10240x16xf32, #tpu.memory_space<hbm>>
      tpu.enqueue_indirect_dma source(%dma_start3A_196 : memref<10240x16xf32, #tpu.memory_space<hbm>>) target(%arg8 : memref<128x16xf32, #tpu.memory_space<vmem>>) offsets(%dma_start3A_193 : memref<128xi32, #tpu.memory_space<vmem>>) semaphore(%arg16 : memref<!tpu.dma_semaphore, #tpu.memory_space<semaphore_mem>>)
      %add3A_197 = arith.constant 2 : i32
      %add3A_198 = arith.addi %add3A_180, %add3A_197 : i32
      %dma_start3A_199 = arith.constant 0 : i32
      %dma_start3A_200 = tpu.memref_slice %arg5[%add3A_198, %dma_start3A_199] : memref<144x128xi32, #tpu.memory_space<vmem>> -> memref<1x128xi32, #tpu.memory_space<vmem>>
      %dma_start3A_201 = tpu.memref_squeeze %dma_start3A_200 : memref<1x128xi32, #tpu.memory_space<vmem>> -> memref<128xi32, #tpu.memory_space<vmem>>
      %dma_start3A_202 = arith.constant 0 : i32
      %dma_start3A_203 = arith.constant 0 : i32
      %dma_start3A_204 = tpu.memref_slice %arg2[%dma_start3A_202, %dma_start3A_203] : memref<10240x16xf32, #tpu.memory_space<hbm>> -> memref<10240x16xf32, #tpu.memory_space<hbm>>
      tpu.enqueue_indirect_dma source(%dma_start3A_204 : memref<10240x16xf32, #tpu.memory_space<hbm>>) target(%arg9 : memref<128x16xf32, #tpu.memory_space<vmem>>) offsets(%dma_start3A_201 : memref<128xi32, #tpu.memory_space<vmem>>) semaphore(%arg16 : memref<!tpu.dma_semaphore, #tpu.memory_space<semaphore_mem>>)
      %add3A_205 = arith.constant 3 : i32
      %add3A_206 = arith.addi %add3A_180, %add3A_205 : i32
      %dma_start3A_207 = arith.constant 0 : i32
      %dma_start3A_208 = tpu.memref_slice %arg5[%add3A_206, %dma_start3A_207] : memref<144x128xi32, #tpu.memory_space<vmem>> -> memref<1x128xi32, #tpu.memory_space<vmem>>
      %dma_start3A_209 = tpu.memref_squeeze %dma_start3A_208 : memref<1x128xi32, #tpu.memory_space<vmem>> -> memref<128xi32, #tpu.memory_space<vmem>>
      %dma_start3A_210 = arith.constant 0 : i32
      %dma_start3A_211 = arith.constant 0 : i32
      %dma_start3A_212 = tpu.memref_slice %arg2[%dma_start3A_210, %dma_start3A_211] : memref<10240x16xf32, #tpu.memory_space<hbm>> -> memref<10240x16xf32, #tpu.memory_space<hbm>>
      tpu.enqueue_indirect_dma source(%dma_start3A_212 : memref<10240x16xf32, #tpu.memory_space<hbm>>) target(%arg10 : memref<128x16xf32, #tpu.memory_space<vmem>>) offsets(%dma_start3A_209 : memref<128xi32, #tpu.memory_space<vmem>>) semaphore(%arg16 : memref<!tpu.dma_semaphore, #tpu.memory_space<semaphore_mem>>)
      %dma_wait3A_213 = arith.constant 0 : i32
      %dma_wait3A_214 = arith.constant 0 : i32
      %dma_wait3A_215 = tpu.memref_slice %arg5[%dma_wait3A_213, %dma_wait3A_214] : memref<144x128xi32, #tpu.memory_space<vmem>> -> memref<1x128xi32, #tpu.memory_space<vmem>>
      %dma_wait3A_216 = tpu.memref_squeeze %dma_wait3A_215 : memref<1x128xi32, #tpu.memory_space<vmem>> -> memref<128xi32, #tpu.memory_space<vmem>>
      %dma_wait3A_217 = arith.constant 0 : i32
      %dma_wait3A_218 = arith.constant 0 : i32
      %dma_wait3A_219 = tpu.memref_slice %arg2[%dma_wait3A_217, %dma_wait3A_218] : memref<10240x16xf32, #tpu.memory_space<hbm>> -> memref<10240x16xf32, #tpu.memory_space<hbm>>
      tpu.wait_indirect_dma semaphore(%arg17 : memref<!tpu.dma_semaphore, #tpu.memory_space<semaphore_mem>>) src(%dma_wait3A_219 : memref<10240x16xf32, #tpu.memory_space<hbm>>) dst(%arg11 : memref<128x16xf32, #tpu.memory_space<vmem>>)
      %dma_wait3A_220 = arith.constant 0 : i32
      %dma_wait3A_221 = arith.constant 0 : i32
      %dma_wait3A_222 = tpu.memref_slice %arg5[%dma_wait3A_220, %dma_wait3A_221] : memref<144x128xi32, #tpu.memory_space<vmem>> -> memref<1x128xi32, #tpu.memory_space<vmem>>
      %dma_wait3A_223 = tpu.memref_squeeze %dma_wait3A_222 : memref<1x128xi32, #tpu.memory_space<vmem>> -> memref<128xi32, #tpu.memory_space<vmem>>
      %dma_wait3A_224 = arith.constant 0 : i32
      %dma_wait3A_225 = arith.constant 0 : i32
      %dma_wait3A_226 = tpu.memref_slice %arg2[%dma_wait3A_224, %dma_wait3A_225] : memref<10240x16xf32, #tpu.memory_space<hbm>> -> memref<10240x16xf32, #tpu.memory_space<hbm>>
      tpu.wait_indirect_dma semaphore(%arg17 : memref<!tpu.dma_semaphore, #tpu.memory_space<semaphore_mem>>) src(%dma_wait3A_226 : memref<10240x16xf32, #tpu.memory_space<hbm>>) dst(%arg12 : memref<128x16xf32, #tpu.memory_space<vmem>>)
      %dma_wait3A_227 = arith.constant 0 : i32
      %dma_wait3A_228 = arith.constant 0 : i32
      %dma_wait3A_229 = tpu.memref_slice %arg5[%dma_wait3A_227, %dma_wait3A_228] : memref<144x128xi32, #tpu.memory_space<vmem>> -> memref<1x128xi32, #tpu.memory_space<vmem>>
      %dma_wait3A_230 = tpu.memref_squeeze %dma_wait3A_229 : memref<1x128xi32, #tpu.memory_space<vmem>> -> memref<128xi32, #tpu.memory_space<vmem>>
      %dma_wait3A_231 = arith.constant 0 : i32
      %dma_wait3A_232 = arith.constant 0 : i32
      %dma_wait3A_233 = tpu.memref_slice %arg2[%dma_wait3A_231, %dma_wait3A_232] : memref<10240x16xf32, #tpu.memory_space<hbm>> -> memref<10240x16xf32, #tpu.memory_space<hbm>>
      tpu.wait_indirect_dma semaphore(%arg17 : memref<!tpu.dma_semaphore, #tpu.memory_space<semaphore_mem>>) src(%dma_wait3A_233 : memref<10240x16xf32, #tpu.memory_space<hbm>>) dst(%arg13 : memref<128x16xf32, #tpu.memory_space<vmem>>)
      %dma_wait3A_234 = arith.constant 0 : i32
      %dma_wait3A_235 = arith.constant 0 : i32
      %dma_wait3A_236 = tpu.memref_slice %arg5[%dma_wait3A_234, %dma_wait3A_235] : memref<144x128xi32, #tpu.memory_space<vmem>> -> memref<1x128xi32, #tpu.memory_space<vmem>>
      %dma_wait3A_237 = tpu.memref_squeeze %dma_wait3A_236 : memref<1x128xi32, #tpu.memory_space<vmem>> -> memref<128xi32, #tpu.memory_space<vmem>>
      %dma_wait3A_238 = arith.constant 0 : i32
      %dma_wait3A_239 = arith.constant 0 : i32
      %dma_wait3A_240 = tpu.memref_slice %arg2[%dma_wait3A_238, %dma_wait3A_239] : memref<10240x16xf32, #tpu.memory_space<hbm>> -> memref<10240x16xf32, #tpu.memory_space<hbm>>
      tpu.wait_indirect_dma semaphore(%arg17 : memref<!tpu.dma_semaphore, #tpu.memory_space<semaphore_mem>>) src(%dma_wait3A_240 : memref<10240x16xf32, #tpu.memory_space<hbm>>) dst(%arg14 : memref<128x16xf32, #tpu.memory_space<vmem>>)
      %add3A_241 = arith.constant 4 : i32
      %add3A_242 = arith.addi %add3A_57, %add3A_241 : i32
      %add3A_243 = arith.constant 0 : i32
      %add3A_244 = arith.addi %add3A_242, %add3A_243 : i32
      %dma_start3A_245 = arith.constant 0 : i32
      %dma_start3A_246 = tpu.memref_slice %arg6[%add3A_244, %dma_start3A_245] : memref<144x128xi32, #tpu.memory_space<vmem>> -> memref<1x128xi32, #tpu.memory_space<vmem>>
      %dma_start3A_247 = tpu.memref_squeeze %dma_start3A_246 : memref<1x128xi32, #tpu.memory_space<vmem>> -> memref<128xi32, #tpu.memory_space<vmem>>
      %dma_start3A_248 = arith.constant 0 : i32
      %dma_start3A_249 = arith.constant 0 : i32
      %dma_start3A_250 = tpu.memref_slice %arg15[%dma_start3A_248, %dma_start3A_249] : memref<10240x16xf32, #tpu.memory_space<vmem_shared>> -> memref<10240x16xf32, #tpu.memory_space<vmem_shared>>
      tpu.enqueue_indirect_dma source(%arg11 : memref<128x16xf32, #tpu.memory_space<vmem>>) target(%dma_start3A_250 : memref<10240x16xf32, #tpu.memory_space<vmem_shared>>) offsets(%dma_start3A_247 : memref<128xi32, #tpu.memory_space<vmem>>) semaphore(%arg19 : memref<!tpu.dma_semaphore, #tpu.memory_space<semaphore_mem>>) {add = true}
      %add3A_251 = arith.constant 1 : i32
      %add3A_252 = arith.addi %add3A_242, %add3A_251 : i32
      %dma_start3A_253 = arith.constant 0 : i32
      %dma_start3A_254 = tpu.memref_slice %arg6[%add3A_252, %dma_start3A_253] : memref<144x128xi32, #tpu.memory_space<vmem>> -> memref<1x128xi32, #tpu.memory_space<vmem>>
      %dma_start3A_255 = tpu.memref_squeeze %dma_start3A_254 : memref<1x128xi32, #tpu.memory_space<vmem>> -> memref<128xi32, #tpu.memory_space<vmem>>
      %dma_start3A_256 = arith.constant 0 : i32
      %dma_start3A_257 = arith.constant 0 : i32
      %dma_start3A_258 = tpu.memref_slice %arg15[%dma_start3A_256, %dma_start3A_257] : memref<10240x16xf32, #tpu.memory_space<vmem_shared>> -> memref<10240x16xf32, #tpu.memory_space<vmem_shared>>
      tpu.enqueue_indirect_dma source(%arg12 : memref<128x16xf32, #tpu.memory_space<vmem>>) target(%dma_start3A_258 : memref<10240x16xf32, #tpu.memory_space<vmem_shared>>) offsets(%dma_start3A_255 : memref<128xi32, #tpu.memory_space<vmem>>) semaphore(%arg19 : memref<!tpu.dma_semaphore, #tpu.memory_space<semaphore_mem>>) {add = true}
      %add3A_259 = arith.constant 2 : i32
      %add3A_260 = arith.addi %add3A_242, %add3A_259 : i32
      %dma_start3A_261 = arith.constant 0 : i32
      %dma_start3A_262 = tpu.memref_slice %arg6[%add3A_260, %dma_start3A_261] : memref<144x128xi32, #tpu.memory_space<vmem>> -> memref<1x128xi32, #tpu.memory_space<vmem>>
      %dma_start3A_263 = tpu.memref_squeeze %dma_start3A_262 : memref<1x128xi32, #tpu.memory_space<vmem>> -> memref<128xi32, #tpu.memory_space<vmem>>
      %dma_start3A_264 = arith.constant 0 : i32
      %dma_start3A_265 = arith.constant 0 : i32
      %dma_start3A_266 = tpu.memref_slice %arg15[%dma_start3A_264, %dma_start3A_265] : memref<10240x16xf32, #tpu.memory_space<vmem_shared>> -> memref<10240x16xf32, #tpu.memory_space<vmem_shared>>
      tpu.enqueue_indirect_dma source(%arg13 : memref<128x16xf32, #tpu.memory_space<vmem>>) target(%dma_start3A_266 : memref<10240x16xf32, #tpu.memory_space<vmem_shared>>) offsets(%dma_start3A_263 : memref<128xi32, #tpu.memory_space<vmem>>) semaphore(%arg19 : memref<!tpu.dma_semaphore, #tpu.memory_space<semaphore_mem>>) {add = true}
      %add3A_267 = arith.constant 3 : i32
      %add3A_268 = arith.addi %add3A_242, %add3A_267 : i32
      %dma_start3A_269 = arith.constant 0 : i32
      %dma_start3A_270 = tpu.memref_slice %arg6[%add3A_268, %dma_start3A_269] : memref<144x128xi32, #tpu.memory_space<vmem>> -> memref<1x128xi32, #tpu.memory_space<vmem>>
      %dma_start3A_271 = tpu.memref_squeeze %dma_start3A_270 : memref<1x128xi32, #tpu.memory_space<vmem>> -> memref<128xi32, #tpu.memory_space<vmem>>
      %dma_start3A_272 = arith.constant 0 : i32
      %dma_start3A_273 = arith.constant 0 : i32
      %dma_start3A_274 = tpu.memref_slice %arg15[%dma_start3A_272, %dma_start3A_273] : memref<10240x16xf32, #tpu.memory_space<vmem_shared>> -> memref<10240x16xf32, #tpu.memory_space<vmem_shared>>
      tpu.enqueue_indirect_dma source(%arg14 : memref<128x16xf32, #tpu.memory_space<vmem>>) target(%dma_start3A_274 : memref<10240x16xf32, #tpu.memory_space<vmem_shared>>) offsets(%dma_start3A_271 : memref<128xi32, #tpu.memory_space<vmem>>) semaphore(%arg19 : memref<!tpu.dma_semaphore, #tpu.memory_space<semaphore_mem>>) {add = true}
      %dma_wait3A_275 = arith.constant 0 : i32
      %dma_wait3A_276 = arith.constant 0 : i32
      %dma_wait3A_277 = tpu.memref_slice %arg6[%dma_wait3A_275, %dma_wait3A_276] : memref<144x128xi32, #tpu.memory_space<vmem>> -> memref<1x128xi32, #tpu.memory_space<vmem>>
      %dma_wait3A_278 = tpu.memref_squeeze %dma_wait3A_277 : memref<1x128xi32, #tpu.memory_space<vmem>> -> memref<128xi32, #tpu.memory_space<vmem>>
      %dma_wait3A_279 = arith.constant 0 : i32
      %dma_wait3A_280 = arith.constant 0 : i32
      %dma_wait3A_281 = tpu.memref_slice %arg15[%dma_wait3A_279, %dma_wait3A_280] : memref<10240x16xf32, #tpu.memory_space<vmem_shared>> -> memref<10240x16xf32, #tpu.memory_space<vmem_shared>>
      tpu.wait_indirect_dma semaphore(%arg19 : memref<!tpu.dma_semaphore, #tpu.memory_space<semaphore_mem>>) src(%arg11 : memref<128x16xf32, #tpu.memory_space<vmem>>) dst(%dma_wait3A_281 : memref<10240x16xf32, #tpu.memory_space<vmem_shared>>)
      %dma_wait3A_282 = arith.constant 0 : i32
      %dma_wait3A_283 = arith.constant 0 : i32
      %dma_wait3A_284 = tpu.memref_slice %arg6[%dma_wait3A_282, %dma_wait3A_283] : memref<144x128xi32, #tpu.memory_space<vmem>> -> memref<1x128xi32, #tpu.memory_space<vmem>>
      %dma_wait3A_285 = tpu.memref_squeeze %dma_wait3A_284 : memref<1x128xi32, #tpu.memory_space<vmem>> -> memref<128xi32, #tpu.memory_space<vmem>>
      %dma_wait3A_286 = arith.constant 0 : i32
      %dma_wait3A_287 = arith.constant 0 : i32
      %dma_wait3A_288 = tpu.memref_slice %arg15[%dma_wait3A_286, %dma_wait3A_287] : memref<10240x16xf32, #tpu.memory_space<vmem_shared>> -> memref<10240x16xf32, #tpu.memory_space<vmem_shared>>
      tpu.wait_indirect_dma semaphore(%arg19 : memref<!tpu.dma_semaphore, #tpu.memory_space<semaphore_mem>>) src(%arg12 : memref<128x16xf32, #tpu.memory_space<vmem>>) dst(%dma_wait3A_288 : memref<10240x16xf32, #tpu.memory_space<vmem_shared>>)
      %dma_wait3A_289 = arith.constant 0 : i32
      %dma_wait3A_290 = arith.constant 0 : i32
      %dma_wait3A_291 = tpu.memref_slice %arg6[%dma_wait3A_289, %dma_wait3A_290] : memref<144x128xi32, #tpu.memory_space<vmem>> -> memref<1x128xi32, #tpu.memory_space<vmem>>
      %dma_wait3A_292 = tpu.memref_squeeze %dma_wait3A_291 : memref<1x128xi32, #tpu.memory_space<vmem>> -> memref<128xi32, #tpu.memory_space<vmem>>
      %dma_wait3A_293 = arith.constant 0 : i32
      %dma_wait3A_294 = arith.constant 0 : i32
      %dma_wait3A_295 = tpu.memref_slice %arg15[%dma_wait3A_293, %dma_wait3A_294] : memref<10240x16xf32, #tpu.memory_space<vmem_shared>> -> memref<10240x16xf32, #tpu.memory_space<vmem_shared>>
      tpu.wait_indirect_dma semaphore(%arg19 : memref<!tpu.dma_semaphore, #tpu.memory_space<semaphore_mem>>) src(%arg13 : memref<128x16xf32, #tpu.memory_space<vmem>>) dst(%dma_wait3A_295 : memref<10240x16xf32, #tpu.memory_space<vmem_shared>>)
      %dma_wait3A_296 = arith.constant 0 : i32
      %dma_wait3A_297 = arith.constant 0 : i32
      %dma_wait3A_298 = tpu.memref_slice %arg6[%dma_wait3A_296, %dma_wait3A_297] : memref<144x128xi32, #tpu.memory_space<vmem>> -> memref<1x128xi32, #tpu.memory_space<vmem>>
      %dma_wait3A_299 = tpu.memref_squeeze %dma_wait3A_298 : memref<1x128xi32, #tpu.memory_space<vmem>> -> memref<128xi32, #tpu.memory_space<vmem>>
      %dma_wait3A_300 = arith.constant 0 : i32
      %dma_wait3A_301 = arith.constant 0 : i32
      %dma_wait3A_302 = tpu.memref_slice %arg15[%dma_wait3A_300, %dma_wait3A_301] : memref<10240x16xf32, #tpu.memory_space<vmem_shared>> -> memref<10240x16xf32, #tpu.memory_space<vmem_shared>>
      tpu.wait_indirect_dma semaphore(%arg19 : memref<!tpu.dma_semaphore, #tpu.memory_space<semaphore_mem>>) src(%arg14 : memref<128x16xf32, #tpu.memory_space<vmem>>) dst(%dma_wait3A_302 : memref<10240x16xf32, #tpu.memory_space<vmem_shared>>)
      %scan3A_303 = arith.constant 1 : i32
      %dma_start3A_304 = arith.constant 12 : i32
      %dma_start3A_305 = arith.constant 0 : i32
      %dma_start3A_306 = tpu.memref_slice %arg5[%dma_start3A_304, %dma_start3A_305] : memref<144x128xi32, #tpu.memory_space<vmem>> -> memref<1x128xi32, #tpu.memory_space<vmem>>
      %dma_start3A_307 = tpu.memref_squeeze %dma_start3A_306 : memref<1x128xi32, #tpu.memory_space<vmem>> -> memref<128xi32, #tpu.memory_space<vmem>>
      %dma_start3A_308 = arith.constant 0 : i32
      %dma_start3A_309 = arith.constant 0 : i32
      %dma_start3A_310 = tpu.memref_slice %arg2[%dma_start3A_308, %dma_start3A_309] : memref<10240x16xf32, #tpu.memory_space<hbm>> -> memref<10240x16xf32, #tpu.memory_space<hbm>>
      tpu.enqueue_indirect_dma source(%dma_start3A_310 : memref<10240x16xf32, #tpu.memory_space<hbm>>) target(%arg11 : memref<128x16xf32, #tpu.memory_space<vmem>>) offsets(%dma_start3A_307 : memref<128xi32, #tpu.memory_space<vmem>>) semaphore(%arg17 : memref<!tpu.dma_semaphore, #tpu.memory_space<semaphore_mem>>)
      %dma_start3A_311 = arith.constant 13 : i32
      %dma_start3A_312 = arith.constant 0 : i32
      %dma_start3A_313 = tpu.memref_slice %arg5[%dma_start3A_311, %dma_start3A_312] : memref<144x128xi32, #tpu.memory_space<vmem>> -> memref<1x128xi32, #tpu.memory_space<vmem>>
      %dma_start3A_314 = tpu.memref_squeeze %dma_start3A_313 : memref<1x128xi32, #tpu.memory_space<vmem>> -> memref<128xi32, #tpu.memory_space<vmem>>
      %dma_start3A_315 = arith.constant 0 : i32
      %dma_start3A_316 = arith.constant 0 : i32
      %dma_start3A_317 = tpu.memref_slice %arg2[%dma_start3A_315, %dma_start3A_316] : memref<10240x16xf32, #tpu.memory_space<hbm>> -> memref<10240x16xf32, #tpu.memory_space<hbm>>
      tpu.enqueue_indirect_dma source(%dma_start3A_317 : memref<10240x16xf32, #tpu.memory_space<hbm>>) target(%arg12 : memref<128x16xf32, #tpu.memory_space<vmem>>) offsets(%dma_start3A_314 : memref<128xi32, #tpu.memory_space<vmem>>) semaphore(%arg17 : memref<!tpu.dma_semaphore, #tpu.memory_space<semaphore_mem>>)
      %dma_start3A_318 = arith.constant 14 : i32
      %dma_start3A_319 = arith.constant 0 : i32
      %dma_start3A_320 = tpu.memref_slice %arg5[%dma_start3A_318, %dma_start3A_319] : memref<144x128xi32, #tpu.memory_space<vmem>> -> memref<1x128xi32, #tpu.memory_space<vmem>>
      %dma_start3A_321 = tpu.memref_squeeze %dma_start3A_320 : memref<1x128xi32, #tpu.memory_space<vmem>> -> memref<128xi32, #tpu.memory_space<vmem>>
      %dma_start3A_322 = arith.constant 0 : i32
      %dma_start3A_323 = arith.constant 0 : i32
      %dma_start3A_324 = tpu.memref_slice %arg2[%dma_start3A_322, %dma_start3A_323] : memref<10240x16xf32, #tpu.memory_space<hbm>> -> memref<10240x16xf32, #tpu.memory_space<hbm>>
      tpu.enqueue_indirect_dma source(%dma_start3A_324 : memref<10240x16xf32, #tpu.memory_space<hbm>>) target(%arg13 : memref<128x16xf32, #tpu.memory_space<vmem>>) offsets(%dma_start3A_321 : memref<128xi32, #tpu.memory_space<vmem>>) semaphore(%arg17 : memref<!tpu.dma_semaphore, #tpu.memory_space<semaphore_mem>>)
      %dma_start3A_325 = arith.constant 15 : i32
      %dma_start3A_326 = arith.constant 0 : i32
      %dma_start3A_327 = tpu.memref_slice %arg5[%dma_start3A_325, %dma_start3A_326] : memref<144x128xi32, #tpu.memory_space<vmem>> -> memref<1x128xi32, #tpu.memory_space<vmem>>
      %dma_start3A_328 = tpu.memref_squeeze %dma_start3A_327 : memref<1x128xi32, #tpu.memory_space<vmem>> -> memref<128xi32, #tpu.memory_space<vmem>>
      %dma_start3A_329 = arith.constant 0 : i32
      %dma_start3A_330 = arith.constant 0 : i32
      %dma_start3A_331 = tpu.memref_slice %arg2[%dma_start3A_329, %dma_start3A_330] : memref<10240x16xf32, #tpu.memory_space<hbm>> -> memref<10240x16xf32, #tpu.memory_space<hbm>>
      tpu.enqueue_indirect_dma source(%dma_start3A_331 : memref<10240x16xf32, #tpu.memory_space<hbm>>) target(%arg14 : memref<128x16xf32, #tpu.memory_space<vmem>>) offsets(%dma_start3A_328 : memref<128xi32, #tpu.memory_space<vmem>>) semaphore(%arg17 : memref<!tpu.dma_semaphore, #tpu.memory_space<semaphore_mem>>)
      %dma_wait3A_332 = arith.constant 0 : i32
      %dma_wait3A_333 = arith.constant 0 : i32
      %dma_wait3A_334 = tpu.memref_slice %arg5[%dma_wait3A_332, %dma_wait3A_333] : memref<144x128xi32, #tpu.memory_space<vmem>> -> memref<1x128xi32, #tpu.memory_space<vmem>>
      %dma_wait3A_335 = tpu.memref_squeeze %dma_wait3A_334 : memref<1x128xi32, #tpu.memory_space<vmem>> -> memref<128xi32, #tpu.memory_space<vmem>>
      %dma_wait3A_336 = arith.constant 0 : i32
      %dma_wait3A_337 = arith.constant 0 : i32
      %dma_wait3A_338 = tpu.memref_slice %arg2[%dma_wait3A_336, %dma_wait3A_337] : memref<10240x16xf32, #tpu.memory_space<hbm>> -> memref<10240x16xf32, #tpu.memory_space<hbm>>
      tpu.wait_indirect_dma semaphore(%arg16 : memref<!tpu.dma_semaphore, #tpu.memory_space<semaphore_mem>>) src(%dma_wait3A_338 : memref<10240x16xf32, #tpu.memory_space<hbm>>) dst(%arg7 : memref<128x16xf32, #tpu.memory_space<vmem>>)
      %dma_wait3A_339 = arith.constant 0 : i32
      %dma_wait3A_340 = arith.constant 0 : i32
      %dma_wait3A_341 = tpu.memref_slice %arg5[%dma_wait3A_339, %dma_wait3A_340] : memref<144x128xi32, #tpu.memory_space<vmem>> -> memref<1x128xi32, #tpu.memory_space<vmem>>
      %dma_wait3A_342 = tpu.memref_squeeze %dma_wait3A_341 : memref<1x128xi32, #tpu.memory_space<vmem>> -> memref<128xi32, #tpu.memory_space<vmem>>
      %dma_wait3A_343 = arith.constant 0 : i32
      %dma_wait3A_344 = arith.constant 0 : i32
      %dma_wait3A_345 = tpu.memref_slice %arg2[%dma_wait3A_343, %dma_wait3A_344] : memref<10240x16xf32, #tpu.memory_space<hbm>> -> memref<10240x16xf32, #tpu.memory_space<hbm>>
      tpu.wait_indirect_dma semaphore(%arg16 : memref<!tpu.dma_semaphore, #tpu.memory_space<semaphore_mem>>) src(%dma_wait3A_345 : memref<10240x16xf32, #tpu.memory_space<hbm>>) dst(%arg8 : memref<128x16xf32, #tpu.memory_space<vmem>>)
      %dma_wait3A_346 = arith.constant 0 : i32
      %dma_wait3A_347 = arith.constant 0 : i32
      %dma_wait3A_348 = tpu.memref_slice %arg5[%dma_wait3A_346, %dma_wait3A_347] : memref<144x128xi32, #tpu.memory_space<vmem>> -> memref<1x128xi32, #tpu.memory_space<vmem>>
      %dma_wait3A_349 = tpu.memref_squeeze %dma_wait3A_348 : memref<1x128xi32, #tpu.memory_space<vmem>> -> memref<128xi32, #tpu.memory_space<vmem>>
      %dma_wait3A_350 = arith.constant 0 : i32
      %dma_wait3A_351 = arith.constant 0 : i32
      %dma_wait3A_352 = tpu.memref_slice %arg2[%dma_wait3A_350, %dma_wait3A_351] : memref<10240x16xf32, #tpu.memory_space<hbm>> -> memref<10240x16xf32, #tpu.memory_space<hbm>>
      tpu.wait_indirect_dma semaphore(%arg16 : memref<!tpu.dma_semaphore, #tpu.memory_space<semaphore_mem>>) src(%dma_wait3A_352 : memref<10240x16xf32, #tpu.memory_space<hbm>>) dst(%arg9 : memref<128x16xf32, #tpu.memory_space<vmem>>)
      %dma_wait3A_353 = arith.constant 0 : i32
      %dma_wait3A_354 = arith.constant 0 : i32
      %dma_wait3A_355 = tpu.memref_slice %arg5[%dma_wait3A_353, %dma_wait3A_354] : memref<144x128xi32, #tpu.memory_space<vmem>> -> memref<1x128xi32, #tpu.memory_space<vmem>>
      %dma_wait3A_356 = tpu.memref_squeeze %dma_wait3A_355 : memref<1x128xi32, #tpu.memory_space<vmem>> -> memref<128xi32, #tpu.memory_space<vmem>>
      %dma_wait3A_357 = arith.constant 0 : i32
      %dma_wait3A_358 = arith.constant 0 : i32
      %dma_wait3A_359 = tpu.memref_slice %arg2[%dma_wait3A_357, %dma_wait3A_358] : memref<10240x16xf32, #tpu.memory_space<hbm>> -> memref<10240x16xf32, #tpu.memory_space<hbm>>
      tpu.wait_indirect_dma semaphore(%arg16 : memref<!tpu.dma_semaphore, #tpu.memory_space<semaphore_mem>>) src(%dma_wait3A_359 : memref<10240x16xf32, #tpu.memory_space<hbm>>) dst(%arg10 : memref<128x16xf32, #tpu.memory_space<vmem>>)
      %dma_start3A_360 = arith.constant 8 : i32
      %dma_start3A_361 = arith.constant 0 : i32
      %dma_start3A_362 = tpu.memref_slice %arg6[%dma_start3A_360, %dma_start3A_361] : memref<144x128xi32, #tpu.memory_space<vmem>> -> memref<1x128xi32, #tpu.memory_space<vmem>>
      %dma_start3A_363 = tpu.memref_squeeze %dma_start3A_362 : memref<1x128xi32, #tpu.memory_space<vmem>> -> memref<128xi32, #tpu.memory_space<vmem>>
      %dma_start3A_364 = arith.constant 0 : i32
      %dma_start3A_365 = arith.constant 0 : i32
      %dma_start3A_366 = tpu.memref_slice %arg15[%dma_start3A_364, %dma_start3A_365] : memref<10240x16xf32, #tpu.memory_space<vmem_shared>> -> memref<10240x16xf32, #tpu.memory_space<vmem_shared>>
      tpu.enqueue_indirect_dma source(%arg7 : memref<128x16xf32, #tpu.memory_space<vmem>>) target(%dma_start3A_366 : memref<10240x16xf32, #tpu.memory_space<vmem_shared>>) offsets(%dma_start3A_363 : memref<128xi32, #tpu.memory_space<vmem>>) semaphore(%arg18 : memref<!tpu.dma_semaphore, #tpu.memory_space<semaphore_mem>>) {add = true}
      %dma_start3A_367 = arith.constant 9 : i32
      %dma_start3A_368 = arith.constant 0 : i32
      %dma_start3A_369 = tpu.memref_slice %arg6[%dma_start3A_367, %dma_start3A_368] : memref<144x128xi32, #tpu.memory_space<vmem>> -> memref<1x128xi32, #tpu.memory_space<vmem>>
      %dma_start3A_370 = tpu.memref_squeeze %dma_start3A_369 : memref<1x128xi32, #tpu.memory_space<vmem>> -> memref<128xi32, #tpu.memory_space<vmem>>
      %dma_start3A_371 = arith.constant 0 : i32
      %dma_start3A_372 = arith.constant 0 : i32
      %dma_start3A_373 = tpu.memref_slice %arg15[%dma_start3A_371, %dma_start3A_372] : memref<10240x16xf32, #tpu.memory_space<vmem_shared>> -> memref<10240x16xf32, #tpu.memory_space<vmem_shared>>
      tpu.enqueue_indirect_dma source(%arg8 : memref<128x16xf32, #tpu.memory_space<vmem>>) target(%dma_start3A_373 : memref<10240x16xf32, #tpu.memory_space<vmem_shared>>) offsets(%dma_start3A_370 : memref<128xi32, #tpu.memory_space<vmem>>) semaphore(%arg18 : memref<!tpu.dma_semaphore, #tpu.memory_space<semaphore_mem>>) {add = true}
      %dma_start3A_374 = arith.constant 10 : i32
      %dma_start3A_375 = arith.constant 0 : i32
      %dma_start3A_376 = tpu.memref_slice %arg6[%dma_start3A_374, %dma_start3A_375] : memref<144x128xi32, #tpu.memory_space<vmem>> -> memref<1x128xi32, #tpu.memory_space<vmem>>
      %dma_start3A_377 = tpu.memref_squeeze %dma_start3A_376 : memref<1x128xi32, #tpu.memory_space<vmem>> -> memref<128xi32, #tpu.memory_space<vmem>>
      %dma_start3A_378 = arith.constant 0 : i32
      %dma_start3A_379 = arith.constant 0 : i32
      %dma_start3A_380 = tpu.memref_slice %arg15[%dma_start3A_378, %dma_start3A_379] : memref<10240x16xf32, #tpu.memory_space<vmem_shared>> -> memref<10240x16xf32, #tpu.memory_space<vmem_shared>>
      tpu.enqueue_indirect_dma source(%arg9 : memref<128x16xf32, #tpu.memory_space<vmem>>) target(%dma_start3A_380 : memref<10240x16xf32, #tpu.memory_space<vmem_shared>>) offsets(%dma_start3A_377 : memref<128xi32, #tpu.memory_space<vmem>>) semaphore(%arg18 : memref<!tpu.dma_semaphore, #tpu.memory_space<semaphore_mem>>) {add = true}
      %dma_start3A_381 = arith.constant 11 : i32
      %dma_start3A_382 = arith.constant 0 : i32
      %dma_start3A_383 = tpu.memref_slice %arg6[%dma_start3A_381, %dma_start3A_382] : memref<144x128xi32, #tpu.memory_space<vmem>> -> memref<1x128xi32, #tpu.memory_space<vmem>>
      %dma_start3A_384 = tpu.memref_squeeze %dma_start3A_383 : memref<1x128xi32, #tpu.memory_space<vmem>> -> memref<128xi32, #tpu.memory_space<vmem>>
      %dma_start3A_385 = arith.constant 0 : i32
      %dma_start3A_386 = arith.constant 0 : i32
      %dma_start3A_387 = tpu.memref_slice %arg15[%dma_start3A_385, %dma_start3A_386] : memref<10240x16xf32, #tpu.memory_space<vmem_shared>> -> memref<10240x16xf32, #tpu.memory_space<vmem_shared>>
      tpu.enqueue_indirect_dma source(%arg10 : memref<128x16xf32, #tpu.memory_space<vmem>>) target(%dma_start3A_387 : memref<10240x16xf32, #tpu.memory_space<vmem_shared>>) offsets(%dma_start3A_384 : memref<128xi32, #tpu.memory_space<vmem>>) semaphore(%arg18 : memref<!tpu.dma_semaphore, #tpu.memory_space<semaphore_mem>>) {add = true}
      %dma_wait3A_388 = arith.constant 0 : i32
      %dma_wait3A_389 = arith.constant 0 : i32
      %dma_wait3A_390 = tpu.memref_slice %arg6[%dma_wait3A_388, %dma_wait3A_389] : memref<144x128xi32, #tpu.memory_space<vmem>> -> memref<1x128xi32, #tpu.memory_space<vmem>>
      %dma_wait3A_391 = tpu.memref_squeeze %dma_wait3A_390 : memref<1x128xi32, #tpu.memory_space<vmem>> -> memref<128xi32, #tpu.memory_space<vmem>>
      %dma_wait3A_392 = arith.constant 0 : i32
      %dma_wait3A_393 = arith.constant 0 : i32
      %dma_wait3A_394 = tpu.memref_slice %arg15[%dma_wait3A_392, %dma_wait3A_393] : memref<10240x16xf32, #tpu.memory_space<vmem_shared>> -> memref<10240x16xf32, #tpu.memory_space<vmem_shared>>
      tpu.wait_indirect_dma semaphore(%arg18 : memref<!tpu.dma_semaphore, #tpu.memory_space<semaphore_mem>>) src(%arg7 : memref<128x16xf32, #tpu.memory_space<vmem>>) dst(%dma_wait3A_394 : memref<10240x16xf32, #tpu.memory_space<vmem_shared>>)
      %dma_wait3A_395 = arith.constant 0 : i32
      %dma_wait3A_396 = arith.constant 0 : i32
      %dma_wait3A_397 = tpu.memref_slice %arg6[%dma_wait3A_395, %dma_wait3A_396] : memref<144x128xi32, #tpu.memory_space<vmem>> -> memref<1x128xi32, #tpu.memory_space<vmem>>
      %dma_wait3A_398 = tpu.memref_squeeze %dma_wait3A_397 : memref<1x128xi32, #tpu.memory_space<vmem>> -> memref<128xi32, #tpu.memory_space<vmem>>
      %dma_wait3A_399 = arith.constant 0 : i32
      %dma_wait3A_400 = arith.constant 0 : i32
      %dma_wait3A_401 = tpu.memref_slice %arg15[%dma_wait3A_399, %dma_wait3A_400] : memref<10240x16xf32, #tpu.memory_space<vmem_shared>> -> memref<10240x16xf32, #tpu.memory_space<vmem_shared>>
      tpu.wait_indirect_dma semaphore(%arg18 : memref<!tpu.dma_semaphore, #tpu.memory_space<semaphore_mem>>) src(%arg8 : memref<128x16xf32, #tpu.memory_space<vmem>>) dst(%dma_wait3A_401 : memref<10240x16xf32, #tpu.memory_space<vmem_shared>>)
      %dma_wait3A_402 = arith.constant 0 : i32
      %dma_wait3A_403 = arith.constant 0 : i32
      %dma_wait3A_404 = tpu.memref_slice %arg6[%dma_wait3A_402, %dma_wait3A_403] : memref<144x128xi32, #tpu.memory_space<vmem>> -> memref<1x128xi32, #tpu.memory_space<vmem>>
      %dma_wait3A_405 = tpu.memref_squeeze %dma_wait3A_404 : memref<1x128xi32, #tpu.memory_space<vmem>> -> memref<128xi32, #tpu.memory_space<vmem>>
      %dma_wait3A_406 = arith.constant 0 : i32
      %dma_wait3A_407 = arith.constant 0 : i32
      %dma_wait3A_408 = tpu.memref_slice %arg15[%dma_wait3A_406, %dma_wait3A_407] : memref<10240x16xf32, #tpu.memory_space<vmem_shared>> -> memref<10240x16xf32, #tpu.memory_space<vmem_shared>>
      tpu.wait_indirect_dma semaphore(%arg18 : memref<!tpu.dma_semaphore, #tpu.memory_space<semaphore_mem>>) src(%arg9 : memref<128x16xf32, #tpu.memory_space<vmem>>) dst(%dma_wait3A_408 : memref<10240x16xf32, #tpu.memory_space<vmem_shared>>)
      %dma_wait3A_409 = arith.constant 0 : i32
      %dma_wait3A_410 = arith.constant 0 : i32
      %dma_wait3A_411 = tpu.memref_slice %arg6[%dma_wait3A_409, %dma_wait3A_410] : memref<144x128xi32, #tpu.memory_space<vmem>> -> memref<1x128xi32, #tpu.memory_space<vmem>>
      %dma_wait3A_412 = tpu.memref_squeeze %dma_wait3A_411 : memref<1x128xi32, #tpu.memory_space<vmem>> -> memref<128xi32, #tpu.memory_space<vmem>>
      %dma_wait3A_413 = arith.constant 0 : i32
      %dma_wait3A_414 = arith.constant 0 : i32
      %dma_wait3A_415 = tpu.memref_slice %arg15[%dma_wait3A_413, %dma_wait3A_414] : memref<10240x16xf32, #tpu.memory_space<vmem_shared>> -> memref<10240x16xf32, #tpu.memory_space<vmem_shared>>
      tpu.wait_indirect_dma semaphore(%arg18 : memref<!tpu.dma_semaphore, #tpu.memory_space<semaphore_mem>>) src(%arg10 : memref<128x16xf32, #tpu.memory_space<vmem>>) dst(%dma_wait3A_415 : memref<10240x16xf32, #tpu.memory_space<vmem_shared>>)
      %dma_wait3A_416 = arith.constant 0 : i32
      %dma_wait3A_417 = arith.constant 0 : i32
      %dma_wait3A_418 = tpu.memref_slice %arg5[%dma_wait3A_416, %dma_wait3A_417] : memref<144x128xi32, #tpu.memory_space<vmem>> -> memref<1x128xi32, #tpu.memory_space<vmem>>
      %dma_wait3A_419 = tpu.memref_squeeze %dma_wait3A_418 : memref<1x128xi32, #tpu.memory_space<vmem>> -> memref<128xi32, #tpu.memory_space<vmem>>
      %dma_wait3A_420 = arith.constant 0 : i32
      %dma_wait3A_421 = arith.constant 0 : i32
      %dma_wait3A_422 = tpu.memref_slice %arg2[%dma_wait3A_420, %dma_wait3A_421] : memref<10240x16xf32, #tpu.memory_space<hbm>> -> memref<10240x16xf32, #tpu.memory_space<hbm>>
      tpu.wait_indirect_dma semaphore(%arg17 : memref<!tpu.dma_semaphore, #tpu.memory_space<semaphore_mem>>) src(%dma_wait3A_422 : memref<10240x16xf32, #tpu.memory_space<hbm>>) dst(%arg11 : memref<128x16xf32, #tpu.memory_space<vmem>>)
      %dma_wait3A_423 = arith.constant 0 : i32
      %dma_wait3A_424 = arith.constant 0 : i32
      %dma_wait3A_425 = tpu.memref_slice %arg5[%dma_wait3A_423, %dma_wait3A_424] : memref<144x128xi32, #tpu.memory_space<vmem>> -> memref<1x128xi32, #tpu.memory_space<vmem>>
      %dma_wait3A_426 = tpu.memref_squeeze %dma_wait3A_425 : memref<1x128xi32, #tpu.memory_space<vmem>> -> memref<128xi32, #tpu.memory_space<vmem>>
      %dma_wait3A_427 = arith.constant 0 : i32
      %dma_wait3A_428 = arith.constant 0 : i32
      %dma_wait3A_429 = tpu.memref_slice %arg2[%dma_wait3A_427, %dma_wait3A_428] : memref<10240x16xf32, #tpu.memory_space<hbm>> -> memref<10240x16xf32, #tpu.memory_space<hbm>>
      tpu.wait_indirect_dma semaphore(%arg17 : memref<!tpu.dma_semaphore, #tpu.memory_space<semaphore_mem>>) src(%dma_wait3A_429 : memref<10240x16xf32, #tpu.memory_space<hbm>>) dst(%arg12 : memref<128x16xf32, #tpu.memory_space<vmem>>)
      %dma_wait3A_430 = arith.constant 0 : i32
      %dma_wait3A_431 = arith.constant 0 : i32
      %dma_wait3A_432 = tpu.memref_slice %arg5[%dma_wait3A_430, %dma_wait3A_431] : memref<144x128xi32, #tpu.memory_space<vmem>> -> memref<1x128xi32, #tpu.memory_space<vmem>>
      %dma_wait3A_433 = tpu.memref_squeeze %dma_wait3A_432 : memref<1x128xi32, #tpu.memory_space<vmem>> -> memref<128xi32, #tpu.memory_space<vmem>>
      %dma_wait3A_434 = arith.constant 0 : i32
      %dma_wait3A_435 = arith.constant 0 : i32
      %dma_wait3A_436 = tpu.memref_slice %arg2[%dma_wait3A_434, %dma_wait3A_435] : memref<10240x16xf32, #tpu.memory_space<hbm>> -> memref<10240x16xf32, #tpu.memory_space<hbm>>
      tpu.wait_indirect_dma semaphore(%arg17 : memref<!tpu.dma_semaphore, #tpu.memory_space<semaphore_mem>>) src(%dma_wait3A_436 : memref<10240x16xf32, #tpu.memory_space<hbm>>) dst(%arg13 : memref<128x16xf32, #tpu.memory_space<vmem>>)
      %dma_wait3A_437 = arith.constant 0 : i32
      %dma_wait3A_438 = arith.constant 0 : i32
      %dma_wait3A_439 = tpu.memref_slice %arg5[%dma_wait3A_437, %dma_wait3A_438] : memref<144x128xi32, #tpu.memory_space<vmem>> -> memref<1x128xi32, #tpu.memory_space<vmem>>
      %dma_wait3A_440 = tpu.memref_squeeze %dma_wait3A_439 : memref<1x128xi32, #tpu.memory_space<vmem>> -> memref<128xi32, #tpu.memory_space<vmem>>
      %dma_wait3A_441 = arith.constant 0 : i32
      %dma_wait3A_442 = arith.constant 0 : i32
      %dma_wait3A_443 = tpu.memref_slice %arg2[%dma_wait3A_441, %dma_wait3A_442] : memref<10240x16xf32, #tpu.memory_space<hbm>> -> memref<10240x16xf32, #tpu.memory_space<hbm>>
      tpu.wait_indirect_dma semaphore(%arg17 : memref<!tpu.dma_semaphore, #tpu.memory_space<semaphore_mem>>) src(%dma_wait3A_443 : memref<10240x16xf32, #tpu.memory_space<hbm>>) dst(%arg14 : memref<128x16xf32, #tpu.memory_space<vmem>>)
      %dma_start3A_444 = arith.constant 12 : i32
      %dma_start3A_445 = arith.constant 0 : i32
      %dma_start3A_446 = tpu.memref_slice %arg6[%dma_start3A_444, %dma_start3A_445] : memref<144x128xi32, #tpu.memory_space<vmem>> -> memref<1x128xi32, #tpu.memory_space<vmem>>
      %dma_start3A_447 = tpu.memref_squeeze %dma_start3A_446 : memref<1x128xi32, #tpu.memory_space<vmem>> -> memref<128xi32, #tpu.memory_space<vmem>>
      %dma_start3A_448 = arith.constant 0 : i32
      %dma_start3A_449 = arith.constant 0 : i32
      %dma_start3A_450 = tpu.memref_slice %arg15[%dma_start3A_448, %dma_start3A_449] : memref<10240x16xf32, #tpu.memory_space<vmem_shared>> -> memref<10240x16xf32, #tpu.memory_space<vmem_shared>>
      tpu.enqueue_indirect_dma source(%arg11 : memref<128x16xf32, #tpu.memory_space<vmem>>) target(%dma_start3A_450 : memref<10240x16xf32, #tpu.memory_space<vmem_shared>>) offsets(%dma_start3A_447 : memref<128xi32, #tpu.memory_space<vmem>>) semaphore(%arg19 : memref<!tpu.dma_semaphore, #tpu.memory_space<semaphore_mem>>) {add = true}
      %dma_start3A_451 = arith.constant 13 : i32
      %dma_start3A_452 = arith.constant 0 : i32
      %dma_start3A_453 = tpu.memref_slice %arg6[%dma_start3A_451, %dma_start3A_452] : memref<144x128xi32, #tpu.memory_space<vmem>> -> memref<1x128xi32, #tpu.memory_space<vmem>>
      %dma_start3A_454 = tpu.memref_squeeze %dma_start3A_453 : memref<1x128xi32, #tpu.memory_space<vmem>> -> memref<128xi32, #tpu.memory_space<vmem>>
      %dma_start3A_455 = arith.constant 0 : i32
      %dma_start3A_456 = arith.constant 0 : i32
      %dma_start3A_457 = tpu.memref_slice %arg15[%dma_start3A_455, %dma_start3A_456] : memref<10240x16xf32, #tpu.memory_space<vmem_shared>> -> memref<10240x16xf32, #tpu.memory_space<vmem_shared>>
      tpu.enqueue_indirect_dma source(%arg12 : memref<128x16xf32, #tpu.memory_space<vmem>>) target(%dma_start3A_457 : memref<10240x16xf32, #tpu.memory_space<vmem_shared>>) offsets(%dma_start3A_454 : memref<128xi32, #tpu.memory_space<vmem>>) semaphore(%arg19 : memref<!tpu.dma_semaphore, #tpu.memory_space<semaphore_mem>>) {add = true}
      %dma_start3A_458 = arith.constant 14 : i32
      %dma_start3A_459 = arith.constant 0 : i32
      %dma_start3A_460 = tpu.memref_slice %arg6[%dma_start3A_458, %dma_start3A_459] : memref<144x128xi32, #tpu.memory_space<vmem>> -> memref<1x128xi32, #tpu.memory_space<vmem>>
      %dma_start3A_461 = tpu.memref_squeeze %dma_start3A_460 : memref<1x128xi32, #tpu.memory_space<vmem>> -> memref<128xi32, #tpu.memory_space<vmem>>
      %dma_start3A_462 = arith.constant 0 : i32
      %dma_start3A_463 = arith.constant 0 : i32
      %dma_start3A_464 = tpu.memref_slice %arg15[%dma_start3A_462, %dma_start3A_463] : memref<10240x16xf32, #tpu.memory_space<vmem_shared>> -> memref<10240x16xf32, #tpu.memory_space<vmem_shared>>
      tpu.enqueue_indirect_dma source(%arg13 : memref<128x16xf32, #tpu.memory_space<vmem>>) target(%dma_start3A_464 : memref<10240x16xf32, #tpu.memory_space<vmem_shared>>) offsets(%dma_start3A_461 : memref<128xi32, #tpu.memory_space<vmem>>) semaphore(%arg19 : memref<!tpu.dma_semaphore, #tpu.memory_space<semaphore_mem>>) {add = true}
      %dma_start3A_465 = arith.constant 15 : i32
      %dma_start3A_466 = arith.constant 0 : i32
      %dma_start3A_467 = tpu.memref_slice %arg6[%dma_start3A_465, %dma_start3A_466] : memref<144x128xi32, #tpu.memory_space<vmem>> -> memref<1x128xi32, #tpu.memory_space<vmem>>
      %dma_start3A_468 = tpu.memref_squeeze %dma_start3A_467 : memref<1x128xi32, #tpu.memory_space<vmem>> -> memref<128xi32, #tpu.memory_space<vmem>>
      %dma_start3A_469 = arith.constant 0 : i32
      %dma_start3A_470 = arith.constant 0 : i32
      %dma_start3A_471 = tpu.memref_slice %arg15[%dma_start3A_469, %dma_start3A_470] : memref<10240x16xf32, #tpu.memory_space<vmem_shared>> -> memref<10240x16xf32, #tpu.memory_space<vmem_shared>>
      tpu.enqueue_indirect_dma source(%arg14 : memref<128x16xf32, #tpu.memory_space<vmem>>) target(%dma_start3A_471 : memref<10240x16xf32, #tpu.memory_space<vmem_shared>>) offsets(%dma_start3A_468 : memref<128xi32, #tpu.memory_space<vmem>>) semaphore(%arg19 : memref<!tpu.dma_semaphore, #tpu.memory_space<semaphore_mem>>) {add = true}
      %dma_wait3A_472 = arith.constant 0 : i32
      %dma_wait3A_473 = arith.constant 0 : i32
      %dma_wait3A_474 = tpu.memref_slice %arg6[%dma_wait3A_472, %dma_wait3A_473] : memref<144x128xi32, #tpu.memory_space<vmem>> -> memref<1x128xi32, #tpu.memory_space<vmem>>
      %dma_wait3A_475 = tpu.memref_squeeze %dma_wait3A_474 : memref<1x128xi32, #tpu.memory_space<vmem>> -> memref<128xi32, #tpu.memory_space<vmem>>
      %dma_wait3A_476 = arith.constant 0 : i32
      %dma_wait3A_477 = arith.constant 0 : i32
      %dma_wait3A_478 = tpu.memref_slice %arg15[%dma_wait3A_476, %dma_wait3A_477] : memref<10240x16xf32, #tpu.memory_space<vmem_shared>> -> memref<10240x16xf32, #tpu.memory_space<vmem_shared>>
      tpu.wait_indirect_dma semaphore(%arg19 : memref<!tpu.dma_semaphore, #tpu.memory_space<semaphore_mem>>) src(%arg11 : memref<128x16xf32, #tpu.memory_space<vmem>>) dst(%dma_wait3A_478 : memref<10240x16xf32, #tpu.memory_space<vmem_shared>>)
      %dma_wait3A_479 = arith.constant 0 : i32
      %dma_wait3A_480 = arith.constant 0 : i32
      %dma_wait3A_481 = tpu.memref_slice %arg6[%dma_wait3A_479, %dma_wait3A_480] : memref<144x128xi32, #tpu.memory_space<vmem>> -> memref<1x128xi32, #tpu.memory_space<vmem>>
      %dma_wait3A_482 = tpu.memref_squeeze %dma_wait3A_481 : memref<1x128xi32, #tpu.memory_space<vmem>> -> memref<128xi32, #tpu.memory_space<vmem>>
      %dma_wait3A_483 = arith.constant 0 : i32
      %dma_wait3A_484 = arith.constant 0 : i32
      %dma_wait3A_485 = tpu.memref_slice %arg15[%dma_wait3A_483, %dma_wait3A_484] : memref<10240x16xf32, #tpu.memory_space<vmem_shared>> -> memref<10240x16xf32, #tpu.memory_space<vmem_shared>>
      tpu.wait_indirect_dma semaphore(%arg19 : memref<!tpu.dma_semaphore, #tpu.memory_space<semaphore_mem>>) src(%arg12 : memref<128x16xf32, #tpu.memory_space<vmem>>) dst(%dma_wait3A_485 : memref<10240x16xf32, #tpu.memory_space<vmem_shared>>)
      %dma_wait3A_486 = arith.constant 0 : i32
      %dma_wait3A_487 = arith.constant 0 : i32
      %dma_wait3A_488 = tpu.memref_slice %arg6[%dma_wait3A_486, %dma_wait3A_487] : memref<144x128xi32, #tpu.memory_space<vmem>> -> memref<1x128xi32, #tpu.memory_space<vmem>>
      %dma_wait3A_489 = tpu.memref_squeeze %dma_wait3A_488 : memref<1x128xi32, #tpu.memory_space<vmem>> -> memref<128xi32, #tpu.memory_space<vmem>>
      %dma_wait3A_490 = arith.constant 0 : i32
      %dma_wait3A_491 = arith.constant 0 : i32
      %dma_wait3A_492 = tpu.memref_slice %arg15[%dma_wait3A_490, %dma_wait3A_491] : memref<10240x16xf32, #tpu.memory_space<vmem_shared>> -> memref<10240x16xf32, #tpu.memory_space<vmem_shared>>
      tpu.wait_indirect_dma semaphore(%arg19 : memref<!tpu.dma_semaphore, #tpu.memory_space<semaphore_mem>>) src(%arg13 : memref<128x16xf32, #tpu.memory_space<vmem>>) dst(%dma_wait3A_492 : memref<10240x16xf32, #tpu.memory_space<vmem_shared>>)
      %dma_wait3A_493 = arith.constant 0 : i32
      %dma_wait3A_494 = arith.constant 0 : i32
      %dma_wait3A_495 = tpu.memref_slice %arg6[%dma_wait3A_493, %dma_wait3A_494] : memref<144x128xi32, #tpu.memory_space<vmem>> -> memref<1x128xi32, #tpu.memory_space<vmem>>
      %dma_wait3A_496 = tpu.memref_squeeze %dma_wait3A_495 : memref<1x128xi32, #tpu.memory_space<vmem>> -> memref<128xi32, #tpu.memory_space<vmem>>
      %dma_wait3A_497 = arith.constant 0 : i32
      %dma_wait3A_498 = arith.constant 0 : i32
      %dma_wait3A_499 = tpu.memref_slice %arg15[%dma_wait3A_497, %dma_wait3A_498] : memref<10240x16xf32, #tpu.memory_space<vmem_shared>> -> memref<10240x16xf32, #tpu.memory_space<vmem_shared>>
      tpu.wait_indirect_dma semaphore(%arg19 : memref<!tpu.dma_semaphore, #tpu.memory_space<semaphore_mem>>) src(%arg14 : memref<128x16xf32, #tpu.memory_space<vmem>>) dst(%dma_wait3A_499 : memref<10240x16xf32, #tpu.memory_space<vmem_shared>>)
    } else {
    }
    %barrier3A = arith.constant 0 : index
    tpu.barrier barrier_id(%barrier3A)
    "tpu.region"() ({
      %run_scoped3A = tpu.sem_alloc : memref<!tpu.dma_semaphore, #tpu.memory_space<semaphore_mem>>
      %dma_start3A = arith.constant 0 : i32
      %dma_start3A_20 = tpu.memref_slice %arg4[%arg0, %mul3A_0, %dma_start3A] : memref<2x10240x16xf32, #tpu.memory_space<hbm>> -> memref<1x640x16xf32, #tpu.memory_space<hbm>>
      %dma_start3A_21 = tpu.memref_squeeze %dma_start3A_20 : memref<1x640x16xf32, #tpu.memory_space<hbm>> -> memref<640x16xf32, #tpu.memory_space<hbm>>
      %dma_start3A_22 = arith.constant 0 : i32
      %dma_start3A_23 = tpu.memref_slice %arg15[%mul3A_0, %dma_start3A_22] : memref<10240x16xf32, #tpu.memory_space<vmem_shared>> -> memref<640x16xf32, #tpu.memory_space<vmem_shared>>
      tpu.enqueue_dma source(%dma_start3A_23 : memref<640x16xf32, #tpu.memory_space<vmem_shared>>) target(%dma_start3A_21 : memref<640x16xf32, #tpu.memory_space<hbm>>) target_semaphore(%run_scoped3A : memref<!tpu.dma_semaphore, #tpu.memory_space<semaphore_mem>>)
      %dma_wait3A = arith.constant 0 : i32
      %dma_wait3A_24 = tpu.memref_slice %arg4[%arg0, %mul3A_0, %dma_wait3A] : memref<2x10240x16xf32, #tpu.memory_space<hbm>> -> memref<1x640x16xf32, #tpu.memory_space<hbm>>
      %dma_wait3A_25 = tpu.memref_squeeze %dma_wait3A_24 : memref<1x640x16xf32, #tpu.memory_space<hbm>> -> memref<640x16xf32, #tpu.memory_space<hbm>>
      %dma_wait3A_26 = arith.constant 0 : i32
      %dma_wait3A_27 = tpu.memref_slice %arg15[%mul3A_0, %dma_wait3A_26] : memref<10240x16xf32, #tpu.memory_space<vmem_shared>> -> memref<640x16xf32, #tpu.memory_space<vmem_shared>>
      tpu.wait_dma2 semaphore(%run_scoped3A : memref<!tpu.dma_semaphore, #tpu.memory_space<semaphore_mem>>) src(%dma_wait3A_27 : memref<640x16xf32, #tpu.memory_space<vmem_shared>>) dst(%dma_wait3A_25 : memref<640x16xf32, #tpu.memory_space<hbm>>)
      tpu.yield
    }) : () -> ()
    return
  }
}

module attributes {stable_mosaic.version = 14 : i64} {
  func.func @_pre_body(%arg0: i32, %arg1: memref<640x1024xf32, #tpu.memory_space<vmem>>, %arg2: memref<128x16xf32, #tpu.memory_space<vmem>>, %arg3: memref<128x8xf32, #tpu.memory_space<vmem>>, %arg4: memref<1x64xf32, #tpu.memory_space<vmem>>, %arg5: memref<640x128xf32, #tpu.memory_space<vmem>>, %arg6: memref<640x64xf32, #tpu.memory_space<vmem>>) attributes {dimension_semantics = [#tpu.dimension_semantics<arbitrary>], iteration_bounds = array<i64: 2>, scalar_prefetch = 0 : i64, scratch_operands = 0 : i64, tpu.core_type = #tpu.core_type<tc>, window_params = [{transform_indices = @transform_0, window_bounds = array<i64: 640, 1024>}, {pipeline_mode = #tpu.pipeline_mode<synchronous>, transform_indices = @transform_1, window_bounds = array<i64: 128, 16>}, {pipeline_mode = #tpu.pipeline_mode<synchronous>, transform_indices = @transform_2, window_bounds = array<i64: 128, 8>}, {pipeline_mode = #tpu.pipeline_mode<synchronous>, transform_indices = @transform_3, window_bounds = array<i64: 1, 64>}, {transform_indices = @transform_4, window_bounds = array<i64: 640, 128>}, {transform_indices = @transform_5, window_bounds = array<i64: 640, 64>}]} {
    %get3A = arith.constant 0 : index
    %get3A_0 = arith.constant 0 : index
    %get3A_1 = vector.load %arg1[%get3A, %get3A_0] : memref<640x1024xf32, #tpu.memory_space<vmem>>, vector<640x1024xf32>
    %get3A_2 = arith.constant 0 : index
    %get3A_3 = arith.constant 0 : index
    %get3A_4 = vector.load %arg2[%get3A_2, %get3A_3] : memref<128x16xf32, #tpu.memory_space<vmem>>, vector<128x16xf32>
    %get3A_5 = arith.constant 0 : index
    %get3A_6 = arith.constant 0 : index
    %get3A_7 = vector.load %arg3[%get3A_5, %get3A_6] : memref<128x8xf32, #tpu.memory_space<vmem>>, vector<128x8xf32>
    %slice3A = vector.extract_strided_slice %get3A_1 {offsets = [0, 0], sizes = [640, 128], strides = [1, 1]} : vector<640x1024xf32> to vector<640x128xf32>
    %dot_general3A = arith.constant dense<0.000000e+00> : vector<640x16xf32>
    %dot_general3A_8 = tpu.matmul %slice3A, %get3A_4, %dot_general3A {dimension_numbers = #tpu.dot_dimension_numbers<[1], [0], [0], [1], [0, 0, 1, 1], [], []>, transpose_lhs_hint = false} : vector<640x128xf32>, vector<128x16xf32>, vector<640x16xf32> -> vector<640x16xf32>
    %slice3A_9 = vector.extract_strided_slice %get3A_1 {offsets = [0, 128], sizes = [640, 128], strides = [1, 1]} : vector<640x1024xf32> to vector<640x128xf32>
    %dot_general3A_10 = arith.constant dense<0.000000e+00> : vector<640x16xf32>
    %dot_general3A_11 = tpu.matmul %slice3A_9, %get3A_4, %dot_general3A_10 {dimension_numbers = #tpu.dot_dimension_numbers<[1], [0], [0], [1], [0, 0, 1, 1], [], []>, transpose_lhs_hint = false} : vector<640x128xf32>, vector<128x16xf32>, vector<640x16xf32> -> vector<640x16xf32>
    %slice3A_12 = vector.extract_strided_slice %get3A_1 {offsets = [0, 256], sizes = [640, 128], strides = [1, 1]} : vector<640x1024xf32> to vector<640x128xf32>
    %dot_general3A_13 = arith.constant dense<0.000000e+00> : vector<640x16xf32>
    %dot_general3A_14 = tpu.matmul %slice3A_12, %get3A_4, %dot_general3A_13 {dimension_numbers = #tpu.dot_dimension_numbers<[1], [0], [0], [1], [0, 0, 1, 1], [], []>, transpose_lhs_hint = false} : vector<640x128xf32>, vector<128x16xf32>, vector<640x16xf32> -> vector<640x16xf32>
    %slice3A_15 = vector.extract_strided_slice %get3A_1 {offsets = [0, 384], sizes = [640, 128], strides = [1, 1]} : vector<640x1024xf32> to vector<640x128xf32>
    %dot_general3A_16 = arith.constant dense<0.000000e+00> : vector<640x16xf32>
    %dot_general3A_17 = tpu.matmul %slice3A_15, %get3A_4, %dot_general3A_16 {dimension_numbers = #tpu.dot_dimension_numbers<[1], [0], [0], [1], [0, 0, 1, 1], [], []>, transpose_lhs_hint = false} : vector<640x128xf32>, vector<128x16xf32>, vector<640x16xf32> -> vector<640x16xf32>
    %slice3A_18 = vector.extract_strided_slice %get3A_1 {offsets = [0, 512], sizes = [640, 128], strides = [1, 1]} : vector<640x1024xf32> to vector<640x128xf32>
    %dot_general3A_19 = arith.constant dense<0.000000e+00> : vector<640x16xf32>
    %dot_general3A_20 = tpu.matmul %slice3A_18, %get3A_4, %dot_general3A_19 {dimension_numbers = #tpu.dot_dimension_numbers<[1], [0], [0], [1], [0, 0, 1, 1], [], []>, transpose_lhs_hint = false} : vector<640x128xf32>, vector<128x16xf32>, vector<640x16xf32> -> vector<640x16xf32>
    %slice3A_21 = vector.extract_strided_slice %get3A_1 {offsets = [0, 640], sizes = [640, 128], strides = [1, 1]} : vector<640x1024xf32> to vector<640x128xf32>
    %dot_general3A_22 = arith.constant dense<0.000000e+00> : vector<640x16xf32>
    %dot_general3A_23 = tpu.matmul %slice3A_21, %get3A_4, %dot_general3A_22 {dimension_numbers = #tpu.dot_dimension_numbers<[1], [0], [0], [1], [0, 0, 1, 1], [], []>, transpose_lhs_hint = false} : vector<640x128xf32>, vector<128x16xf32>, vector<640x16xf32> -> vector<640x16xf32>
    %slice3A_24 = vector.extract_strided_slice %get3A_1 {offsets = [0, 768], sizes = [640, 128], strides = [1, 1]} : vector<640x1024xf32> to vector<640x128xf32>
    %dot_general3A_25 = arith.constant dense<0.000000e+00> : vector<640x16xf32>
    %dot_general3A_26 = tpu.matmul %slice3A_24, %get3A_4, %dot_general3A_25 {dimension_numbers = #tpu.dot_dimension_numbers<[1], [0], [0], [1], [0, 0, 1, 1], [], []>, transpose_lhs_hint = false} : vector<640x128xf32>, vector<128x16xf32>, vector<640x16xf32> -> vector<640x16xf32>
    %slice3A_27 = vector.extract_strided_slice %get3A_1 {offsets = [0, 896], sizes = [640, 128], strides = [1, 1]} : vector<640x1024xf32> to vector<640x128xf32>
    %dot_general3A_28 = arith.constant dense<0.000000e+00> : vector<640x16xf32>
    %dot_general3A_29 = tpu.matmul %slice3A_27, %get3A_4, %dot_general3A_28 {dimension_numbers = #tpu.dot_dimension_numbers<[1], [0], [0], [1], [0, 0, 1, 1], [], []>, transpose_lhs_hint = false} : vector<640x128xf32>, vector<128x16xf32>, vector<640x16xf32> -> vector<640x16xf32>
    %concatenate3A = tpu.concatenate %dot_general3A_8, %dot_general3A_11, %dot_general3A_14, %dot_general3A_17, %dot_general3A_20, %dot_general3A_23, %dot_general3A_26, %dot_general3A_29 in 1 : vector<640x16xf32>, vector<640x16xf32>, vector<640x16xf32>, vector<640x16xf32>, vector<640x16xf32>, vector<640x16xf32>, vector<640x16xf32>, vector<640x16xf32> -> vector<640x128xf32>
    %iota3A = tpu.iota {dimensions = array<i32: 1>} : vector<640x128xi32>
    %jit3A = arith.constant 16 : i32
    %eq3A = arith.constant 0 : i32
    %eq3A_30 = arith.cmpi eq, %jit3A, %eq3A : i32
    %jit3A_31 = arith.constant 1 : i32
    %select_n3A = arith.select %eq3A_30, %jit3A_31, %jit3A : i32
    %rem3A = vector.broadcast %select_n3A : i32 to vector<640x128xi32>
    %rem3A_32 = arith.remsi %iota3A, %rem3A : vector<640x128xi32>
    %ne3A = arith.constant 0 : i32
    %ne3A_33 = vector.broadcast %ne3A : i32 to vector<640x128xi32>
    %ne3A_34 = arith.cmpi ne, %rem3A_32, %ne3A_33 : vector<640x128xi32>
    %lt3A = arith.constant 0 : i32
    %lt3A_35 = vector.broadcast %lt3A : i32 to vector<640x128xi32>
    %lt3A_36 = arith.cmpi slt, %rem3A_32, %lt3A_35 : vector<640x128xi32>
    %lt3A_37 = arith.constant 0 : i32
    %lt3A_38 = arith.cmpi slt, %select_n3A, %lt3A_37 : i32
    %ne3A_39 = vector.broadcast %lt3A_38 : i1 to vector<640x128xi1>
    %ne3A_40 = vector.broadcast %ne3A_39 : vector<640x128xi1> to vector<640x128xi1>
    %ne3A_41 = arith.xori %lt3A_36, %ne3A_40 : vector<640x128xi1>
    %and3A = arith.andi %ne3A_41, %ne3A_34 : vector<640x128xi1>
    %add3A = vector.broadcast %select_n3A : i32 to vector<640x128xi32>
    %add3A_42 = arith.addi %rem3A_32, %add3A : vector<640x128xi32>
    %select_n3A_43 = arith.select %and3A, %add3A_42, %rem3A_32 : vector<640x128xi1>, vector<640x128xi32>
    %eq3A_44 = arith.constant 8 : i32
    %eq3A_45 = vector.broadcast %eq3A_44 : i32 to vector<640x128xi32>
    %eq3A_46 = arith.cmpi eq, %select_n3A_43, %eq3A_45 : vector<640x128xi32>
    %add3A_47 = arith.constant 1.000000e+00 : f32
    %add3A_48 = vector.broadcast %add3A_47 : f32 to vector<640x128xf32>
    %add3A_49 = arith.addf %concatenate3A, %add3A_48 : vector<640x128xf32>
    %select_n3A_50 = arith.select %eq3A_46, %add3A_49, %concatenate3A : vector<640x128xi1>, vector<640x128xf32>
    %swap3A = arith.constant 0 : index
    %swap3A_51 = arith.constant 0 : index
    %swap3A_52 = vector.load %arg5[%swap3A, %swap3A_51] : memref<640x128xf32, #tpu.memory_space<vmem>>, vector<640x128xf32>
    tpu.vector_store %arg5[%swap3A, %swap3A_51], %select_n3A_50 {strides = array<i32>} : memref<640x128xf32, #tpu.memory_space<vmem>>, vector<640x128xf32>,
    %slice3A_53 = vector.extract_strided_slice %get3A_1 {offsets = [0, 0], sizes = [640, 128], strides = [1, 1]} : vector<640x1024xf32> to vector<640x128xf32>
    %dot_general3A_54 = arith.constant dense<0.000000e+00> : vector<640x8xf32>
    %dot_general3A_55 = tpu.matmul %slice3A_53, %get3A_7, %dot_general3A_54 {dimension_numbers = #tpu.dot_dimension_numbers<[1], [0], [0], [1], [0, 0, 1, 1], [], []>, transpose_lhs_hint = false} : vector<640x128xf32>, vector<128x8xf32>, vector<640x8xf32> -> vector<640x8xf32>
    %slice3A_56 = vector.extract_strided_slice %get3A_1 {offsets = [0, 128], sizes = [640, 128], strides = [1, 1]} : vector<640x1024xf32> to vector<640x128xf32>
    %dot_general3A_57 = arith.constant dense<0.000000e+00> : vector<640x8xf32>
    %dot_general3A_58 = tpu.matmul %slice3A_56, %get3A_7, %dot_general3A_57 {dimension_numbers = #tpu.dot_dimension_numbers<[1], [0], [0], [1], [0, 0, 1, 1], [], []>, transpose_lhs_hint = false} : vector<640x128xf32>, vector<128x8xf32>, vector<640x8xf32> -> vector<640x8xf32>
    %slice3A_59 = vector.extract_strided_slice %get3A_1 {offsets = [0, 256], sizes = [640, 128], strides = [1, 1]} : vector<640x1024xf32> to vector<640x128xf32>
    %dot_general3A_60 = arith.constant dense<0.000000e+00> : vector<640x8xf32>
    %dot_general3A_61 = tpu.matmul %slice3A_59, %get3A_7, %dot_general3A_60 {dimension_numbers = #tpu.dot_dimension_numbers<[1], [0], [0], [1], [0, 0, 1, 1], [], []>, transpose_lhs_hint = false} : vector<640x128xf32>, vector<128x8xf32>, vector<640x8xf32> -> vector<640x8xf32>
    %slice3A_62 = vector.extract_strided_slice %get3A_1 {offsets = [0, 384], sizes = [640, 128], strides = [1, 1]} : vector<640x1024xf32> to vector<640x128xf32>
    %dot_general3A_63 = arith.constant dense<0.000000e+00> : vector<640x8xf32>
    %dot_general3A_64 = tpu.matmul %slice3A_62, %get3A_7, %dot_general3A_63 {dimension_numbers = #tpu.dot_dimension_numbers<[1], [0], [0], [1], [0, 0, 1, 1], [], []>, transpose_lhs_hint = false} : vector<640x128xf32>, vector<128x8xf32>, vector<640x8xf32> -> vector<640x8xf32>
    %slice3A_65 = vector.extract_strided_slice %get3A_1 {offsets = [0, 512], sizes = [640, 128], strides = [1, 1]} : vector<640x1024xf32> to vector<640x128xf32>
    %dot_general3A_66 = arith.constant dense<0.000000e+00> : vector<640x8xf32>
    %dot_general3A_67 = tpu.matmul %slice3A_65, %get3A_7, %dot_general3A_66 {dimension_numbers = #tpu.dot_dimension_numbers<[1], [0], [0], [1], [0, 0, 1, 1], [], []>, transpose_lhs_hint = false} : vector<640x128xf32>, vector<128x8xf32>, vector<640x8xf32> -> vector<640x8xf32>
    %slice3A_68 = vector.extract_strided_slice %get3A_1 {offsets = [0, 640], sizes = [640, 128], strides = [1, 1]} : vector<640x1024xf32> to vector<640x128xf32>
    %dot_general3A_69 = arith.constant dense<0.000000e+00> : vector<640x8xf32>
    %dot_general3A_70 = tpu.matmul %slice3A_68, %get3A_7, %dot_general3A_69 {dimension_numbers = #tpu.dot_dimension_numbers<[1], [0], [0], [1], [0, 0, 1, 1], [], []>, transpose_lhs_hint = false} : vector<640x128xf32>, vector<128x8xf32>, vector<640x8xf32> -> vector<640x8xf32>
    %slice3A_71 = vector.extract_strided_slice %get3A_1 {offsets = [0, 768], sizes = [640, 128], strides = [1, 1]} : vector<640x1024xf32> to vector<640x128xf32>
    %dot_general3A_72 = arith.constant dense<0.000000e+00> : vector<640x8xf32>
    %dot_general3A_73 = tpu.matmul %slice3A_71, %get3A_7, %dot_general3A_72 {dimension_numbers = #tpu.dot_dimension_numbers<[1], [0], [0], [1], [0, 0, 1, 1], [], []>, transpose_lhs_hint = false} : vector<640x128xf32>, vector<128x8xf32>, vector<640x8xf32> -> vector<640x8xf32>
    %slice3A_74 = vector.extract_strided_slice %get3A_1 {offsets = [0, 896], sizes = [640, 128], strides = [1, 1]} : vector<640x1024xf32> to vector<640x128xf32>
    %dot_general3A_75 = arith.constant dense<0.000000e+00> : vector<640x8xf32>
    %dot_general3A_76 = tpu.matmul %slice3A_74, %get3A_7, %dot_general3A_75 {dimension_numbers = #tpu.dot_dimension_numbers<[1], [0], [0], [1], [0, 0, 1, 1], [], []>, transpose_lhs_hint = false} : vector<640x128xf32>, vector<128x8xf32>, vector<640x8xf32> -> vector<640x8xf32>
    %concatenate3A_77 = tpu.concatenate %dot_general3A_55, %dot_general3A_58, %dot_general3A_61, %dot_general3A_64, %dot_general3A_67, %dot_general3A_70, %dot_general3A_73, %dot_general3A_76 in 1 : vector<640x8xf32>, vector<640x8xf32>, vector<640x8xf32>, vector<640x8xf32>, vector<640x8xf32>, vector<640x8xf32>, vector<640x8xf32>, vector<640x8xf32> -> vector<640x64xf32>
    %get3A_78 = arith.constant 0 : index
    %get3A_79 = arith.constant 0 : index
    %get3A_80 = vector.load %arg4[%get3A_78, %get3A_79] : memref<1x64xf32, #tpu.memory_space<vmem>>, vector<1x64xf32>
    %add3A_81 = vector.broadcast %get3A_80 : vector<1x64xf32> to vector<640x64xf32>
    %add3A_82 = arith.addf %concatenate3A_77, %add3A_81 : vector<640x64xf32>
    %swap3A_83 = arith.constant 0 : index
    %swap3A_84 = arith.constant 0 : index
    %swap3A_85 = vector.load %arg6[%swap3A_83, %swap3A_84] : memref<640x64xf32, #tpu.memory_space<vmem>>, vector<640x64xf32>
    tpu.vector_store %arg6[%swap3A_83, %swap3A_84], %add3A_82 {strides = array<i32>} : memref<640x64xf32, #tpu.memory_space<vmem>>, vector<640x64xf32>,
    return
  }
  func.func @transform_0(%arg0: i32) -> (i32, i32) {
    %c0_i32 = arith.constant 0 : i32
    %c0_i32_0 = arith.constant 0 : i32
    return %arg0, %c0_i32 : i32, i32
  }
  func.func @transform_1(%arg0: i32) -> (i32, i32) {
    %c0_i32 = arith.constant 0 : i32
    %c0_i32_0 = arith.constant 0 : i32
    %c0_i32_1 = arith.constant 0 : i32
    return %c0_i32, %c0_i32_0 : i32, i32
  }
  func.func @transform_2(%arg0: i32) -> (i32, i32) {
    %c0_i32 = arith.constant 0 : i32
    %c0_i32_0 = arith.constant 0 : i32
    %c0_i32_1 = arith.constant 0 : i32
    return %c0_i32, %c0_i32_0 : i32, i32
  }
  func.func @transform_3(%arg0: i32) -> (i32, i32) {
    %c0_i32 = arith.constant 0 : i32
    %c0_i32_0 = arith.constant 0 : i32
    %c0_i32_1 = arith.constant 0 : i32
    return %c0_i32, %c0_i32_0 : i32, i32
  }
  func.func @transform_4(%arg0: i32) -> (i32, i32) {
    %c0_i32 = arith.constant 0 : i32
    %c0_i32_0 = arith.constant 0 : i32
    return %arg0, %c0_i32 : i32, i32
  }
  func.func @transform_5(%arg0: i32) -> (i32, i32) {
    %c0_i32 = arith.constant 0 : i32
    %c0_i32_0 = arith.constant 0 : i32
    return %arg0, %c0_i32 : i32, i32
  }
}

module attributes {stable_mosaic.version = 14 : i64} {
  func.func @_mid_body(%arg0: i32, %arg1: memref<2x640x128xf32, #tpu.memory_space<vmem>>, %arg2: memref<640x64xf32, #tpu.memory_space<vmem>>, %arg3: memref<8x16xf32, #tpu.memory_space<vmem>>, %arg4: memref<8x16xf32, #tpu.memory_space<vmem>>, %arg5: memref<1x128xf32, #tpu.memory_space<vmem>>, %arg6: memref<640x128xf32, #tpu.memory_space<vmem>>, %arg7: memref<640x128xf32, #tpu.memory_space<vmem>>, %arg8: memref<640x8xf32, #tpu.memory_space<vmem>>) attributes {dimension_semantics = [#tpu.dimension_semantics<arbitrary>], iteration_bounds = array<i64: 2>, scalar_prefetch = 0 : i64, scratch_operands = 0 : i64, tpu.core_type = #tpu.core_type<tc>, window_params = [{transform_indices = @transform_0, window_bounds = array<i64: 2, 640, 128>}, {transform_indices = @transform_1, window_bounds = array<i64: 640, 64>}, {pipeline_mode = #tpu.pipeline_mode<synchronous>, transform_indices = @transform_2, window_bounds = array<i64: 8, 16>}, {pipeline_mode = #tpu.pipeline_mode<synchronous>, transform_indices = @transform_3, window_bounds = array<i64: 8, 16>}, {pipeline_mode = #tpu.pipeline_mode<synchronous>, transform_indices = @transform_4, window_bounds = array<i64: 1, 128>}, {transform_indices = @transform_5, window_bounds = array<i64: 640, 128>}, {transform_indices = @transform_6, window_bounds = array<i64: 640, 128>}, {transform_indices = @transform_7, window_bounds = array<i64: 640, 8>}]} {
    %get3A = arith.constant 0 : index
    %get3A_0 = arith.constant 0 : index
    %get3A_1 = arith.constant 0 : index
    %get3A_2 = vector.load %arg1[%get3A, %get3A_0, %get3A_1] : memref<2x640x128xf32, #tpu.memory_space<vmem>>, vector<1x640x128xf32>
    %get3A_3 = vector.shape_cast %get3A_2 : vector<1x640x128xf32> to vector<640x128xf32>
    %get3A_4 = arith.constant 1 : index
    %get3A_5 = arith.constant 0 : index
    %get3A_6 = arith.constant 0 : index
    %get3A_7 = vector.load %arg1[%get3A_4, %get3A_5, %get3A_6] : memref<2x640x128xf32, #tpu.memory_space<vmem>>, vector<1x640x128xf32>
    %get3A_8 = vector.shape_cast %get3A_7 : vector<1x640x128xf32> to vector<640x128xf32>
    %add3A = arith.addf %get3A_3, %get3A_8 : vector<640x128xf32>
    %iota3A = tpu.iota {dimensions = array<i32: 0>} : vector<128x64xi32>
    %iota3A_9 = tpu.iota {dimensions = array<i32: 1>} : vector<128x64xi32>
    %jit3A = arith.constant 8 : i32
    %div3A = vector.broadcast %jit3A : i32 to vector<128x64xi32>
    %div3A_10 = arith.divsi %iota3A_9, %div3A : vector<128x64xi32>
    %sign3A = arith.constant 0 : i32
    %sign3A_11 = vector.broadcast %sign3A : i32 to vector<128x64xi32>
    %sign3A_12 = arith.cmpi sgt, %iota3A_9, %sign3A_11 : vector<128x64xi32>
    %sign3A_13 = arith.extui %sign3A_12 : vector<128x64xi1> to vector<128x64xi32>
    %sign3A_14 = arith.constant 0 : i32
    %sign3A_15 = vector.broadcast %sign3A_14 : i32 to vector<128x64xi32>
    %sign3A_16 = arith.cmpi slt, %iota3A_9, %sign3A_15 : vector<128x64xi32>
    %sign3A_17 = arith.extui %sign3A_16 : vector<128x64xi1> to vector<128x64xi32>
    %sign3A_18 = arith.subi %sign3A_13, %sign3A_17 : vector<128x64xi32>
    %sign3A_19 = arith.constant 0 : i32
    %sign3A_20 = arith.cmpi sgt, %jit3A, %sign3A_19 : i32
    %sign3A_21 = arith.extui %sign3A_20 : i1 to i32
    %sign3A_22 = arith.constant 0 : i32
    %sign3A_23 = arith.cmpi slt, %jit3A, %sign3A_22 : i32
    %sign3A_24 = arith.extui %sign3A_23 : i1 to i32
    %sign3A_25 = arith.subi %sign3A_21, %sign3A_24 : i32
    %ne3A = vector.broadcast %sign3A_25 : i32 to vector<128x64xi32>
    %ne3A_26 = arith.cmpi ne, %sign3A_18, %ne3A : vector<128x64xi32>
    %rem3A = vector.broadcast %jit3A : i32 to vector<128x64xi32>
    %rem3A_27 = arith.remsi %iota3A_9, %rem3A : vector<128x64xi32>
    %ne3A_28 = arith.constant 0 : i32
    %ne3A_29 = vector.broadcast %ne3A_28 : i32 to vector<128x64xi32>
    %ne3A_30 = arith.cmpi ne, %rem3A_27, %ne3A_29 : vector<128x64xi32>
    %and3A = arith.andi %ne3A_26, %ne3A_30 : vector<128x64xi1>
    %sub3A = arith.constant 1 : i32
    %sub3A_31 = vector.broadcast %sub3A : i32 to vector<128x64xi32>
    %sub3A_32 = arith.subi %div3A_10, %sub3A_31 : vector<128x64xi32>
    %select_n3A = arith.select %and3A, %sub3A_32, %div3A_10 : vector<128x64xi1>, vector<128x64xi32>
    %mul3A = arith.constant 16 : i32
    %mul3A_33 = vector.broadcast %mul3A : i32 to vector<128x64xi32>
    %mul3A_34 = arith.muli %select_n3A, %mul3A_33 : vector<128x64xi32>
    %jit3A_35 = arith.constant 8 : i32
    %eq3A = arith.constant 0 : i32
    %eq3A_36 = arith.cmpi eq, %jit3A_35, %eq3A : i32
    %jit3A_37 = arith.constant 1 : i32
    %select_n3A_38 = arith.select %eq3A_36, %jit3A_37, %jit3A_35 : i32
    %rem3A_39 = vector.broadcast %select_n3A_38 : i32 to vector<128x64xi32>
    %rem3A_40 = arith.remsi %iota3A_9, %rem3A_39 : vector<128x64xi32>
    %ne3A_41 = arith.constant 0 : i32
    %ne3A_42 = vector.broadcast %ne3A_41 : i32 to vector<128x64xi32>
    %ne3A_43 = arith.cmpi ne, %rem3A_40, %ne3A_42 : vector<128x64xi32>
    %lt3A = arith.constant 0 : i32
    %lt3A_44 = vector.broadcast %lt3A : i32 to vector<128x64xi32>
    %lt3A_45 = arith.cmpi slt, %rem3A_40, %lt3A_44 : vector<128x64xi32>
    %lt3A_46 = arith.constant 0 : i32
    %lt3A_47 = arith.cmpi slt, %select_n3A_38, %lt3A_46 : i32
    %ne3A_48 = vector.broadcast %lt3A_47 : i1 to vector<128x64xi1>
    %ne3A_49 = vector.broadcast %ne3A_48 : vector<128x64xi1> to vector<128x64xi1>
    %ne3A_50 = arith.xori %lt3A_45, %ne3A_49 : vector<128x64xi1>
    %and3A_51 = arith.andi %ne3A_50, %ne3A_43 : vector<128x64xi1>
    %add3A_52 = vector.broadcast %select_n3A_38 : i32 to vector<128x64xi32>
    %add3A_53 = arith.addi %rem3A_40, %add3A_52 : vector<128x64xi32>
    %select_n3A_54 = arith.select %and3A_51, %add3A_53, %rem3A_40 : vector<128x64xi1>, vector<128x64xi32>
    %add3A_55 = arith.addi %mul3A_34, %select_n3A_54 : vector<128x64xi32>
    %eq3A_56 = arith.cmpi eq, %add3A_55, %iota3A : vector<128x64xi32>
    %convert_element_type3A = arith.extui %eq3A_56 : vector<128x64xi1> to vector<128x64xi32>
    %convert_element_type3A_57 = arith.sitofp %convert_element_type3A : vector<128x64xi32> to vector<128x64xf32>
    %jit3A_58 = arith.constant 8 : i32
    %div3A_59 = vector.broadcast %jit3A_58 : i32 to vector<128x64xi32>
    %div3A_60 = arith.divsi %iota3A_9, %div3A_59 : vector<128x64xi32>
    %sign3A_61 = arith.constant 0 : i32
    %sign3A_62 = vector.broadcast %sign3A_61 : i32 to vector<128x64xi32>
    %sign3A_63 = arith.cmpi sgt, %iota3A_9, %sign3A_62 : vector<128x64xi32>
    %sign3A_64 = arith.extui %sign3A_63 : vector<128x64xi1> to vector<128x64xi32>
    %sign3A_65 = arith.constant 0 : i32
    %sign3A_66 = vector.broadcast %sign3A_65 : i32 to vector<128x64xi32>
    %sign3A_67 = arith.cmpi slt, %iota3A_9, %sign3A_66 : vector<128x64xi32>
    %sign3A_68 = arith.extui %sign3A_67 : vector<128x64xi1> to vector<128x64xi32>
    %sign3A_69 = arith.subi %sign3A_64, %sign3A_68 : vector<128x64xi32>
    %sign3A_70 = arith.constant 0 : i32
    %sign3A_71 = arith.cmpi sgt, %jit3A_58, %sign3A_70 : i32
    %sign3A_72 = arith.extui %sign3A_71 : i1 to i32
    %sign3A_73 = arith.constant 0 : i32
    %sign3A_74 = arith.cmpi slt, %jit3A_58, %sign3A_73 : i32
    %sign3A_75 = arith.extui %sign3A_74 : i1 to i32
    %sign3A_76 = arith.subi %sign3A_72, %sign3A_75 : i32
    %ne3A_77 = vector.broadcast %sign3A_76 : i32 to vector<128x64xi32>
    %ne3A_78 = arith.cmpi ne, %sign3A_69, %ne3A_77 : vector<128x64xi32>
    %rem3A_79 = vector.broadcast %jit3A_58 : i32 to vector<128x64xi32>
    %rem3A_80 = arith.remsi %iota3A_9, %rem3A_79 : vector<128x64xi32>
    %ne3A_81 = arith.constant 0 : i32
    %ne3A_82 = vector.broadcast %ne3A_81 : i32 to vector<128x64xi32>
    %ne3A_83 = arith.cmpi ne, %rem3A_80, %ne3A_82 : vector<128x64xi32>
    %and3A_84 = arith.andi %ne3A_78, %ne3A_83 : vector<128x64xi1>
    %sub3A_85 = arith.constant 1 : i32
    %sub3A_86 = vector.broadcast %sub3A_85 : i32 to vector<128x64xi32>
    %sub3A_87 = arith.subi %div3A_60, %sub3A_86 : vector<128x64xi32>
    %select_n3A_88 = arith.select %and3A_84, %sub3A_87, %div3A_60 : vector<128x64xi1>, vector<128x64xi32>
    %mul3A_89 = arith.constant 16 : i32
    %mul3A_90 = vector.broadcast %mul3A_89 : i32 to vector<128x64xi32>
    %mul3A_91 = arith.muli %select_n3A_88, %mul3A_90 : vector<128x64xi32>
    %add3A_92 = arith.constant 8 : i32
    %add3A_93 = vector.broadcast %add3A_92 : i32 to vector<128x64xi32>
    %add3A_94 = arith.addi %mul3A_91, %add3A_93 : vector<128x64xi32>
    %eq3A_95 = arith.cmpi eq, %add3A_94, %iota3A : vector<128x64xi32>
    %convert_element_type3A_96 = arith.extui %eq3A_95 : vector<128x64xi1> to vector<128x64xi32>
    %convert_element_type3A_97 = arith.sitofp %convert_element_type3A_96 : vector<128x64xi32> to vector<128x64xf32>
    %dot_general3A = arith.constant dense<0.000000e+00> : vector<640x64xf32>
    %dot_general3A_98 = tpu.matmul %add3A, %convert_element_type3A_57, %dot_general3A {dimension_numbers = #tpu.dot_dimension_numbers<[1], [0], [0], [1], [0, 0, 1, 1], [], []>, transpose_lhs_hint = false} : vector<640x128xf32>, vector<128x64xf32>, vector<640x64xf32> -> vector<640x64xf32>
    %dot_general3A_99 = arith.constant dense<0.000000e+00> : vector<640x64xf32>
    %dot_general3A_100 = tpu.matmul %add3A, %convert_element_type3A_97, %dot_general3A_99 {dimension_numbers = #tpu.dot_dimension_numbers<[1], [0], [0], [1], [0, 0, 1, 1], [], []>, transpose_lhs_hint = false} : vector<640x128xf32>, vector<128x64xf32>, vector<640x64xf32> -> vector<640x64xf32>
    %max3A = arith.constant 1.000000e+00 : f32
    %max3A_101 = vector.broadcast %max3A : f32 to vector<640x64xf32>
    %max3A_102 = arith.maximumf %dot_general3A_100, %max3A_101 : vector<640x64xf32>
    %div3A_103 = arith.divf %dot_general3A_98, %max3A_102 : vector<640x64xf32>
    %get3A_104 = arith.constant 0 : index
    %get3A_105 = arith.constant 0 : index
    %get3A_106 = vector.load %arg2[%get3A_104, %get3A_105] : memref<640x64xf32, #tpu.memory_space<vmem>>, vector<640x64xf32>
    %add3A_107 = arith.addf %div3A_103, %get3A_106 : vector<640x64xf32>
    %gt3A = arith.constant 0.000000e+00 : f32
    %gt3A_108 = vector.broadcast %gt3A : f32 to vector<640x64xf32>
    %gt3A_109 = arith.cmpf ogt, %add3A_107, %gt3A_108 : vector<640x64xf32>
    %min3A = arith.constant 0.000000e+00 : f32
    %min3A_110 = vector.broadcast %min3A : f32 to vector<640x64xf32>
    %min3A_111 = arith.minimumf %add3A_107, %min3A_110 : vector<640x64xf32>
    %exp3A = math.exp %min3A_111 : vector<640x64xf32>
    %sub3A_112 = arith.constant 1.000000e+00 : f32
    %sub3A_113 = vector.broadcast %sub3A_112 : f32 to vector<640x64xf32>
    %sub3A_114 = arith.subf %exp3A, %sub3A_113 : vector<640x64xf32>
    %select_n3A_115 = arith.select %gt3A_109, %add3A_107, %sub3A_114 : vector<640x64xi1>, vector<640x64xf32>
    %get3A_116 = arith.constant 0 : index
    %get3A_117 = arith.constant 0 : index
    %get3A_118 = vector.load %arg3[%get3A_116, %get3A_117] : memref<8x16xf32, #tpu.memory_space<vmem>>, vector<8x16xf32>
    %get3A_119 = arith.constant 0 : index
    %get3A_120 = arith.constant 0 : index
    %get3A_121 = vector.load %arg4[%get3A_119, %get3A_120] : memref<8x16xf32, #tpu.memory_space<vmem>>, vector<8x16xf32>
    %slice3A = vector.extract_strided_slice %select_n3A_115 {offsets = [0, 0], sizes = [640, 8], strides = [1, 1]} : vector<640x64xf32> to vector<640x8xf32>
    %dot_general3A_122 = arith.constant dense<0.000000e+00> : vector<640x16xf32>
    %dot_general3A_123 = tpu.matmul %slice3A, %get3A_118, %dot_general3A_122 {dimension_numbers = #tpu.dot_dimension_numbers<[1], [0], [0], [1], [0, 0, 1, 1], [], []>, transpose_lhs_hint = false} : vector<640x8xf32>, vector<8x16xf32>, vector<640x16xf32> -> vector<640x16xf32>
    %slice3A_124 = vector.extract_strided_slice %select_n3A_115 {offsets = [0, 8], sizes = [640, 8], strides = [1, 1]} : vector<640x64xf32> to vector<640x8xf32>
    %dot_general3A_125 = arith.constant dense<0.000000e+00> : vector<640x16xf32>
    %dot_general3A_126 = tpu.matmul %slice3A_124, %get3A_118, %dot_general3A_125 {dimension_numbers = #tpu.dot_dimension_numbers<[1], [0], [0], [1], [0, 0, 1, 1], [], []>, transpose_lhs_hint = false} : vector<640x8xf32>, vector<8x16xf32>, vector<640x16xf32> -> vector<640x16xf32>
    %slice3A_127 = vector.extract_strided_slice %select_n3A_115 {offsets = [0, 16], sizes = [640, 8], strides = [1, 1]} : vector<640x64xf32> to vector<640x8xf32>
    %dot_general3A_128 = arith.constant dense<0.000000e+00> : vector<640x16xf32>
    %dot_general3A_129 = tpu.matmul %slice3A_127, %get3A_118, %dot_general3A_128 {dimension_numbers = #tpu.dot_dimension_numbers<[1], [0], [0], [1], [0, 0, 1, 1], [], []>, transpose_lhs_hint = false} : vector<640x8xf32>, vector<8x16xf32>, vector<640x16xf32> -> vector<640x16xf32>
    %slice3A_130 = vector.extract_strided_slice %select_n3A_115 {offsets = [0, 24], sizes = [640, 8], strides = [1, 1]} : vector<640x64xf32> to vector<640x8xf32>
    %dot_general3A_131 = arith.constant dense<0.000000e+00> : vector<640x16xf32>
    %dot_general3A_132 = tpu.matmul %slice3A_130, %get3A_118, %dot_general3A_131 {dimension_numbers = #tpu.dot_dimension_numbers<[1], [0], [0], [1], [0, 0, 1, 1], [], []>, transpose_lhs_hint = false} : vector<640x8xf32>, vector<8x16xf32>, vector<640x16xf32> -> vector<640x16xf32>
    %slice3A_133 = vector.extract_strided_slice %select_n3A_115 {offsets = [0, 32], sizes = [640, 8], strides = [1, 1]} : vector<640x64xf32> to vector<640x8xf32>
    %dot_general3A_134 = arith.constant dense<0.000000e+00> : vector<640x16xf32>
    %dot_general3A_135 = tpu.matmul %slice3A_133, %get3A_118, %dot_general3A_134 {dimension_numbers = #tpu.dot_dimension_numbers<[1], [0], [0], [1], [0, 0, 1, 1], [], []>, transpose_lhs_hint = false} : vector<640x8xf32>, vector<8x16xf32>, vector<640x16xf32> -> vector<640x16xf32>
    %slice3A_136 = vector.extract_strided_slice %select_n3A_115 {offsets = [0, 40], sizes = [640, 8], strides = [1, 1]} : vector<640x64xf32> to vector<640x8xf32>
    %dot_general3A_137 = arith.constant dense<0.000000e+00> : vector<640x16xf32>
    %dot_general3A_138 = tpu.matmul %slice3A_136, %get3A_118, %dot_general3A_137 {dimension_numbers = #tpu.dot_dimension_numbers<[1], [0], [0], [1], [0, 0, 1, 1], [], []>, transpose_lhs_hint = false} : vector<640x8xf32>, vector<8x16xf32>, vector<640x16xf32> -> vector<640x16xf32>
    %slice3A_139 = vector.extract_strided_slice %select_n3A_115 {offsets = [0, 48], sizes = [640, 8], strides = [1, 1]} : vector<640x64xf32> to vector<640x8xf32>
    %dot_general3A_140 = arith.constant dense<0.000000e+00> : vector<640x16xf32>
    %dot_general3A_141 = tpu.matmul %slice3A_139, %get3A_118, %dot_general3A_140 {dimension_numbers = #tpu.dot_dimension_numbers<[1], [0], [0], [1], [0, 0, 1, 1], [], []>, transpose_lhs_hint = false} : vector<640x8xf32>, vector<8x16xf32>, vector<640x16xf32> -> vector<640x16xf32>
    %slice3A_142 = vector.extract_strided_slice %select_n3A_115 {offsets = [0, 56], sizes = [640, 8], strides = [1, 1]} : vector<640x64xf32> to vector<640x8xf32>
    %dot_general3A_143 = arith.constant dense<0.000000e+00> : vector<640x16xf32>
    %dot_general3A_144 = tpu.matmul %slice3A_142, %get3A_118, %dot_general3A_143 {dimension_numbers = #tpu.dot_dimension_numbers<[1], [0], [0], [1], [0, 0, 1, 1], [], []>, transpose_lhs_hint = false} : vector<640x8xf32>, vector<8x16xf32>, vector<640x16xf32> -> vector<640x16xf32>
    %concatenate3A = tpu.concatenate %dot_general3A_123, %dot_general3A_126, %dot_general3A_129, %dot_general3A_132, %dot_general3A_135, %dot_general3A_138, %dot_general3A_141, %dot_general3A_144 in 1 : vector<640x16xf32>, vector<640x16xf32>, vector<640x16xf32>, vector<640x16xf32>, vector<640x16xf32>, vector<640x16xf32>, vector<640x16xf32>, vector<640x16xf32> -> vector<640x128xf32>
    %swap3A = arith.constant 0 : index
    %swap3A_145 = arith.constant 0 : index
    %swap3A_146 = vector.load %arg6[%swap3A, %swap3A_145] : memref<640x128xf32, #tpu.memory_space<vmem>>, vector<640x128xf32>
    tpu.vector_store %arg6[%swap3A, %swap3A_145], %concatenate3A {strides = array<i32>} : memref<640x128xf32, #tpu.memory_space<vmem>>, vector<640x128xf32>,
    %slice3A_147 = vector.extract_strided_slice %select_n3A_115 {offsets = [0, 0], sizes = [640, 8], strides = [1, 1]} : vector<640x64xf32> to vector<640x8xf32>
    %dot_general3A_148 = arith.constant dense<0.000000e+00> : vector<640x16xf32>
    %dot_general3A_149 = tpu.matmul %slice3A_147, %get3A_121, %dot_general3A_148 {dimension_numbers = #tpu.dot_dimension_numbers<[1], [0], [0], [1], [0, 0, 1, 1], [], []>, transpose_lhs_hint = false} : vector<640x8xf32>, vector<8x16xf32>, vector<640x16xf32> -> vector<640x16xf32>
    %slice3A_150 = vector.extract_strided_slice %select_n3A_115 {offsets = [0, 8], sizes = [640, 8], strides = [1, 1]} : vector<640x64xf32> to vector<640x8xf32>
    %dot_general3A_151 = arith.constant dense<0.000000e+00> : vector<640x16xf32>
    %dot_general3A_152 = tpu.matmul %slice3A_150, %get3A_121, %dot_general3A_151 {dimension_numbers = #tpu.dot_dimension_numbers<[1], [0], [0], [1], [0, 0, 1, 1], [], []>, transpose_lhs_hint = false} : vector<640x8xf32>, vector<8x16xf32>, vector<640x16xf32> -> vector<640x16xf32>
    %slice3A_153 = vector.extract_strided_slice %select_n3A_115 {offsets = [0, 16], sizes = [640, 8], strides = [1, 1]} : vector<640x64xf32> to vector<640x8xf32>
    %dot_general3A_154 = arith.constant dense<0.000000e+00> : vector<640x16xf32>
    %dot_general3A_155 = tpu.matmul %slice3A_153, %get3A_121, %dot_general3A_154 {dimension_numbers = #tpu.dot_dimension_numbers<[1], [0], [0], [1], [0, 0, 1, 1], [], []>, transpose_lhs_hint = false} : vector<640x8xf32>, vector<8x16xf32>, vector<640x16xf32> -> vector<640x16xf32>
    %slice3A_156 = vector.extract_strided_slice %select_n3A_115 {offsets = [0, 24], sizes = [640, 8], strides = [1, 1]} : vector<640x64xf32> to vector<640x8xf32>
    %dot_general3A_157 = arith.constant dense<0.000000e+00> : vector<640x16xf32>
    %dot_general3A_158 = tpu.matmul %slice3A_156, %get3A_121, %dot_general3A_157 {dimension_numbers = #tpu.dot_dimension_numbers<[1], [0], [0], [1], [0, 0, 1, 1], [], []>, transpose_lhs_hint = false} : vector<640x8xf32>, vector<8x16xf32>, vector<640x16xf32> -> vector<640x16xf32>
    %slice3A_159 = vector.extract_strided_slice %select_n3A_115 {offsets = [0, 32], sizes = [640, 8], strides = [1, 1]} : vector<640x64xf32> to vector<640x8xf32>
    %dot_general3A_160 = arith.constant dense<0.000000e+00> : vector<640x16xf32>
    %dot_general3A_161 = tpu.matmul %slice3A_159, %get3A_121, %dot_general3A_160 {dimension_numbers = #tpu.dot_dimension_numbers<[1], [0], [0], [1], [0, 0, 1, 1], [], []>, transpose_lhs_hint = false} : vector<640x8xf32>, vector<8x16xf32>, vector<640x16xf32> -> vector<640x16xf32>
    %slice3A_162 = vector.extract_strided_slice %select_n3A_115 {offsets = [0, 40], sizes = [640, 8], strides = [1, 1]} : vector<640x64xf32> to vector<640x8xf32>
    %dot_general3A_163 = arith.constant dense<0.000000e+00> : vector<640x16xf32>
    %dot_general3A_164 = tpu.matmul %slice3A_162, %get3A_121, %dot_general3A_163 {dimension_numbers = #tpu.dot_dimension_numbers<[1], [0], [0], [1], [0, 0, 1, 1], [], []>, transpose_lhs_hint = false} : vector<640x8xf32>, vector<8x16xf32>, vector<640x16xf32> -> vector<640x16xf32>
    %slice3A_165 = vector.extract_strided_slice %select_n3A_115 {offsets = [0, 48], sizes = [640, 8], strides = [1, 1]} : vector<640x64xf32> to vector<640x8xf32>
    %dot_general3A_166 = arith.constant dense<0.000000e+00> : vector<640x16xf32>
    %dot_general3A_167 = tpu.matmul %slice3A_165, %get3A_121, %dot_general3A_166 {dimension_numbers = #tpu.dot_dimension_numbers<[1], [0], [0], [1], [0, 0, 1, 1], [], []>, transpose_lhs_hint = false} : vector<640x8xf32>, vector<8x16xf32>, vector<640x16xf32> -> vector<640x16xf32>
    %slice3A_168 = vector.extract_strided_slice %select_n3A_115 {offsets = [0, 56], sizes = [640, 8], strides = [1, 1]} : vector<640x64xf32> to vector<640x8xf32>
    %dot_general3A_169 = arith.constant dense<0.000000e+00> : vector<640x16xf32>
    %dot_general3A_170 = tpu.matmul %slice3A_168, %get3A_121, %dot_general3A_169 {dimension_numbers = #tpu.dot_dimension_numbers<[1], [0], [0], [1], [0, 0, 1, 1], [], []>, transpose_lhs_hint = false} : vector<640x8xf32>, vector<8x16xf32>, vector<640x16xf32> -> vector<640x16xf32>
    %concatenate3A_171 = tpu.concatenate %dot_general3A_149, %dot_general3A_152, %dot_general3A_155, %dot_general3A_158, %dot_general3A_161, %dot_general3A_164, %dot_general3A_167, %dot_general3A_170 in 1 : vector<640x16xf32>, vector<640x16xf32>, vector<640x16xf32>, vector<640x16xf32>, vector<640x16xf32>, vector<640x16xf32>, vector<640x16xf32>, vector<640x16xf32> -> vector<640x128xf32>
    %get3A_172 = arith.constant 0 : index
    %get3A_173 = arith.constant 0 : index
    %get3A_174 = vector.load %arg5[%get3A_172, %get3A_173] : memref<1x128xf32, #tpu.memory_space<vmem>>, vector<1x128xf32>
    %add3A_175 = vector.broadcast %get3A_174 : vector<1x128xf32> to vector<640x128xf32>
    %add3A_176 = arith.addf %concatenate3A_171, %add3A_175 : vector<640x128xf32>
    %swap3A_177 = arith.constant 0 : index
    %swap3A_178 = arith.constant 0 : index
    %swap3A_179 = vector.load %arg7[%swap3A_177, %swap3A_178] : memref<640x128xf32, #tpu.memory_space<vmem>>, vector<640x128xf32>
    tpu.vector_store %arg7[%swap3A_177, %swap3A_178], %add3A_176 {strides = array<i32>} : memref<640x128xf32, #tpu.memory_space<vmem>>, vector<640x128xf32>,
    %iota3A_180 = tpu.iota {dimensions = array<i32: 0>} : vector<128x8xi32>
    %iota3A_181 = tpu.iota {dimensions = array<i32: 1>} : vector<128x8xi32>
    %mul3A_182 = arith.constant 16 : i32
    %mul3A_183 = vector.broadcast %mul3A_182 : i32 to vector<128x8xi32>
    %mul3A_184 = arith.muli %iota3A_181, %mul3A_183 : vector<128x8xi32>
    %add3A_185 = arith.constant 8 : i32
    %add3A_186 = vector.broadcast %add3A_185 : i32 to vector<128x8xi32>
    %add3A_187 = arith.addi %mul3A_184, %add3A_186 : vector<128x8xi32>
    %eq3A_188 = arith.cmpi eq, %add3A_187, %iota3A_180 : vector<128x8xi32>
    %convert_element_type3A_189 = arith.extui %eq3A_188 : vector<128x8xi1> to vector<128x8xi32>
    %convert_element_type3A_190 = arith.sitofp %convert_element_type3A_189 : vector<128x8xi32> to vector<128x8xf32>
    %dot_general3A_191 = arith.constant dense<0.000000e+00> : vector<640x8xf32>
    %dot_general3A_192 = tpu.matmul %add3A, %convert_element_type3A_190, %dot_general3A_191 {dimension_numbers = #tpu.dot_dimension_numbers<[1], [0], [0], [1], [0, 0, 1, 1], [], []>, transpose_lhs_hint = false} : vector<640x128xf32>, vector<128x8xf32>, vector<640x8xf32> -> vector<640x8xf32>
    %max3A_193 = arith.constant 1.000000e+00 : f32
    %max3A_194 = vector.broadcast %max3A_193 : f32 to vector<640x8xf32>
    %max3A_195 = arith.maximumf %dot_general3A_192, %max3A_194 : vector<640x8xf32>
    %swap3A_196 = arith.constant 0 : index
    %swap3A_197 = arith.constant 0 : index
    %swap3A_198 = vector.load %arg8[%swap3A_196, %swap3A_197] : memref<640x8xf32, #tpu.memory_space<vmem>>, vector<640x8xf32>
    tpu.vector_store %arg8[%swap3A_196, %swap3A_197], %max3A_195 {strides = array<i32>} : memref<640x8xf32, #tpu.memory_space<vmem>>, vector<640x8xf32>,
    return
  }
  func.func @transform_0(%arg0: i32) -> (i32, i32, i32) {
    %c0_i32 = arith.constant 0 : i32
    %c0_i32_0 = arith.constant 0 : i32
    %c0_i32_1 = arith.constant 0 : i32
    return %c0_i32, %arg0, %c0_i32_0 : i32, i32, i32
  }
  func.func @transform_1(%arg0: i32) -> (i32, i32) {
    %c0_i32 = arith.constant 0 : i32
    %c0_i32_0 = arith.constant 0 : i32
    return %arg0, %c0_i32 : i32, i32
  }
  func.func @transform_2(%arg0: i32) -> (i32, i32) {
    %c0_i32 = arith.constant 0 : i32
    %c0_i32_0 = arith.constant 0 : i32
    %c0_i32_1 = arith.constant 0 : i32
    return %c0_i32, %c0_i32_0 : i32, i32
  }
  func.func @transform_3(%arg0: i32) -> (i32, i32) {
    %c0_i32 = arith.constant 0 : i32
    %c0_i32_0 = arith.constant 0 : i32
    %c0_i32_1 = arith.constant 0 : i32
    return %c0_i32, %c0_i32_0 : i32, i32
  }
  func.func @transform_4(%arg0: i32) -> (i32, i32) {
    %c0_i32 = arith.constant 0 : i32
    %c0_i32_0 = arith.constant 0 : i32
    %c0_i32_1 = arith.constant 0 : i32
    return %c0_i32, %c0_i32_0 : i32, i32
  }
  func.func @transform_5(%arg0: i32) -> (i32, i32) {
    %c0_i32 = arith.constant 0 : i32
    %c0_i32_0 = arith.constant 0 : i32
    return %arg0, %c0_i32 : i32, i32
  }
  func.func @transform_6(%arg0: i32) -> (i32, i32) {
    %c0_i32 = arith.constant 0 : i32
    %c0_i32_0 = arith.constant 0 : i32
    return %arg0, %c0_i32 : i32, i32
  }
  func.func @transform_7(%arg0: i32) -> (i32, i32) {
    %c0_i32 = arith.constant 0 : i32
    %c0_i32_0 = arith.constant 0 : i32
    return %arg0, %c0_i32 : i32, i32
  }
}

module attributes {stable_mosaic.version = 14 : i64} {
  func.func @_fin_body(%arg0: i32, %arg1: memref<2x640x128xf32, #tpu.memory_space<vmem>>, %arg2: memref<640x8xf32, #tpu.memory_space<vmem>>, %arg3: memref<640x128xf32, #tpu.memory_space<vmem>>, %arg4: memref<640x128xf32, #tpu.memory_space<vmem>>) attributes {dimension_semantics = [#tpu.dimension_semantics<arbitrary>], iteration_bounds = array<i64: 2>, scalar_prefetch = 0 : i64, scratch_operands = 0 : i64, tpu.core_type = #tpu.core_type<tc>, window_params = [{transform_indices = @transform_0, window_bounds = array<i64: 2, 640, 128>}, {transform_indices = @transform_1, window_bounds = array<i64: 640, 8>}, {transform_indices = @transform_2, window_bounds = array<i64: 640, 128>}, {transform_indices = @transform_3, window_bounds = array<i64: 640, 128>}]} {
    %get3A = arith.constant 0 : index
    %get3A_0 = arith.constant 0 : index
    %get3A_1 = arith.constant 0 : index
    %get3A_2 = vector.load %arg1[%get3A, %get3A_0, %get3A_1] : memref<2x640x128xf32, #tpu.memory_space<vmem>>, vector<1x640x128xf32>
    %get3A_3 = vector.shape_cast %get3A_2 : vector<1x640x128xf32> to vector<640x128xf32>
    %get3A_4 = arith.constant 1 : index
    %get3A_5 = arith.constant 0 : index
    %get3A_6 = arith.constant 0 : index
    %get3A_7 = vector.load %arg1[%get3A_4, %get3A_5, %get3A_6] : memref<2x640x128xf32, #tpu.memory_space<vmem>>, vector<1x640x128xf32>
    %get3A_8 = vector.shape_cast %get3A_7 : vector<1x640x128xf32> to vector<640x128xf32>
    %add3A = arith.addf %get3A_3, %get3A_8 : vector<640x128xf32>
    %iota3A = tpu.iota {dimensions = array<i32: 0>} : vector<8x128xi32>
    %iota3A_9 = tpu.iota {dimensions = array<i32: 1>} : vector<8x128xi32>
    %jit3A = arith.constant 16 : i32
    %div3A = vector.broadcast %jit3A : i32 to vector<8x128xi32>
    %div3A_10 = arith.divsi %iota3A_9, %div3A : vector<8x128xi32>
    %sign3A = arith.constant 0 : i32
    %sign3A_11 = vector.broadcast %sign3A : i32 to vector<8x128xi32>
    %sign3A_12 = arith.cmpi sgt, %iota3A_9, %sign3A_11 : vector<8x128xi32>
    %sign3A_13 = arith.extui %sign3A_12 : vector<8x128xi1> to vector<8x128xi32>
    %sign3A_14 = arith.constant 0 : i32
    %sign3A_15 = vector.broadcast %sign3A_14 : i32 to vector<8x128xi32>
    %sign3A_16 = arith.cmpi slt, %iota3A_9, %sign3A_15 : vector<8x128xi32>
    %sign3A_17 = arith.extui %sign3A_16 : vector<8x128xi1> to vector<8x128xi32>
    %sign3A_18 = arith.subi %sign3A_13, %sign3A_17 : vector<8x128xi32>
    %sign3A_19 = arith.constant 0 : i32
    %sign3A_20 = arith.cmpi sgt, %jit3A, %sign3A_19 : i32
    %sign3A_21 = arith.extui %sign3A_20 : i1 to i32
    %sign3A_22 = arith.constant 0 : i32
    %sign3A_23 = arith.cmpi slt, %jit3A, %sign3A_22 : i32
    %sign3A_24 = arith.extui %sign3A_23 : i1 to i32
    %sign3A_25 = arith.subi %sign3A_21, %sign3A_24 : i32
    %ne3A = vector.broadcast %sign3A_25 : i32 to vector<8x128xi32>
    %ne3A_26 = arith.cmpi ne, %sign3A_18, %ne3A : vector<8x128xi32>
    %rem3A = vector.broadcast %jit3A : i32 to vector<8x128xi32>
    %rem3A_27 = arith.remsi %iota3A_9, %rem3A : vector<8x128xi32>
    %ne3A_28 = arith.constant 0 : i32
    %ne3A_29 = vector.broadcast %ne3A_28 : i32 to vector<8x128xi32>
    %ne3A_30 = arith.cmpi ne, %rem3A_27, %ne3A_29 : vector<8x128xi32>
    %and3A = arith.andi %ne3A_26, %ne3A_30 : vector<8x128xi1>
    %sub3A = arith.constant 1 : i32
    %sub3A_31 = vector.broadcast %sub3A : i32 to vector<8x128xi32>
    %sub3A_32 = arith.subi %div3A_10, %sub3A_31 : vector<8x128xi32>
    %select_n3A = arith.select %and3A, %sub3A_32, %div3A_10 : vector<8x128xi1>, vector<8x128xi32>
    %eq3A = arith.cmpi eq, %select_n3A, %iota3A : vector<8x128xi32>
    %convert_element_type3A = arith.extui %eq3A : vector<8x128xi1> to vector<8x128xi32>
    %convert_element_type3A_33 = arith.sitofp %convert_element_type3A : vector<8x128xi32> to vector<8x128xf32>
    %get3A_34 = arith.constant 0 : index
    %get3A_35 = arith.constant 0 : index
    %get3A_36 = vector.load %arg2[%get3A_34, %get3A_35] : memref<640x8xf32, #tpu.memory_space<vmem>>, vector<640x8xf32>
    %dot_general3A = arith.constant dense<0.000000e+00> : vector<640x128xf32>
    %dot_general3A_37 = tpu.matmul %get3A_36, %convert_element_type3A_33, %dot_general3A {dimension_numbers = #tpu.dot_dimension_numbers<[1], [0], [0], [1], [0, 0, 1, 1], [], []>, transpose_lhs_hint = false} : vector<640x8xf32>, vector<8x128xf32>, vector<640x128xf32> -> vector<640x128xf32>
    %div3A_38 = arith.divf %add3A, %dot_general3A_37 : vector<640x128xf32>
    %get3A_39 = arith.constant 0 : index
    %get3A_40 = arith.constant 0 : index
    %get3A_41 = vector.load %arg3[%get3A_39, %get3A_40] : memref<640x128xf32, #tpu.memory_space<vmem>>, vector<640x128xf32>
    %add3A_42 = arith.addf %div3A_38, %get3A_41 : vector<640x128xf32>
    %reduce_max3A = arith.constant dense<0xFF800000> : vector<640xf32>
    %reduce_max3A_43 = vector.multi_reduction <maximumf>, %add3A_42, %reduce_max3A [1] : vector<640x128xf32> to vector<640xf32>
    %broadcast_in_dim3A = vector.shape_cast %reduce_max3A_43 : vector<640xf32> to vector<640x1xf32>
    %sub3A_44 = vector.broadcast %broadcast_in_dim3A : vector<640x1xf32> to vector<640x128xf32>
    %sub3A_45 = arith.subf %add3A_42, %sub3A_44 : vector<640x128xf32>
    %exp3A = math.exp %sub3A_45 : vector<640x128xf32>
    %iota3A_46 = tpu.iota {dimensions = array<i32: 0>} : vector<128x128xi32>
    %iota3A_47 = tpu.iota {dimensions = array<i32: 1>} : vector<128x128xi32>
    %jit3A_48 = arith.constant 16 : i32
    %div3A_49 = vector.broadcast %jit3A_48 : i32 to vector<128x128xi32>
    %div3A_50 = arith.divsi %iota3A_46, %div3A_49 : vector<128x128xi32>
    %sign3A_51 = arith.constant 0 : i32
    %sign3A_52 = vector.broadcast %sign3A_51 : i32 to vector<128x128xi32>
    %sign3A_53 = arith.cmpi sgt, %iota3A_46, %sign3A_52 : vector<128x128xi32>
    %sign3A_54 = arith.extui %sign3A_53 : vector<128x128xi1> to vector<128x128xi32>
    %sign3A_55 = arith.constant 0 : i32
    %sign3A_56 = vector.broadcast %sign3A_55 : i32 to vector<128x128xi32>
    %sign3A_57 = arith.cmpi slt, %iota3A_46, %sign3A_56 : vector<128x128xi32>
    %sign3A_58 = arith.extui %sign3A_57 : vector<128x128xi1> to vector<128x128xi32>
    %sign3A_59 = arith.subi %sign3A_54, %sign3A_58 : vector<128x128xi32>
    %sign3A_60 = arith.constant 0 : i32
    %sign3A_61 = arith.cmpi sgt, %jit3A_48, %sign3A_60 : i32
    %sign3A_62 = arith.extui %sign3A_61 : i1 to i32
    %sign3A_63 = arith.constant 0 : i32
    %sign3A_64 = arith.cmpi slt, %jit3A_48, %sign3A_63 : i32
    %sign3A_65 = arith.extui %sign3A_64 : i1 to i32
    %sign3A_66 = arith.subi %sign3A_62, %sign3A_65 : i32
    %ne3A_67 = vector.broadcast %sign3A_66 : i32 to vector<128x128xi32>
    %ne3A_68 = arith.cmpi ne, %sign3A_59, %ne3A_67 : vector<128x128xi32>
    %rem3A_69 = vector.broadcast %jit3A_48 : i32 to vector<128x128xi32>
    %rem3A_70 = arith.remsi %iota3A_46, %rem3A_69 : vector<128x128xi32>
    %ne3A_71 = arith.constant 0 : i32
    %ne3A_72 = vector.broadcast %ne3A_71 : i32 to vector<128x128xi32>
    %ne3A_73 = arith.cmpi ne, %rem3A_70, %ne3A_72 : vector<128x128xi32>
    %and3A_74 = arith.andi %ne3A_68, %ne3A_73 : vector<128x128xi1>
    %sub3A_75 = arith.constant 1 : i32
    %sub3A_76 = vector.broadcast %sub3A_75 : i32 to vector<128x128xi32>
    %sub3A_77 = arith.subi %div3A_50, %sub3A_76 : vector<128x128xi32>
    %select_n3A_78 = arith.select %and3A_74, %sub3A_77, %div3A_50 : vector<128x128xi1>, vector<128x128xi32>
    %jit3A_79 = arith.constant 16 : i32
    %div3A_80 = vector.broadcast %jit3A_79 : i32 to vector<128x128xi32>
    %div3A_81 = arith.divsi %iota3A_47, %div3A_80 : vector<128x128xi32>
    %sign3A_82 = arith.constant 0 : i32
    %sign3A_83 = vector.broadcast %sign3A_82 : i32 to vector<128x128xi32>
    %sign3A_84 = arith.cmpi sgt, %iota3A_47, %sign3A_83 : vector<128x128xi32>
    %sign3A_85 = arith.extui %sign3A_84 : vector<128x128xi1> to vector<128x128xi32>
    %sign3A_86 = arith.constant 0 : i32
    %sign3A_87 = vector.broadcast %sign3A_86 : i32 to vector<128x128xi32>
    %sign3A_88 = arith.cmpi slt, %iota3A_47, %sign3A_87 : vector<128x128xi32>
    %sign3A_89 = arith.extui %sign3A_88 : vector<128x128xi1> to vector<128x128xi32>
    %sign3A_90 = arith.subi %sign3A_85, %sign3A_89 : vector<128x128xi32>
    %sign3A_91 = arith.constant 0 : i32
    %sign3A_92 = arith.cmpi sgt, %jit3A_79, %sign3A_91 : i32
    %sign3A_93 = arith.extui %sign3A_92 : i1 to i32
    %sign3A_94 = arith.constant 0 : i32
    %sign3A_95 = arith.cmpi slt, %jit3A_79, %sign3A_94 : i32
    %sign3A_96 = arith.extui %sign3A_95 : i1 to i32
    %sign3A_97 = arith.subi %sign3A_93, %sign3A_96 : i32
    %ne3A_98 = vector.broadcast %sign3A_97 : i32 to vector<128x128xi32>
    %ne3A_99 = arith.cmpi ne, %sign3A_90, %ne3A_98 : vector<128x128xi32>
    %rem3A_100 = vector.broadcast %jit3A_79 : i32 to vector<128x128xi32>
    %rem3A_101 = arith.remsi %iota3A_47, %rem3A_100 : vector<128x128xi32>
    %ne3A_102 = arith.constant 0 : i32
    %ne3A_103 = vector.broadcast %ne3A_102 : i32 to vector<128x128xi32>
    %ne3A_104 = arith.cmpi ne, %rem3A_101, %ne3A_103 : vector<128x128xi32>
    %and3A_105 = arith.andi %ne3A_99, %ne3A_104 : vector<128x128xi1>
    %sub3A_106 = arith.constant 1 : i32
    %sub3A_107 = vector.broadcast %sub3A_106 : i32 to vector<128x128xi32>
    %sub3A_108 = arith.subi %div3A_81, %sub3A_107 : vector<128x128xi32>
    %select_n3A_109 = arith.select %and3A_105, %sub3A_108, %div3A_81 : vector<128x128xi1>, vector<128x128xi32>
    %eq3A_110 = arith.cmpi eq, %select_n3A_78, %select_n3A_109 : vector<128x128xi32>
    %convert_element_type3A_111 = arith.extui %eq3A_110 : vector<128x128xi1> to vector<128x128xi32>
    %convert_element_type3A_112 = arith.sitofp %convert_element_type3A_111 : vector<128x128xi32> to vector<128x128xf32>
    %dot_general3A_113 = arith.constant dense<0.000000e+00> : vector<640x128xf32>
    %dot_general3A_114 = tpu.matmul %exp3A, %convert_element_type3A_112, %dot_general3A_113 {dimension_numbers = #tpu.dot_dimension_numbers<[1], [0], [0], [1], [0, 0, 1, 1], [], []>, transpose_lhs_hint = false} : vector<640x128xf32>, vector<128x128xf32>, vector<640x128xf32> -> vector<640x128xf32>
    %sub3A_115 = vector.broadcast %broadcast_in_dim3A : vector<640x1xf32> to vector<640x128xf32>
    %sub3A_116 = arith.subf %add3A_42, %sub3A_115 : vector<640x128xf32>
    %log3A = math.log %dot_general3A_114 : vector<640x128xf32>
    %sub3A_117 = arith.subf %sub3A_116, %log3A : vector<640x128xf32>
    %swap3A = arith.constant 0 : index
    %swap3A_118 = arith.constant 0 : index
    %swap3A_119 = vector.load %arg4[%swap3A, %swap3A_118] : memref<640x128xf32, #tpu.memory_space<vmem>>, vector<640x128xf32>
    tpu.vector_store %arg4[%swap3A, %swap3A_118], %sub3A_117 {strides = array<i32>} : memref<640x128xf32, #tpu.memory_space<vmem>>, vector<640x128xf32>,
    return
  }
  func.func @transform_0(%arg0: i32) -> (i32, i32, i32) {
    %c0_i32 = arith.constant 0 : i32
    %c0_i32_0 = arith.constant 0 : i32
    %c0_i32_1 = arith.constant 0 : i32
    return %c0_i32, %arg0, %c0_i32_0 : i32, i32, i32
  }
  func.func @transform_1(%arg0: i32) -> (i32, i32) {
    %c0_i32 = arith.constant 0 : i32
    %c0_i32_0 = arith.constant 0 : i32
    return %arg0, %c0_i32 : i32, i32
  }
  func.func @transform_2(%arg0: i32) -> (i32, i32) {
    %c0_i32 = arith.constant 0 : i32
    %c0_i32_0 = arith.constant 0 : i32
    return %arg0, %c0_i32 : i32, i32
  }
  func.func @transform_3(%arg0: i32) -> (i32, i32) {
    %c0_i32 = arith.constant 0 : i32
    %c0_i32_0 = arith.constant 0 : i32
    return %arg0, %c0_i32 : i32, i32
  }
}

</mosaic_0001>

<sc_bundles>
// kernel: kernel.10.cloned.1.call-start
scs
__scs_entry_jumppad:
0x0: {  	(pc) =	sbr.rel $0x88, $3  }
0x1: {  	(tag) =	ssettag $0x0;
	lr =	simm.s32 $0x1  }
0x2: {  	[smem:$0x3F99] =	sst lr;
	_ =	strace $0xD0000000  }
0x3: {  	_ = 	snop  }
0x4: {  	_ = 	snop  }
0x5: {  	_ = 	snop  }
0x6: {  	_ = 	snop  }
0x7: {  	_ = 	snop  }
__scs_overlays_trampoline_lowered:
0x8: {  	[smem:$0x3FA8] =	sst s0  }
0x9: {  	[smem:$0x3FA9] =	sst s1  }
0xa: {  	[smem:$0x3FAA] =	sst s2  }
0xb: {  	[smem:$0x3FAB] =	sst s3  }
0xc: {  	[smem:$0x3FAC] =	sst s4  }
0xd: {  	[smem:$0x3FAD] =	sst s5  }
0xe: {  	[smem:$0x3FAE] =	sst s6  }
0xf: {  	[smem:$0x3FAF] =	sst s7  }
0x10: {  	[smem:$0x3FB0] =	sst s8  }
0x11: {  	[smem:$0x3FB1] =	sst s9;
	s0 =	simm.s32 @!p0 $0x0  }
0x12: {  	s1 =	sld [smem:$0x3F97];
	s0 =	simm.s32 @p0 $0x1  }
0x13: {  	[smem:$0x3FB2] =	sst s0;
	s0 =	simm.s32 @!p1 $0x0  }
0x14: {  	s2 =	sld [smem:$0x3F96];
	s0 =	simm.s32 @p1 $0x1  }
0x15: {  	[smem:$0x3FB3] =	sst s0;
	s0 =	simm.s32 @!p2 $0x0  }
0x16: {  	s3 =	sld [smem:$0x3FDB];
	s0 =	simm.s32 @p2 $0x1  }
0x17: {  	s4 =	simm.s32 $0x1BF5;
	[smem:$0x3FB5] =	sst s0  }
0x18: {  	s0 =	sld [smem:$0x3F98];
	_ =	swait.ge [sflag:s4], $0x0  }
0x19: {  	s7 =	sld [smem:$0x3F99]  }
0x1a: {  	s8 =	sadd.s32 $0xFFFFE003, lr  }
0x1b: {  	s9 =	sadd.s32 $0xFFFFFEF7, lr;
	s5 =	simm.s32 $0xFFFFFFFF;
	p2 =	slt.u32 s8, $0xFFFFF086  }
0x1c: {  	p1 =	slt.u32 s9, $0xF7A;
	s5 =	simm.s32 @!p2 $0x0  }
0x1d: {  	s5 =	simm.s32 @p1 $0x1;
	p0 =	seq.s32 s7, s2  }
0x1e: {  	s7 =	smul.u32 @!p0 $0xF7A, s2;
	p2 =	seq.s32 @!p0 s5, $0x0  }
0x1f: {  	s9 =	smul.u32 $0xF7A, s1;
	s8 =	simm.s32 @!p0 $0x1BF5;
	p2 =	por !p2, p0  }
0x20: {  	[sflag:s8] =	ssyncset.s32 @!p0 $0xFFFFF086;
	s6 =	sadd.s32 @!p0 s3, s7;
	s7 =	simm.s32 @!p0 $0x108  }
0x21: {  	s3 =	sadd.s32 s3, s9;
	s6 =	sadd.s32 @!p0 $0x88, s6;
	s7 =	simm.s32 @p2 $0x1082  }
0x22: {  	[simem:s7], [sflag:s8] =	dma.local @!p0 [hbm:s6], $0xF7A  }
0x23: {  	s9 =	sor.u32 $0xD0000000, s2;
	s6 =	simm.s32 $0x108;
	_ =	swait.ge @!p0 [sflag:s8], $0x0  }
0x24: {  	s3 =	sadd.s32 $0x88, s3;
	s6 =	simm.s32 @!p1 $0x1082;
	[sflag:s4] =	ssyncset.s32 $0xFFFFF086  }
0x25: {  	[simem:s6], [sflag:s4] =	dma.local [hbm:s3], $0xF7A  }
0x26: {  	[smem:$0x3F99] =	sst s1;
	(tag) =	ssettag s2;
	_ =	strace s9  }
0x27: {  	s1 =	sld [smem:$0x3FA9]  }
0x28: {  	s2 =	sld [smem:$0x3FAA]  }
0x29: {  	s4 =	sld [smem:$0x3FAC]  }
0x2a: {  	p0 =	seq.s32 s5, $0x0;
	s5 =	sld [smem:$0x3FAD]  }
0x2b: {  	s6 =	sld [smem:$0x3FAE]  }
0x2c: {  	s7 =	sld [smem:$0x3FAF]  }
0x2d: {  	s3 =	simm.s32 $0x108;
	s8 =	sld [smem:$0x3FB0]  }
0x2e: {  	s3 =	simm.s32 @!p0 $0x1082;
	s9 =	sld [smem:$0x3FB1]  }
0x2f: {  	lr =	sadd.s32 s0, s3;
	s0 =	sld [smem:$0x3FA8]  }
0x30: {  	s3 =	sld [smem:$0x3FAB]  }
0x31: {  	[smem:$0x3FB4] =	sst s10  }
0x32: {  	s10 =	sld [smem:$0x3FB2];
	_ =	sdelay $0x3  }
0x33: {  	p0 =	seq.s32 s10, $0x1;
	s10 =	sld [smem:$0x3FB4];
	_ =	sdelay $0x3  }
0x34: {  	[smem:$0x3FB4] =	sst s10  }
0x35: {  	s10 =	sld [smem:$0x3FB3];
	_ =	sdelay $0x3  }
0x36: {  	p1 =	seq.s32 s10, $0x1;
	s10 =	sld [smem:$0x3FB4];
	_ =	sdelay $0x3  }
0x37: {  	[smem:$0x3FB4] =	sst s10  }
0x38: {  	s10 =	sld [smem:$0x3FB5]  }
0x39: {  	_ = 	snop;
	(pc) =	sbr.ind lr, $3  }
0x3a: {  	_ = 	snop  }
0x3b: {  	_ = 	snop  }
0x3c: {  	p2 =	seq.s32 s10, $0x1;
	s10 =	sld [smem:$0x3FB4]  }
0x3d: {  	_ =	shalt  }
0x3e: {  	_ =	shalt  }
0x3f: {  	_ =	shalt  }
0x40: {  	_ =	shalt  }
0x41: {  	_ =	shalt  }
0x42: {  	_ =	shalt  }
0x43: {  	_ =	shalt  }
0x44: {  	_ =	shalt  }
0x45: {  	_ =	shalt  }
0x46: {  	_ =	shalt  }
0x47: {  	_ =	shalt  }
0x48: {  	_ =	shalt  }
0x49: {  	_ =	shalt  }
0x4a: {  	_ =	shalt  }
0x4b: {  	_ =	shalt  }
0x4c: {  	_ =	shalt  }
0x4d: {  	_ =	shalt  }
0x4e: {  	_ =	shalt  }
0x4f: {  	_ =	shalt  }
0x50: {  	_ =	shalt  }
0x51: {  	_ =	shalt  }
0x52: {  	_ =	shalt  }
0x53: {  	_ =	shalt  }
0x54: {  	_ =	shalt  }
0x55: {  	_ =	shalt  }
0x56: {  	_ =	shalt  }
0x57: {  	_ =	shalt  }
0x58: {  	_ =	shalt  }
0x59: {  	_ =	shalt  }
0x5a: {  	_ =	shalt  }
0x5b: {  	_ =	shalt  }
0x5c: {  	_ =	shalt  }
0x5d: {  	_ =	shalt  }
0x5e: {  	_ =	shalt  }
0x5f: {  	_ =	shalt  }
0x60: {  	_ =	shalt  }
0x61: {  	_ =	shalt  }
0x62: {  	_ =	shalt  }
0x63: {  	_ =	shalt  }
0x64: {  	_ =	shalt  }
0x65: {  	_ =	shalt  }
0x66: {  	_ =	shalt  }
0x67: {  	_ =	shalt  }
0x68: {  	_ =	shalt  }
0x69: {  	_ =	shalt  }
0x6a: {  	_ =	shalt  }
0x6b: {  	_ =	shalt  }
0x6c: {  	_ =	shalt  }
0x6d: {  	_ =	shalt  }
0x6e: {  	_ =	shalt  }
0x6f: {  	_ =	shalt  }
0x70: {  	_ =	shalt  }
0x71: {  	_ =	shalt  }
0x72: {  	_ =	shalt  }
0x73: {  	_ =	shalt  }
0x74: {  	_ =	shalt  }
0x75: {  	_ =	shalt  }
0x76: {  	_ =	shalt  }
0x77: {  	_ =	shalt  }
0x78: {  	_ =	shalt  }
0x79: {  	_ =	shalt  }
0x7a: {  	_ =	shalt  }
0x7b: {  	_ =	shalt  }
0x7c: {  	_ =	shalt  }
0x7d: {  	_ =	shalt  }
0x7e: {  	_ =	shalt  }
0x7f: {  	_ =	shalt  }
0x80: {  	_ =	shalt  }
0x81: {  	_ =	shalt  }
0x82: {  	_ =	shalt  }
0x83: {  	_ =	shalt  }
0x84: {  	_ =	shalt  }
0x85: {  	_ =	shalt  }
0x86: {  	_ =	shalt  }
0x87: {  	_ =	shalt  }
.Lfunc_end0:
.L_simem_size_0:
called_computation.1_lowered:
.L_overlay_start_0:
0x88: {  	s2 =	sld [smem:$0x3FD9]  }
0x89: {  	s3 =	sld [smem:$0x3FFE];
	_ =	sdelay $0x1  }
0x8a: {  	s1 =	srdreg.scid  }
0x8b: {  	s0 =	sand.u32 $0x1, s1  }
0x8c: {  	s16 =	sshll.u32 s0, $0xA;
	s2 =	sadd.s32 s3, s2  }
0x8d: {  	s2 =	sadd.s32 s2, s16  }
0x8e: {  	[smem:$0x3FC0] =	sst s2  }
0x8f: {  	_ = 	snop  }
0x90: {  	(tm) =	ssettm $0x1  }
0x91: {  	s17 =	sld [smem:$0x3FFB];
	_ =	sdelay $0x3  }
0x92: {  	_ =	strace s17  }
0x93: {  	s2 =	sld [smem:$0x3FFC];
	_ =	sdelay $0x3  }
0x94: {  	_ =	strace s2  }
0x95: {  	s2 =	sld [smem:$0x3FFD];
	_ =	sdelay $0x3  }
0x96: {  	_ =	strace s2  }
0x97: {  	_ =	strace $0x8FFFFFFF  }
0x98: {  	s18 =	sld [smem:$0x3FDB];
	_ =	sdelay $0x1  }
0x99: {  	s19 =	simm.s32 $_scs_section_size  }
0x9a: {  	s4 =	simm.s32 $_size__tile_overlayer_lowered;
	s5 =	simm.s32 $_tile_overlayer_lowered  }
0x9b: {  	s22 =	simm.s32 $0x1BFF;
	s21 =	sshll.u32 s5, $0x1;
	s2 =	sadd.s32 s19, s18  }
0x9c: {  	s6 =	simm.s32 $0x0;
	s20 =	sshll.u32 s4, $0x1;
	s4 =	sadd.s32 s21, s2  }
0x9d: {  	[timem:s6], [sflag:s22] =	dma.local [hbm:s4], s20  }
0x9e: {  	_ =	swait.ge [sflag:s22], s20  }
0x9f: {  	s3 =	ssub.s32 $0x0, s20;
	[sflag:s22] =	ssyncset.done $0x0  }
0xa0: {  	[sflag:s22] =	ssyncadd.s32 s3;
	_ =	sdelay $0x1  }
0xa1: {  	s23 =	simm.s32 $0x1B8B  }
0xa2: {  	_ =	swait.ge [sflag:s23], $0x1  }
0xa3: {  	[sflag:s23] =	ssyncset.done $0x0  }
0xa4: {  	s25 =	simm.s32 $0x1B8E;
	s24 =	sld [smem:$0x3FFE];
	[sflag:s23] =	ssyncadd.s32 $0xFFFFFFFF  }
0xa5: {  	s26 =	simm.s32 $execute0_lowered;
	[smem:$0x3FD2] =	sst s25  }
0xa6: {  	s4 =	sshll.u32 s26, $0x1;
	_ =	strace $0x80000049;
	[dreg:$0x1] =	wrdreg $0xFFFFFFFF  }
0xa7: {  	s28 =	simm.s32 $_size_execute0_lowered;
	s2 =	sadd.s32 s2, s4;
	[dreg:$0x0] =	wrdreg $0x0  }
0xa8: {  	s4 =	sshll.u32 s28, $0x1;
	[dreg:$0x2] =	wrdreg s2  }
0xa9: {  	[dreg:$0x3] =	wrdreg s4  }
0xaa: {  	[dreg:$0x4] =	wrdreg $0xC0  }
0xab: {  	_ =	task [dreg:s6], $0x5FFFF  }
0xac: {  	[dreg:$0x1] =	wrdreg $0xFFFFFFFF  }
0xad: {  	[dreg:$0x0] =	wrdreg $0x60  }
0xae: {  	[dreg:$0x2] =	wrdreg s24  }
0xaf: {  	[dreg:$0x3] =	wrdreg $0xD0000  }
0xb0: {  	[dreg:$0x4] =	wrdreg $0x9  }
0xb1: {  	_ =	task.clear_ibuf [dreg:s6], $0x5FFFF;
	_ =	strace $0x90000049  }
0xb2: {  	s29 =	simm.s32 $0x9;
	_ =	strace $0x8000004B  }
0xb3: {  	_ =	swait.ge [sflag:s29], $0x1  }
0xb4: {  	[sflag:s29] =	ssyncadd.s32 $0xFFFFFFFF  }
0xb5: {  	_ =	strace $0x9000004B  }
0xb6: {  	_ =	sfence  }
0xb7: {  	s30 =	sld [smem:$0x0];
	_ =	sdelay $0x2  }
0xb8: {  	s31 =	sshll.u32 s1, $0xD;
	s1 =	sshrl.u32 s1, $0x2  }
0xb9: {  	s3 =	sand.u32 $0x4000, s31;
	s1 =	sadd.s32 s1, s30  }
0xba: {  	s0 =	sor.u32 s3, s0;
	s1 =	sshll.u32 s1, $0x11  }
0xbb: {  	s0 =	sor.u32 s1, s0  }
0xbc: {  	s0 =	sadd.s32 $0x8F2B, s0  }
0xbd: {  	[sflag:s0] =	ssyncadd.remote.s32 $0x1  }
0xbe: {  	_ =	sfence.sel $0xFFFF  }
0xbf: {  	[dreg:$0x0] =	wrdreg $0xFFFFFFFF;
	(pc) =	sbr.abs _section_cstart, $3  }
0xc0: {  	[dreg:$0x1] =	wrdreg $0xFFFFFFFF  }
0xc1: {  	_ =	task.clear_ibuf [dreg:s6], $0x2FFFF;
	_ =	strace $0x9FFFFFFF  }
0xc2: {  	(tm) =	ssettm $0x7FFFFFFF  }
0xc3: {  	_ =	shalt  }
tec
execute0_lowered:
.L_overlay_start_1:
0x0: {  	(tag) =	ssettag $0x1  }
0x1: {  	s0 =	rddreg [dreg:$0x0]  }
0x2: {  	s2 =	rddreg [dreg:$0x1]  }
0x3: {  	s1 =	srdreg.scid;
	s10 =	stileid.u32  }
0x4: {  	s4 =	simm.s32 $0x0;
	s16 =	simm.s32 $0x9000;
	s17 =	simm.s32 $0x5  }
0x5: {  	s15 =	simm.s32 $0x4800;
	s28 =	simm.s32 $0xC000;
	s29 =	simm.s32 $0xC800  }
0x6: {  	s30 =	simm.s32 $0x1;
	s31 =	simm.s32 $0x3;
	s3 =	smul.u32 $0x2800, s10  }
0x7: {  	s1 =	sand.u32 $0x1, s1;
	[smem:$0x7FF] =	sst s4;
	s6 =	smul.u32 $0xA000, s10  }
0x8: {  	s4 =	sadd.s32 $0x16200, s0;
	s7 =	sadd.s32 $0x2200, s0;
	s9 =	smul.u32 $0x4800, s10  }
0x9: {  	s22 =	sshll.u32 s10, $0x8;
	s5 =	smul.u32 $0x28000, s1;
	_ =	strace $0x8000004A  }
0xa: {  	s8 =	ssub.s32 $0x2, s1;
	s6 =	sshrl.u32 s6, $0x2;
	s9 =	sshrl.u32 s9, $0x3  }
0xb: {  	p0 =	sne.s32 s1, $0x0;
	s6 =	sadd.s32 s6, s2;
	s23 =	sadd.s32 s7, s9  }
0xc: {  	s18 =	sshrl.u32 s8, $0x1;
	s19 =	sadd.s32 $0x800, s6;
	[dreg:$0x7] =	wrdreg s23  }
0xd: {  	s5 =	sadd.s32 s3, s5;
	s20 =	sadd.s32 $0x1000, s6;
	[dreg:$0x3] =	wrdreg s19  }
0xe: {  	s8 =	ssub.s32 s8, s18;
	s21 =	sadd.s32 $0x1800, s6;
	[dreg:$0x4] =	wrdreg s20  }
0xf: {  	s5 =	sshrl.u32 s5, $0x3;
	s6 =	sadd.s32 $0x2000, s6;
	[dreg:$0x5] =	wrdreg s21  }
0x10: {  	s25 =	sadd.s32 $0xA000, s23;
	s26 =	smax.u32 s8, $0x1;
	[dreg:$0x6] =	wrdreg s6  }
0x11: {  	s23 =	simm.s32 $0x0;
	s0 =	sadd.s32 s5, s0;
	[dreg:$0xa] =	wrdreg s25  }
0x12: {  	s5 =	sadd.s32 s3, s2;
	s3 =	sadd.s32 s22, s7;
	[dreg:$0xc] =	wrdreg s26  }
.Ltmp0:
0x13: {  	s19 =	simm.s32 $0x80;
	s20 =	simm.s32 $0x9800;
	(pc) =	sbr.rel .LBB2_1-.Ltmp0, $4  }
0x14: {  	s22 =	simm.s32 $0xA000;
	s25 =	simm.s32 $0xB000;
	s24 =	sadd.s32 $0x9000, s3  }
0x15: {  	s26 =	simm.s32 $0xB800;
	s3 =	sadd.s32 $0x13000, s3;
	[dreg:$0x8] =	wrdreg s24  }
0x16: {  	s21 =	simm.s32 $0x4;
	s0 =	sadd.s32 $0x1B200, s0;
	[dreg:$0x9] =	wrdreg s3  }
0x17: {  	v0 =	vimm.f32 $0.0e+00;
	[dreg:$0xb] =	wrdreg s0;
	s24 =	simm.s32 $0xA800;
	s0 =	simm.s32 $0x2  }
.LBB2_8:
0x18: {  	s3 =	rddreg [dreg:$0x8]  }
0x19: {  	[tilespmem:s1], [sflag:$0x5] =	stream.linear.gather [hbm4b:s3+s1], $0x800, $0x38;
	[tilespmem:$0xF800] =	vst v63  }
0x1a: {  	_ =	swait.ge [sflag:s17], $0x800  }
0x1b: {  	[sflag:s17] =	ssyncset.done $0x0  }
0x1c: {  	s6 =	simm.s32 $0x4800;
	s10 =	rddreg [dreg:$0x9];
	[sflag:s17] =	ssyncadd.s32 $0xFFFFF800  }
0x1d: {  	[tilespmem:s6], [sflag:$0x5] =	stream.linear.gather [hbm4b:s10+s1], $0x800, $0x38;
	[tilespmem:$0xF800] =	vst v63  }
0x1e: {  	_ =	swait.ge [sflag:s17], $0x800  }
0x1f: {  	[sflag:s17] =	ssyncset.done $0x0  }
0x20: {  	[sflag:s17] =	ssyncadd.s32 $0xFFFFF800  }
0x21: {  	[bflag:$0x0] =	sbarrier.arrive $0xFFFF  }
0x22: {  	[tilespmem:s16], [sflag:$0x1] =	stream.indirect.gather [hbm4b:s4+s19], $0x10, s1, s19, $0xb8;
	[tilespmem:$0xF800] =	vst v63  }
0x23: {  	_ = 	snop  }
0x24: {  	[tilespmem:s20], [sflag:$0x1] =	stream.indirect.gather [hbm4b:s4+s19], $0x10, s19, s19, $0xb8;
	[tilespmem:$0xF800] =	vst v63  }
0x25: {  	s11 =	simm.s32 $0x100  }
0x26: {  	[tilespmem:s22], [sflag:$0x1] =	stream.indirect.gather [hbm4b:s4+s19], $0x10, s11, s19, $0xb8;
	[tilespmem:$0xF800] =	vst v63  }
0x27: {  	s12 =	simm.s32 $0x180  }
0x28: {  	[tilespmem:s24], [sflag:$0x1] =	stream.indirect.gather [hbm4b:s4+s19], $0x10, s12, s19, $0xb8;
	[tilespmem:$0xF800] =	vst v63  }
0x29: {  	s13 =	simm.s32 $0x200  }
0x2a: {  	[tilespmem:s25], [sflag:$0x2] =	stream.indirect.gather [hbm4b:s4+s19], $0x10, s13, s19, $0xb8;
	[tilespmem:$0xF800] =	vst v63  }
0x2b: {  	s14 =	simm.s32 $0x280  }
0x2c: {  	[tilespmem:s26], [sflag:$0x2] =	stream.indirect.gather [hbm4b:s4+s19], $0x10, s14, s19, $0xb8;
	[tilespmem:$0xF800] =	vst v63  }
0x2d: {  	s15 =	simm.s32 $0x300  }
0x2e: {  	[tilespmem:s28], [sflag:$0x2] =	stream.indirect.gather [hbm4b:s4+s19], $0x10, s15, s19, $0xb8;
	[tilespmem:$0xF800] =	vst v63  }
0x2f: {  	s18 =	simm.s32 $0x380  }
0x30: {  	[tilespmem:s29], [sflag:$0x2] =	stream.indirect.gather [hbm4b:s4+s19], $0x10, s18, s19, $0xb8;
	[tilespmem:$0xF800] =	vst v63  }
0x31: {  	_ =	swait.ge [sflag:s30], $0x800  }
0x32: {  	[sflag:s30] =	ssyncset.done $0x0  }
0x33: {  	[sflag:s30] =	ssyncadd.s32 $0xFFFFF800  }
0x34: {  	_ =	swait.ge [sflag:s30], $0x800  }
0x35: {  	[sflag:s30] =	ssyncset.done $0x0  }
0x36: {  	[sflag:s30] =	ssyncadd.s32 $0xFFFFF800  }
0x37: {  	_ =	swait.ge [sflag:s30], $0x800  }
0x38: {  	[sflag:s30] =	ssyncset.done $0x0  }
0x39: {  	[sflag:s30] =	ssyncadd.s32 $0xFFFFF800  }
0x3a: {  	_ =	swait.ge [sflag:s30], $0x800  }
0x3b: {  	[sflag:s30] =	ssyncset.done $0x0  }
0x3c: {  	[sflag:s30] =	ssyncadd.s32 $0xFFFFF800  }
0x3d: {  	[spmem:s2] =	stream.indirect.scatter.add.f32 [tilespmem:s16], [sflag:$0x3], $0x10, s6, s19, $0xb8;
	[tilespmem:$0xF800] =	vst v63  }
0x3e: {  	s3 =	simm.s32 $0x4880  }
0x3f: {  	[spmem:s2] =	stream.indirect.scatter.add.f32 [tilespmem:s20], [sflag:$0x3], $0x10, s3, s19, $0xb8;
	[tilespmem:$0xF800] =	vst v63  }
0x40: {  	s6 =	simm.s32 $0x4900  }
0x41: {  	[spmem:s2] =	stream.indirect.scatter.add.f32 [tilespmem:s22], [sflag:$0x3], $0x10, s6, s19, $0xb8;
	[tilespmem:$0xF800] =	vst v63  }
0x42: {  	s7 =	simm.s32 $0x4980  }
0x43: {  	[spmem:s2] =	stream.indirect.scatter.add.f32 [tilespmem:s24], [sflag:$0x3], $0x10, s7, s19, $0xb8;
	[tilespmem:$0xF800] =	vst v63  }
0x44: {  	_ =	swait.ge [sflag:s31], $0x800  }
0x45: {  	[sflag:s31] =	ssyncset.done $0x0  }
0x46: {  	[sflag:s31] =	ssyncadd.s32 $0xFFFFF800  }
0x47: {  	_ =	swait.ge [sflag:s31], $0x800  }
0x48: {  	[sflag:s31] =	ssyncset.done $0x0  }
0x49: {  	[sflag:s31] =	ssyncadd.s32 $0xFFFFF800  }
0x4a: {  	_ =	swait.ge [sflag:s31], $0x800  }
0x4b: {  	[sflag:s31] =	ssyncset.done $0x0  }
0x4c: {  	[sflag:s31] =	ssyncadd.s32 $0xFFFFF800  }
0x4d: {  	_ =	swait.ge [sflag:s31], $0x800  }
0x4e: {  	[sflag:s31] =	ssyncset.done $0x0  }
0x4f: {  	s8 =	simm.s32 $0x400;
	[sflag:s31] =	ssyncadd.s32 $0xFFFFF800  }
0x50: {  	[tilespmem:s16], [sflag:$0x1] =	stream.indirect.gather [hbm4b:s4+s19], $0x10, s8, s19, $0xb8;
	[tilespmem:$0xF800] =	vst v63  }
0x51: {  	s9 =	simm.s32 $0x480  }
0x52: {  	[tilespmem:s20], [sflag:$0x1] =	stream.indirect.gather [hbm4b:s4+s19], $0x10, s9, s19, $0xb8;
	[tilespmem:$0xF800] =	vst v63  }
0x53: {  	s10 =	simm.s32 $0x500  }
0x54: {  	[tilespmem:s22], [sflag:$0x1] =	stream.indirect.gather [hbm4b:s4+s19], $0x10, s10, s19, $0xb8;
	[tilespmem:$0xF800] =	vst v63  }
0x55: {  	s11 =	simm.s32 $0x580  }
0x56: {  	[tilespmem:s24], [sflag:$0x1] =	stream.indirect.gather [hbm4b:s4+s19], $0x10, s11, s19, $0xb8;
	[tilespmem:$0xF800] =	vst v63  }
0x57: {  	_ =	swait.ge [sflag:s0], $0x800  }
0x58: {  	[sflag:s0] =	ssyncset.done $0x0  }
0x59: {  	[sflag:s0] =	ssyncadd.s32 $0xFFFFF800  }
0x5a: {  	_ =	swait.ge [sflag:s0], $0x800  }
0x5b: {  	[sflag:s0] =	ssyncset.done $0x0  }
0x5c: {  	[sflag:s0] =	ssyncadd.s32 $0xFFFFF800  }
0x5d: {  	_ =	swait.ge [sflag:s0], $0x800  }
0x5e: {  	[sflag:s0] =	ssyncset.done $0x0  }
0x5f: {  	[sflag:s0] =	ssyncadd.s32 $0xFFFFF800  }
0x60: {  	_ =	swait.ge [sflag:s0], $0x800  }
0x61: {  	[sflag:s0] =	ssyncset.done $0x0  }
0x62: {  	s12 =	simm.s32 $0x4A00;
	[sflag:s0] =	ssyncadd.s32 $0xFFFFF800  }
0x63: {  	[spmem:s2] =	stream.indirect.scatter.add.f32 [tilespmem:s25], [sflag:$0x4], $0x10, s12, s19, $0xb8;
	[tilespmem:$0xF800] =	vst v63  }
0x64: {  	s13 =	simm.s32 $0x4A80  }
0x65: {  	[spmem:s2] =	stream.indirect.scatter.add.f32 [tilespmem:s26], [sflag:$0x4], $0x10, s13, s19, $0xb8;
	[tilespmem:$0xF800] =	vst v63  }
0x66: {  	s14 =	simm.s32 $0x4B00  }
0x67: {  	[spmem:s2] =	stream.indirect.scatter.add.f32 [tilespmem:s28], [sflag:$0x4], $0x10, s14, s19, $0xb8;
	[tilespmem:$0xF800] =	vst v63  }
0x68: {  	s18 =	simm.s32 $0x4B80  }
0x69: {  	[spmem:s2] =	stream.indirect.scatter.add.f32 [tilespmem:s29], [sflag:$0x4], $0x10, s18, s19, $0xb8;
	[tilespmem:$0xF800] =	vst v63  }
0x6a: {  	_ =	swait.ge [sflag:s21], $0x800  }
0x6b: {  	[sflag:s21] =	ssyncset.done $0x0  }
0x6c: {  	[sflag:s21] =	ssyncadd.s32 $0xFFFFF800  }
0x6d: {  	_ =	swait.ge [sflag:s21], $0x800  }
0x6e: {  	[sflag:s21] =	ssyncset.done $0x0  }
0x6f: {  	s1 =	simm.s32 $0x4D80;
	[sflag:s21] =	ssyncadd.s32 $0xFFFFF800  }
0x70: {  	s15 =	simm.s32 $0x4800;
	s3 =	simm.s32 $0x4D00;
	_ =	swait.ge [sflag:s21], $0x800  }
0x71: {  	s6 =	simm.s32 $0x4C00;
	s7 =	simm.s32 $0x780;
	[sflag:s21] =	ssyncset.done $0x0  }
0x72: {  	s8 =	simm.s32 $0x700;
	s9 =	simm.s32 $0x680;
	[sflag:s21] =	ssyncadd.s32 $0xFFFFF800  }
0x73: {  	s10 =	simm.s32 $0x4E00;
	s11 =	simm.s32 $0x4F80;
	_ =	swait.ge [sflag:s21], $0x800  }
0x74: {  	s12 =	simm.s32 $0x4F00;
	s13 =	simm.s32 $0x4E80;
	[sflag:s21] =	ssyncset.done $0x0  }
0x75: {  	s14 =	simm.s32 $0x600;
	s18 =	simm.s32 $0x4C80;
	[sflag:s21] =	ssyncadd.s32 $0xFFFFF800  }
.LBB2_9:
0x76: {  	[tilespmem:s25], [sflag:$0x2] =	stream.indirect.gather [hbm4b:s4+s19], $0x10, s14, s19, $0xb8;
	[tilespmem:$0xF800] =	vst v63  }
0x77: {  	_ = 	snop  }
0x78: {  	[tilespmem:s26], [sflag:$0x2] =	stream.indirect.gather [hbm4b:s4+s19], $0x10, s9, s19, $0xb8;
	[tilespmem:$0xF800] =	vst v63  }
0x79: {  	_ = 	snop  }
0x7a: {  	[tilespmem:s28], [sflag:$0x2] =	stream.indirect.gather [hbm4b:s4+s19], $0x10, s8, s19, $0xb8;
	[tilespmem:$0xF800] =	vst v63  }
0x7b: {  	_ = 	snop  }
0x7c: {  	[tilespmem:s29], [sflag:$0x2] =	stream.indirect.gather [hbm4b:s4+s19], $0x10, s7, s19, $0xb8;
	[tilespmem:$0xF800] =	vst v63  }
0x7d: {  	_ =	swait.ge [sflag:s30], $0x800  }
0x7e: {  	[sflag:s30] =	ssyncset.done $0x0  }
0x7f: {  	[sflag:s30] =	ssyncadd.s32 $0xFFFFF800  }
0x80: {  	_ =	swait.ge [sflag:s30], $0x800  }
0x81: {  	[sflag:s30] =	ssyncset.done $0x0  }
0x82: {  	[sflag:s30] =	ssyncadd.s32 $0xFFFFF800  }
0x83: {  	_ =	swait.ge [sflag:s30], $0x800  }
0x84: {  	[sflag:s30] =	ssyncset.done $0x0  }
0x85: {  	[sflag:s30] =	ssyncadd.s32 $0xFFFFF800  }
0x86: {  	_ =	swait.ge [sflag:s30], $0x800  }
0x87: {  	[sflag:s30] =	ssyncset.done $0x0  }
0x88: {  	[sflag:s30] =	ssyncadd.s32 $0xFFFFF800  }
0x89: {  	[spmem:s2] =	stream.indirect.scatter.add.f32 [tilespmem:s16], [sflag:$0x3], $0x10, s6, s19, $0xb8;
	[tilespmem:$0xF800] =	vst v63  }
0x8a: {  	_ = 	snop  }
0x8b: {  	[spmem:s2] =	stream.indirect.scatter.add.f32 [tilespmem:s20], [sflag:$0x3], $0x10, s18, s19, $0xb8;
	[tilespmem:$0xF800] =	vst v63  }
0x8c: {  	_ = 	snop  }
0x8d: {  	[spmem:s2] =	stream.indirect.scatter.add.f32 [tilespmem:s22], [sflag:$0x3], $0x10, s3, s19, $0xb8;
	[tilespmem:$0xF800] =	vst v63  }
0x8e: {  	_ = 	snop  }
0x8f: {  	[spmem:s2] =	stream.indirect.scatter.add.f32 [tilespmem:s24], [sflag:$0x3], $0x10, s1, s19, $0xb8;
	[tilespmem:$0xF800] =	vst v63  }
0x90: {  	_ =	swait.ge [sflag:s31], $0x800  }
0x91: {  	[sflag:s31] =	ssyncset.done $0x0  }
0x92: {  	[sflag:s31] =	ssyncadd.s32 $0xFFFFF800  }
0x93: {  	_ =	swait.ge [sflag:s31], $0x800  }
0x94: {  	[sflag:s31] =	ssyncset.done $0x0  }
0x95: {  	[sflag:s31] =	ssyncadd.s32 $0xFFFFF800  }
0x96: {  	_ =	swait.ge [sflag:s31], $0x800  }
0x97: {  	[sflag:s31] =	ssyncset.done $0x0  }
0x98: {  	[sflag:s31] =	ssyncadd.s32 $0xFFFFF800  }
0x99: {  	_ =	swait.ge [sflag:s31], $0x800  }
0x9a: {  	[sflag:s31] =	ssyncset.done $0x0  }
0x9b: {  	[sflag:s31] =	ssyncadd.s32 $0xFFFFF800  }
0x9c: {  	_ =	swait.ge [sflag:s0], $0x800  }
0x9d: {  	[sflag:s0] =	ssyncset.done $0x0  }
0x9e: {  	[sflag:s0] =	ssyncadd.s32 $0xFFFFF800  }
0x9f: {  	_ =	swait.ge [sflag:s0], $0x800  }
0xa0: {  	[sflag:s0] =	ssyncset.done $0x0  }
0xa1: {  	[sflag:s0] =	ssyncadd.s32 $0xFFFFF800  }
0xa2: {  	_ =	swait.ge [sflag:s0], $0x800  }
0xa3: {  	[sflag:s0] =	ssyncset.done $0x0  }
0xa4: {  	[sflag:s0] =	ssyncadd.s32 $0xFFFFF800  }
0xa5: {  	_ =	swait.ge [sflag:s0], $0x800  }
0xa6: {  	[sflag:s0] =	ssyncset.done $0x0  }
0xa7: {  	[sflag:s0] =	ssyncadd.s32 $0xFFFFF800  }
0xa8: {  	[spmem:s2] =	stream.indirect.scatter.add.f32 [tilespmem:s25], [sflag:$0x4], $0x10, s10, s19, $0xb8;
	[tilespmem:$0xF800] =	vst v63  }
0xa9: {  	_ = 	snop  }
0xaa: {  	[spmem:s2] =	stream.indirect.scatter.add.f32 [tilespmem:s26], [sflag:$0x4], $0x10, s13, s19, $0xb8;
	[tilespmem:$0xF800] =	vst v63  }
0xab: {  	_ = 	snop  }
0xac: {  	[spmem:s2] =	stream.indirect.scatter.add.f32 [tilespmem:s28], [sflag:$0x4], $0x10, s12, s19, $0xb8;
	[tilespmem:$0xF800] =	vst v63  }
0xad: {  	_ = 	snop  }
0xae: {  	[spmem:s2] =	stream.indirect.scatter.add.f32 [tilespmem:s29], [sflag:$0x4], $0x10, s11, s19, $0xb8;
	[tilespmem:$0xF800] =	vst v63  }
0xaf: {  	_ =	swait.ge [sflag:s21], $0x800  }
0xb0: {  	[sflag:s21] =	ssyncset.done $0x0  }
0xb1: {  	[sflag:s21] =	ssyncadd.s32 $0xFFFFF800  }
0xb2: {  	_ =	swait.ge [sflag:s21], $0x800  }
0xb3: {  	[sflag:s21] =	ssyncset.done $0x0  }
0xb4: {  	[sflag:s21] =	ssyncadd.s32 $0xFFFFF800  }
0xb5: {  	_ =	swait.ge [sflag:s21], $0x800  }
0xb6: {  	[sflag:s21] =	ssyncset.done $0x0  }
0xb7: {  	[sflag:s21] =	ssyncadd.s32 $0xFFFFF800  }
0xb8: {  	_ =	swait.ge [sflag:s21], $0x800  }
0xb9: {  	[sflag:s21] =	ssyncset.done $0x0  }
0xba: {  	s12 =	stileid.u32;
	[sflag:s21] =	ssyncadd.s32 $0xFFFFF800  }
0xbb: {  	s1 =	sshll.u32 s12, $0x6;
	[bflag:$0x0] =	sbarrier.arrive $0xFFFF  }
0xbc: {  	s13 =	sshrl.u32 s5, $0x3;
	s1 =	sor.u32 $0x1C05, s1;
	s14 =	rddreg [dreg:$0xb]  }
0xbd: {  	[hbm:s14], [sflag:s1] =	dma.local [spmem:s13], $0x500  }
0xbe: {  	_ =	swait.ge [sflag:s17], $0x500  }
0xbf: {  	s23 =	sadd.s32 $0x1, s23;
	s18 =	rddreg [dreg:$0xc]  }
0xc0: {  	p1 =	sne.s32 s23, s18  }
.Ltmp1:
0xc1: {  	_ = 	snop;
	(pc) =	sbr.rel @!p1 .LBB2_10-.Ltmp1, $3  }
0xc2: {  	_ =	sdelay $0x1  }
0xc3: {  	[sflag:s17] =	ssyncset.done $0x0  }
0xc4: {  	[sflag:s17] =	ssyncadd.s32 $0xFFFFFB00  }
.LBB2_1:
0xc5: {  	s1 =	simm.s32 $0x40;
	s3 =	simm.s32 $0x0  }
.LBB2_2:
0xc6: {  	p1 =	sne.s32 s1, $0x1FC0;
	[tilespmem:s3+$0x9000] =	vst v0;
	s3 =	smov.u32 s1;
	s1 =	sadd.s32 $0x40, s1  }
.Ltmp2:
0xc7: {  	(pc) =	sbr.rel @p1 .LBB2_2-.Ltmp2, $2  }
0xc8: {  	_ =	sdelay $0x2  }
0xc9: {  	s3 =	sshra.s32 s3, $0x2  }
0xca: {  	[tilespmem:s3+$0x9000] =	vst v0  }
0xcb: {  	[spmem:s5] =	stream.linear.scatter [tilespmem:s16], [sflag:$0x5], $0x800, $0x38;
	[tilespmem:$0xF800] =	vst v63  }
0xcc: {  	_ =	swait.ge [sflag:s17], $0x800  }
0xcd: {  	[sflag:s17] =	ssyncset.done $0x0  }
0xce: {  	s1 =	rddreg [dreg:$0x3];
	[sflag:s17] =	ssyncadd.s32 $0xFFFFF800  }
0xcf: {  	[spmem:s1] =	stream.linear.scatter [tilespmem:s16], [sflag:$0x5], $0x800, $0x38;
	[tilespmem:$0xF800] =	vst v63  }
0xd0: {  	_ =	swait.ge [sflag:s17], $0x800  }
0xd1: {  	[sflag:s17] =	ssyncset.done $0x0  }
0xd2: {  	s13 =	rddreg [dreg:$0x4];
	[sflag:s17] =	ssyncadd.s32 $0xFFFFF800  }
0xd3: {  	[spmem:s13] =	stream.linear.scatter [tilespmem:s16], [sflag:$0x5], $0x800, $0x38;
	[tilespmem:$0xF800] =	vst v63  }
0xd4: {  	_ =	swait.ge [sflag:s17], $0x800  }
0xd5: {  	[sflag:s17] =	ssyncset.done $0x0  }
0xd6: {  	s14 =	rddreg [dreg:$0x5];
	[sflag:s17] =	ssyncadd.s32 $0xFFFFF800  }
0xd7: {  	[spmem:s14] =	stream.linear.scatter [tilespmem:s16], [sflag:$0x5], $0x800, $0x38;
	[tilespmem:$0xF800] =	vst v63  }
0xd8: {  	_ =	swait.ge [sflag:s17], $0x800  }
0xd9: {  	[sflag:s17] =	ssyncset.done $0x0  }
.Ltmp3:
0xda: {  	s18 =	rddreg [dreg:$0x6];
	[sflag:s17] =	ssyncadd.s32 $0xFFFFF800;
	(pc) =	sbr.rel @p0 .LBB2_8-.Ltmp3, $4  }
0xdb: {  	[spmem:s18] =	stream.linear.scatter [tilespmem:s16], [sflag:$0x5], $0x800, $0x38;
	[tilespmem:$0xF800] =	vst v63  }
0xdc: {  	_ =	swait.ge [sflag:s17], $0x800  }
0xdd: {  	[sflag:s17] =	ssyncset.done $0x0  }
0xde: {  	s1 =	simm.s32 $0x0;
	[sflag:s17] =	ssyncadd.s32 $0xFFFFF800  }
0xdf: {  	s3 =	rddreg [dreg:$0x7]  }
0xe0: {  	[tilespmem:s1], [sflag:$0x5] =	stream.linear.gather [hbm4b:s3+s1], $0x4800, $0x38;
	[tilespmem:$0xF800] =	vst v63  }
0xe1: {  	_ =	swait.ge [sflag:s17], $0x4800  }
0xe2: {  	[sflag:s17] =	ssyncset.done $0x0  }
0xe3: {  	s13 =	rddreg [dreg:$0xa];
	[sflag:s17] =	ssyncadd.s32 $0xFFFFB800  }
0xe4: {  	[tilespmem:s15], [sflag:$0x5] =	stream.linear.gather [hbm4b:s13+s1], $0x4800, $0x38;
	[tilespmem:$0xF800] =	vst v63  }
0xe5: {  	_ =	swait.ge [sflag:s17], $0x4800  }
0xe6: {  	[sflag:s17] =	ssyncset.done $0x0  }
0xe7: {  	[sflag:s17] =	ssyncadd.s32 $0xFFFFB800  }
0xe8: {  	[bflag:$0x0] =	sbarrier.arrive $0xFFFF  }
0xe9: {  	[tilespmem:s16], [sflag:$0x1] =	stream.indirect.gather [hbm4b:s4+s19], $0x10, s1, s19, $0xb8;
	[tilespmem:$0xF800] =	vst v63  }
0xea: {  	p2 =	por $0x0, $0x0  }
0xeb: {  	[tilespmem:s20], [sflag:$0x1] =	stream.indirect.gather [hbm4b:s4+s19], $0x10, s19, s19, $0xb8;
	[tilespmem:$0xF800] =	vst v63  }
.Ltmp4:
0xec: {  	_ = 	snop;
	(pc) =	sbr.rel @p2 .LBB2_7-.Ltmp4, $4  }
0xed: {  	s14 =	simm.s32 $0x100  }
0xee: {  	[tilespmem:s22], [sflag:$0x1] =	stream.indirect.gather [hbm4b:s4+s19], $0x10, s14, s19, $0xb8;
	[tilespmem:$0xF800] =	vst v63  }
0xef: {  	s18 =	simm.s32 $0x180;
	s11 =	simm.s32 $0x0;
	p1 =	por $0x0, $0x0  }
0xf0: {  	[tilespmem:s24], [sflag:$0x1] =	stream.indirect.gather [hbm4b:s4+s19], $0x10, s18, s19, $0xb8;
	[tilespmem:$0xF800] =	vst v63  }
0xf1: {  	s1 =	simm.s32 $0x200  }
0xf2: {  	[tilespmem:s25], [sflag:$0x2] =	stream.indirect.gather [hbm4b:s4+s19], $0x10, s1, s19, $0xb8;
	[tilespmem:$0xF800] =	vst v63  }
0xf3: {  	s12 =	simm.s32 $0x280  }
0xf4: {  	[tilespmem:s26], [sflag:$0x2] =	stream.indirect.gather [hbm4b:s4+s19], $0x10, s12, s19, $0xb8;
	[tilespmem:$0xF800] =	vst v63  }
0xf5: {  	s13 =	simm.s32 $0x300  }
0xf6: {  	[tilespmem:s28], [sflag:$0x2] =	stream.indirect.gather [hbm4b:s4+s19], $0x10, s13, s19, $0xb8;
	[tilespmem:$0xF800] =	vst v63  }
0xf7: {  	s14 =	simm.s32 $0x380  }
0xf8: {  	[tilespmem:s29], [sflag:$0x2] =	stream.indirect.gather [hbm4b:s4+s19], $0x10, s14, s19, $0xb8;
	[tilespmem:$0xF800] =	vst v63  }
0xf9: {  	_ =	swait.ge [sflag:s30], $0x800  }
0xfa: {  	[sflag:s30] =	ssyncset.done $0x0  }
0xfb: {  	[sflag:s30] =	ssyncadd.s32 $0xFFFFF800  }
0xfc: {  	_ =	swait.ge [sflag:s30], $0x800  }
0xfd: {  	[sflag:s30] =	ssyncset.done $0x0  }
0xfe: {  	[sflag:s30] =	ssyncadd.s32 $0xFFFFF800  }
0xff: {  	_ =	swait.ge [sflag:s30], $0x800  }
0x100: {  	[sflag:s30] =	ssyncset.done $0x0  }
0x101: {  	[sflag:s30] =	ssyncadd.s32 $0xFFFFF800  }
0x102: {  	_ =	swait.ge [sflag:s30], $0x800  }
0x103: {  	[sflag:s30] =	ssyncset.done $0x0  }
0x104: {  	s18 =	simm.s32 $0x4800;
	[sflag:s30] =	ssyncadd.s32 $0xFFFFF800  }
0x105: {  	[spmem:s2] =	stream.indirect.scatter.add.f32 [tilespmem:s16], [sflag:$0x3], $0x10, s18, s19, $0xb8;
	[tilespmem:$0xF800] =	vst v63  }
0x106: {  	s3 =	simm.s32 $0x4880  }
0x107: {  	[spmem:s2] =	stream.indirect.scatter.add.f32 [tilespmem:s20], [sflag:$0x3], $0x10, s3, s19, $0xb8;
	[tilespmem:$0xF800] =	vst v63  }
0x108: {  	s6 =	simm.s32 $0x4900  }
0x109: {  	[spmem:s2] =	stream.indirect.scatter.add.f32 [tilespmem:s22], [sflag:$0x3], $0x10, s6, s19, $0xb8;
	[tilespmem:$0xF800] =	vst v63  }
0x10a: {  	s7 =	simm.s32 $0x4980  }
0x10b: {  	[spmem:s2] =	stream.indirect.scatter.add.f32 [tilespmem:s24], [sflag:$0x3], $0x10, s7, s19, $0xb8;
	[tilespmem:$0xF800] =	vst v63  }
0x10c: {  	_ =	swait.ge [sflag:s31], $0x800  }
0x10d: {  	[sflag:s31] =	ssyncset.done $0x0  }
0x10e: {  	[sflag:s31] =	ssyncadd.s32 $0xFFFFF800  }
0x10f: {  	_ =	swait.ge [sflag:s31], $0x800  }
0x110: {  	[sflag:s31] =	ssyncset.done $0x0  }
0x111: {  	[sflag:s31] =	ssyncadd.s32 $0xFFFFF800  }
0x112: {  	_ =	swait.ge [sflag:s31], $0x800  }
0x113: {  	[sflag:s31] =	ssyncset.done $0x0  }
0x114: {  	[sflag:s31] =	ssyncadd.s32 $0xFFFFF800  }
0x115: {  	_ =	swait.ge [sflag:s31], $0x800  }
0x116: {  	[sflag:s31] =	ssyncset.done $0x0  }
0x117: {  	s8 =	simm.s32 $0x400;
	[sflag:s31] =	ssyncadd.s32 $0xFFFFF800  }
0x118: {  	[tilespmem:s16], [sflag:$0x1] =	stream.indirect.gather [hbm4b:s4+s19], $0x10, s8, s19, $0xb8;
	[tilespmem:$0xF800] =	vst v63  }
0x119: {  	s9 =	simm.s32 $0x480  }
0x11a: {  	[tilespmem:s20], [sflag:$0x1] =	stream.indirect.gather [hbm4b:s4+s19], $0x10, s9, s19, $0xb8;
	[tilespmem:$0xF800] =	vst v63  }
0x11b: {  	s10 =	simm.s32 $0x500  }
0x11c: {  	[tilespmem:s22], [sflag:$0x1] =	stream.indirect.gather [hbm4b:s4+s19], $0x10, s10, s19, $0xb8;
	[tilespmem:$0xF800] =	vst v63  }
0x11d: {  	s11 =	simm.s32 $0x580  }
0x11e: {  	[tilespmem:s24], [sflag:$0x1] =	stream.indirect.gather [hbm4b:s4+s19], $0x10, s11, s19, $0xb8;
	[tilespmem:$0xF800] =	vst v63  }
0x11f: {  	_ =	swait.ge [sflag:s0], $0x800  }
0x120: {  	[sflag:s0] =	ssyncset.done $0x0  }
0x121: {  	[sflag:s0] =	ssyncadd.s32 $0xFFFFF800  }
0x122: {  	_ =	swait.ge [sflag:s0], $0x800  }
0x123: {  	[sflag:s0] =	ssyncset.done $0x0  }
0x124: {  	[sflag:s0] =	ssyncadd.s32 $0xFFFFF800  }
0x125: {  	_ =	swait.ge [sflag:s0], $0x800  }
0x126: {  	[sflag:s0] =	ssyncset.done $0x0  }
0x127: {  	[sflag:s0] =	ssyncadd.s32 $0xFFFFF800  }
0x128: {  	_ =	swait.ge [sflag:s0], $0x800  }
0x129: {  	[sflag:s0] =	ssyncset.done $0x0  }
0x12a: {  	s12 =	simm.s32 $0x4A00;
	[sflag:s0] =	ssyncadd.s32 $0xFFFFF800  }
0x12b: {  	[spmem:s2] =	stream.indirect.scatter.add.f32 [tilespmem:s25], [sflag:$0x4], $0x10, s12, s19, $0xb8;
	[tilespmem:$0xF800] =	vst v63  }
0x12c: {  	s13 =	simm.s32 $0x4A80  }
0x12d: {  	[spmem:s2] =	stream.indirect.scatter.add.f32 [tilespmem:s26], [sflag:$0x4], $0x10, s13, s19, $0xb8;
	[tilespmem:$0xF800] =	vst v63  }
0x12e: {  	s14 =	simm.s32 $0x4B00  }
0x12f: {  	[spmem:s2] =	stream.indirect.scatter.add.f32 [tilespmem:s28], [sflag:$0x4], $0x10, s14, s19, $0xb8;
	[tilespmem:$0xF800] =	vst v63  }
0x130: {  	s18 =	simm.s32 $0x4B80  }
0x131: {  	[spmem:s2] =	stream.indirect.scatter.add.f32 [tilespmem:s29], [sflag:$0x4], $0x10, s18, s19, $0xb8;
	[tilespmem:$0xF800] =	vst v63  }
0x132: {  	_ =	swait.ge [sflag:s21], $0x800  }
0x133: {  	[sflag:s21] =	ssyncset.done $0x0  }
0x134: {  	[sflag:s21] =	ssyncadd.s32 $0xFFFFF800  }
0x135: {  	_ =	swait.ge [sflag:s21], $0x800  }
0x136: {  	[sflag:s21] =	ssyncset.done $0x0  }
0x137: {  	p2 =	por $0x0, $0x0;
	[sflag:s21] =	ssyncadd.s32 $0xFFFFF800  }
.Ltmp5:
0x138: {  	_ =	swait.ge [sflag:s21], $0x800;
	(pc) =	sbr.rel @p2 .LBB2_7-.Ltmp5, $4  }
0x139: {  	[sflag:s21] =	ssyncset.done $0x0  }
0x13a: {  	[sflag:s21] =	ssyncadd.s32 $0xFFFFF800  }
0x13b: {  	p1 =	por $0x1, $0x1;
	_ =	swait.ge [sflag:s21], $0x800  }
0x13c: {  	s1 =	simm.s32 $0x2000;
	s11 =	simm.s32 $0x400;
	[sflag:s21] =	ssyncset.done $0x0  }
.LBB2_6:
0x13d: {  	s3 =	sadd.s32 $0x200, s11  }
0x13e: {  	[sflag:s21] =	ssyncadd.s32 $0xFFFFF800;
	s13 =	smov.u32 s1;
	s12 =	sadd.s32 $0x1000, s1  }
0x13f: {  	[tilespmem:s25], [sflag:$0x2] =	stream.indirect.gather [hbm4b:s4+s19], $0x10, s3, s19, $0xb8;
	[tilespmem:$0xF800] =	vst v63  }
0x140: {  	p2 =	seq.s32 s1, $0x10000;
	s1 =	sadd.s32 $0x280, s11  }
0x141: {  	[tilespmem:s26], [sflag:$0x2] =	stream.indirect.gather [hbm4b:s4+s19], $0x10, s1, s19, $0xb8;
	[tilespmem:$0xF800] =	vst v63  }
0x142: {  	s1 =	sadd.s32 $0x300, s11  }
0x143: {  	[tilespmem:s28], [sflag:$0x2] =	stream.indirect.gather [hbm4b:s4+s19], $0x10, s1, s19, $0xb8;
	[tilespmem:$0xF800] =	vst v63  }
0x144: {  	s1 =	sadd.s32 $0x380, s11  }
0x145: {  	[tilespmem:s29], [sflag:$0x2] =	stream.indirect.gather [hbm4b:s4+s19], $0x10, s1, s19, $0xb8;
	[tilespmem:$0xF800] =	vst v63  }
0x146: {  	_ =	swait.ge [sflag:s30], $0x800  }
0x147: {  	[sflag:s30] =	ssyncset.done $0x0  }
0x148: {  	[sflag:s30] =	ssyncadd.s32 $0xFFFFF800  }
0x149: {  	_ =	swait.ge [sflag:s30], $0x800  }
0x14a: {  	[sflag:s30] =	ssyncset.done $0x0  }
0x14b: {  	[sflag:s30] =	ssyncadd.s32 $0xFFFFF800  }
0x14c: {  	_ =	swait.ge [sflag:s30], $0x800  }
0x14d: {  	[sflag:s30] =	ssyncset.done $0x0  }
0x14e: {  	[sflag:s30] =	ssyncadd.s32 $0xFFFFF800  }
0x14f: {  	_ =	swait.ge [sflag:s30], $0x800  }
0x150: {  	[sflag:s30] =	ssyncset.done $0x0  }
0x151: {  	s1 =	sadd.s32 $0x4800, s11;
	[sflag:s30] =	ssyncadd.s32 $0xFFFFF800  }
0x152: {  	[spmem:s2] =	stream.indirect.scatter.add.f32 [tilespmem:s16], [sflag:$0x3], $0x10, s1, s19, $0xb8;
	[tilespmem:$0xF800] =	vst v63  }
0x153: {  	s1 =	sadd.s32 $0x4880, s11  }
0x154: {  	[spmem:s2] =	stream.indirect.scatter.add.f32 [tilespmem:s20], [sflag:$0x3], $0x10, s1, s19, $0xb8;
	[tilespmem:$0xF800] =	vst v63  }
0x155: {  	s1 =	sadd.s32 $0x4900, s11  }
0x156: {  	[spmem:s2] =	stream.indirect.scatter.add.f32 [tilespmem:s22], [sflag:$0x3], $0x10, s1, s19, $0xb8;
	[tilespmem:$0xF800] =	vst v63  }
0x157: {  	s1 =	sadd.s32 $0x4980, s11  }
0x158: {  	[spmem:s2] =	stream.indirect.scatter.add.f32 [tilespmem:s24], [sflag:$0x3], $0x10, s1, s19, $0xb8;
	[tilespmem:$0xF800] =	vst v63  }
0x159: {  	_ =	swait.ge [sflag:s31], $0x800  }
0x15a: {  	[sflag:s31] =	ssyncset.done $0x0  }
0x15b: {  	[sflag:s31] =	ssyncadd.s32 $0xFFFFF800  }
0x15c: {  	_ =	swait.ge [sflag:s31], $0x800  }
0x15d: {  	[sflag:s31] =	ssyncset.done $0x0  }
0x15e: {  	[sflag:s31] =	ssyncadd.s32 $0xFFFFF800  }
0x15f: {  	_ =	swait.ge [sflag:s31], $0x800  }
0x160: {  	[sflag:s31] =	ssyncset.done $0x0  }
0x161: {  	[sflag:s31] =	ssyncadd.s32 $0xFFFFF800  }
0x162: {  	_ =	swait.ge [sflag:s31], $0x800  }
0x163: {  	[sflag:s31] =	ssyncset.done $0x0  }
0x164: {  	s1 =	sadd.s32 $0x400, s11;
	[sflag:s31] =	ssyncadd.s32 $0xFFFFF800  }
0x165: {  	[tilespmem:s16], [sflag:$0x1] =	stream.indirect.gather [hbm4b:s4+s19], $0x10, s1, s19, $0xb8;
	[tilespmem:$0xF800] =	vst v63  }
0x166: {  	s1 =	sadd.s32 $0x480, s11  }
0x167: {  	[tilespmem:s20], [sflag:$0x1] =	stream.indirect.gather [hbm4b:s4+s19], $0x10, s1, s19, $0xb8;
	[tilespmem:$0xF800] =	vst v63  }
0x168: {  	s1 =	sadd.s32 $0x500, s11  }
0x169: {  	[tilespmem:s22], [sflag:$0x1] =	stream.indirect.gather [hbm4b:s4+s19], $0x10, s1, s19, $0xb8;
	[tilespmem:$0xF800] =	vst v63  }
0x16a: {  	s1 =	sadd.s32 $0x580, s11  }
0x16b: {  	[tilespmem:s24], [sflag:$0x1] =	stream.indirect.gather [hbm4b:s4+s19], $0x10, s1, s19, $0xb8;
	[tilespmem:$0xF800] =	vst v63  }
0x16c: {  	_ =	swait.ge [sflag:s0], $0x800  }
0x16d: {  	[sflag:s0] =	ssyncset.done $0x0  }
0x16e: {  	[sflag:s0] =	ssyncadd.s32 $0xFFFFF800  }
0x16f: {  	_ =	swait.ge [sflag:s0], $0x800  }
0x170: {  	[sflag:s0] =	ssyncset.done $0x0  }
0x171: {  	[sflag:s0] =	ssyncadd.s32 $0xFFFFF800  }
0x172: {  	_ =	swait.ge [sflag:s0], $0x800  }
0x173: {  	[sflag:s0] =	ssyncset.done $0x0  }
0x174: {  	[sflag:s0] =	ssyncadd.s32 $0xFFFFF800  }
0x175: {  	_ =	swait.ge [sflag:s0], $0x800  }
0x176: {  	[sflag:s0] =	ssyncset.done $0x0  }
0x177: {  	s1 =	sadd.s32 $0x4A00, s11;
	[sflag:s0] =	ssyncadd.s32 $0xFFFFF800  }
0x178: {  	[spmem:s2] =	stream.indirect.scatter.add.f32 [tilespmem:s25], [sflag:$0x4], $0x10, s1, s19, $0xb8;
	[tilespmem:$0xF800] =	vst v63  }
0x179: {  	s1 =	sadd.s32 $0x4A80, s11  }
0x17a: {  	[spmem:s2] =	stream.indirect.scatter.add.f32 [tilespmem:s26], [sflag:$0x4], $0x10, s1, s19, $0xb8;
	[tilespmem:$0xF800] =	vst v63  }
0x17b: {  	s1 =	sadd.s32 $0x4B00, s11  }
0x17c: {  	[spmem:s2] =	stream.indirect.scatter.add.f32 [tilespmem:s28], [sflag:$0x4], $0x10, s1, s19, $0xb8;
	[tilespmem:$0xF800] =	vst v63  }
0x17d: {  	s1 =	sadd.s32 $0x4B80, s11  }
0x17e: {  	[spmem:s2] =	stream.indirect.scatter.add.f32 [tilespmem:s29], [sflag:$0x4], $0x10, s1, s19, $0xb8;
	[tilespmem:$0xF800] =	vst v63  }
0x17f: {  	_ =	swait.ge [sflag:s21], $0x800  }
0x180: {  	[sflag:s21] =	ssyncset.done $0x0  }
0x181: {  	[sflag:s21] =	ssyncadd.s32 $0xFFFFF800  }
0x182: {  	_ =	swait.ge [sflag:s21], $0x800  }
0x183: {  	[sflag:s21] =	ssyncset.done $0x0  }
0x184: {  	[sflag:s21] =	ssyncadd.s32 $0xFFFFF800  }
.Ltmp6:
0x185: {  	_ =	swait.ge [sflag:s21], $0x800;
	(pc) =	sbr.rel @!p2 .LBB2_6-.Ltmp6, $4  }
0x186: {  	[sflag:s21] =	ssyncset.done $0x0  }
0x187: {  	[sflag:s21] =	ssyncadd.s32 $0xFFFFF800  }
0x188: {  	_ =	swait.ge [sflag:s21], $0x800  }
0x189: {  	s11 =	sshra.s32 s13, $0x2;
	s1 =	smov.u32 s12;
	[sflag:s21] =	ssyncset.done $0x0  }
.LBB2_7:
0x18a: {  	s1 =	sadd.s32 $0x200, s11;
	[sflag:s21] =	ssyncadd.s32 @p1 $0xFFFFF800  }
0x18b: {  	[tilespmem:s25], [sflag:$0x2] =	stream.indirect.gather [hbm4b:s4+s19], $0x10, s1, s19, $0xb8;
	[tilespmem:$0xF800] =	vst v63  }
0x18c: {  	s10 =	sadd.s32 $0x280, s11  }
0x18d: {  	[tilespmem:s26], [sflag:$0x2] =	stream.indirect.gather [hbm4b:s4+s19], $0x10, s10, s19, $0xb8;
	[tilespmem:$0xF800] =	vst v63  }
0x18e: {  	s12 =	sadd.s32 $0x300, s11  }
0x18f: {  	[tilespmem:s28], [sflag:$0x2] =	stream.indirect.gather [hbm4b:s4+s19], $0x10, s12, s19, $0xb8;
	[tilespmem:$0xF800] =	vst v63  }
0x190: {  	s13 =	sadd.s32 $0x380, s11  }
0x191: {  	[tilespmem:s29], [sflag:$0x2] =	stream.indirect.gather [hbm4b:s4+s19], $0x10, s13, s19, $0xb8;
	[tilespmem:$0xF800] =	vst v63  }
0x192: {  	_ =	swait.ge [sflag:s30], $0x800  }
0x193: {  	[sflag:s30] =	ssyncset.done $0x0  }
0x194: {  	[sflag:s30] =	ssyncadd.s32 $0xFFFFF800  }
0x195: {  	_ =	swait.ge [sflag:s30], $0x800  }
0x196: {  	[sflag:s30] =	ssyncset.done $0x0  }
0x197: {  	[sflag:s30] =	ssyncadd.s32 $0xFFFFF800  }
0x198: {  	_ =	swait.ge [sflag:s30], $0x800  }
0x199: {  	[sflag:s30] =	ssyncset.done $0x0  }
0x19a: {  	[sflag:s30] =	ssyncadd.s32 $0xFFFFF800  }
0x19b: {  	_ =	swait.ge [sflag:s30], $0x800  }
0x19c: {  	[sflag:s30] =	ssyncset.done $0x0  }
0x19d: {  	s14 =	sadd.s32 $0x4800, s11;
	[sflag:s30] =	ssyncadd.s32 $0xFFFFF800  }
0x19e: {  	[spmem:s2] =	stream.indirect.scatter.add.f32 [tilespmem:s16], [sflag:$0x3], $0x10, s14, s19, $0xb8;
	[tilespmem:$0xF800] =	vst v63  }
0x19f: {  	s18 =	sadd.s32 $0x4880, s11  }
0x1a0: {  	[spmem:s2] =	stream.indirect.scatter.add.f32 [tilespmem:s20], [sflag:$0x3], $0x10, s18, s19, $0xb8;
	[tilespmem:$0xF800] =	vst v63  }
0x1a1: {  	s3 =	sadd.s32 $0x4900, s11  }
0x1a2: {  	[spmem:s2] =	stream.indirect.scatter.add.f32 [tilespmem:s22], [sflag:$0x3], $0x10, s3, s19, $0xb8;
	[tilespmem:$0xF800] =	vst v63  }
0x1a3: {  	s6 =	sadd.s32 $0x4980, s11  }
0x1a4: {  	[spmem:s2] =	stream.indirect.scatter.add.f32 [tilespmem:s24], [sflag:$0x3], $0x10, s6, s19, $0xb8;
	[tilespmem:$0xF800] =	vst v63  }
0x1a5: {  	_ =	swait.ge [sflag:s31], $0x800  }
0x1a6: {  	[sflag:s31] =	ssyncset.done $0x0  }
0x1a7: {  	[sflag:s31] =	ssyncadd.s32 $0xFFFFF800  }
0x1a8: {  	_ =	swait.ge [sflag:s31], $0x800  }
0x1a9: {  	[sflag:s31] =	ssyncset.done $0x0  }
0x1aa: {  	[sflag:s31] =	ssyncadd.s32 $0xFFFFF800  }
0x1ab: {  	_ =	swait.ge [sflag:s31], $0x800  }
0x1ac: {  	[sflag:s31] =	ssyncset.done $0x0  }
0x1ad: {  	[sflag:s31] =	ssyncadd.s32 $0xFFFFF800  }
0x1ae: {  	_ =	swait.ge [sflag:s31], $0x800  }
0x1af: {  	[sflag:s31] =	ssyncset.done $0x0  }
0x1b0: {  	s7 =	sadd.s32 $0x400, s11;
	[sflag:s31] =	ssyncadd.s32 $0xFFFFF800  }
0x1b1: {  	[tilespmem:s16], [sflag:$0x1] =	stream.indirect.gather [hbm4b:s4+s19], $0x10, s7, s19, $0xb8;
	[tilespmem:$0xF800] =	vst v63  }
0x1b2: {  	s8 =	sadd.s32 $0x480, s11  }
0x1b3: {  	[tilespmem:s20], [sflag:$0x1] =	stream.indirect.gather [hbm4b:s4+s19], $0x10, s8, s19, $0xb8;
	[tilespmem:$0xF800] =	vst v63  }
0x1b4: {  	s9 =	sadd.s32 $0x500, s11  }
0x1b5: {  	[tilespmem:s22], [sflag:$0x1] =	stream.indirect.gather [hbm4b:s4+s19], $0x10, s9, s19, $0xb8;
	[tilespmem:$0xF800] =	vst v63  }
0x1b6: {  	s10 =	sadd.s32 $0x580, s11  }
0x1b7: {  	[tilespmem:s24], [sflag:$0x1] =	stream.indirect.gather [hbm4b:s4+s19], $0x10, s10, s19, $0xb8;
	[tilespmem:$0xF800] =	vst v63  }
0x1b8: {  	_ =	swait.ge [sflag:s0], $0x800  }
0x1b9: {  	[sflag:s0] =	ssyncset.done $0x0  }
0x1ba: {  	[sflag:s0] =	ssyncadd.s32 $0xFFFFF800  }
0x1bb: {  	_ =	swait.ge [sflag:s0], $0x800  }
0x1bc: {  	[sflag:s0] =	ssyncset.done $0x0  }
0x1bd: {  	[sflag:s0] =	ssyncadd.s32 $0xFFFFF800  }
0x1be: {  	_ =	swait.ge [sflag:s0], $0x800  }
0x1bf: {  	[sflag:s0] =	ssyncset.done $0x0  }
0x1c0: {  	[sflag:s0] =	ssyncadd.s32 $0xFFFFF800  }
0x1c1: {  	_ =	swait.ge [sflag:s0], $0x800  }
0x1c2: {  	[sflag:s0] =	ssyncset.done $0x0  }
0x1c3: {  	s12 =	sadd.s32 $0x4A00, s11;
	[sflag:s0] =	ssyncadd.s32 $0xFFFFF800  }
0x1c4: {  	[spmem:s2] =	stream.indirect.scatter.add.f32 [tilespmem:s25], [sflag:$0x4], $0x10, s12, s19, $0xb8;
	[tilespmem:$0xF800] =	vst v63  }
0x1c5: {  	s13 =	sadd.s32 $0x4A80, s11  }
0x1c6: {  	[spmem:s2] =	stream.indirect.scatter.add.f32 [tilespmem:s26], [sflag:$0x4], $0x10, s13, s19, $0xb8;
	[tilespmem:$0xF800] =	vst v63  }
0x1c7: {  	s14 =	sadd.s32 $0x4B00, s11  }
0x1c8: {  	[spmem:s2] =	stream.indirect.scatter.add.f32 [tilespmem:s28], [sflag:$0x4], $0x10, s14, s19, $0xb8;
	[tilespmem:$0xF800] =	vst v63  }
0x1c9: {  	s18 =	sadd.s32 $0x4B80, s11  }
0x1ca: {  	[spmem:s2] =	stream.indirect.scatter.add.f32 [tilespmem:s29], [sflag:$0x4], $0x10, s18, s19, $0xb8;
	[tilespmem:$0xF800] =	vst v63  }
0x1cb: {  	_ =	swait.ge [sflag:s21], $0x800  }
0x1cc: {  	[sflag:s21] =	ssyncset.done $0x0  }
0x1cd: {  	[sflag:s21] =	ssyncadd.s32 $0xFFFFF800  }
0x1ce: {  	_ =	swait.ge [sflag:s21], $0x800  }
0x1cf: {  	[sflag:s21] =	ssyncset.done $0x0  }
0x1d0: {  	s1 =	simm.s32 $0x8D80;
	[sflag:s21] =	ssyncadd.s32 $0xFFFFF800  }
0x1d1: {  	s11 =	simm.s32 $0x8F80;
	s3 =	simm.s32 $0x8D00;
	_ =	swait.ge [sflag:s21], $0x800  }
.Ltmp7:
0x1d2: {  	s6 =	simm.s32 $0x8C00;
	[sflag:s21] =	ssyncset.done $0x0;
	(pc) =	sbr.rel .LBB2_9-.Ltmp7, $4  }
0x1d3: {  	s7 =	simm.s32 $0x4780;
	s8 =	simm.s32 $0x4700;
	[sflag:s21] =	ssyncadd.s32 $0xFFFFF800  }
0x1d4: {  	s9 =	simm.s32 $0x4680;
	s10 =	simm.s32 $0x8E00;
	_ =	swait.ge [sflag:s21], $0x800  }
0x1d5: {  	s12 =	simm.s32 $0x8F00;
	s13 =	simm.s32 $0x8E80;
	[sflag:s21] =	ssyncset.done $0x0  }
0x1d6: {  	s14 =	simm.s32 $0x4600;
	s18 =	simm.s32 $0x8C80;
	[sflag:s21] =	ssyncadd.s32 $0xFFFFF800  }
.LBB2_10:
0x1d7: {  	_ =	sfence.sel $0x180000  }
0x1d8: {  	[bflag:$0x0] =	sbarrier.arrive $0xFFFF  }
0x1d9: {  	_ =	strace $0x9000004A  }
0x1da: {  	s0 =	stileid.u32;
	[bflag:$0x2] =	sbarrier.arrive $0xFFFF  }
0x1db: {  	p0 =	sne.s32 s0, $0x0;
	s0 =	rddreg [dreg:$0x2]  }
0x1dc: {  	s0 =	sadd.s32 @!p0 $0x100000, s0  }
0x1dd: {  	[sflag:s0] =	ssyncadd.tile.s32 @!p0 $0x1;
	_ =	shalt  }
.Lfunc_end2:
_tile_overlayer_lowered:
.L_overlay_start_2:
0x1de: {  	(tag) =	ssettag $0x2  }
0x1df: {  	s0 =	rddreg [dreg:$0x0];
	s2 =	stileid.u32  }
0x1e0: {  	s1 =	rddreg [dreg:$0x1];
	p0 =	sne.s32 s2, $0x0  }
0x1e1: {  	s3 =	rddreg [dreg:$0x2];
	[bflag:$0x3] =	sbarrier.arrive $0xFFFF;
	s2 =	simm.s32 @!p0 $0x1C05  }
0x1e2: {  	[timem:s3], [sflag:s2] =	dma.local @!p0 [hbm:s0], s1  }
0x1e3: {  	s0 =	simm.s32 @!p0 $0x5  }
0x1e4: {  	_ =	swait.ge @!p0 [sflag:s0], s1  }
0x1e5: {  	s1 =	ssub.s32 @!p0 $0x0, s1;
	[sflag:s0] =	ssyncset.done @!p0 $0x0  }
0x1e6: {  	[sflag:s0] =	ssyncadd.s32 @!p0 s1  }
0x1e7: {  	[bflag:$0x3] =	sbarrier.arrive $0xFFFF  }
0x1e8: {  	_ =	shalt  }

// kernel: kernel.7.cloned.1.call-start
scs
__scs_entry_jumppad:
0x0: {  	(pc) =	sbr.rel $0x88, $3  }
0x1: {  	(tag) =	ssettag $0x0;
	lr =	simm.s32 $0x1  }
0x2: {  	[smem:$0x3F99] =	sst lr;
	_ =	strace $0xD0000000  }
0x3: {  	_ = 	snop  }
0x4: {  	_ = 	snop  }
0x5: {  	_ = 	snop  }
0x6: {  	_ = 	snop  }
0x7: {  	_ = 	snop  }
__scs_overlays_trampoline_lowered:
0x8: {  	[smem:$0x3FA8] =	sst s0  }
0x9: {  	[smem:$0x3FA9] =	sst s1  }
0xa: {  	[smem:$0x3FAA] =	sst s2  }
0xb: {  	[smem:$0x3FAB] =	sst s3  }
0xc: {  	[smem:$0x3FAC] =	sst s4  }
0xd: {  	[smem:$0x3FAD] =	sst s5  }
0xe: {  	[smem:$0x3FAE] =	sst s6  }
0xf: {  	[smem:$0x3FAF] =	sst s7  }
0x10: {  	[smem:$0x3FB0] =	sst s8  }
0x11: {  	[smem:$0x3FB1] =	sst s9;
	s0 =	simm.s32 @!p0 $0x0  }
0x12: {  	s1 =	sld [smem:$0x3F97];
	s0 =	simm.s32 @p0 $0x1  }
0x13: {  	[smem:$0x3FB2] =	sst s0;
	s0 =	simm.s32 @!p1 $0x0  }
0x14: {  	s2 =	sld [smem:$0x3F96];
	s0 =	simm.s32 @p1 $0x1  }
0x15: {  	[smem:$0x3FB3] =	sst s0;
	s0 =	simm.s32 @!p2 $0x0  }
0x16: {  	s3 =	sld [smem:$0x3FDB];
	s0 =	simm.s32 @p2 $0x1  }
0x17: {  	s4 =	simm.s32 $0x1BF5;
	[smem:$0x3FB5] =	sst s0  }
0x18: {  	s0 =	sld [smem:$0x3F98];
	_ =	swait.ge [sflag:s4], $0x0  }
0x19: {  	s7 =	sld [smem:$0x3F99]  }
0x1a: {  	s8 =	sadd.s32 $0xFFFFE003, lr  }
0x1b: {  	s9 =	sadd.s32 $0xFFFFFEF7, lr;
	s5 =	simm.s32 $0xFFFFFFFF;
	p2 =	slt.u32 s8, $0xFFFFF086  }
0x1c: {  	p1 =	slt.u32 s9, $0xF7A;
	s5 =	simm.s32 @!p2 $0x0  }
0x1d: {  	s5 =	simm.s32 @p1 $0x1;
	p0 =	seq.s32 s7, s2  }
0x1e: {  	s7 =	smul.u32 @!p0 $0xF7A, s2;
	p2 =	seq.s32 @!p0 s5, $0x0  }
0x1f: {  	s9 =	smul.u32 $0xF7A, s1;
	s8 =	simm.s32 @!p0 $0x1BF5;
	p2 =	por !p2, p0  }
0x20: {  	[sflag:s8] =	ssyncset.s32 @!p0 $0xFFFFF086;
	s6 =	sadd.s32 @!p0 s3, s7;
	s7 =	simm.s32 @!p0 $0x108  }
0x21: {  	s3 =	sadd.s32 s3, s9;
	s6 =	sadd.s32 @!p0 $0x88, s6;
	s7 =	simm.s32 @p2 $0x1082  }
0x22: {  	[simem:s7], [sflag:s8] =	dma.local @!p0 [hbm:s6], $0xF7A  }
0x23: {  	s9 =	sor.u32 $0xD0000000, s2;
	s6 =	simm.s32 $0x108;
	_ =	swait.ge @!p0 [sflag:s8], $0x0  }
0x24: {  	s3 =	sadd.s32 $0x88, s3;
	s6 =	simm.s32 @!p1 $0x1082;
	[sflag:s4] =	ssyncset.s32 $0xFFFFF086  }
0x25: {  	[simem:s6], [sflag:s4] =	dma.local [hbm:s3], $0xF7A  }
0x26: {  	[smem:$0x3F99] =	sst s1;
	(tag) =	ssettag s2;
	_ =	strace s9  }
0x27: {  	s1 =	sld [smem:$0x3FA9]  }
0x28: {  	s2 =	sld [smem:$0x3FAA]  }
0x29: {  	s4 =	sld [smem:$0x3FAC]  }
0x2a: {  	p0 =	seq.s32 s5, $0x0;
	s5 =	sld [smem:$0x3FAD]  }
0x2b: {  	s6 =	sld [smem:$0x3FAE]  }
0x2c: {  	s7 =	sld [smem:$0x3FAF]  }
0x2d: {  	s3 =	simm.s32 $0x108;
	s8 =	sld [smem:$0x3FB0]  }
0x2e: {  	s3 =	simm.s32 @!p0 $0x1082;
	s9 =	sld [smem:$0x3FB1]  }
0x2f: {  	lr =	sadd.s32 s0, s3;
	s0 =	sld [smem:$0x3FA8]  }
0x30: {  	s3 =	sld [smem:$0x3FAB]  }
0x31: {  	[smem:$0x3FB4] =	sst s10  }
0x32: {  	s10 =	sld [smem:$0x3FB2];
	_ =	sdelay $0x3  }
0x33: {  	p0 =	seq.s32 s10, $0x1;
	s10 =	sld [smem:$0x3FB4];
	_ =	sdelay $0x3  }
0x34: {  	[smem:$0x3FB4] =	sst s10  }
0x35: {  	s10 =	sld [smem:$0x3FB3];
	_ =	sdelay $0x3  }
0x36: {  	p1 =	seq.s32 s10, $0x1;
	s10 =	sld [smem:$0x3FB4];
	_ =	sdelay $0x3  }
0x37: {  	[smem:$0x3FB4] =	sst s10  }
0x38: {  	s10 =	sld [smem:$0x3FB5]  }
0x39: {  	_ = 	snop;
	(pc) =	sbr.ind lr, $3  }
0x3a: {  	_ = 	snop  }
0x3b: {  	_ = 	snop  }
0x3c: {  	p2 =	seq.s32 s10, $0x1;
	s10 =	sld [smem:$0x3FB4]  }
0x3d: {  	_ =	shalt  }
0x3e: {  	_ =	shalt  }
0x3f: {  	_ =	shalt  }
0x40: {  	_ =	shalt  }
0x41: {  	_ =	shalt  }
0x42: {  	_ =	shalt  }
0x43: {  	_ =	shalt  }
0x44: {  	_ =	shalt  }
0x45: {  	_ =	shalt  }
0x46: {  	_ =	shalt  }
0x47: {  	_ =	shalt  }
0x48: {  	_ =	shalt  }
0x49: {  	_ =	shalt  }
0x4a: {  	_ =	shalt  }
0x4b: {  	_ =	shalt  }
0x4c: {  	_ =	shalt  }
0x4d: {  	_ =	shalt  }
0x4e: {  	_ =	shalt  }
0x4f: {  	_ =	shalt  }
0x50: {  	_ =	shalt  }
0x51: {  	_ =	shalt  }
0x52: {  	_ =	shalt  }
0x53: {  	_ =	shalt  }
0x54: {  	_ =	shalt  }
0x55: {  	_ =	shalt  }
0x56: {  	_ =	shalt  }
0x57: {  	_ =	shalt  }
0x58: {  	_ =	shalt  }
0x59: {  	_ =	shalt  }
0x5a: {  	_ =	shalt  }
0x5b: {  	_ =	shalt  }
0x5c: {  	_ =	shalt  }
0x5d: {  	_ =	shalt  }
0x5e: {  	_ =	shalt  }
0x5f: {  	_ =	shalt  }
0x60: {  	_ =	shalt  }
0x61: {  	_ =	shalt  }
0x62: {  	_ =	shalt  }
0x63: {  	_ =	shalt  }
0x64: {  	_ =	shalt  }
0x65: {  	_ =	shalt  }
0x66: {  	_ =	shalt  }
0x67: {  	_ =	shalt  }
0x68: {  	_ =	shalt  }
0x69: {  	_ =	shalt  }
0x6a: {  	_ =	shalt  }
0x6b: {  	_ =	shalt  }
0x6c: {  	_ =	shalt  }
0x6d: {  	_ =	shalt  }
0x6e: {  	_ =	shalt  }
0x6f: {  	_ =	shalt  }
0x70: {  	_ =	shalt  }
0x71: {  	_ =	shalt  }
0x72: {  	_ =	shalt  }
0x73: {  	_ =	shalt  }
0x74: {  	_ =	shalt  }
0x75: {  	_ =	shalt  }
0x76: {  	_ =	shalt  }
0x77: {  	_ =	shalt  }
0x78: {  	_ =	shalt  }
0x79: {  	_ =	shalt  }
0x7a: {  	_ =	shalt  }
0x7b: {  	_ =	shalt  }
0x7c: {  	_ =	shalt  }
0x7d: {  	_ =	shalt  }
0x7e: {  	_ =	shalt  }
0x7f: {  	_ =	shalt  }
0x80: {  	_ =	shalt  }
0x81: {  	_ =	shalt  }
0x82: {  	_ =	shalt  }
0x83: {  	_ =	shalt  }
0x84: {  	_ =	shalt  }
0x85: {  	_ =	shalt  }
0x86: {  	_ =	shalt  }
0x87: {  	_ =	shalt  }
.Lfunc_end0:
.L_simem_size_0:
called_computation_lowered:
.L_overlay_start_0:
0x88: {  	s2 =	sld [smem:$0x3FD9]  }
0x89: {  	s3 =	sld [smem:$0x3FFE];
	_ =	sdelay $0x1  }
0x8a: {  	s1 =	srdreg.scid  }
0x8b: {  	s0 =	sand.u32 $0x1, s1  }
0x8c: {  	s16 =	sshll.u32 s0, $0xA;
	s2 =	sadd.s32 s3, s2  }
0x8d: {  	s2 =	sadd.s32 s2, s16  }
0x8e: {  	[smem:$0x3FC0] =	sst s2  }
0x8f: {  	_ = 	snop  }
0x90: {  	(tm) =	ssettm $0x1  }
0x91: {  	s17 =	sld [smem:$0x3FFB];
	_ =	sdelay $0x3  }
0x92: {  	_ =	strace s17  }
0x93: {  	s2 =	sld [smem:$0x3FFC];
	_ =	sdelay $0x3  }
0x94: {  	_ =	strace s2  }
0x95: {  	s2 =	sld [smem:$0x3FFD];
	_ =	sdelay $0x3  }
0x96: {  	_ =	strace s2  }
0x97: {  	_ =	strace $0x8FFFFFFF  }
0x98: {  	s18 =	sld [smem:$0x3FDB];
	_ =	sdelay $0x1  }
0x99: {  	s19 =	simm.s32 $_scs_section_size  }
0x9a: {  	s4 =	simm.s32 $_size__tile_overlayer_lowered;
	s5 =	simm.s32 $_tile_overlayer_lowered  }
0x9b: {  	s22 =	simm.s32 $0x1BFF;
	s21 =	sshll.u32 s5, $0x1;
	s2 =	sadd.s32 s19, s18  }
0x9c: {  	s6 =	simm.s32 $0x0;
	s20 =	sshll.u32 s4, $0x1;
	s4 =	sadd.s32 s21, s2  }
0x9d: {  	[timem:s6], [sflag:s22] =	dma.local [hbm:s4], s20  }
0x9e: {  	_ =	swait.ge [sflag:s22], s20  }
0x9f: {  	s3 =	ssub.s32 $0x0, s20;
	[sflag:s22] =	ssyncset.done $0x0  }
0xa0: {  	[sflag:s22] =	ssyncadd.s32 s3;
	_ =	sdelay $0x1  }
0xa1: {  	s23 =	simm.s32 $0x1B8B  }
0xa2: {  	_ =	swait.ge [sflag:s23], $0x1  }
0xa3: {  	[sflag:s23] =	ssyncset.done $0x0  }
0xa4: {  	s25 =	simm.s32 $0x1B8E;
	s24 =	sld [smem:$0x3FFE];
	[sflag:s23] =	ssyncadd.s32 $0xFFFFFFFF  }
0xa5: {  	s26 =	simm.s32 $execute0_lowered;
	[smem:$0x3FD2] =	sst s25  }
0xa6: {  	s4 =	sshll.u32 s26, $0x1;
	_ =	strace $0x80000046;
	[dreg:$0x1] =	wrdreg $0xFFFFFFFF  }
0xa7: {  	s28 =	simm.s32 $_size_execute0_lowered;
	s2 =	sadd.s32 s2, s4;
	[dreg:$0x0] =	wrdreg $0x0  }
0xa8: {  	s4 =	sshll.u32 s28, $0x1;
	[dreg:$0x2] =	wrdreg s2  }
0xa9: {  	[dreg:$0x3] =	wrdreg s4  }
0xaa: {  	[dreg:$0x4] =	wrdreg $0xC0  }
0xab: {  	_ =	task [dreg:s6], $0x5FFFF  }
0xac: {  	[dreg:$0x1] =	wrdreg $0xFFFFFFFF  }
0xad: {  	[dreg:$0x0] =	wrdreg $0x60  }
0xae: {  	[dreg:$0x2] =	wrdreg s24  }
0xaf: {  	[dreg:$0x3] =	wrdreg $0xD0000  }
0xb0: {  	[dreg:$0x4] =	wrdreg $0x9  }
0xb1: {  	_ =	task.clear_ibuf [dreg:s6], $0x5FFFF;
	_ =	strace $0x90000046  }
0xb2: {  	s29 =	simm.s32 $0x9;
	_ =	strace $0x80000048  }
0xb3: {  	_ =	swait.ge [sflag:s29], $0x1  }
0xb4: {  	[sflag:s29] =	ssyncadd.s32 $0xFFFFFFFF  }
0xb5: {  	_ =	strace $0x90000048  }
0xb6: {  	_ =	sfence  }
0xb7: {  	s30 =	sld [smem:$0x0];
	_ =	sdelay $0x2  }
0xb8: {  	s31 =	sshll.u32 s1, $0xD;
	s1 =	sshrl.u32 s1, $0x2  }
0xb9: {  	s3 =	sand.u32 $0x4000, s31;
	s1 =	sadd.s32 s1, s30  }
0xba: {  	s0 =	sor.u32 s3, s0;
	s1 =	sshll.u32 s1, $0x11  }
0xbb: {  	s0 =	sor.u32 s1, s0  }
0xbc: {  	s0 =	sadd.s32 $0x8F2B, s0  }
0xbd: {  	[sflag:s0] =	ssyncadd.remote.s32 $0x1  }
0xbe: {  	_ =	sfence.sel $0xFFFF  }
0xbf: {  	[dreg:$0x0] =	wrdreg $0xFFFFFFFF;
	(pc) =	sbr.abs _section_cstart, $3  }
0xc0: {  	[dreg:$0x1] =	wrdreg $0xFFFFFFFF  }
0xc1: {  	_ =	task.clear_ibuf [dreg:s6], $0x2FFFF;
	_ =	strace $0x9FFFFFFF  }
0xc2: {  	(tm) =	ssettm $0x7FFFFFFF  }
0xc3: {  	_ =	shalt  }
tec
execute0_lowered:
.L_overlay_start_1:
0x0: {  	(tag) =	ssettag $0x1  }
0x1: {  	s0 =	rddreg [dreg:$0x0]  }
0x2: {  	s2 =	rddreg [dreg:$0x1]  }
0x3: {  	s1 =	srdreg.scid;
	s10 =	stileid.u32  }
0x4: {  	s4 =	simm.s32 $0x0;
	s16 =	simm.s32 $0x9000;
	s17 =	simm.s32 $0x5  }
0x5: {  	s15 =	simm.s32 $0x4800;
	s28 =	simm.s32 $0xC000;
	s29 =	simm.s32 $0xC800  }
0x6: {  	s30 =	simm.s32 $0x1;
	s31 =	simm.s32 $0x3;
	s3 =	smul.u32 $0x2800, s10  }
0x7: {  	s1 =	sand.u32 $0x1, s1;
	[smem:$0x7FF] =	sst s4;
	s6 =	smul.u32 $0xA000, s10  }
0x8: {  	s4 =	sadd.s32 $0x16200, s0;
	s7 =	sadd.s32 $0x2200, s0;
	s9 =	smul.u32 $0x4800, s10  }
0x9: {  	s22 =	sshll.u32 s10, $0x8;
	s5 =	smul.u32 $0x28000, s1;
	_ =	strace $0x80000047  }
0xa: {  	s8 =	ssub.s32 $0x2, s1;
	s6 =	sshrl.u32 s6, $0x2;
	s9 =	sshrl.u32 s9, $0x3  }
0xb: {  	p0 =	sne.s32 s1, $0x0;
	s6 =	sadd.s32 s6, s2;
	s23 =	sadd.s32 s7, s9  }
0xc: {  	s18 =	sshrl.u32 s8, $0x1;
	s19 =	sadd.s32 $0x800, s6;
	[dreg:$0x7] =	wrdreg s23  }
0xd: {  	s5 =	sadd.s32 s3, s5;
	s20 =	sadd.s32 $0x1000, s6;
	[dreg:$0x3] =	wrdreg s19  }
0xe: {  	s8 =	ssub.s32 s8, s18;
	s21 =	sadd.s32 $0x1800, s6;
	[dreg:$0x4] =	wrdreg s20  }
0xf: {  	s5 =	sshrl.u32 s5, $0x3;
	s6 =	sadd.s32 $0x2000, s6;
	[dreg:$0x5] =	wrdreg s21  }
0x10: {  	s25 =	sadd.s32 $0xA000, s23;
	s26 =	smax.u32 s8, $0x1;
	[dreg:$0x6] =	wrdreg s6  }
0x11: {  	s23 =	simm.s32 $0x0;
	s0 =	sadd.s32 s5, s0;
	[dreg:$0xa] =	wrdreg s25  }
0x12: {  	s5 =	sadd.s32 s3, s2;
	s3 =	sadd.s32 s22, s7;
	[dreg:$0xc] =	wrdreg s26  }
.Ltmp0:
0x13: {  	s19 =	simm.s32 $0x80;
	s20 =	simm.s32 $0x9800;
	(pc) =	sbr.rel .LBB2_1-.Ltmp0, $4  }
0x14: {  	s22 =	simm.s32 $0xA000;
	s25 =	simm.s32 $0xB000;
	s24 =	sadd.s32 $0x9000, s3  }
0x15: {  	s26 =	simm.s32 $0xB800;
	s3 =	sadd.s32 $0x13000, s3;
	[dreg:$0x8] =	wrdreg s24  }
0x16: {  	s21 =	simm.s32 $0x4;
	s0 =	sadd.s32 $0x1B200, s0;
	[dreg:$0x9] =	wrdreg s3  }
0x17: {  	v0 =	vimm.f32 $0.0e+00;
	[dreg:$0xb] =	wrdreg s0;
	s24 =	simm.s32 $0xA800;
	s0 =	simm.s32 $0x2  }
.LBB2_8:
0x18: {  	s3 =	rddreg [dreg:$0x8]  }
0x19: {  	[tilespmem:s1], [sflag:$0x5] =	stream.linear.gather [hbm4b:s3+s1], $0x800, $0x38;
	[tilespmem:$0xF800] =	vst v63  }
0x1a: {  	_ =	swait.ge [sflag:s17], $0x800  }
0x1b: {  	[sflag:s17] =	ssyncset.done $0x0  }
0x1c: {  	s6 =	simm.s32 $0x4800;
	s10 =	rddreg [dreg:$0x9];
	[sflag:s17] =	ssyncadd.s32 $0xFFFFF800  }
0x1d: {  	[tilespmem:s6], [sflag:$0x5] =	stream.linear.gather [hbm4b:s10+s1], $0x800, $0x38;
	[tilespmem:$0xF800] =	vst v63  }
0x1e: {  	_ =	swait.ge [sflag:s17], $0x800  }
0x1f: {  	[sflag:s17] =	ssyncset.done $0x0  }
0x20: {  	[sflag:s17] =	ssyncadd.s32 $0xFFFFF800  }
0x21: {  	[bflag:$0x0] =	sbarrier.arrive $0xFFFF  }
0x22: {  	[tilespmem:s16], [sflag:$0x1] =	stream.indirect.gather [hbm4b:s4+s19], $0x10, s1, s19, $0xb8;
	[tilespmem:$0xF800] =	vst v63  }
0x23: {  	_ = 	snop  }
0x24: {  	[tilespmem:s20], [sflag:$0x1] =	stream.indirect.gather [hbm4b:s4+s19], $0x10, s19, s19, $0xb8;
	[tilespmem:$0xF800] =	vst v63  }
0x25: {  	s11 =	simm.s32 $0x100  }
0x26: {  	[tilespmem:s22], [sflag:$0x1] =	stream.indirect.gather [hbm4b:s4+s19], $0x10, s11, s19, $0xb8;
	[tilespmem:$0xF800] =	vst v63  }
0x27: {  	s12 =	simm.s32 $0x180  }
0x28: {  	[tilespmem:s24], [sflag:$0x1] =	stream.indirect.gather [hbm4b:s4+s19], $0x10, s12, s19, $0xb8;
	[tilespmem:$0xF800] =	vst v63  }
0x29: {  	s13 =	simm.s32 $0x200  }
0x2a: {  	[tilespmem:s25], [sflag:$0x2] =	stream.indirect.gather [hbm4b:s4+s19], $0x10, s13, s19, $0xb8;
	[tilespmem:$0xF800] =	vst v63  }
0x2b: {  	s14 =	simm.s32 $0x280  }
0x2c: {  	[tilespmem:s26], [sflag:$0x2] =	stream.indirect.gather [hbm4b:s4+s19], $0x10, s14, s19, $0xb8;
	[tilespmem:$0xF800] =	vst v63  }
0x2d: {  	s15 =	simm.s32 $0x300  }
0x2e: {  	[tilespmem:s28], [sflag:$0x2] =	stream.indirect.gather [hbm4b:s4+s19], $0x10, s15, s19, $0xb8;
	[tilespmem:$0xF800] =	vst v63  }
0x2f: {  	s18 =	simm.s32 $0x380  }
0x30: {  	[tilespmem:s29], [sflag:$0x2] =	stream.indirect.gather [hbm4b:s4+s19], $0x10, s18, s19, $0xb8;
	[tilespmem:$0xF800] =	vst v63  }
0x31: {  	_ =	swait.ge [sflag:s30], $0x800  }
0x32: {  	[sflag:s30] =	ssyncset.done $0x0  }
0x33: {  	[sflag:s30] =	ssyncadd.s32 $0xFFFFF800  }
0x34: {  	_ =	swait.ge [sflag:s30], $0x800  }
0x35: {  	[sflag:s30] =	ssyncset.done $0x0  }
0x36: {  	[sflag:s30] =	ssyncadd.s32 $0xFFFFF800  }
0x37: {  	_ =	swait.ge [sflag:s30], $0x800  }
0x38: {  	[sflag:s30] =	ssyncset.done $0x0  }
0x39: {  	[sflag:s30] =	ssyncadd.s32 $0xFFFFF800  }
0x3a: {  	_ =	swait.ge [sflag:s30], $0x800  }
0x3b: {  	[sflag:s30] =	ssyncset.done $0x0  }
0x3c: {  	[sflag:s30] =	ssyncadd.s32 $0xFFFFF800  }
0x3d: {  	[spmem:s2] =	stream.indirect.scatter.add.f32 [tilespmem:s16], [sflag:$0x3], $0x10, s6, s19, $0xb8;
	[tilespmem:$0xF800] =	vst v63  }
0x3e: {  	s3 =	simm.s32 $0x4880  }
0x3f: {  	[spmem:s2] =	stream.indirect.scatter.add.f32 [tilespmem:s20], [sflag:$0x3], $0x10, s3, s19, $0xb8;
	[tilespmem:$0xF800] =	vst v63  }
0x40: {  	s6 =	simm.s32 $0x4900  }
0x41: {  	[spmem:s2] =	stream.indirect.scatter.add.f32 [tilespmem:s22], [sflag:$0x3], $0x10, s6, s19, $0xb8;
	[tilespmem:$0xF800] =	vst v63  }
0x42: {  	s7 =	simm.s32 $0x4980  }
0x43: {  	[spmem:s2] =	stream.indirect.scatter.add.f32 [tilespmem:s24], [sflag:$0x3], $0x10, s7, s19, $0xb8;
	[tilespmem:$0xF800] =	vst v63  }
0x44: {  	_ =	swait.ge [sflag:s31], $0x800  }
0x45: {  	[sflag:s31] =	ssyncset.done $0x0  }
0x46: {  	[sflag:s31] =	ssyncadd.s32 $0xFFFFF800  }
0x47: {  	_ =	swait.ge [sflag:s31], $0x800  }
0x48: {  	[sflag:s31] =	ssyncset.done $0x0  }
0x49: {  	[sflag:s31] =	ssyncadd.s32 $0xFFFFF800  }
0x4a: {  	_ =	swait.ge [sflag:s31], $0x800  }
0x4b: {  	[sflag:s31] =	ssyncset.done $0x0  }
0x4c: {  	[sflag:s31] =	ssyncadd.s32 $0xFFFFF800  }
0x4d: {  	_ =	swait.ge [sflag:s31], $0x800  }
0x4e: {  	[sflag:s31] =	ssyncset.done $0x0  }
0x4f: {  	s8 =	simm.s32 $0x400;
	[sflag:s31] =	ssyncadd.s32 $0xFFFFF800  }
0x50: {  	[tilespmem:s16], [sflag:$0x1] =	stream.indirect.gather [hbm4b:s4+s19], $0x10, s8, s19, $0xb8;
	[tilespmem:$0xF800] =	vst v63  }
0x51: {  	s9 =	simm.s32 $0x480  }
0x52: {  	[tilespmem:s20], [sflag:$0x1] =	stream.indirect.gather [hbm4b:s4+s19], $0x10, s9, s19, $0xb8;
	[tilespmem:$0xF800] =	vst v63  }
0x53: {  	s10 =	simm.s32 $0x500  }
0x54: {  	[tilespmem:s22], [sflag:$0x1] =	stream.indirect.gather [hbm4b:s4+s19], $0x10, s10, s19, $0xb8;
	[tilespmem:$0xF800] =	vst v63  }
0x55: {  	s11 =	simm.s32 $0x580  }
0x56: {  	[tilespmem:s24], [sflag:$0x1] =	stream.indirect.gather [hbm4b:s4+s19], $0x10, s11, s19, $0xb8;
	[tilespmem:$0xF800] =	vst v63  }
0x57: {  	_ =	swait.ge [sflag:s0], $0x800  }
0x58: {  	[sflag:s0] =	ssyncset.done $0x0  }
0x59: {  	[sflag:s0] =	ssyncadd.s32 $0xFFFFF800  }
0x5a: {  	_ =	swait.ge [sflag:s0], $0x800  }
0x5b: {  	[sflag:s0] =	ssyncset.done $0x0  }
0x5c: {  	[sflag:s0] =	ssyncadd.s32 $0xFFFFF800  }
0x5d: {  	_ =	swait.ge [sflag:s0], $0x800  }
0x5e: {  	[sflag:s0] =	ssyncset.done $0x0  }
0x5f: {  	[sflag:s0] =	ssyncadd.s32 $0xFFFFF800  }
0x60: {  	_ =	swait.ge [sflag:s0], $0x800  }
0x61: {  	[sflag:s0] =	ssyncset.done $0x0  }
0x62: {  	s12 =	simm.s32 $0x4A00;
	[sflag:s0] =	ssyncadd.s32 $0xFFFFF800  }
0x63: {  	[spmem:s2] =	stream.indirect.scatter.add.f32 [tilespmem:s25], [sflag:$0x4], $0x10, s12, s19, $0xb8;
	[tilespmem:$0xF800] =	vst v63  }
0x64: {  	s13 =	simm.s32 $0x4A80  }
0x65: {  	[spmem:s2] =	stream.indirect.scatter.add.f32 [tilespmem:s26], [sflag:$0x4], $0x10, s13, s19, $0xb8;
	[tilespmem:$0xF800] =	vst v63  }
0x66: {  	s14 =	simm.s32 $0x4B00  }
0x67: {  	[spmem:s2] =	stream.indirect.scatter.add.f32 [tilespmem:s28], [sflag:$0x4], $0x10, s14, s19, $0xb8;
	[tilespmem:$0xF800] =	vst v63  }
0x68: {  	s18 =	simm.s32 $0x4B80  }
0x69: {  	[spmem:s2] =	stream.indirect.scatter.add.f32 [tilespmem:s29], [sflag:$0x4], $0x10, s18, s19, $0xb8;
	[tilespmem:$0xF800] =	vst v63  }
0x6a: {  	_ =	swait.ge [sflag:s21], $0x800  }
0x6b: {  	[sflag:s21] =	ssyncset.done $0x0  }
0x6c: {  	[sflag:s21] =	ssyncadd.s32 $0xFFFFF800  }
0x6d: {  	_ =	swait.ge [sflag:s21], $0x800  }
0x6e: {  	[sflag:s21] =	ssyncset.done $0x0  }
0x6f: {  	s1 =	simm.s32 $0x4D80;
	[sflag:s21] =	ssyncadd.s32 $0xFFFFF800  }
0x70: {  	s15 =	simm.s32 $0x4800;
	s3 =	simm.s32 $0x4D00;
	_ =	swait.ge [sflag:s21], $0x800  }
0x71: {  	s6 =	simm.s32 $0x4C00;
	s7 =	simm.s32 $0x780;
	[sflag:s21] =	ssyncset.done $0x0  }
0x72: {  	s8 =	simm.s32 $0x700;
	s9 =	simm.s32 $0x680;
	[sflag:s21] =	ssyncadd.s32 $0xFFFFF800  }
0x73: {  	s10 =	simm.s32 $0x4E00;
	s11 =	simm.s32 $0x4F80;
	_ =	swait.ge [sflag:s21], $0x800  }
0x74: {  	s12 =	simm.s32 $0x4F00;
	s13 =	simm.s32 $0x4E80;
	[sflag:s21] =	ssyncset.done $0x0  }
0x75: {  	s14 =	simm.s32 $0x600;
	s18 =	simm.s32 $0x4C80;
	[sflag:s21] =	ssyncadd.s32 $0xFFFFF800  }
.LBB2_9:
0x76: {  	[tilespmem:s25], [sflag:$0x2] =	stream.indirect.gather [hbm4b:s4+s19], $0x10, s14, s19, $0xb8;
	[tilespmem:$0xF800] =	vst v63  }
0x77: {  	_ = 	snop  }
0x78: {  	[tilespmem:s26], [sflag:$0x2] =	stream.indirect.gather [hbm4b:s4+s19], $0x10, s9, s19, $0xb8;
	[tilespmem:$0xF800] =	vst v63  }
0x79: {  	_ = 	snop  }
0x7a: {  	[tilespmem:s28], [sflag:$0x2] =	stream.indirect.gather [hbm4b:s4+s19], $0x10, s8, s19, $0xb8;
	[tilespmem:$0xF800] =	vst v63  }
0x7b: {  	_ = 	snop  }
0x7c: {  	[tilespmem:s29], [sflag:$0x2] =	stream.indirect.gather [hbm4b:s4+s19], $0x10, s7, s19, $0xb8;
	[tilespmem:$0xF800] =	vst v63  }
0x7d: {  	_ =	swait.ge [sflag:s30], $0x800  }
0x7e: {  	[sflag:s30] =	ssyncset.done $0x0  }
0x7f: {  	[sflag:s30] =	ssyncadd.s32 $0xFFFFF800  }
0x80: {  	_ =	swait.ge [sflag:s30], $0x800  }
0x81: {  	[sflag:s30] =	ssyncset.done $0x0  }
0x82: {  	[sflag:s30] =	ssyncadd.s32 $0xFFFFF800  }
0x83: {  	_ =	swait.ge [sflag:s30], $0x800  }
0x84: {  	[sflag:s30] =	ssyncset.done $0x0  }
0x85: {  	[sflag:s30] =	ssyncadd.s32 $0xFFFFF800  }
0x86: {  	_ =	swait.ge [sflag:s30], $0x800  }
0x87: {  	[sflag:s30] =	ssyncset.done $0x0  }
0x88: {  	[sflag:s30] =	ssyncadd.s32 $0xFFFFF800  }
0x89: {  	[spmem:s2] =	stream.indirect.scatter.add.f32 [tilespmem:s16], [sflag:$0x3], $0x10, s6, s19, $0xb8;
	[tilespmem:$0xF800] =	vst v63  }
0x8a: {  	_ = 	snop  }
0x8b: {  	[spmem:s2] =	stream.indirect.scatter.add.f32 [tilespmem:s20], [sflag:$0x3], $0x10, s18, s19, $0xb8;
	[tilespmem:$0xF800] =	vst v63  }
0x8c: {  	_ = 	snop  }
0x8d: {  	[spmem:s2] =	stream.indirect.scatter.add.f32 [tilespmem:s22], [sflag:$0x3], $0x10, s3, s19, $0xb8;
	[tilespmem:$0xF800] =	vst v63  }
0x8e: {  	_ = 	snop  }
0x8f: {  	[spmem:s2] =	stream.indirect.scatter.add.f32 [tilespmem:s24], [sflag:$0x3], $0x10, s1, s19, $0xb8;
	[tilespmem:$0xF800] =	vst v63  }
0x90: {  	_ =	swait.ge [sflag:s31], $0x800  }
0x91: {  	[sflag:s31] =	ssyncset.done $0x0  }
0x92: {  	[sflag:s31] =	ssyncadd.s32 $0xFFFFF800  }
0x93: {  	_ =	swait.ge [sflag:s31], $0x800  }
0x94: {  	[sflag:s31] =	ssyncset.done $0x0  }
0x95: {  	[sflag:s31] =	ssyncadd.s32 $0xFFFFF800  }
0x96: {  	_ =	swait.ge [sflag:s31], $0x800  }
0x97: {  	[sflag:s31] =	ssyncset.done $0x0  }
0x98: {  	[sflag:s31] =	ssyncadd.s32 $0xFFFFF800  }
0x99: {  	_ =	swait.ge [sflag:s31], $0x800  }
0x9a: {  	[sflag:s31] =	ssyncset.done $0x0  }
0x9b: {  	[sflag:s31] =	ssyncadd.s32 $0xFFFFF800  }
0x9c: {  	_ =	swait.ge [sflag:s0], $0x800  }
0x9d: {  	[sflag:s0] =	ssyncset.done $0x0  }
0x9e: {  	[sflag:s0] =	ssyncadd.s32 $0xFFFFF800  }
0x9f: {  	_ =	swait.ge [sflag:s0], $0x800  }
0xa0: {  	[sflag:s0] =	ssyncset.done $0x0  }
0xa1: {  	[sflag:s0] =	ssyncadd.s32 $0xFFFFF800  }
0xa2: {  	_ =	swait.ge [sflag:s0], $0x800  }
0xa3: {  	[sflag:s0] =	ssyncset.done $0x0  }
0xa4: {  	[sflag:s0] =	ssyncadd.s32 $0xFFFFF800  }
0xa5: {  	_ =	swait.ge [sflag:s0], $0x800  }
0xa6: {  	[sflag:s0] =	ssyncset.done $0x0  }
0xa7: {  	[sflag:s0] =	ssyncadd.s32 $0xFFFFF800  }
0xa8: {  	[spmem:s2] =	stream.indirect.scatter.add.f32 [tilespmem:s25], [sflag:$0x4], $0x10, s10, s19, $0xb8;
	[tilespmem:$0xF800] =	vst v63  }
0xa9: {  	_ = 	snop  }
0xaa: {  	[spmem:s2] =	stream.indirect.scatter.add.f32 [tilespmem:s26], [sflag:$0x4], $0x10, s13, s19, $0xb8;
	[tilespmem:$0xF800] =	vst v63  }
0xab: {  	_ = 	snop  }
0xac: {  	[spmem:s2] =	stream.indirect.scatter.add.f32 [tilespmem:s28], [sflag:$0x4], $0x10, s12, s19, $0xb8;
	[tilespmem:$0xF800] =	vst v63  }
0xad: {  	_ = 	snop  }
0xae: {  	[spmem:s2] =	stream.indirect.scatter.add.f32 [tilespmem:s29], [sflag:$0x4], $0x10, s11, s19, $0xb8;
	[tilespmem:$0xF800] =	vst v63  }
0xaf: {  	_ =	swait.ge [sflag:s21], $0x800  }
0xb0: {  	[sflag:s21] =	ssyncset.done $0x0  }
0xb1: {  	[sflag:s21] =	ssyncadd.s32 $0xFFFFF800  }
0xb2: {  	_ =	swait.ge [sflag:s21], $0x800  }
0xb3: {  	[sflag:s21] =	ssyncset.done $0x0  }
0xb4: {  	[sflag:s21] =	ssyncadd.s32 $0xFFFFF800  }
0xb5: {  	_ =	swait.ge [sflag:s21], $0x800  }
0xb6: {  	[sflag:s21] =	ssyncset.done $0x0  }
0xb7: {  	[sflag:s21] =	ssyncadd.s32 $0xFFFFF800  }
0xb8: {  	_ =	swait.ge [sflag:s21], $0x800  }
0xb9: {  	[sflag:s21] =	ssyncset.done $0x0  }
0xba: {  	s12 =	stileid.u32;
	[sflag:s21] =	ssyncadd.s32 $0xFFFFF800  }
0xbb: {  	s1 =	sshll.u32 s12, $0x6;
	[bflag:$0x0] =	sbarrier.arrive $0xFFFF  }
0xbc: {  	s13 =	sshrl.u32 s5, $0x3;
	s1 =	sor.u32 $0x1C05, s1;
	s14 =	rddreg [dreg:$0xb]  }
0xbd: {  	[hbm:s14], [sflag:s1] =	dma.local [spmem:s13], $0x500  }
0xbe: {  	_ =	swait.ge [sflag:s17], $0x500  }
0xbf: {  	s23 =	sadd.s32 $0x1, s23;
	s18 =	rddreg [dreg:$0xc]  }
0xc0: {  	p1 =	sne.s32 s23, s18  }
.Ltmp1:
0xc1: {  	_ = 	snop;
	(pc) =	sbr.rel @!p1 .LBB2_10-.Ltmp1, $3  }
0xc2: {  	_ =	sdelay $0x1  }
0xc3: {  	[sflag:s17] =	ssyncset.done $0x0  }
0xc4: {  	[sflag:s17] =	ssyncadd.s32 $0xFFFFFB00  }
.LBB2_1:
0xc5: {  	s1 =	simm.s32 $0x40;
	s3 =	simm.s32 $0x0  }
.LBB2_2:
0xc6: {  	p1 =	sne.s32 s1, $0x1FC0;
	[tilespmem:s3+$0x9000] =	vst v0;
	s3 =	smov.u32 s1;
	s1 =	sadd.s32 $0x40, s1  }
.Ltmp2:
0xc7: {  	(pc) =	sbr.rel @p1 .LBB2_2-.Ltmp2, $2  }
0xc8: {  	_ =	sdelay $0x2  }
0xc9: {  	s3 =	sshra.s32 s3, $0x2  }
0xca: {  	[tilespmem:s3+$0x9000] =	vst v0  }
0xcb: {  	[spmem:s5] =	stream.linear.scatter [tilespmem:s16], [sflag:$0x5], $0x800, $0x38;
	[tilespmem:$0xF800] =	vst v63  }
0xcc: {  	_ =	swait.ge [sflag:s17], $0x800  }
0xcd: {  	[sflag:s17] =	ssyncset.done $0x0  }
0xce: {  	s1 =	rddreg [dreg:$0x3];
	[sflag:s17] =	ssyncadd.s32 $0xFFFFF800  }
0xcf: {  	[spmem:s1] =	stream.linear.scatter [tilespmem:s16], [sflag:$0x5], $0x800, $0x38;
	[tilespmem:$0xF800] =	vst v63  }
0xd0: {  	_ =	swait.ge [sflag:s17], $0x800  }
0xd1: {  	[sflag:s17] =	ssyncset.done $0x0  }
0xd2: {  	s13 =	rddreg [dreg:$0x4];
	[sflag:s17] =	ssyncadd.s32 $0xFFFFF800  }
0xd3: {  	[spmem:s13] =	stream.linear.scatter [tilespmem:s16], [sflag:$0x5], $0x800, $0x38;
	[tilespmem:$0xF800] =	vst v63  }
0xd4: {  	_ =	swait.ge [sflag:s17], $0x800  }
0xd5: {  	[sflag:s17] =	ssyncset.done $0x0  }
0xd6: {  	s14 =	rddreg [dreg:$0x5];
	[sflag:s17] =	ssyncadd.s32 $0xFFFFF800  }
0xd7: {  	[spmem:s14] =	stream.linear.scatter [tilespmem:s16], [sflag:$0x5], $0x800, $0x38;
	[tilespmem:$0xF800] =	vst v63  }
0xd8: {  	_ =	swait.ge [sflag:s17], $0x800  }
0xd9: {  	[sflag:s17] =	ssyncset.done $0x0  }
.Ltmp3:
0xda: {  	s18 =	rddreg [dreg:$0x6];
	[sflag:s17] =	ssyncadd.s32 $0xFFFFF800;
	(pc) =	sbr.rel @p0 .LBB2_8-.Ltmp3, $4  }
0xdb: {  	[spmem:s18] =	stream.linear.scatter [tilespmem:s16], [sflag:$0x5], $0x800, $0x38;
	[tilespmem:$0xF800] =	vst v63  }
0xdc: {  	_ =	swait.ge [sflag:s17], $0x800  }
0xdd: {  	[sflag:s17] =	ssyncset.done $0x0  }
0xde: {  	s1 =	simm.s32 $0x0;
	[sflag:s17] =	ssyncadd.s32 $0xFFFFF800  }
0xdf: {  	s3 =	rddreg [dreg:$0x7]  }
0xe0: {  	[tilespmem:s1], [sflag:$0x5] =	stream.linear.gather [hbm4b:s3+s1], $0x4800, $0x38;
	[tilespmem:$0xF800] =	vst v63  }
0xe1: {  	_ =	swait.ge [sflag:s17], $0x4800  }
0xe2: {  	[sflag:s17] =	ssyncset.done $0x0  }
0xe3: {  	s13 =	rddreg [dreg:$0xa];
	[sflag:s17] =	ssyncadd.s32 $0xFFFFB800  }
0xe4: {  	[tilespmem:s15], [sflag:$0x5] =	stream.linear.gather [hbm4b:s13+s1], $0x4800, $0x38;
	[tilespmem:$0xF800] =	vst v63  }
0xe5: {  	_ =	swait.ge [sflag:s17], $0x4800  }
0xe6: {  	[sflag:s17] =	ssyncset.done $0x0  }
0xe7: {  	[sflag:s17] =	ssyncadd.s32 $0xFFFFB800  }
0xe8: {  	[bflag:$0x0] =	sbarrier.arrive $0xFFFF  }
0xe9: {  	[tilespmem:s16], [sflag:$0x1] =	stream.indirect.gather [hbm4b:s4+s19], $0x10, s1, s19, $0xb8;
	[tilespmem:$0xF800] =	vst v63  }
0xea: {  	p2 =	por $0x0, $0x0  }
0xeb: {  	[tilespmem:s20], [sflag:$0x1] =	stream.indirect.gather [hbm4b:s4+s19], $0x10, s19, s19, $0xb8;
	[tilespmem:$0xF800] =	vst v63  }
.Ltmp4:
0xec: {  	_ = 	snop;
	(pc) =	sbr.rel @p2 .LBB2_7-.Ltmp4, $4  }
0xed: {  	s14 =	simm.s32 $0x100  }
0xee: {  	[tilespmem:s22], [sflag:$0x1] =	stream.indirect.gather [hbm4b:s4+s19], $0x10, s14, s19, $0xb8;
	[tilespmem:$0xF800] =	vst v63  }
0xef: {  	s18 =	simm.s32 $0x180;
	s11 =	simm.s32 $0x0;
	p1 =	por $0x0, $0x0  }
0xf0: {  	[tilespmem:s24], [sflag:$0x1] =	stream.indirect.gather [hbm4b:s4+s19], $0x10, s18, s19, $0xb8;
	[tilespmem:$0xF800] =	vst v63  }
0xf1: {  	s1 =	simm.s32 $0x200  }
0xf2: {  	[tilespmem:s25], [sflag:$0x2] =	stream.indirect.gather [hbm4b:s4+s19], $0x10, s1, s19, $0xb8;
	[tilespmem:$0xF800] =	vst v63  }
0xf3: {  	s12 =	simm.s32 $0x280  }
0xf4: {  	[tilespmem:s26], [sflag:$0x2] =	stream.indirect.gather [hbm4b:s4+s19], $0x10, s12, s19, $0xb8;
	[tilespmem:$0xF800] =	vst v63  }
0xf5: {  	s13 =	simm.s32 $0x300  }
0xf6: {  	[tilespmem:s28], [sflag:$0x2] =	stream.indirect.gather [hbm4b:s4+s19], $0x10, s13, s19, $0xb8;
	[tilespmem:$0xF800] =	vst v63  }
0xf7: {  	s14 =	simm.s32 $0x380  }
0xf8: {  	[tilespmem:s29], [sflag:$0x2] =	stream.indirect.gather [hbm4b:s4+s19], $0x10, s14, s19, $0xb8;
	[tilespmem:$0xF800] =	vst v63  }
0xf9: {  	_ =	swait.ge [sflag:s30], $0x800  }
0xfa: {  	[sflag:s30] =	ssyncset.done $0x0  }
0xfb: {  	[sflag:s30] =	ssyncadd.s32 $0xFFFFF800  }
0xfc: {  	_ =	swait.ge [sflag:s30], $0x800  }
0xfd: {  	[sflag:s30] =	ssyncset.done $0x0  }
0xfe: {  	[sflag:s30] =	ssyncadd.s32 $0xFFFFF800  }
0xff: {  	_ =	swait.ge [sflag:s30], $0x800  }
0x100: {  	[sflag:s30] =	ssyncset.done $0x0  }
0x101: {  	[sflag:s30] =	ssyncadd.s32 $0xFFFFF800  }
0x102: {  	_ =	swait.ge [sflag:s30], $0x800  }
0x103: {  	[sflag:s30] =	ssyncset.done $0x0  }
0x104: {  	s18 =	simm.s32 $0x4800;
	[sflag:s30] =	ssyncadd.s32 $0xFFFFF800  }
0x105: {  	[spmem:s2] =	stream.indirect.scatter.add.f32 [tilespmem:s16], [sflag:$0x3], $0x10, s18, s19, $0xb8;
	[tilespmem:$0xF800] =	vst v63  }
0x106: {  	s3 =	simm.s32 $0x4880  }
0x107: {  	[spmem:s2] =	stream.indirect.scatter.add.f32 [tilespmem:s20], [sflag:$0x3], $0x10, s3, s19, $0xb8;
	[tilespmem:$0xF800] =	vst v63  }
0x108: {  	s6 =	simm.s32 $0x4900  }
0x109: {  	[spmem:s2] =	stream.indirect.scatter.add.f32 [tilespmem:s22], [sflag:$0x3], $0x10, s6, s19, $0xb8;
	[tilespmem:$0xF800] =	vst v63  }
0x10a: {  	s7 =	simm.s32 $0x4980  }
0x10b: {  	[spmem:s2] =	stream.indirect.scatter.add.f32 [tilespmem:s24], [sflag:$0x3], $0x10, s7, s19, $0xb8;
	[tilespmem:$0xF800] =	vst v63  }
0x10c: {  	_ =	swait.ge [sflag:s31], $0x800  }
0x10d: {  	[sflag:s31] =	ssyncset.done $0x0  }
0x10e: {  	[sflag:s31] =	ssyncadd.s32 $0xFFFFF800  }
0x10f: {  	_ =	swait.ge [sflag:s31], $0x800  }
0x110: {  	[sflag:s31] =	ssyncset.done $0x0  }
0x111: {  	[sflag:s31] =	ssyncadd.s32 $0xFFFFF800  }
0x112: {  	_ =	swait.ge [sflag:s31], $0x800  }
0x113: {  	[sflag:s31] =	ssyncset.done $0x0  }
0x114: {  	[sflag:s31] =	ssyncadd.s32 $0xFFFFF800  }
0x115: {  	_ =	swait.ge [sflag:s31], $0x800  }
0x116: {  	[sflag:s31] =	ssyncset.done $0x0  }
0x117: {  	s8 =	simm.s32 $0x400;
	[sflag:s31] =	ssyncadd.s32 $0xFFFFF800  }
0x118: {  	[tilespmem:s16], [sflag:$0x1] =	stream.indirect.gather [hbm4b:s4+s19], $0x10, s8, s19, $0xb8;
	[tilespmem:$0xF800] =	vst v63  }
0x119: {  	s9 =	simm.s32 $0x480  }
0x11a: {  	[tilespmem:s20], [sflag:$0x1] =	stream.indirect.gather [hbm4b:s4+s19], $0x10, s9, s19, $0xb8;
	[tilespmem:$0xF800] =	vst v63  }
0x11b: {  	s10 =	simm.s32 $0x500  }
0x11c: {  	[tilespmem:s22], [sflag:$0x1] =	stream.indirect.gather [hbm4b:s4+s19], $0x10, s10, s19, $0xb8;
	[tilespmem:$0xF800] =	vst v63  }
0x11d: {  	s11 =	simm.s32 $0x580  }
0x11e: {  	[tilespmem:s24], [sflag:$0x1] =	stream.indirect.gather [hbm4b:s4+s19], $0x10, s11, s19, $0xb8;
	[tilespmem:$0xF800] =	vst v63  }
0x11f: {  	_ =	swait.ge [sflag:s0], $0x800  }
0x120: {  	[sflag:s0] =	ssyncset.done $0x0  }
0x121: {  	[sflag:s0] =	ssyncadd.s32 $0xFFFFF800  }
0x122: {  	_ =	swait.ge [sflag:s0], $0x800  }
0x123: {  	[sflag:s0] =	ssyncset.done $0x0  }
0x124: {  	[sflag:s0] =	ssyncadd.s32 $0xFFFFF800  }
0x125: {  	_ =	swait.ge [sflag:s0], $0x800  }
0x126: {  	[sflag:s0] =	ssyncset.done $0x0  }
0x127: {  	[sflag:s0] =	ssyncadd.s32 $0xFFFFF800  }
0x128: {  	_ =	swait.ge [sflag:s0], $0x800  }
0x129: {  	[sflag:s0] =	ssyncset.done $0x0  }
0x12a: {  	s12 =	simm.s32 $0x4A00;
	[sflag:s0] =	ssyncadd.s32 $0xFFFFF800  }
0x12b: {  	[spmem:s2] =	stream.indirect.scatter.add.f32 [tilespmem:s25], [sflag:$0x4], $0x10, s12, s19, $0xb8;
	[tilespmem:$0xF800] =	vst v63  }
0x12c: {  	s13 =	simm.s32 $0x4A80  }
0x12d: {  	[spmem:s2] =	stream.indirect.scatter.add.f32 [tilespmem:s26], [sflag:$0x4], $0x10, s13, s19, $0xb8;
	[tilespmem:$0xF800] =	vst v63  }
0x12e: {  	s14 =	simm.s32 $0x4B00  }
0x12f: {  	[spmem:s2] =	stream.indirect.scatter.add.f32 [tilespmem:s28], [sflag:$0x4], $0x10, s14, s19, $0xb8;
	[tilespmem:$0xF800] =	vst v63  }
0x130: {  	s18 =	simm.s32 $0x4B80  }
0x131: {  	[spmem:s2] =	stream.indirect.scatter.add.f32 [tilespmem:s29], [sflag:$0x4], $0x10, s18, s19, $0xb8;
	[tilespmem:$0xF800] =	vst v63  }
0x132: {  	_ =	swait.ge [sflag:s21], $0x800  }
0x133: {  	[sflag:s21] =	ssyncset.done $0x0  }
0x134: {  	[sflag:s21] =	ssyncadd.s32 $0xFFFFF800  }
0x135: {  	_ =	swait.ge [sflag:s21], $0x800  }
0x136: {  	[sflag:s21] =	ssyncset.done $0x0  }
0x137: {  	p2 =	por $0x0, $0x0;
	[sflag:s21] =	ssyncadd.s32 $0xFFFFF800  }
.Ltmp5:
0x138: {  	_ =	swait.ge [sflag:s21], $0x800;
	(pc) =	sbr.rel @p2 .LBB2_7-.Ltmp5, $4  }
0x139: {  	[sflag:s21] =	ssyncset.done $0x0  }
0x13a: {  	[sflag:s21] =	ssyncadd.s32 $0xFFFFF800  }
0x13b: {  	p1 =	por $0x1, $0x1;
	_ =	swait.ge [sflag:s21], $0x800  }
0x13c: {  	s1 =	simm.s32 $0x2000;
	s11 =	simm.s32 $0x400;
	[sflag:s21] =	ssyncset.done $0x0  }
.LBB2_6:
0x13d: {  	s3 =	sadd.s32 $0x200, s11  }
0x13e: {  	[sflag:s21] =	ssyncadd.s32 $0xFFFFF800;
	s13 =	smov.u32 s1;
	s12 =	sadd.s32 $0x1000, s1  }
0x13f: {  	[tilespmem:s25], [sflag:$0x2] =	stream.indirect.gather [hbm4b:s4+s19], $0x10, s3, s19, $0xb8;
	[tilespmem:$0xF800] =	vst v63  }
0x140: {  	p2 =	seq.s32 s1, $0x10000;
	s1 =	sadd.s32 $0x280, s11  }
0x141: {  	[tilespmem:s26], [sflag:$0x2] =	stream.indirect.gather [hbm4b:s4+s19], $0x10, s1, s19, $0xb8;
	[tilespmem:$0xF800] =	vst v63  }
0x142: {  	s1 =	sadd.s32 $0x300, s11  }
0x143: {  	[tilespmem:s28], [sflag:$0x2] =	stream.indirect.gather [hbm4b:s4+s19], $0x10, s1, s19, $0xb8;
	[tilespmem:$0xF800] =	vst v63  }
0x144: {  	s1 =	sadd.s32 $0x380, s11  }
0x145: {  	[tilespmem:s29], [sflag:$0x2] =	stream.indirect.gather [hbm4b:s4+s19], $0x10, s1, s19, $0xb8;
	[tilespmem:$0xF800] =	vst v63  }
0x146: {  	_ =	swait.ge [sflag:s30], $0x800  }
0x147: {  	[sflag:s30] =	ssyncset.done $0x0  }
0x148: {  	[sflag:s30] =	ssyncadd.s32 $0xFFFFF800  }
0x149: {  	_ =	swait.ge [sflag:s30], $0x800  }
0x14a: {  	[sflag:s30] =	ssyncset.done $0x0  }
0x14b: {  	[sflag:s30] =	ssyncadd.s32 $0xFFFFF800  }
0x14c: {  	_ =	swait.ge [sflag:s30], $0x800  }
0x14d: {  	[sflag:s30] =	ssyncset.done $0x0  }
0x14e: {  	[sflag:s30] =	ssyncadd.s32 $0xFFFFF800  }
0x14f: {  	_ =	swait.ge [sflag:s30], $0x800  }
0x150: {  	[sflag:s30] =	ssyncset.done $0x0  }
0x151: {  	s1 =	sadd.s32 $0x4800, s11;
	[sflag:s30] =	ssyncadd.s32 $0xFFFFF800  }
0x152: {  	[spmem:s2] =	stream.indirect.scatter.add.f32 [tilespmem:s16], [sflag:$0x3], $0x10, s1, s19, $0xb8;
	[tilespmem:$0xF800] =	vst v63  }
0x153: {  	s1 =	sadd.s32 $0x4880, s11  }
0x154: {  	[spmem:s2] =	stream.indirect.scatter.add.f32 [tilespmem:s20], [sflag:$0x3], $0x10, s1, s19, $0xb8;
	[tilespmem:$0xF800] =	vst v63  }
0x155: {  	s1 =	sadd.s32 $0x4900, s11  }
0x156: {  	[spmem:s2] =	stream.indirect.scatter.add.f32 [tilespmem:s22], [sflag:$0x3], $0x10, s1, s19, $0xb8;
	[tilespmem:$0xF800] =	vst v63  }
0x157: {  	s1 =	sadd.s32 $0x4980, s11  }
0x158: {  	[spmem:s2] =	stream.indirect.scatter.add.f32 [tilespmem:s24], [sflag:$0x3], $0x10, s1, s19, $0xb8;
	[tilespmem:$0xF800] =	vst v63  }
0x159: {  	_ =	swait.ge [sflag:s31], $0x800  }
0x15a: {  	[sflag:s31] =	ssyncset.done $0x0  }
0x15b: {  	[sflag:s31] =	ssyncadd.s32 $0xFFFFF800  }
0x15c: {  	_ =	swait.ge [sflag:s31], $0x800  }
0x15d: {  	[sflag:s31] =	ssyncset.done $0x0  }
0x15e: {  	[sflag:s31] =	ssyncadd.s32 $0xFFFFF800  }
0x15f: {  	_ =	swait.ge [sflag:s31], $0x800  }
0x160: {  	[sflag:s31] =	ssyncset.done $0x0  }
0x161: {  	[sflag:s31] =	ssyncadd.s32 $0xFFFFF800  }
0x162: {  	_ =	swait.ge [sflag:s31], $0x800  }
0x163: {  	[sflag:s31] =	ssyncset.done $0x0  }
0x164: {  	s1 =	sadd.s32 $0x400, s11;
	[sflag:s31] =	ssyncadd.s32 $0xFFFFF800  }
0x165: {  	[tilespmem:s16], [sflag:$0x1] =	stream.indirect.gather [hbm4b:s4+s19], $0x10, s1, s19, $0xb8;
	[tilespmem:$0xF800] =	vst v63  }
0x166: {  	s1 =	sadd.s32 $0x480, s11  }
0x167: {  	[tilespmem:s20], [sflag:$0x1] =	stream.indirect.gather [hbm4b:s4+s19], $0x10, s1, s19, $0xb8;
	[tilespmem:$0xF800] =	vst v63  }
0x168: {  	s1 =	sadd.s32 $0x500, s11  }
0x169: {  	[tilespmem:s22], [sflag:$0x1] =	stream.indirect.gather [hbm4b:s4+s19], $0x10, s1, s19, $0xb8;
	[tilespmem:$0xF800] =	vst v63  }
0x16a: {  	s1 =	sadd.s32 $0x580, s11  }
0x16b: {  	[tilespmem:s24], [sflag:$0x1] =	stream.indirect.gather [hbm4b:s4+s19], $0x10, s1, s19, $0xb8;
	[tilespmem:$0xF800] =	vst v63  }
0x16c: {  	_ =	swait.ge [sflag:s0], $0x800  }
0x16d: {  	[sflag:s0] =	ssyncset.done $0x0  }
0x16e: {  	[sflag:s0] =	ssyncadd.s32 $0xFFFFF800  }
0x16f: {  	_ =	swait.ge [sflag:s0], $0x800  }
0x170: {  	[sflag:s0] =	ssyncset.done $0x0  }
0x171: {  	[sflag:s0] =	ssyncadd.s32 $0xFFFFF800  }
0x172: {  	_ =	swait.ge [sflag:s0], $0x800  }
0x173: {  	[sflag:s0] =	ssyncset.done $0x0  }
0x174: {  	[sflag:s0] =	ssyncadd.s32 $0xFFFFF800  }
0x175: {  	_ =	swait.ge [sflag:s0], $0x800  }
0x176: {  	[sflag:s0] =	ssyncset.done $0x0  }
0x177: {  	s1 =	sadd.s32 $0x4A00, s11;
	[sflag:s0] =	ssyncadd.s32 $0xFFFFF800  }
0x178: {  	[spmem:s2] =	stream.indirect.scatter.add.f32 [tilespmem:s25], [sflag:$0x4], $0x10, s1, s19, $0xb8;
	[tilespmem:$0xF800] =	vst v63  }
0x179: {  	s1 =	sadd.s32 $0x4A80, s11  }
0x17a: {  	[spmem:s2] =	stream.indirect.scatter.add.f32 [tilespmem:s26], [sflag:$0x4], $0x10, s1, s19, $0xb8;
	[tilespmem:$0xF800] =	vst v63  }
0x17b: {  	s1 =	sadd.s32 $0x4B00, s11  }
0x17c: {  	[spmem:s2] =	stream.indirect.scatter.add.f32 [tilespmem:s28], [sflag:$0x4], $0x10, s1, s19, $0xb8;
	[tilespmem:$0xF800] =	vst v63  }
0x17d: {  	s1 =	sadd.s32 $0x4B80, s11  }
0x17e: {  	[spmem:s2] =	stream.indirect.scatter.add.f32 [tilespmem:s29], [sflag:$0x4], $0x10, s1, s19, $0xb8;
	[tilespmem:$0xF800] =	vst v63  }
0x17f: {  	_ =	swait.ge [sflag:s21], $0x800  }
0x180: {  	[sflag:s21] =	ssyncset.done $0x0  }
0x181: {  	[sflag:s21] =	ssyncadd.s32 $0xFFFFF800  }
0x182: {  	_ =	swait.ge [sflag:s21], $0x800  }
0x183: {  	[sflag:s21] =	ssyncset.done $0x0  }
0x184: {  	[sflag:s21] =	ssyncadd.s32 $0xFFFFF800  }
.Ltmp6:
0x185: {  	_ =	swait.ge [sflag:s21], $0x800;
	(pc) =	sbr.rel @!p2 .LBB2_6-.Ltmp6, $4  }
0x186: {  	[sflag:s21] =	ssyncset.done $0x0  }
0x187: {  	[sflag:s21] =	ssyncadd.s32 $0xFFFFF800  }
0x188: {  	_ =	swait.ge [sflag:s21], $0x800  }
0x189: {  	s11 =	sshra.s32 s13, $0x2;
	s1 =	smov.u32 s12;
	[sflag:s21] =	ssyncset.done $0x0  }
.LBB2_7:
0x18a: {  	s1 =	sadd.s32 $0x200, s11;
	[sflag:s21] =	ssyncadd.s32 @p1 $0xFFFFF800  }
0x18b: {  	[tilespmem:s25], [sflag:$0x2] =	stream.indirect.gather [hbm4b:s4+s19], $0x10, s1, s19, $0xb8;
	[tilespmem:$0xF800] =	vst v63  }
0x18c: {  	s10 =	sadd.s32 $0x280, s11  }
0x18d: {  	[tilespmem:s26], [sflag:$0x2] =	stream.indirect.gather [hbm4b:s4+s19], $0x10, s10, s19, $0xb8;
	[tilespmem:$0xF800] =	vst v63  }
0x18e: {  	s12 =	sadd.s32 $0x300, s11  }
0x18f: {  	[tilespmem:s28], [sflag:$0x2] =	stream.indirect.gather [hbm4b:s4+s19], $0x10, s12, s19, $0xb8;
	[tilespmem:$0xF800] =	vst v63  }
0x190: {  	s13 =	sadd.s32 $0x380, s11  }
0x191: {  	[tilespmem:s29], [sflag:$0x2] =	stream.indirect.gather [hbm4b:s4+s19], $0x10, s13, s19, $0xb8;
	[tilespmem:$0xF800] =	vst v63  }
0x192: {  	_ =	swait.ge [sflag:s30], $0x800  }
0x193: {  	[sflag:s30] =	ssyncset.done $0x0  }
0x194: {  	[sflag:s30] =	ssyncadd.s32 $0xFFFFF800  }
0x195: {  	_ =	swait.ge [sflag:s30], $0x800  }
0x196: {  	[sflag:s30] =	ssyncset.done $0x0  }
0x197: {  	[sflag:s30] =	ssyncadd.s32 $0xFFFFF800  }
0x198: {  	_ =	swait.ge [sflag:s30], $0x800  }
0x199: {  	[sflag:s30] =	ssyncset.done $0x0  }
0x19a: {  	[sflag:s30] =	ssyncadd.s32 $0xFFFFF800  }
0x19b: {  	_ =	swait.ge [sflag:s30], $0x800  }
0x19c: {  	[sflag:s30] =	ssyncset.done $0x0  }
0x19d: {  	s14 =	sadd.s32 $0x4800, s11;
	[sflag:s30] =	ssyncadd.s32 $0xFFFFF800  }
0x19e: {  	[spmem:s2] =	stream.indirect.scatter.add.f32 [tilespmem:s16], [sflag:$0x3], $0x10, s14, s19, $0xb8;
	[tilespmem:$0xF800] =	vst v63  }
0x19f: {  	s18 =	sadd.s32 $0x4880, s11  }
0x1a0: {  	[spmem:s2] =	stream.indirect.scatter.add.f32 [tilespmem:s20], [sflag:$0x3], $0x10, s18, s19, $0xb8;
	[tilespmem:$0xF800] =	vst v63  }
0x1a1: {  	s3 =	sadd.s32 $0x4900, s11  }
0x1a2: {  	[spmem:s2] =	stream.indirect.scatter.add.f32 [tilespmem:s22], [sflag:$0x3], $0x10, s3, s19, $0xb8;
	[tilespmem:$0xF800] =	vst v63  }
0x1a3: {  	s6 =	sadd.s32 $0x4980, s11  }
0x1a4: {  	[spmem:s2] =	stream.indirect.scatter.add.f32 [tilespmem:s24], [sflag:$0x3], $0x10, s6, s19, $0xb8;
	[tilespmem:$0xF800] =	vst v63  }
0x1a5: {  	_ =	swait.ge [sflag:s31], $0x800  }
0x1a6: {  	[sflag:s31] =	ssyncset.done $0x0  }
0x1a7: {  	[sflag:s31] =	ssyncadd.s32 $0xFFFFF800  }
0x1a8: {  	_ =	swait.ge [sflag:s31], $0x800  }
0x1a9: {  	[sflag:s31] =	ssyncset.done $0x0  }
0x1aa: {  	[sflag:s31] =	ssyncadd.s32 $0xFFFFF800  }
0x1ab: {  	_ =	swait.ge [sflag:s31], $0x800  }
0x1ac: {  	[sflag:s31] =	ssyncset.done $0x0  }
0x1ad: {  	[sflag:s31] =	ssyncadd.s32 $0xFFFFF800  }
0x1ae: {  	_ =	swait.ge [sflag:s31], $0x800  }
0x1af: {  	[sflag:s31] =	ssyncset.done $0x0  }
0x1b0: {  	s7 =	sadd.s32 $0x400, s11;
	[sflag:s31] =	ssyncadd.s32 $0xFFFFF800  }
0x1b1: {  	[tilespmem:s16], [sflag:$0x1] =	stream.indirect.gather [hbm4b:s4+s19], $0x10, s7, s19, $0xb8;
	[tilespmem:$0xF800] =	vst v63  }
0x1b2: {  	s8 =	sadd.s32 $0x480, s11  }
0x1b3: {  	[tilespmem:s20], [sflag:$0x1] =	stream.indirect.gather [hbm4b:s4+s19], $0x10, s8, s19, $0xb8;
	[tilespmem:$0xF800] =	vst v63  }
0x1b4: {  	s9 =	sadd.s32 $0x500, s11  }
0x1b5: {  	[tilespmem:s22], [sflag:$0x1] =	stream.indirect.gather [hbm4b:s4+s19], $0x10, s9, s19, $0xb8;
	[tilespmem:$0xF800] =	vst v63  }
0x1b6: {  	s10 =	sadd.s32 $0x580, s11  }
0x1b7: {  	[tilespmem:s24], [sflag:$0x1] =	stream.indirect.gather [hbm4b:s4+s19], $0x10, s10, s19, $0xb8;
	[tilespmem:$0xF800] =	vst v63  }
0x1b8: {  	_ =	swait.ge [sflag:s0], $0x800  }
0x1b9: {  	[sflag:s0] =	ssyncset.done $0x0  }
0x1ba: {  	[sflag:s0] =	ssyncadd.s32 $0xFFFFF800  }
0x1bb: {  	_ =	swait.ge [sflag:s0], $0x800  }
0x1bc: {  	[sflag:s0] =	ssyncset.done $0x0  }
0x1bd: {  	[sflag:s0] =	ssyncadd.s32 $0xFFFFF800  }
0x1be: {  	_ =	swait.ge [sflag:s0], $0x800  }
0x1bf: {  	[sflag:s0] =	ssyncset.done $0x0  }
0x1c0: {  	[sflag:s0] =	ssyncadd.s32 $0xFFFFF800  }
0x1c1: {  	_ =	swait.ge [sflag:s0], $0x800  }
0x1c2: {  	[sflag:s0] =	ssyncset.done $0x0  }
0x1c3: {  	s12 =	sadd.s32 $0x4A00, s11;
	[sflag:s0] =	ssyncadd.s32 $0xFFFFF800  }
0x1c4: {  	[spmem:s2] =	stream.indirect.scatter.add.f32 [tilespmem:s25], [sflag:$0x4], $0x10, s12, s19, $0xb8;
	[tilespmem:$0xF800] =	vst v63  }
0x1c5: {  	s13 =	sadd.s32 $0x4A80, s11  }
0x1c6: {  	[spmem:s2] =	stream.indirect.scatter.add.f32 [tilespmem:s26], [sflag:$0x4], $0x10, s13, s19, $0xb8;
	[tilespmem:$0xF800] =	vst v63  }
0x1c7: {  	s14 =	sadd.s32 $0x4B00, s11  }
0x1c8: {  	[spmem:s2] =	stream.indirect.scatter.add.f32 [tilespmem:s28], [sflag:$0x4], $0x10, s14, s19, $0xb8;
	[tilespmem:$0xF800] =	vst v63  }
0x1c9: {  	s18 =	sadd.s32 $0x4B80, s11  }
0x1ca: {  	[spmem:s2] =	stream.indirect.scatter.add.f32 [tilespmem:s29], [sflag:$0x4], $0x10, s18, s19, $0xb8;
	[tilespmem:$0xF800] =	vst v63  }
0x1cb: {  	_ =	swait.ge [sflag:s21], $0x800  }
0x1cc: {  	[sflag:s21] =	ssyncset.done $0x0  }
0x1cd: {  	[sflag:s21] =	ssyncadd.s32 $0xFFFFF800  }
0x1ce: {  	_ =	swait.ge [sflag:s21], $0x800  }
0x1cf: {  	[sflag:s21] =	ssyncset.done $0x0  }
0x1d0: {  	s1 =	simm.s32 $0x8D80;
	[sflag:s21] =	ssyncadd.s32 $0xFFFFF800  }
0x1d1: {  	s11 =	simm.s32 $0x8F80;
	s3 =	simm.s32 $0x8D00;
	_ =	swait.ge [sflag:s21], $0x800  }
.Ltmp7:
0x1d2: {  	s6 =	simm.s32 $0x8C00;
	[sflag:s21] =	ssyncset.done $0x0;
	(pc) =	sbr.rel .LBB2_9-.Ltmp7, $4  }
0x1d3: {  	s7 =	simm.s32 $0x4780;
	s8 =	simm.s32 $0x4700;
	[sflag:s21] =	ssyncadd.s32 $0xFFFFF800  }
0x1d4: {  	s9 =	simm.s32 $0x4680;
	s10 =	simm.s32 $0x8E00;
	_ =	swait.ge [sflag:s21], $0x800  }
0x1d5: {  	s12 =	simm.s32 $0x8F00;
	s13 =	simm.s32 $0x8E80;
	[sflag:s21] =	ssyncset.done $0x0  }
0x1d6: {  	s14 =	simm.s32 $0x4600;
	s18 =	simm.s32 $0x8C80;
	[sflag:s21] =	ssyncadd.s32 $0xFFFFF800  }
.LBB2_10:
0x1d7: {  	_ =	sfence.sel $0x180000  }
0x1d8: {  	[bflag:$0x0] =	sbarrier.arrive $0xFFFF  }
0x1d9: {  	_ =	strace $0x90000047  }
0x1da: {  	s0 =	stileid.u32;
	[bflag:$0x2] =	sbarrier.arrive $0xFFFF  }
0x1db: {  	p0 =	sne.s32 s0, $0x0;
	s0 =	rddreg [dreg:$0x2]  }
0x1dc: {  	s0 =	sadd.s32 @!p0 $0x100000, s0  }
0x1dd: {  	[sflag:s0] =	ssyncadd.tile.s32 @!p0 $0x1;
	_ =	shalt  }
.Lfunc_end2:
_tile_overlayer_lowered:
.L_overlay_start_2:
0x1de: {  	(tag) =	ssettag $0x2  }
0x1df: {  	s0 =	rddreg [dreg:$0x0];
	s2 =	stileid.u32  }
0x1e0: {  	s1 =	rddreg [dreg:$0x1];
	p0 =	sne.s32 s2, $0x0  }
0x1e1: {  	s3 =	rddreg [dreg:$0x2];
	[bflag:$0x3] =	sbarrier.arrive $0xFFFF;
	s2 =	simm.s32 @!p0 $0x1C05  }
0x1e2: {  	[timem:s3], [sflag:s2] =	dma.local @!p0 [hbm:s0], s1  }
0x1e3: {  	s0 =	simm.s32 @!p0 $0x5  }
0x1e4: {  	_ =	swait.ge @!p0 [sflag:s0], s1  }
0x1e5: {  	s1 =	ssub.s32 @!p0 $0x0, s1;
	[sflag:s0] =	ssyncset.done @!p0 $0x0  }
0x1e6: {  	[sflag:s0] =	ssyncadd.s32 @!p0 s1  }
0x1e7: {  	[bflag:$0x3] =	sbarrier.arrive $0xFFFF  }
0x1e8: {  	_ =	shalt  }

</sc_bundles>
